<compile_context>
chip_gen: v7x
topology: tpu7x:2x2x1
jax: 0.10.2.dev20260603
libtpu: 0.0.44.dev20260713+nightly
codegen_flags: <defaults>
</compile_context>

<pallas_src>
import functools
import math

import jax
import jax.numpy as jnp
from jax import lax
from jax.experimental import pallas as pl
from jax.experimental.pallas import tpu as pltpu
from jax.experimental.pallas import tpu_sc as plsc

EMB = 128
LANES = 16
NC = 2
NS = 16
NW = NC * NS
CHUNK = 128
NBUF = 5
AHEAD = 3
SCALE = math.sqrt(float(EMB))


def _make_emb(B: int):
    assert B % (NW * CHUNK) == 0
    bpw = B // NW
    nchunk = bpw // CHUNK
    nouter = nchunk // NBUF
    assert nchunk % NBUF == 0 and nouter >= 3
    mesh = plsc.VectorSubcoreMesh(core_axis_name="c", subcore_axis_name="s")

    @functools.partial(
        pl.kernel,
        mesh=mesh,
        compiler_params=pltpu.CompilerParams(use_tc_tiling_on_sc=True),
        out_type=jax.ShapeDtypeStruct((B, EMB), jnp.float32),
        scratch_types=[
            pltpu.VMEM((nchunk, CHUNK), jnp.int32),
            pltpu.VMEM((NBUF, CHUNK, EMB), jnp.float32),
            [pltpu.SemaphoreType.DMA] * NBUF,
            [pltpu.SemaphoreType.DMA] * NBUF,
        ],
    )
    def emb(idx_hbm, table_hbm, out_hbm, idx_v, rows_v, gsems, ssems):
        wid = lax.axis_index("s") * NC + lax.axis_index("c")
        base = wid * bpw
        pltpu.sync_copy(idx_hbm.at[wid], idx_v)

        def issue_gather(h, bh):
            pltpu.async_copy(table_hbm.at[idx_v.at[h]], rows_v.at[bh], gsems[bh])

        def wait_gather(b):
            pltpu.make_async_copy(
                table_hbm.at[pl.ds(0, CHUNK)], rows_v.at[b], gsems[b]).wait()

        def wait_store(b):
            pltpu.make_async_copy(
                table_hbm.at[pl.ds(0, CHUNK)], rows_v.at[b], ssems[b]).wait()

        def scale_buf(b):
            def row_body(i, c):
                for j in range(EMB // LANES):
                    sl = pl.ds(j * LANES, LANES)
                    rows_v[b, i, sl] = rows_v[b, i, sl] * SCALE
                return c
            lax.fori_loop(0, CHUNK, row_body, 0)

        def slot(g, b, h, wait_h_store, issue_h):
            wait_gather(b)
            scale_buf(b)
            pltpu.async_copy(
                rows_v.at[b], out_hbm.at[pl.ds(base + g * CHUNK, CHUNK)],
                ssems[b])
            if issue_h:
                bh = (b + AHEAD) % NBUF
                if wait_h_store:
                    wait_store(bh)
                issue_gather(h, bh)

        for g in range(AHEAD):
            issue_gather(g, g)

        for b in range(NBUF):
            g = b
            h = g + AHEAD
            slot(g, b, h, wait_h_store=(h >= NBUF), issue_h=True)

        def outer_body(o, carry):
            g0 = o * NBUF
            for b in range(NBUF):
                slot(g0 + b, b, g0 + b + AHEAD, wait_h_store=True, issue_h=True)
            return carry

        lax.fori_loop(1, nouter - 1, outer_body, 0)

        g0 = (nouter - 1) * NBUF
        for b in range(NBUF):
            g = g0 + b
            h = g + AHEAD
            slot(g, b, h, wait_h_store=True, issue_h=(h < nchunk))

        for b in range(NBUF):
            wait_store(b)

    return emb


def kernel(tokens, table):
    s0, s1 = tokens.shape
    b = s0 * s1
    idx = tokens.astype(jnp.int32).T.reshape(NW, b // (NW * CHUNK), CHUNK)
    out = _make_emb(b)(idx, table)
    return out.reshape(s1, s0, EMB).transpose(1, 0, 2)

# --- scband reference (transcript-rebuilt; emitter-appended) ---
"""Pipeline reference for scband-token-embedding-19396072309135 (READ-ONLY COPY).

The authoritative reference and input builder live on the scoring server;
editing this copy changes nothing except your own understanding.
"""

import jax, jax.numpy as jnp
import numpy as np

VOCAB = 100000
EMB = 128
PAD_IDX = 1  # vocab['<pad>'] assumed to be 1 (standard torchtext convention)


def setup_inputs(seed: int = 0) -> dict:
    key = jax.random.key(seed)
    k1, k2 = jax.random.split(key)
    tokens = jax.random.randint(k1, (4096, 50), 0, VOCAB, dtype=jnp.int64 if jax.config.read('jax_enable_x64') else jnp.int32)
    table = jax.random.normal(k2, (VOCAB, EMB), dtype=jnp.float32)
    # nn.Embedding with padding_idx zeroes that row at init
    table = table.at[PAD_IDX].set(0.0)
    return {"tokens": tokens, "table": table}


def reference(tokens, table):
    # faithful to: self.embedding(tokens.long()) * math.sqrt(self.embed_size)
    emb = jnp.take(table, tokens, axis=0)
    return emb * np.float32(np.sqrt(EMB))

if __name__ == "__main__":
    import jax
    _d = setup_inputs()
    print(jax.jit(kernel)(*tuple(_d.values())))

</pallas_src>

<mosaic_0001>
#map = affine_map<(d0, d1) -> (0, 0, 0)>
#map1 = affine_map<(d0, d1) -> (0, 0)>
module attributes {stable_mosaic.version = 14 : i64} {
  func.func @emb(%arg0: i32, %arg1: i32, %arg2: memref<32x50x128xi32, #tpu.memory_space<hbm>>, %arg3: memref<100000x128xf32, #tpu.memory_space<hbm>>, %arg4: memref<204800x128xf32, #tpu.memory_space<hbm>>, %arg5: memref<50x128xi32, #tpu.memory_space<vmem>>, %arg6: memref<5x128x128xf32, #tpu.memory_space<vmem>>, %arg7: memref<!tpu.dma_semaphore, #tpu.memory_space<semaphore_mem>>, %arg8: memref<!tpu.dma_semaphore, #tpu.memory_space<semaphore_mem>>, %arg9: memref<!tpu.dma_semaphore, #tpu.memory_space<semaphore_mem>>, %arg10: memref<!tpu.dma_semaphore, #tpu.memory_space<semaphore_mem>>, %arg11: memref<!tpu.dma_semaphore, #tpu.memory_space<semaphore_mem>>, %arg12: memref<!tpu.dma_semaphore, #tpu.memory_space<semaphore_mem>>, %arg13: memref<!tpu.dma_semaphore, #tpu.memory_space<semaphore_mem>>, %arg14: memref<!tpu.dma_semaphore, #tpu.memory_space<semaphore_mem>>, %arg15: memref<!tpu.dma_semaphore, #tpu.memory_space<semaphore_mem>>, %arg16: memref<!tpu.dma_semaphore, #tpu.memory_space<semaphore_mem>>) attributes {dimension_semantics = [#tpu.dimension_semantics<core_parallel>, #tpu.dimension_semantics<subcore_parallel>], iteration_bounds = array<i64: 2, 16>, scalar_prefetch = 0 : i64, scratch_operands = 12 : i64, tpu.core_type = #tpu.core_type<sc_vector_subcore>, window_params = [{transform_indices = #map}, {transform_indices = #map1}, {transform_indices = #map1}]} {
    %mul3A = arith.constant 2 : i32
    %mul3A_0 = arith.muli %arg1, %mul3A : i32
    %add3A = arith.addi %mul3A_0, %arg0 : i32
    %mul3A_1 = arith.constant 6400 : i32
    %mul3A_2 = arith.muli %add3A, %mul3A_1 : i32
    "tpu.region"() ({
      %run_scoped3A = tpu.sem_alloc : memref<!tpu.dma_semaphore, #tpu.memory_space<semaphore_mem>>
      %dma_start3A_636 = arith.constant 0 : i32
      %dma_start3A_637 = arith.constant 0 : i32
      %dma_start3A_638 = tpu.memref_slice %arg2[%add3A, %dma_start3A_636, %dma_start3A_637] : memref<32x50x128xi32, #tpu.memory_space<hbm>> -> memref<1x50x128xi32, #tpu.memory_space<hbm>>
      %dma_start3A_639 = tpu.memref_squeeze %dma_start3A_638 : memref<1x50x128xi32, #tpu.memory_space<hbm>> -> memref<50x128xi32, #tpu.memory_space<hbm>>
      %dma_start3A_640 = arith.constant 0 : i32
      %dma_start3A_641 = arith.constant 0 : i32
      %dma_start3A_642 = tpu.memref_slice %arg2[%add3A, %dma_start3A_640, %dma_start3A_641] : memref<32x50x128xi32, #tpu.memory_space<hbm>> -> memref<1x50x128xi32, #tpu.memory_space<hbm>>
      %dma_start3A_643 = tpu.memref_squeeze %dma_start3A_642 : memref<1x50x128xi32, #tpu.memory_space<hbm>> -> memref<50x128xi32, #tpu.memory_space<hbm>>
      tpu.enqueue_dma source(%dma_start3A_643 : memref<50x128xi32, #tpu.memory_space<hbm>>) target(%arg5 : memref<50x128xi32, #tpu.memory_space<vmem>>) target_semaphore(%run_scoped3A : memref<!tpu.dma_semaphore, #tpu.memory_space<semaphore_mem>>)
      %dma_wait3A_644 = arith.constant 0 : i32
      %dma_wait3A_645 = arith.constant 0 : i32
      %dma_wait3A_646 = tpu.memref_slice %arg2[%add3A, %dma_wait3A_644, %dma_wait3A_645] : memref<32x50x128xi32, #tpu.memory_space<hbm>> -> memref<1x50x128xi32, #tpu.memory_space<hbm>>
      %dma_wait3A_647 = tpu.memref_squeeze %dma_wait3A_646 : memref<1x50x128xi32, #tpu.memory_space<hbm>> -> memref<50x128xi32, #tpu.memory_space<hbm>>
      %dma_wait3A_648 = arith.constant 0 : i32
      %dma_wait3A_649 = arith.constant 0 : i32
      %dma_wait3A_650 = tpu.memref_slice %arg2[%add3A, %dma_wait3A_648, %dma_wait3A_649] : memref<32x50x128xi32, #tpu.memory_space<hbm>> -> memref<1x50x128xi32, #tpu.memory_space<hbm>>
      %dma_wait3A_651 = tpu.memref_squeeze %dma_wait3A_650 : memref<1x50x128xi32, #tpu.memory_space<hbm>> -> memref<50x128xi32, #tpu.memory_space<hbm>>
      tpu.wait_dma2 semaphore(%run_scoped3A : memref<!tpu.dma_semaphore, #tpu.memory_space<semaphore_mem>>) src(%dma_wait3A_651 : memref<50x128xi32, #tpu.memory_space<hbm>>) dst(%arg5 : memref<50x128xi32, #tpu.memory_space<vmem>>)
      tpu.yield
    }) : () -> ()
    %dma_start3A = arith.constant 0 : i32
    %dma_start3A_3 = arith.constant 0 : i32
    %dma_start3A_4 = arith.constant 0 : i32
    %dma_start3A_5 = arith.constant 0 : i32
    %dma_start3A_6 = tpu.memref_slice %arg6[%dma_start3A_3, %dma_start3A_4, %dma_start3A_5] : memref<5x128x128xf32, #tpu.memory_space<vmem>> -> memref<1x128x128xf32, #tpu.memory_space<vmem>>
    %dma_start3A_7 = tpu.memref_squeeze %dma_start3A_6 : memref<1x128x128xf32, #tpu.memory_space<vmem>> -> memref<128x128xf32, #tpu.memory_space<vmem>>
    %dma_start3A_8 = arith.constant 0 : i32
    %dma_start3A_9 = tpu.memref_slice %arg5[%dma_start3A, %dma_start3A_8] : memref<50x128xi32, #tpu.memory_space<vmem>> -> memref<1x128xi32, #tpu.memory_space<vmem>>
    %dma_start3A_10 = tpu.memref_squeeze %dma_start3A_9 : memref<1x128xi32, #tpu.memory_space<vmem>> -> memref<128xi32, #tpu.memory_space<vmem>>
    %dma_start3A_11 = arith.constant 0 : i32
    %dma_start3A_12 = arith.constant 0 : i32
    %dma_start3A_13 = tpu.memref_slice %arg3[%dma_start3A_11, %dma_start3A_12] : memref<100000x128xf32, #tpu.memory_space<hbm>> -> memref<100000x128xf32, #tpu.memory_space<hbm>>
    tpu.enqueue_indirect_dma source(%dma_start3A_13 : memref<100000x128xf32, #tpu.memory_space<hbm>>) target(%dma_start3A_7 : memref<128x128xf32, #tpu.memory_space<vmem>>) offsets(%dma_start3A_10 : memref<128xi32, #tpu.memory_space<vmem>>) semaphore(%arg7 : memref<!tpu.dma_semaphore, #tpu.memory_space<semaphore_mem>>)
    %dma_start3A_14 = arith.constant 1 : i32
    %dma_start3A_15 = arith.constant 1 : i32
    %dma_start3A_16 = arith.constant 0 : i32
    %dma_start3A_17 = arith.constant 0 : i32
    %dma_start3A_18 = tpu.memref_slice %arg6[%dma_start3A_15, %dma_start3A_16, %dma_start3A_17] : memref<5x128x128xf32, #tpu.memory_space<vmem>> -> memref<1x128x128xf32, #tpu.memory_space<vmem>>
    %dma_start3A_19 = tpu.memref_squeeze %dma_start3A_18 : memref<1x128x128xf32, #tpu.memory_space<vmem>> -> memref<128x128xf32, #tpu.memory_space<vmem>>
    %dma_start3A_20 = arith.constant 0 : i32
    %dma_start3A_21 = tpu.memref_slice %arg5[%dma_start3A_14, %dma_start3A_20] : memref<50x128xi32, #tpu.memory_space<vmem>> -> memref<1x128xi32, #tpu.memory_space<vmem>>
    %dma_start3A_22 = tpu.memref_squeeze %dma_start3A_21 : memref<1x128xi32, #tpu.memory_space<vmem>> -> memref<128xi32, #tpu.memory_space<vmem>>
    %dma_start3A_23 = arith.constant 0 : i32
    %dma_start3A_24 = arith.constant 0 : i32
    %dma_start3A_25 = tpu.memref_slice %arg3[%dma_start3A_23, %dma_start3A_24] : memref<100000x128xf32, #tpu.memory_space<hbm>> -> memref<100000x128xf32, #tpu.memory_space<hbm>>
    tpu.enqueue_indirect_dma source(%dma_start3A_25 : memref<100000x128xf32, #tpu.memory_space<hbm>>) target(%dma_start3A_19 : memref<128x128xf32, #tpu.memory_space<vmem>>) offsets(%dma_start3A_22 : memref<128xi32, #tpu.memory_space<vmem>>) semaphore(%arg8 : memref<!tpu.dma_semaphore, #tpu.memory_space<semaphore_mem>>)
    %dma_start3A_26 = arith.constant 2 : i32
    %dma_start3A_27 = arith.constant 2 : i32
    %dma_start3A_28 = arith.constant 0 : i32
    %dma_start3A_29 = arith.constant 0 : i32
    %dma_start3A_30 = tpu.memref_slice %arg6[%dma_start3A_27, %dma_start3A_28, %dma_start3A_29] : memref<5x128x128xf32, #tpu.memory_space<vmem>> -> memref<1x128x128xf32, #tpu.memory_space<vmem>>
    %dma_start3A_31 = tpu.memref_squeeze %dma_start3A_30 : memref<1x128x128xf32, #tpu.memory_space<vmem>> -> memref<128x128xf32, #tpu.memory_space<vmem>>
    %dma_start3A_32 = arith.constant 0 : i32
    %dma_start3A_33 = tpu.memref_slice %arg5[%dma_start3A_26, %dma_start3A_32] : memref<50x128xi32, #tpu.memory_space<vmem>> -> memref<1x128xi32, #tpu.memory_space<vmem>>
    %dma_start3A_34 = tpu.memref_squeeze %dma_start3A_33 : memref<1x128xi32, #tpu.memory_space<vmem>> -> memref<128xi32, #tpu.memory_space<vmem>>
    %dma_start3A_35 = arith.constant 0 : i32
    %dma_start3A_36 = arith.constant 0 : i32
    %dma_start3A_37 = tpu.memref_slice %arg3[%dma_start3A_35, %dma_start3A_36] : memref<100000x128xf32, #tpu.memory_space<hbm>> -> memref<100000x128xf32, #tpu.memory_space<hbm>>
    tpu.enqueue_indirect_dma source(%dma_start3A_37 : memref<100000x128xf32, #tpu.memory_space<hbm>>) target(%dma_start3A_31 : memref<128x128xf32, #tpu.memory_space<vmem>>) offsets(%dma_start3A_34 : memref<128xi32, #tpu.memory_space<vmem>>) semaphore(%arg9 : memref<!tpu.dma_semaphore, #tpu.memory_space<semaphore_mem>>)
    %dma_wait3A = arith.constant 0 : i32
    %dma_wait3A_38 = arith.constant 0 : i32
    %dma_wait3A_39 = arith.constant 0 : i32
    %dma_wait3A_40 = tpu.memref_slice %arg6[%dma_wait3A, %dma_wait3A_38, %dma_wait3A_39] : memref<5x128x128xf32, #tpu.memory_space<vmem>> -> memref<1x128x128xf32, #tpu.memory_space<vmem>>
    %dma_wait3A_41 = tpu.memref_squeeze %dma_wait3A_40 : memref<1x128x128xf32, #tpu.memory_space<vmem>> -> memref<128x128xf32, #tpu.memory_space<vmem>>
    %dma_wait3A_42 = arith.constant 0 : i32
    %dma_wait3A_43 = arith.constant 0 : i32
    %dma_wait3A_44 = tpu.memref_slice %arg3[%dma_wait3A_42, %dma_wait3A_43] : memref<100000x128xf32, #tpu.memory_space<hbm>> -> memref<128x128xf32, #tpu.memory_space<hbm>>
    %dma_wait3A_45 = arith.constant 0 : i32
    %dma_wait3A_46 = arith.constant 0 : i32
    %dma_wait3A_47 = tpu.memref_slice %arg6[%dma_wait3A, %dma_wait3A_45, %dma_wait3A_46] : memref<5x128x128xf32, #tpu.memory_space<vmem>> -> memref<1x128x128xf32, #tpu.memory_space<vmem>>
    %dma_wait3A_48 = tpu.memref_squeeze %dma_wait3A_47 : memref<1x128x128xf32, #tpu.memory_space<vmem>> -> memref<128x128xf32, #tpu.memory_space<vmem>>
    %dma_wait3A_49 = arith.constant 0 : i32
    %dma_wait3A_50 = arith.constant 0 : i32
    %dma_wait3A_51 = tpu.memref_slice %arg3[%dma_wait3A_49, %dma_wait3A_50] : memref<100000x128xf32, #tpu.memory_space<hbm>> -> memref<128x128xf32, #tpu.memory_space<hbm>>
    tpu.wait_dma2 semaphore(%arg7 : memref<!tpu.dma_semaphore, #tpu.memory_space<semaphore_mem>>) src(%dma_wait3A_51 : memref<128x128xf32, #tpu.memory_space<hbm>>) dst(%dma_wait3A_48 : memref<128x128xf32, #tpu.memory_space<vmem>>)
    %scan3A = arith.constant 0 : i32
    %scan3A_52 = arith.constant 0 : i32
    %scan3A_53 = arith.constant 128 : i32
    %scan3A_54 = arith.addi %scan3A_52, %scan3A_53 : i32
    %scan3A_55 = arith.constant 1 : i32
    scf.for %scan3A_636 = %scan3A_52 to %scan3A_54 step %scan3A_55  : i32 {
      %get3A = arith.constant 0 : i32
      %get3A_637 = arith.index_cast %get3A : i32 to index
      %get3A_638 = arith.index_cast %scan3A_636 : i32 to index
      %get3A_639 = arith.constant 0 : index
      %get3A_640 = tpu.vector_load %arg6[%get3A_637, %get3A_638, %get3A_639] {strides = array<i32>} : memref<5x128x128xf32, #tpu.memory_space<vmem>>, vector<1x1x16xf32>,
      %get3A_641 = vector.shape_cast %get3A_640 : vector<1x1x16xf32> to vector<16xf32>
      %mul3A_642 = arith.constant 11.3137083 : f32
      %mul3A_643 = vector.broadcast %mul3A_642 : f32 to vector<16xf32>
      %mul3A_644 = arith.mulf %get3A_641, %mul3A_643 : vector<16xf32>
      %swap3A = arith.constant 0 : i32
      %swap3A_645 = arith.index_cast %swap3A : i32 to index
      %swap3A_646 = arith.index_cast %scan3A_636 : i32 to index
      %swap3A_647 = arith.constant 0 : index
      %swap3A_648 = tpu.vector_load %arg6[%swap3A_645, %swap3A_646, %swap3A_647] {strides = array<i32>} : memref<5x128x128xf32, #tpu.memory_space<vmem>>, vector<1x1x16xf32>,
      %swap3A_649 = vector.shape_cast %swap3A_648 : vector<1x1x16xf32> to vector<16xf32>
      %swap3A_650 = vector.shape_cast %mul3A_644 : vector<16xf32> to vector<1x1x16xf32>
      tpu.vector_store %arg6[%swap3A_645, %swap3A_646, %swap3A_647], %swap3A_650 {strides = array<i32>} : memref<5x128x128xf32, #tpu.memory_space<vmem>>, vector<1x1x16xf32>,
      %get3A_651 = arith.constant 0 : i32
      %get3A_652 = arith.index_cast %get3A_651 : i32 to index
      %get3A_653 = arith.index_cast %scan3A_636 : i32 to index
      %get3A_654 = arith.constant 16 : index
      %get3A_655 = tpu.vector_load %arg6[%get3A_652, %get3A_653, %get3A_654] {strides = array<i32>} : memref<5x128x128xf32, #tpu.memory_space<vmem>>, vector<1x1x16xf32>,
      %get3A_656 = vector.shape_cast %get3A_655 : vector<1x1x16xf32> to vector<16xf32>
      %mul3A_657 = arith.constant 11.3137083 : f32
      %mul3A_658 = vector.broadcast %mul3A_657 : f32 to vector<16xf32>
      %mul3A_659 = arith.mulf %get3A_656, %mul3A_658 : vector<16xf32>
      %swap3A_660 = arith.constant 0 : i32
      %swap3A_661 = arith.index_cast %swap3A_660 : i32 to index
      %swap3A_662 = arith.index_cast %scan3A_636 : i32 to index
      %swap3A_663 = arith.constant 16 : index
      %swap3A_664 = tpu.vector_load %arg6[%swap3A_661, %swap3A_662, %swap3A_663] {strides = array<i32>} : memref<5x128x128xf32, #tpu.memory_space<vmem>>, vector<1x1x16xf32>,
      %swap3A_665 = vector.shape_cast %swap3A_664 : vector<1x1x16xf32> to vector<16xf32>
      %swap3A_666 = vector.shape_cast %mul3A_659 : vector<16xf32> to vector<1x1x16xf32>
      tpu.vector_store %arg6[%swap3A_661, %swap3A_662, %swap3A_663], %swap3A_666 {strides = array<i32>} : memref<5x128x128xf32, #tpu.memory_space<vmem>>, vector<1x1x16xf32>,
      %get3A_667 = arith.constant 0 : i32
      %get3A_668 = arith.index_cast %get3A_667 : i32 to index
      %get3A_669 = arith.index_cast %scan3A_636 : i32 to index
      %get3A_670 = arith.constant 32 : index
      %get3A_671 = tpu.vector_load %arg6[%get3A_668, %get3A_669, %get3A_670] {strides = array<i32>} : memref<5x128x128xf32, #tpu.memory_space<vmem>>, vector<1x1x16xf32>,
      %get3A_672 = vector.shape_cast %get3A_671 : vector<1x1x16xf32> to vector<16xf32>
      %mul3A_673 = arith.constant 11.3137083 : f32
      %mul3A_674 = vector.broadcast %mul3A_673 : f32 to vector<16xf32>
      %mul3A_675 = arith.mulf %get3A_672, %mul3A_674 : vector<16xf32>
      %swap3A_676 = arith.constant 0 : i32
      %swap3A_677 = arith.index_cast %swap3A_676 : i32 to index
      %swap3A_678 = arith.index_cast %scan3A_636 : i32 to index
      %swap3A_679 = arith.constant 32 : index
      %swap3A_680 = tpu.vector_load %arg6[%swap3A_677, %swap3A_678, %swap3A_679] {strides = array<i32>} : memref<5x128x128xf32, #tpu.memory_space<vmem>>, vector<1x1x16xf32>,
      %swap3A_681 = vector.shape_cast %swap3A_680 : vector<1x1x16xf32> to vector<16xf32>
      %swap3A_682 = vector.shape_cast %mul3A_675 : vector<16xf32> to vector<1x1x16xf32>
      tpu.vector_store %arg6[%swap3A_677, %swap3A_678, %swap3A_679], %swap3A_682 {strides = array<i32>} : memref<5x128x128xf32, #tpu.memory_space<vmem>>, vector<1x1x16xf32>,
      %get3A_683 = arith.constant 0 : i32
      %get3A_684 = arith.index_cast %get3A_683 : i32 to index
      %get3A_685 = arith.index_cast %scan3A_636 : i32 to index
      %get3A_686 = arith.constant 48 : index
      %get3A_687 = tpu.vector_load %arg6[%get3A_684, %get3A_685, %get3A_686] {strides = array<i32>} : memref<5x128x128xf32, #tpu.memory_space<vmem>>, vector<1x1x16xf32>,
      %get3A_688 = vector.shape_cast %get3A_687 : vector<1x1x16xf32> to vector<16xf32>
      %mul3A_689 = arith.constant 11.3137083 : f32
      %mul3A_690 = vector.broadcast %mul3A_689 : f32 to vector<16xf32>
      %mul3A_691 = arith.mulf %get3A_688, %mul3A_690 : vector<16xf32>
      %swap3A_692 = arith.constant 0 : i32
      %swap3A_693 = arith.index_cast %swap3A_692 : i32 to index
      %swap3A_694 = arith.index_cast %scan3A_636 : i32 to index
      %swap3A_695 = arith.constant 48 : index
      %swap3A_696 = tpu.vector_load %arg6[%swap3A_693, %swap3A_694, %swap3A_695] {strides = array<i32>} : memref<5x128x128xf32, #tpu.memory_space<vmem>>, vector<1x1x16xf32>,
      %swap3A_697 = vector.shape_cast %swap3A_696 : vector<1x1x16xf32> to vector<16xf32>
      %swap3A_698 = vector.shape_cast %mul3A_691 : vector<16xf32> to vector<1x1x16xf32>
      tpu.vector_store %arg6[%swap3A_693, %swap3A_694, %swap3A_695], %swap3A_698 {strides = array<i32>} : memref<5x128x128xf32, #tpu.memory_space<vmem>>, vector<1x1x16xf32>,
      %get3A_699 = arith.constant 0 : i32
      %get3A_700 = arith.index_cast %get3A_699 : i32 to index
      %get3A_701 = arith.index_cast %scan3A_636 : i32 to index
      %get3A_702 = arith.constant 64 : index
      %get3A_703 = tpu.vector_load %arg6[%get3A_700, %get3A_701, %get3A_702] {strides = array<i32>} : memref<5x128x128xf32, #tpu.memory_space<vmem>>, vector<1x1x16xf32>,
      %get3A_704 = vector.shape_cast %get3A_703 : vector<1x1x16xf32> to vector<16xf32>
      %mul3A_705 = arith.constant 11.3137083 : f32
      %mul3A_706 = vector.broadcast %mul3A_705 : f32 to vector<16xf32>
      %mul3A_707 = arith.mulf %get3A_704, %mul3A_706 : vector<16xf32>
      %swap3A_708 = arith.constant 0 : i32
      %swap3A_709 = arith.index_cast %swap3A_708 : i32 to index
      %swap3A_710 = arith.index_cast %scan3A_636 : i32 to index
      %swap3A_711 = arith.constant 64 : index
      %swap3A_712 = tpu.vector_load %arg6[%swap3A_709, %swap3A_710, %swap3A_711] {strides = array<i32>} : memref<5x128x128xf32, #tpu.memory_space<vmem>>, vector<1x1x16xf32>,
      %swap3A_713 = vector.shape_cast %swap3A_712 : vector<1x1x16xf32> to vector<16xf32>
      %swap3A_714 = vector.shape_cast %mul3A_707 : vector<16xf32> to vector<1x1x16xf32>
      tpu.vector_store %arg6[%swap3A_709, %swap3A_710, %swap3A_711], %swap3A_714 {strides = array<i32>} : memref<5x128x128xf32, #tpu.memory_space<vmem>>, vector<1x1x16xf32>,
      %get3A_715 = arith.constant 0 : i32
      %get3A_716 = arith.index_cast %get3A_715 : i32 to index
      %get3A_717 = arith.index_cast %scan3A_636 : i32 to index
      %get3A_718 = arith.constant 80 : index
      %get3A_719 = tpu.vector_load %arg6[%get3A_716, %get3A_717, %get3A_718] {strides = array<i32>} : memref<5x128x128xf32, #tpu.memory_space<vmem>>, vector<1x1x16xf32>,
      %get3A_720 = vector.shape_cast %get3A_719 : vector<1x1x16xf32> to vector<16xf32>
      %mul3A_721 = arith.constant 11.3137083 : f32
      %mul3A_722 = vector.broadcast %mul3A_721 : f32 to vector<16xf32>
      %mul3A_723 = arith.mulf %get3A_720, %mul3A_722 : vector<16xf32>
      %swap3A_724 = arith.constant 0 : i32
      %swap3A_725 = arith.index_cast %swap3A_724 : i32 to index
      %swap3A_726 = arith.index_cast %scan3A_636 : i32 to index
      %swap3A_727 = arith.constant 80 : index
      %swap3A_728 = tpu.vector_load %arg6[%swap3A_725, %swap3A_726, %swap3A_727] {strides = array<i32>} : memref<5x128x128xf32, #tpu.memory_space<vmem>>, vector<1x1x16xf32>,
      %swap3A_729 = vector.shape_cast %swap3A_728 : vector<1x1x16xf32> to vector<16xf32>
      %swap3A_730 = vector.shape_cast %mul3A_723 : vector<16xf32> to vector<1x1x16xf32>
      tpu.vector_store %arg6[%swap3A_725, %swap3A_726, %swap3A_727], %swap3A_730 {strides = array<i32>} : memref<5x128x128xf32, #tpu.memory_space<vmem>>, vector<1x1x16xf32>,
      %get3A_731 = arith.constant 0 : i32
      %get3A_732 = arith.index_cast %get3A_731 : i32 to index
      %get3A_733 = arith.index_cast %scan3A_636 : i32 to index
      %get3A_734 = arith.constant 96 : index
      %get3A_735 = tpu.vector_load %arg6[%get3A_732, %get3A_733, %get3A_734] {strides = array<i32>} : memref<5x128x128xf32, #tpu.memory_space<vmem>>, vector<1x1x16xf32>,
      %get3A_736 = vector.shape_cast %get3A_735 : vector<1x1x16xf32> to vector<16xf32>
      %mul3A_737 = arith.constant 11.3137083 : f32
      %mul3A_738 = vector.broadcast %mul3A_737 : f32 to vector<16xf32>
      %mul3A_739 = arith.mulf %get3A_736, %mul3A_738 : vector<16xf32>
      %swap3A_740 = arith.constant 0 : i32
      %swap3A_741 = arith.index_cast %swap3A_740 : i32 to index
      %swap3A_742 = arith.index_cast %scan3A_636 : i32 to index
      %swap3A_743 = arith.constant 96 : index
      %swap3A_744 = tpu.vector_load %arg6[%swap3A_741, %swap3A_742, %swap3A_743] {strides = array<i32>} : memref<5x128x128xf32, #tpu.memory_space<vmem>>, vector<1x1x16xf32>,
      %swap3A_745 = vector.shape_cast %swap3A_744 : vector<1x1x16xf32> to vector<16xf32>
      %swap3A_746 = vector.shape_cast %mul3A_739 : vector<16xf32> to vector<1x1x16xf32>
      tpu.vector_store %arg6[%swap3A_741, %swap3A_742, %swap3A_743], %swap3A_746 {strides = array<i32>} : memref<5x128x128xf32, #tpu.memory_space<vmem>>, vector<1x1x16xf32>,
      %get3A_747 = arith.constant 0 : i32
      %get3A_748 = arith.index_cast %get3A_747 : i32 to index
      %get3A_749 = arith.index_cast %scan3A_636 : i32 to index
      %get3A_750 = arith.constant 112 : index
      %get3A_751 = tpu.vector_load %arg6[%get3A_748, %get3A_749, %get3A_750] {strides = array<i32>} : memref<5x128x128xf32, #tpu.memory_space<vmem>>, vector<1x1x16xf32>,
      %get3A_752 = vector.shape_cast %get3A_751 : vector<1x1x16xf32> to vector<16xf32>
      %mul3A_753 = arith.constant 11.3137083 : f32
      %mul3A_754 = vector.broadcast %mul3A_753 : f32 to vector<16xf32>
      %mul3A_755 = arith.mulf %get3A_752, %mul3A_754 : vector<16xf32>
      %swap3A_756 = arith.constant 0 : i32
      %swap3A_757 = arith.index_cast %swap3A_756 : i32 to index
      %swap3A_758 = arith.index_cast %scan3A_636 : i32 to index
      %swap3A_759 = arith.constant 112 : index
      %swap3A_760 = tpu.vector_load %arg6[%swap3A_757, %swap3A_758, %swap3A_759] {strides = array<i32>} : memref<5x128x128xf32, #tpu.memory_space<vmem>>, vector<1x1x16xf32>,
      %swap3A_761 = vector.shape_cast %swap3A_760 : vector<1x1x16xf32> to vector<16xf32>
      %swap3A_762 = vector.shape_cast %mul3A_755 : vector<16xf32> to vector<1x1x16xf32>
      tpu.vector_store %arg6[%swap3A_757, %swap3A_758, %swap3A_759], %swap3A_762 {strides = array<i32>} : memref<5x128x128xf32, #tpu.memory_space<vmem>>, vector<1x1x16xf32>,
    }
    %scan3A_56 = arith.constant 128 : i32
    %add3A_57 = arith.constant 0 : i32
    %add3A_58 = arith.addi %mul3A_2, %add3A_57 : i32
    %dma_start3A_59 = arith.constant 0 : i32
    %dma_start3A_60 = arith.constant 0 : i32
    %dma_start3A_61 = arith.constant 0 : i32
    %dma_start3A_62 = tpu.memref_slice %arg6[%dma_start3A_59, %dma_start3A_60, %dma_start3A_61] : memref<5x128x128xf32, #tpu.memory_space<vmem>> -> memref<1x128x128xf32, #tpu.memory_space<vmem>>
    %dma_start3A_63 = tpu.memref_squeeze %dma_start3A_62 : memref<1x128x128xf32, #tpu.memory_space<vmem>> -> memref<128x128xf32, #tpu.memory_space<vmem>>
    %dma_start3A_64 = arith.constant 0 : i32
    %dma_start3A_65 = tpu.memref_slice %arg4[%add3A_58, %dma_start3A_64] : memref<204800x128xf32, #tpu.memory_space<hbm>> -> memref<128x128xf32, #tpu.memory_space<hbm>>
    %dma_start3A_66 = arith.constant 0 : i32
    %dma_start3A_67 = tpu.memref_slice %arg4[%add3A_58, %dma_start3A_66] : memref<204800x128xf32, #tpu.memory_space<hbm>> -> memref<128x128xf32, #tpu.memory_space<hbm>>
    %dma_start3A_68 = arith.constant 0 : i32
    %dma_start3A_69 = arith.constant 0 : i32
    %dma_start3A_70 = tpu.memref_slice %arg6[%dma_start3A_59, %dma_start3A_68, %dma_start3A_69] : memref<5x128x128xf32, #tpu.memory_space<vmem>> -> memref<1x128x128xf32, #tpu.memory_space<vmem>>
    %dma_start3A_71 = tpu.memref_squeeze %dma_start3A_70 : memref<1x128x128xf32, #tpu.memory_space<vmem>> -> memref<128x128xf32, #tpu.memory_space<vmem>>
    tpu.enqueue_dma source(%dma_start3A_71 : memref<128x128xf32, #tpu.memory_space<vmem>>) target(%dma_start3A_67 : memref<128x128xf32, #tpu.memory_space<hbm>>) target_semaphore(%arg12 : memref<!tpu.dma_semaphore, #tpu.memory_space<semaphore_mem>>)
    %dma_start3A_72 = arith.constant 3 : i32
    %dma_start3A_73 = arith.constant 3 : i32
    %dma_start3A_74 = arith.constant 0 : i32
    %dma_start3A_75 = arith.constant 0 : i32
    %dma_start3A_76 = tpu.memref_slice %arg6[%dma_start3A_73, %dma_start3A_74, %dma_start3A_75] : memref<5x128x128xf32, #tpu.memory_space<vmem>> -> memref<1x128x128xf32, #tpu.memory_space<vmem>>
    %dma_start3A_77 = tpu.memref_squeeze %dma_start3A_76 : memref<1x128x128xf32, #tpu.memory_space<vmem>> -> memref<128x128xf32, #tpu.memory_space<vmem>>
    %dma_start3A_78 = arith.constant 0 : i32
    %dma_start3A_79 = tpu.memref_slice %arg5[%dma_start3A_72, %dma_start3A_78] : memref<50x128xi32, #tpu.memory_space<vmem>> -> memref<1x128xi32, #tpu.memory_space<vmem>>
    %dma_start3A_80 = tpu.memref_squeeze %dma_start3A_79 : memref<1x128xi32, #tpu.memory_space<vmem>> -> memref<128xi32, #tpu.memory_space<vmem>>
    %dma_start3A_81 = arith.constant 0 : i32
    %dma_start3A_82 = arith.constant 0 : i32
    %dma_start3A_83 = tpu.memref_slice %arg3[%dma_start3A_81, %dma_start3A_82] : memref<100000x128xf32, #tpu.memory_space<hbm>> -> memref<100000x128xf32, #tpu.memory_space<hbm>>
    tpu.enqueue_indirect_dma source(%dma_start3A_83 : memref<100000x128xf32, #tpu.memory_space<hbm>>) target(%dma_start3A_77 : memref<128x128xf32, #tpu.memory_space<vmem>>) offsets(%dma_start3A_80 : memref<128xi32, #tpu.memory_space<vmem>>) semaphore(%arg10 : memref<!tpu.dma_semaphore, #tpu.memory_space<semaphore_mem>>)
    %dma_wait3A_84 = arith.constant 1 : i32
    %dma_wait3A_85 = arith.constant 0 : i32
    %dma_wait3A_86 = arith.constant 0 : i32
    %dma_wait3A_87 = tpu.memref_slice %arg6[%dma_wait3A_84, %dma_wait3A_85, %dma_wait3A_86] : memref<5x128x128xf32, #tpu.memory_space<vmem>> -> memref<1x128x128xf32, #tpu.memory_space<vmem>>
    %dma_wait3A_88 = tpu.memref_squeeze %dma_wait3A_87 : memref<1x128x128xf32, #tpu.memory_space<vmem>> -> memref<128x128xf32, #tpu.memory_space<vmem>>
    %dma_wait3A_89 = arith.constant 0 : i32
    %dma_wait3A_90 = arith.constant 0 : i32
    %dma_wait3A_91 = tpu.memref_slice %arg3[%dma_wait3A_89, %dma_wait3A_90] : memref<100000x128xf32, #tpu.memory_space<hbm>> -> memref<128x128xf32, #tpu.memory_space<hbm>>
    %dma_wait3A_92 = arith.constant 0 : i32
    %dma_wait3A_93 = arith.constant 0 : i32
    %dma_wait3A_94 = tpu.memref_slice %arg6[%dma_wait3A_84, %dma_wait3A_92, %dma_wait3A_93] : memref<5x128x128xf32, #tpu.memory_space<vmem>> -> memref<1x128x128xf32, #tpu.memory_space<vmem>>
    %dma_wait3A_95 = tpu.memref_squeeze %dma_wait3A_94 : memref<1x128x128xf32, #tpu.memory_space<vmem>> -> memref<128x128xf32, #tpu.memory_space<vmem>>
    %dma_wait3A_96 = arith.constant 0 : i32
    %dma_wait3A_97 = arith.constant 0 : i32
    %dma_wait3A_98 = tpu.memref_slice %arg3[%dma_wait3A_96, %dma_wait3A_97] : memref<100000x128xf32, #tpu.memory_space<hbm>> -> memref<128x128xf32, #tpu.memory_space<hbm>>
    tpu.wait_dma2 semaphore(%arg8 : memref<!tpu.dma_semaphore, #tpu.memory_space<semaphore_mem>>) src(%dma_wait3A_98 : memref<128x128xf32, #tpu.memory_space<hbm>>) dst(%dma_wait3A_95 : memref<128x128xf32, #tpu.memory_space<vmem>>)
    %scan3A_99 = arith.constant 0 : i32
    %scan3A_100 = arith.constant 0 : i32
    %scan3A_101 = arith.constant 128 : i32
    %scan3A_102 = arith.addi %scan3A_100, %scan3A_101 : i32
    %scan3A_103 = arith.constant 1 : i32
    scf.for %scan3A_636 = %scan3A_100 to %scan3A_102 step %scan3A_103  : i32 {
      %get3A = arith.constant 1 : i32
      %get3A_637 = arith.index_cast %get3A : i32 to index
      %get3A_638 = arith.index_cast %scan3A_636 : i32 to index
      %get3A_639 = arith.constant 0 : index
      %get3A_640 = tpu.vector_load %arg6[%get3A_637, %get3A_638, %get3A_639] {strides = array<i32>} : memref<5x128x128xf32, #tpu.memory_space<vmem>>, vector<1x1x16xf32>,
      %get3A_641 = vector.shape_cast %get3A_640 : vector<1x1x16xf32> to vector<16xf32>
      %mul3A_642 = arith.constant 11.3137083 : f32
      %mul3A_643 = vector.broadcast %mul3A_642 : f32 to vector<16xf32>
      %mul3A_644 = arith.mulf %get3A_641, %mul3A_643 : vector<16xf32>
      %swap3A = arith.constant 1 : i32
      %swap3A_645 = arith.index_cast %swap3A : i32 to index
      %swap3A_646 = arith.index_cast %scan3A_636 : i32 to index
      %swap3A_647 = arith.constant 0 : index
      %swap3A_648 = tpu.vector_load %arg6[%swap3A_645, %swap3A_646, %swap3A_647] {strides = array<i32>} : memref<5x128x128xf32, #tpu.memory_space<vmem>>, vector<1x1x16xf32>,
      %swap3A_649 = vector.shape_cast %swap3A_648 : vector<1x1x16xf32> to vector<16xf32>
      %swap3A_650 = vector.shape_cast %mul3A_644 : vector<16xf32> to vector<1x1x16xf32>
      tpu.vector_store %arg6[%swap3A_645, %swap3A_646, %swap3A_647], %swap3A_650 {strides = array<i32>} : memref<5x128x128xf32, #tpu.memory_space<vmem>>, vector<1x1x16xf32>,
      %get3A_651 = arith.constant 1 : i32
      %get3A_652 = arith.index_cast %get3A_651 : i32 to index
      %get3A_653 = arith.index_cast %scan3A_636 : i32 to index
      %get3A_654 = arith.constant 16 : index
      %get3A_655 = tpu.vector_load %arg6[%get3A_652, %get3A_653, %get3A_654] {strides = array<i32>} : memref<5x128x128xf32, #tpu.memory_space<vmem>>, vector<1x1x16xf32>,
      %get3A_656 = vector.shape_cast %get3A_655 : vector<1x1x16xf32> to vector<16xf32>
      %mul3A_657 = arith.constant 11.3137083 : f32
      %mul3A_658 = vector.broadcast %mul3A_657 : f32 to vector<16xf32>
      %mul3A_659 = arith.mulf %get3A_656, %mul3A_658 : vector<16xf32>
      %swap3A_660 = arith.constant 1 : i32
      %swap3A_661 = arith.index_cast %swap3A_660 : i32 to index
      %swap3A_662 = arith.index_cast %scan3A_636 : i32 to index
      %swap3A_663 = arith.constant 16 : index
      %swap3A_664 = tpu.vector_load %arg6[%swap3A_661, %swap3A_662, %swap3A_663] {strides = array<i32>} : memref<5x128x128xf32, #tpu.memory_space<vmem>>, vector<1x1x16xf32>,
      %swap3A_665 = vector.shape_cast %swap3A_664 : vector<1x1x16xf32> to vector<16xf32>
      %swap3A_666 = vector.shape_cast %mul3A_659 : vector<16xf32> to vector<1x1x16xf32>
      tpu.vector_store %arg6[%swap3A_661, %swap3A_662, %swap3A_663], %swap3A_666 {strides = array<i32>} : memref<5x128x128xf32, #tpu.memory_space<vmem>>, vector<1x1x16xf32>,
      %get3A_667 = arith.constant 1 : i32
      %get3A_668 = arith.index_cast %get3A_667 : i32 to index
      %get3A_669 = arith.index_cast %scan3A_636 : i32 to index
      %get3A_670 = arith.constant 32 : index
      %get3A_671 = tpu.vector_load %arg6[%get3A_668, %get3A_669, %get3A_670] {strides = array<i32>} : memref<5x128x128xf32, #tpu.memory_space<vmem>>, vector<1x1x16xf32>,
      %get3A_672 = vector.shape_cast %get3A_671 : vector<1x1x16xf32> to vector<16xf32>
      %mul3A_673 = arith.constant 11.3137083 : f32
      %mul3A_674 = vector.broadcast %mul3A_673 : f32 to vector<16xf32>
      %mul3A_675 = arith.mulf %get3A_672, %mul3A_674 : vector<16xf32>
      %swap3A_676 = arith.constant 1 : i32
      %swap3A_677 = arith.index_cast %swap3A_676 : i32 to index
      %swap3A_678 = arith.index_cast %scan3A_636 : i32 to index
      %swap3A_679 = arith.constant 32 : index
      %swap3A_680 = tpu.vector_load %arg6[%swap3A_677, %swap3A_678, %swap3A_679] {strides = array<i32>} : memref<5x128x128xf32, #tpu.memory_space<vmem>>, vector<1x1x16xf32>,
      %swap3A_681 = vector.shape_cast %swap3A_680 : vector<1x1x16xf32> to vector<16xf32>
      %swap3A_682 = vector.shape_cast %mul3A_675 : vector<16xf32> to vector<1x1x16xf32>
      tpu.vector_store %arg6[%swap3A_677, %swap3A_678, %swap3A_679], %swap3A_682 {strides = array<i32>} : memref<5x128x128xf32, #tpu.memory_space<vmem>>, vector<1x1x16xf32>,
      %get3A_683 = arith.constant 1 : i32
      %get3A_684 = arith.index_cast %get3A_683 : i32 to index
      %get3A_685 = arith.index_cast %scan3A_636 : i32 to index
      %get3A_686 = arith.constant 48 : index
      %get3A_687 = tpu.vector_load %arg6[%get3A_684, %get3A_685, %get3A_686] {strides = array<i32>} : memref<5x128x128xf32, #tpu.memory_space<vmem>>, vector<1x1x16xf32>,
      %get3A_688 = vector.shape_cast %get3A_687 : vector<1x1x16xf32> to vector<16xf32>
      %mul3A_689 = arith.constant 11.3137083 : f32
      %mul3A_690 = vector.broadcast %mul3A_689 : f32 to vector<16xf32>
      %mul3A_691 = arith.mulf %get3A_688, %mul3A_690 : vector<16xf32>
      %swap3A_692 = arith.constant 1 : i32
      %swap3A_693 = arith.index_cast %swap3A_692 : i32 to index
      %swap3A_694 = arith.index_cast %scan3A_636 : i32 to index
      %swap3A_695 = arith.constant 48 : index
      %swap3A_696 = tpu.vector_load %arg6[%swap3A_693, %swap3A_694, %swap3A_695] {strides = array<i32>} : memref<5x128x128xf32, #tpu.memory_space<vmem>>, vector<1x1x16xf32>,
      %swap3A_697 = vector.shape_cast %swap3A_696 : vector<1x1x16xf32> to vector<16xf32>
      %swap3A_698 = vector.shape_cast %mul3A_691 : vector<16xf32> to vector<1x1x16xf32>
      tpu.vector_store %arg6[%swap3A_693, %swap3A_694, %swap3A_695], %swap3A_698 {strides = array<i32>} : memref<5x128x128xf32, #tpu.memory_space<vmem>>, vector<1x1x16xf32>,
      %get3A_699 = arith.constant 1 : i32
      %get3A_700 = arith.index_cast %get3A_699 : i32 to index
      %get3A_701 = arith.index_cast %scan3A_636 : i32 to index
      %get3A_702 = arith.constant 64 : index
      %get3A_703 = tpu.vector_load %arg6[%get3A_700, %get3A_701, %get3A_702] {strides = array<i32>} : memref<5x128x128xf32, #tpu.memory_space<vmem>>, vector<1x1x16xf32>,
      %get3A_704 = vector.shape_cast %get3A_703 : vector<1x1x16xf32> to vector<16xf32>
      %mul3A_705 = arith.constant 11.3137083 : f32
      %mul3A_706 = vector.broadcast %mul3A_705 : f32 to vector<16xf32>
      %mul3A_707 = arith.mulf %get3A_704, %mul3A_706 : vector<16xf32>
      %swap3A_708 = arith.constant 1 : i32
      %swap3A_709 = arith.index_cast %swap3A_708 : i32 to index
      %swap3A_710 = arith.index_cast %scan3A_636 : i32 to index
      %swap3A_711 = arith.constant 64 : index
      %swap3A_712 = tpu.vector_load %arg6[%swap3A_709, %swap3A_710, %swap3A_711] {strides = array<i32>} : memref<5x128x128xf32, #tpu.memory_space<vmem>>, vector<1x1x16xf32>,
      %swap3A_713 = vector.shape_cast %swap3A_712 : vector<1x1x16xf32> to vector<16xf32>
      %swap3A_714 = vector.shape_cast %mul3A_707 : vector<16xf32> to vector<1x1x16xf32>
      tpu.vector_store %arg6[%swap3A_709, %swap3A_710, %swap3A_711], %swap3A_714 {strides = array<i32>} : memref<5x128x128xf32, #tpu.memory_space<vmem>>, vector<1x1x16xf32>,
      %get3A_715 = arith.constant 1 : i32
      %get3A_716 = arith.index_cast %get3A_715 : i32 to index
      %get3A_717 = arith.index_cast %scan3A_636 : i32 to index
      %get3A_718 = arith.constant 80 : index
      %get3A_719 = tpu.vector_load %arg6[%get3A_716, %get3A_717, %get3A_718] {strides = array<i32>} : memref<5x128x128xf32, #tpu.memory_space<vmem>>, vector<1x1x16xf32>,
      %get3A_720 = vector.shape_cast %get3A_719 : vector<1x1x16xf32> to vector<16xf32>
      %mul3A_721 = arith.constant 11.3137083 : f32
      %mul3A_722 = vector.broadcast %mul3A_721 : f32 to vector<16xf32>
      %mul3A_723 = arith.mulf %get3A_720, %mul3A_722 : vector<16xf32>
      %swap3A_724 = arith.constant 1 : i32
      %swap3A_725 = arith.index_cast %swap3A_724 : i32 to index
      %swap3A_726 = arith.index_cast %scan3A_636 : i32 to index
      %swap3A_727 = arith.constant 80 : index
      %swap3A_728 = tpu.vector_load %arg6[%swap3A_725, %swap3A_726, %swap3A_727] {strides = array<i32>} : memref<5x128x128xf32, #tpu.memory_space<vmem>>, vector<1x1x16xf32>,
      %swap3A_729 = vector.shape_cast %swap3A_728 : vector<1x1x16xf32> to vector<16xf32>
      %swap3A_730 = vector.shape_cast %mul3A_723 : vector<16xf32> to vector<1x1x16xf32>
      tpu.vector_store %arg6[%swap3A_725, %swap3A_726, %swap3A_727], %swap3A_730 {strides = array<i32>} : memref<5x128x128xf32, #tpu.memory_space<vmem>>, vector<1x1x16xf32>,
      %get3A_731 = arith.constant 1 : i32
      %get3A_732 = arith.index_cast %get3A_731 : i32 to index
      %get3A_733 = arith.index_cast %scan3A_636 : i32 to index
      %get3A_734 = arith.constant 96 : index
      %get3A_735 = tpu.vector_load %arg6[%get3A_732, %get3A_733, %get3A_734] {strides = array<i32>} : memref<5x128x128xf32, #tpu.memory_space<vmem>>, vector<1x1x16xf32>,
      %get3A_736 = vector.shape_cast %get3A_735 : vector<1x1x16xf32> to vector<16xf32>
      %mul3A_737 = arith.constant 11.3137083 : f32
      %mul3A_738 = vector.broadcast %mul3A_737 : f32 to vector<16xf32>
      %mul3A_739 = arith.mulf %get3A_736, %mul3A_738 : vector<16xf32>
      %swap3A_740 = arith.constant 1 : i32
      %swap3A_741 = arith.index_cast %swap3A_740 : i32 to index
      %swap3A_742 = arith.index_cast %scan3A_636 : i32 to index
      %swap3A_743 = arith.constant 96 : index
      %swap3A_744 = tpu.vector_load %arg6[%swap3A_741, %swap3A_742, %swap3A_743] {strides = array<i32>} : memref<5x128x128xf32, #tpu.memory_space<vmem>>, vector<1x1x16xf32>,
      %swap3A_745 = vector.shape_cast %swap3A_744 : vector<1x1x16xf32> to vector<16xf32>
      %swap3A_746 = vector.shape_cast %mul3A_739 : vector<16xf32> to vector<1x1x16xf32>
      tpu.vector_store %arg6[%swap3A_741, %swap3A_742, %swap3A_743], %swap3A_746 {strides = array<i32>} : memref<5x128x128xf32, #tpu.memory_space<vmem>>, vector<1x1x16xf32>,
      %get3A_747 = arith.constant 1 : i32
      %get3A_748 = arith.index_cast %get3A_747 : i32 to index
      %get3A_749 = arith.index_cast %scan3A_636 : i32 to index
      %get3A_750 = arith.constant 112 : index
      %get3A_751 = tpu.vector_load %arg6[%get3A_748, %get3A_749, %get3A_750] {strides = array<i32>} : memref<5x128x128xf32, #tpu.memory_space<vmem>>, vector<1x1x16xf32>,
      %get3A_752 = vector.shape_cast %get3A_751 : vector<1x1x16xf32> to vector<16xf32>
      %mul3A_753 = arith.constant 11.3137083 : f32
      %mul3A_754 = vector.broadcast %mul3A_753 : f32 to vector<16xf32>
      %mul3A_755 = arith.mulf %get3A_752, %mul3A_754 : vector<16xf32>
      %swap3A_756 = arith.constant 1 : i32
      %swap3A_757 = arith.index_cast %swap3A_756 : i32 to index
      %swap3A_758 = arith.index_cast %scan3A_636 : i32 to index
      %swap3A_759 = arith.constant 112 : index
      %swap3A_760 = tpu.vector_load %arg6[%swap3A_757, %swap3A_758, %swap3A_759] {strides = array<i32>} : memref<5x128x128xf32, #tpu.memory_space<vmem>>, vector<1x1x16xf32>,
      %swap3A_761 = vector.shape_cast %swap3A_760 : vector<1x1x16xf32> to vector<16xf32>
      %swap3A_762 = vector.shape_cast %mul3A_755 : vector<16xf32> to vector<1x1x16xf32>
      tpu.vector_store %arg6[%swap3A_757, %swap3A_758, %swap3A_759], %swap3A_762 {strides = array<i32>} : memref<5x128x128xf32, #tpu.memory_space<vmem>>, vector<1x1x16xf32>,
    }
    %scan3A_104 = arith.constant 128 : i32
    %add3A_105 = arith.constant 128 : i32
    %add3A_106 = arith.addi %mul3A_2, %add3A_105 : i32
    %dma_start3A_107 = arith.constant 1 : i32
    %dma_start3A_108 = arith.constant 0 : i32
    %dma_start3A_109 = arith.constant 0 : i32
    %dma_start3A_110 = tpu.memref_slice %arg6[%dma_start3A_107, %dma_start3A_108, %dma_start3A_109] : memref<5x128x128xf32, #tpu.memory_space<vmem>> -> memref<1x128x128xf32, #tpu.memory_space<vmem>>
    %dma_start3A_111 = tpu.memref_squeeze %dma_start3A_110 : memref<1x128x128xf32, #tpu.memory_space<vmem>> -> memref<128x128xf32, #tpu.memory_space<vmem>>
    %dma_start3A_112 = arith.constant 0 : i32
    %dma_start3A_113 = tpu.memref_slice %arg4[%add3A_106, %dma_start3A_112] : memref<204800x128xf32, #tpu.memory_space<hbm>> -> memref<128x128xf32, #tpu.memory_space<hbm>>
    %dma_start3A_114 = arith.constant 0 : i32
    %dma_start3A_115 = tpu.memref_slice %arg4[%add3A_106, %dma_start3A_114] : memref<204800x128xf32, #tpu.memory_space<hbm>> -> memref<128x128xf32, #tpu.memory_space<hbm>>
    %dma_start3A_116 = arith.constant 0 : i32
    %dma_start3A_117 = arith.constant 0 : i32
    %dma_start3A_118 = tpu.memref_slice %arg6[%dma_start3A_107, %dma_start3A_116, %dma_start3A_117] : memref<5x128x128xf32, #tpu.memory_space<vmem>> -> memref<1x128x128xf32, #tpu.memory_space<vmem>>
    %dma_start3A_119 = tpu.memref_squeeze %dma_start3A_118 : memref<1x128x128xf32, #tpu.memory_space<vmem>> -> memref<128x128xf32, #tpu.memory_space<vmem>>
    tpu.enqueue_dma source(%dma_start3A_119 : memref<128x128xf32, #tpu.memory_space<vmem>>) target(%dma_start3A_115 : memref<128x128xf32, #tpu.memory_space<hbm>>) target_semaphore(%arg13 : memref<!tpu.dma_semaphore, #tpu.memory_space<semaphore_mem>>)
    %dma_start3A_120 = arith.constant 4 : i32
    %dma_start3A_121 = arith.constant 4 : i32
    %dma_start3A_122 = arith.constant 0 : i32
    %dma_start3A_123 = arith.constant 0 : i32
    %dma_start3A_124 = tpu.memref_slice %arg6[%dma_start3A_121, %dma_start3A_122, %dma_start3A_123] : memref<5x128x128xf32, #tpu.memory_space<vmem>> -> memref<1x128x128xf32, #tpu.memory_space<vmem>>
    %dma_start3A_125 = tpu.memref_squeeze %dma_start3A_124 : memref<1x128x128xf32, #tpu.memory_space<vmem>> -> memref<128x128xf32, #tpu.memory_space<vmem>>
    %dma_start3A_126 = arith.constant 0 : i32
    %dma_start3A_127 = tpu.memref_slice %arg5[%dma_start3A_120, %dma_start3A_126] : memref<50x128xi32, #tpu.memory_space<vmem>> -> memref<1x128xi32, #tpu.memory_space<vmem>>
    %dma_start3A_128 = tpu.memref_squeeze %dma_start3A_127 : memref<1x128xi32, #tpu.memory_space<vmem>> -> memref<128xi32, #tpu.memory_space<vmem>>
    %dma_start3A_129 = arith.constant 0 : i32
    %dma_start3A_130 = arith.constant 0 : i32
    %dma_start3A_131 = tpu.memref_slice %arg3[%dma_start3A_129, %dma_start3A_130] : memref<100000x128xf32, #tpu.memory_space<hbm>> -> memref<100000x128xf32, #tpu.memory_space<hbm>>
    tpu.enqueue_indirect_dma source(%dma_start3A_131 : memref<100000x128xf32, #tpu.memory_space<hbm>>) target(%dma_start3A_125 : memref<128x128xf32, #tpu.memory_space<vmem>>) offsets(%dma_start3A_128 : memref<128xi32, #tpu.memory_space<vmem>>) semaphore(%arg11 : memref<!tpu.dma_semaphore, #tpu.memory_space<semaphore_mem>>)
    %dma_wait3A_132 = arith.constant 2 : i32
    %dma_wait3A_133 = arith.constant 0 : i32
    %dma_wait3A_134 = arith.constant 0 : i32
    %dma_wait3A_135 = tpu.memref_slice %arg6[%dma_wait3A_132, %dma_wait3A_133, %dma_wait3A_134] : memref<5x128x128xf32, #tpu.memory_space<vmem>> -> memref<1x128x128xf32, #tpu.memory_space<vmem>>
    %dma_wait3A_136 = tpu.memref_squeeze %dma_wait3A_135 : memref<1x128x128xf32, #tpu.memory_space<vmem>> -> memref<128x128xf32, #tpu.memory_space<vmem>>
    %dma_wait3A_137 = arith.constant 0 : i32
    %dma_wait3A_138 = arith.constant 0 : i32
    %dma_wait3A_139 = tpu.memref_slice %arg3[%dma_wait3A_137, %dma_wait3A_138] : memref<100000x128xf32, #tpu.memory_space<hbm>> -> memref<128x128xf32, #tpu.memory_space<hbm>>
    %dma_wait3A_140 = arith.constant 0 : i32
    %dma_wait3A_141 = arith.constant 0 : i32
    %dma_wait3A_142 = tpu.memref_slice %arg6[%dma_wait3A_132, %dma_wait3A_140, %dma_wait3A_141] : memref<5x128x128xf32, #tpu.memory_space<vmem>> -> memref<1x128x128xf32, #tpu.memory_space<vmem>>
    %dma_wait3A_143 = tpu.memref_squeeze %dma_wait3A_142 : memref<1x128x128xf32, #tpu.memory_space<vmem>> -> memref<128x128xf32, #tpu.memory_space<vmem>>
    %dma_wait3A_144 = arith.constant 0 : i32
    %dma_wait3A_145 = arith.constant 0 : i32
    %dma_wait3A_146 = tpu.memref_slice %arg3[%dma_wait3A_144, %dma_wait3A_145] : memref<100000x128xf32, #tpu.memory_space<hbm>> -> memref<128x128xf32, #tpu.memory_space<hbm>>
    tpu.wait_dma2 semaphore(%arg9 : memref<!tpu.dma_semaphore, #tpu.memory_space<semaphore_mem>>) src(%dma_wait3A_146 : memref<128x128xf32, #tpu.memory_space<hbm>>) dst(%dma_wait3A_143 : memref<128x128xf32, #tpu.memory_space<vmem>>)
    %scan3A_147 = arith.constant 0 : i32
    %scan3A_148 = arith.constant 0 : i32
    %scan3A_149 = arith.constant 128 : i32
    %scan3A_150 = arith.addi %scan3A_148, %scan3A_149 : i32
    %scan3A_151 = arith.constant 1 : i32
    scf.for %scan3A_636 = %scan3A_148 to %scan3A_150 step %scan3A_151  : i32 {
      %get3A = arith.constant 2 : i32
      %get3A_637 = arith.index_cast %get3A : i32 to index
      %get3A_638 = arith.index_cast %scan3A_636 : i32 to index
      %get3A_639 = arith.constant 0 : index
      %get3A_640 = tpu.vector_load %arg6[%get3A_637, %get3A_638, %get3A_639] {strides = array<i32>} : memref<5x128x128xf32, #tpu.memory_space<vmem>>, vector<1x1x16xf32>,
      %get3A_641 = vector.shape_cast %get3A_640 : vector<1x1x16xf32> to vector<16xf32>
      %mul3A_642 = arith.constant 11.3137083 : f32
      %mul3A_643 = vector.broadcast %mul3A_642 : f32 to vector<16xf32>
      %mul3A_644 = arith.mulf %get3A_641, %mul3A_643 : vector<16xf32>
      %swap3A = arith.constant 2 : i32
      %swap3A_645 = arith.index_cast %swap3A : i32 to index
      %swap3A_646 = arith.index_cast %scan3A_636 : i32 to index
      %swap3A_647 = arith.constant 0 : index
      %swap3A_648 = tpu.vector_load %arg6[%swap3A_645, %swap3A_646, %swap3A_647] {strides = array<i32>} : memref<5x128x128xf32, #tpu.memory_space<vmem>>, vector<1x1x16xf32>,
      %swap3A_649 = vector.shape_cast %swap3A_648 : vector<1x1x16xf32> to vector<16xf32>
      %swap3A_650 = vector.shape_cast %mul3A_644 : vector<16xf32> to vector<1x1x16xf32>
      tpu.vector_store %arg6[%swap3A_645, %swap3A_646, %swap3A_647], %swap3A_650 {strides = array<i32>} : memref<5x128x128xf32, #tpu.memory_space<vmem>>, vector<1x1x16xf32>,
      %get3A_651 = arith.constant 2 : i32
      %get3A_652 = arith.index_cast %get3A_651 : i32 to index
      %get3A_653 = arith.index_cast %scan3A_636 : i32 to index
      %get3A_654 = arith.constant 16 : index
      %get3A_655 = tpu.vector_load %arg6[%get3A_652, %get3A_653, %get3A_654] {strides = array<i32>} : memref<5x128x128xf32, #tpu.memory_space<vmem>>, vector<1x1x16xf32>,
      %get3A_656 = vector.shape_cast %get3A_655 : vector<1x1x16xf32> to vector<16xf32>
      %mul3A_657 = arith.constant 11.3137083 : f32
      %mul3A_658 = vector.broadcast %mul3A_657 : f32 to vector<16xf32>
      %mul3A_659 = arith.mulf %get3A_656, %mul3A_658 : vector<16xf32>
      %swap3A_660 = arith.constant 2 : i32
      %swap3A_661 = arith.index_cast %swap3A_660 : i32 to index
      %swap3A_662 = arith.index_cast %scan3A_636 : i32 to index
      %swap3A_663 = arith.constant 16 : index
      %swap3A_664 = tpu.vector_load %arg6[%swap3A_661, %swap3A_662, %swap3A_663] {strides = array<i32>} : memref<5x128x128xf32, #tpu.memory_space<vmem>>, vector<1x1x16xf32>,
      %swap3A_665 = vector.shape_cast %swap3A_664 : vector<1x1x16xf32> to vector<16xf32>
      %swap3A_666 = vector.shape_cast %mul3A_659 : vector<16xf32> to vector<1x1x16xf32>
      tpu.vector_store %arg6[%swap3A_661, %swap3A_662, %swap3A_663], %swap3A_666 {strides = array<i32>} : memref<5x128x128xf32, #tpu.memory_space<vmem>>, vector<1x1x16xf32>,
      %get3A_667 = arith.constant 2 : i32
      %get3A_668 = arith.index_cast %get3A_667 : i32 to index
      %get3A_669 = arith.index_cast %scan3A_636 : i32 to index
      %get3A_670 = arith.constant 32 : index
      %get3A_671 = tpu.vector_load %arg6[%get3A_668, %get3A_669, %get3A_670] {strides = array<i32>} : memref<5x128x128xf32, #tpu.memory_space<vmem>>, vector<1x1x16xf32>,
      %get3A_672 = vector.shape_cast %get3A_671 : vector<1x1x16xf32> to vector<16xf32>
      %mul3A_673 = arith.constant 11.3137083 : f32
      %mul3A_674 = vector.broadcast %mul3A_673 : f32 to vector<16xf32>
      %mul3A_675 = arith.mulf %get3A_672, %mul3A_674 : vector<16xf32>
      %swap3A_676 = arith.constant 2 : i32
      %swap3A_677 = arith.index_cast %swap3A_676 : i32 to index
      %swap3A_678 = arith.index_cast %scan3A_636 : i32 to index
      %swap3A_679 = arith.constant 32 : index
      %swap3A_680 = tpu.vector_load %arg6[%swap3A_677, %swap3A_678, %swap3A_679] {strides = array<i32>} : memref<5x128x128xf32, #tpu.memory_space<vmem>>, vector<1x1x16xf32>,
      %swap3A_681 = vector.shape_cast %swap3A_680 : vector<1x1x16xf32> to vector<16xf32>
      %swap3A_682 = vector.shape_cast %mul3A_675 : vector<16xf32> to vector<1x1x16xf32>
      tpu.vector_store %arg6[%swap3A_677, %swap3A_678, %swap3A_679], %swap3A_682 {strides = array<i32>} : memref<5x128x128xf32, #tpu.memory_space<vmem>>, vector<1x1x16xf32>,
      %get3A_683 = arith.constant 2 : i32
      %get3A_684 = arith.index_cast %get3A_683 : i32 to index
      %get3A_685 = arith.index_cast %scan3A_636 : i32 to index
      %get3A_686 = arith.constant 48 : index
      %get3A_687 = tpu.vector_load %arg6[%get3A_684, %get3A_685, %get3A_686] {strides = array<i32>} : memref<5x128x128xf32, #tpu.memory_space<vmem>>, vector<1x1x16xf32>,
      %get3A_688 = vector.shape_cast %get3A_687 : vector<1x1x16xf32> to vector<16xf32>
      %mul3A_689 = arith.constant 11.3137083 : f32
      %mul3A_690 = vector.broadcast %mul3A_689 : f32 to vector<16xf32>
      %mul3A_691 = arith.mulf %get3A_688, %mul3A_690 : vector<16xf32>
      %swap3A_692 = arith.constant 2 : i32
      %swap3A_693 = arith.index_cast %swap3A_692 : i32 to index
      %swap3A_694 = arith.index_cast %scan3A_636 : i32 to index
      %swap3A_695 = arith.constant 48 : index
      %swap3A_696 = tpu.vector_load %arg6[%swap3A_693, %swap3A_694, %swap3A_695] {strides = array<i32>} : memref<5x128x128xf32, #tpu.memory_space<vmem>>, vector<1x1x16xf32>,
      %swap3A_697 = vector.shape_cast %swap3A_696 : vector<1x1x16xf32> to vector<16xf32>
      %swap3A_698 = vector.shape_cast %mul3A_691 : vector<16xf32> to vector<1x1x16xf32>
      tpu.vector_store %arg6[%swap3A_693, %swap3A_694, %swap3A_695], %swap3A_698 {strides = array<i32>} : memref<5x128x128xf32, #tpu.memory_space<vmem>>, vector<1x1x16xf32>,
      %get3A_699 = arith.constant 2 : i32
      %get3A_700 = arith.index_cast %get3A_699 : i32 to index
      %get3A_701 = arith.index_cast %scan3A_636 : i32 to index
      %get3A_702 = arith.constant 64 : index
      %get3A_703 = tpu.vector_load %arg6[%get3A_700, %get3A_701, %get3A_702] {strides = array<i32>} : memref<5x128x128xf32, #tpu.memory_space<vmem>>, vector<1x1x16xf32>,
      %get3A_704 = vector.shape_cast %get3A_703 : vector<1x1x16xf32> to vector<16xf32>
      %mul3A_705 = arith.constant 11.3137083 : f32
      %mul3A_706 = vector.broadcast %mul3A_705 : f32 to vector<16xf32>
      %mul3A_707 = arith.mulf %get3A_704, %mul3A_706 : vector<16xf32>
      %swap3A_708 = arith.constant 2 : i32
      %swap3A_709 = arith.index_cast %swap3A_708 : i32 to index
      %swap3A_710 = arith.index_cast %scan3A_636 : i32 to index
      %swap3A_711 = arith.constant 64 : index
      %swap3A_712 = tpu.vector_load %arg6[%swap3A_709, %swap3A_710, %swap3A_711] {strides = array<i32>} : memref<5x128x128xf32, #tpu.memory_space<vmem>>, vector<1x1x16xf32>,
      %swap3A_713 = vector.shape_cast %swap3A_712 : vector<1x1x16xf32> to vector<16xf32>
      %swap3A_714 = vector.shape_cast %mul3A_707 : vector<16xf32> to vector<1x1x16xf32>
      tpu.vector_store %arg6[%swap3A_709, %swap3A_710, %swap3A_711], %swap3A_714 {strides = array<i32>} : memref<5x128x128xf32, #tpu.memory_space<vmem>>, vector<1x1x16xf32>,
      %get3A_715 = arith.constant 2 : i32
      %get3A_716 = arith.index_cast %get3A_715 : i32 to index
      %get3A_717 = arith.index_cast %scan3A_636 : i32 to index
      %get3A_718 = arith.constant 80 : index
      %get3A_719 = tpu.vector_load %arg6[%get3A_716, %get3A_717, %get3A_718] {strides = array<i32>} : memref<5x128x128xf32, #tpu.memory_space<vmem>>, vector<1x1x16xf32>,
      %get3A_720 = vector.shape_cast %get3A_719 : vector<1x1x16xf32> to vector<16xf32>
      %mul3A_721 = arith.constant 11.3137083 : f32
      %mul3A_722 = vector.broadcast %mul3A_721 : f32 to vector<16xf32>
      %mul3A_723 = arith.mulf %get3A_720, %mul3A_722 : vector<16xf32>
      %swap3A_724 = arith.constant 2 : i32
      %swap3A_725 = arith.index_cast %swap3A_724 : i32 to index
      %swap3A_726 = arith.index_cast %scan3A_636 : i32 to index
      %swap3A_727 = arith.constant 80 : index
      %swap3A_728 = tpu.vector_load %arg6[%swap3A_725, %swap3A_726, %swap3A_727] {strides = array<i32>} : memref<5x128x128xf32, #tpu.memory_space<vmem>>, vector<1x1x16xf32>,
      %swap3A_729 = vector.shape_cast %swap3A_728 : vector<1x1x16xf32> to vector<16xf32>
      %swap3A_730 = vector.shape_cast %mul3A_723 : vector<16xf32> to vector<1x1x16xf32>
      tpu.vector_store %arg6[%swap3A_725, %swap3A_726, %swap3A_727], %swap3A_730 {strides = array<i32>} : memref<5x128x128xf32, #tpu.memory_space<vmem>>, vector<1x1x16xf32>,
      %get3A_731 = arith.constant 2 : i32
      %get3A_732 = arith.index_cast %get3A_731 : i32 to index
      %get3A_733 = arith.index_cast %scan3A_636 : i32 to index
      %get3A_734 = arith.constant 96 : index
      %get3A_735 = tpu.vector_load %arg6[%get3A_732, %get3A_733, %get3A_734] {strides = array<i32>} : memref<5x128x128xf32, #tpu.memory_space<vmem>>, vector<1x1x16xf32>,
      %get3A_736 = vector.shape_cast %get3A_735 : vector<1x1x16xf32> to vector<16xf32>
      %mul3A_737 = arith.constant 11.3137083 : f32
      %mul3A_738 = vector.broadcast %mul3A_737 : f32 to vector<16xf32>
      %mul3A_739 = arith.mulf %get3A_736, %mul3A_738 : vector<16xf32>
      %swap3A_740 = arith.constant 2 : i32
      %swap3A_741 = arith.index_cast %swap3A_740 : i32 to index
      %swap3A_742 = arith.index_cast %scan3A_636 : i32 to index
      %swap3A_743 = arith.constant 96 : index
      %swap3A_744 = tpu.vector_load %arg6[%swap3A_741, %swap3A_742, %swap3A_743] {strides = array<i32>} : memref<5x128x128xf32, #tpu.memory_space<vmem>>, vector<1x1x16xf32>,
      %swap3A_745 = vector.shape_cast %swap3A_744 : vector<1x1x16xf32> to vector<16xf32>
      %swap3A_746 = vector.shape_cast %mul3A_739 : vector<16xf32> to vector<1x1x16xf32>
      tpu.vector_store %arg6[%swap3A_741, %swap3A_742, %swap3A_743], %swap3A_746 {strides = array<i32>} : memref<5x128x128xf32, #tpu.memory_space<vmem>>, vector<1x1x16xf32>,
      %get3A_747 = arith.constant 2 : i32
      %get3A_748 = arith.index_cast %get3A_747 : i32 to index
      %get3A_749 = arith.index_cast %scan3A_636 : i32 to index
      %get3A_750 = arith.constant 112 : index
      %get3A_751 = tpu.vector_load %arg6[%get3A_748, %get3A_749, %get3A_750] {strides = array<i32>} : memref<5x128x128xf32, #tpu.memory_space<vmem>>, vector<1x1x16xf32>,
      %get3A_752 = vector.shape_cast %get3A_751 : vector<1x1x16xf32> to vector<16xf32>
      %mul3A_753 = arith.constant 11.3137083 : f32
      %mul3A_754 = vector.broadcast %mul3A_753 : f32 to vector<16xf32>
      %mul3A_755 = arith.mulf %get3A_752, %mul3A_754 : vector<16xf32>
      %swap3A_756 = arith.constant 2 : i32
      %swap3A_757 = arith.index_cast %swap3A_756 : i32 to index
      %swap3A_758 = arith.index_cast %scan3A_636 : i32 to index
      %swap3A_759 = arith.constant 112 : index
      %swap3A_760 = tpu.vector_load %arg6[%swap3A_757, %swap3A_758, %swap3A_759] {strides = array<i32>} : memref<5x128x128xf32, #tpu.memory_space<vmem>>, vector<1x1x16xf32>,
      %swap3A_761 = vector.shape_cast %swap3A_760 : vector<1x1x16xf32> to vector<16xf32>
      %swap3A_762 = vector.shape_cast %mul3A_755 : vector<16xf32> to vector<1x1x16xf32>
      tpu.vector_store %arg6[%swap3A_757, %swap3A_758, %swap3A_759], %swap3A_762 {strides = array<i32>} : memref<5x128x128xf32, #tpu.memory_space<vmem>>, vector<1x1x16xf32>,
    }
    %scan3A_152 = arith.constant 128 : i32
    %add3A_153 = arith.constant 256 : i32
    %add3A_154 = arith.addi %mul3A_2, %add3A_153 : i32
    %dma_start3A_155 = arith.constant 2 : i32
    %dma_start3A_156 = arith.constant 0 : i32
    %dma_start3A_157 = arith.constant 0 : i32
    %dma_start3A_158 = tpu.memref_slice %arg6[%dma_start3A_155, %dma_start3A_156, %dma_start3A_157] : memref<5x128x128xf32, #tpu.memory_space<vmem>> -> memref<1x128x128xf32, #tpu.memory_space<vmem>>
    %dma_start3A_159 = tpu.memref_squeeze %dma_start3A_158 : memref<1x128x128xf32, #tpu.memory_space<vmem>> -> memref<128x128xf32, #tpu.memory_space<vmem>>
    %dma_start3A_160 = arith.constant 0 : i32
    %dma_start3A_161 = tpu.memref_slice %arg4[%add3A_154, %dma_start3A_160] : memref<204800x128xf32, #tpu.memory_space<hbm>> -> memref<128x128xf32, #tpu.memory_space<hbm>>
    %dma_start3A_162 = arith.constant 0 : i32
    %dma_start3A_163 = tpu.memref_slice %arg4[%add3A_154, %dma_start3A_162] : memref<204800x128xf32, #tpu.memory_space<hbm>> -> memref<128x128xf32, #tpu.memory_space<hbm>>
    %dma_start3A_164 = arith.constant 0 : i32
    %dma_start3A_165 = arith.constant 0 : i32
    %dma_start3A_166 = tpu.memref_slice %arg6[%dma_start3A_155, %dma_start3A_164, %dma_start3A_165] : memref<5x128x128xf32, #tpu.memory_space<vmem>> -> memref<1x128x128xf32, #tpu.memory_space<vmem>>
    %dma_start3A_167 = tpu.memref_squeeze %dma_start3A_166 : memref<1x128x128xf32, #tpu.memory_space<vmem>> -> memref<128x128xf32, #tpu.memory_space<vmem>>
    tpu.enqueue_dma source(%dma_start3A_167 : memref<128x128xf32, #tpu.memory_space<vmem>>) target(%dma_start3A_163 : memref<128x128xf32, #tpu.memory_space<hbm>>) target_semaphore(%arg14 : memref<!tpu.dma_semaphore, #tpu.memory_space<semaphore_mem>>)
    %dma_wait3A_168 = arith.constant 0 : i32
    %dma_wait3A_169 = arith.constant 0 : i32
    %dma_wait3A_170 = arith.constant 0 : i32
    %dma_wait3A_171 = tpu.memref_slice %arg6[%dma_wait3A_168, %dma_wait3A_169, %dma_wait3A_170] : memref<5x128x128xf32, #tpu.memory_space<vmem>> -> memref<1x128x128xf32, #tpu.memory_space<vmem>>
    %dma_wait3A_172 = tpu.memref_squeeze %dma_wait3A_171 : memref<1x128x128xf32, #tpu.memory_space<vmem>> -> memref<128x128xf32, #tpu.memory_space<vmem>>
    %dma_wait3A_173 = arith.constant 0 : i32
    %dma_wait3A_174 = arith.constant 0 : i32
    %dma_wait3A_175 = tpu.memref_slice %arg3[%dma_wait3A_173, %dma_wait3A_174] : memref<100000x128xf32, #tpu.memory_space<hbm>> -> memref<128x128xf32, #tpu.memory_space<hbm>>
    %dma_wait3A_176 = arith.constant 0 : i32
    %dma_wait3A_177 = arith.constant 0 : i32
    %dma_wait3A_178 = tpu.memref_slice %arg6[%dma_wait3A_168, %dma_wait3A_176, %dma_wait3A_177] : memref<5x128x128xf32, #tpu.memory_space<vmem>> -> memref<1x128x128xf32, #tpu.memory_space<vmem>>
    %dma_wait3A_179 = tpu.memref_squeeze %dma_wait3A_178 : memref<1x128x128xf32, #tpu.memory_space<vmem>> -> memref<128x128xf32, #tpu.memory_space<vmem>>
    %dma_wait3A_180 = arith.constant 0 : i32
    %dma_wait3A_181 = arith.constant 0 : i32
    %dma_wait3A_182 = tpu.memref_slice %arg3[%dma_wait3A_180, %dma_wait3A_181] : memref<100000x128xf32, #tpu.memory_space<hbm>> -> memref<128x128xf32, #tpu.memory_space<hbm>>
    tpu.wait_dma2 semaphore(%arg12 : memref<!tpu.dma_semaphore, #tpu.memory_space<semaphore_mem>>) src(%dma_wait3A_182 : memref<128x128xf32, #tpu.memory_space<hbm>>) dst(%dma_wait3A_179 : memref<128x128xf32, #tpu.memory_space<vmem>>)
    %dma_start3A_183 = arith.constant 5 : i32
    %dma_start3A_184 = arith.constant 0 : i32
    %dma_start3A_185 = arith.constant 0 : i32
    %dma_start3A_186 = arith.constant 0 : i32
    %dma_start3A_187 = tpu.memref_slice %arg6[%dma_start3A_184, %dma_start3A_185, %dma_start3A_186] : memref<5x128x128xf32, #tpu.memory_space<vmem>> -> memref<1x128x128xf32, #tpu.memory_space<vmem>>
    %dma_start3A_188 = tpu.memref_squeeze %dma_start3A_187 : memref<1x128x128xf32, #tpu.memory_space<vmem>> -> memref<128x128xf32, #tpu.memory_space<vmem>>
    %dma_start3A_189 = arith.constant 0 : i32
    %dma_start3A_190 = tpu.memref_slice %arg5[%dma_start3A_183, %dma_start3A_189] : memref<50x128xi32, #tpu.memory_space<vmem>> -> memref<1x128xi32, #tpu.memory_space<vmem>>
    %dma_start3A_191 = tpu.memref_squeeze %dma_start3A_190 : memref<1x128xi32, #tpu.memory_space<vmem>> -> memref<128xi32, #tpu.memory_space<vmem>>
    %dma_start3A_192 = arith.constant 0 : i32
    %dma_start3A_193 = arith.constant 0 : i32
    %dma_start3A_194 = tpu.memref_slice %arg3[%dma_start3A_192, %dma_start3A_193] : memref<100000x128xf32, #tpu.memory_space<hbm>> -> memref<100000x128xf32, #tpu.memory_space<hbm>>
    tpu.enqueue_indirect_dma source(%dma_start3A_194 : memref<100000x128xf32, #tpu.memory_space<hbm>>) target(%dma_start3A_188 : memref<128x128xf32, #tpu.memory_space<vmem>>) offsets(%dma_start3A_191 : memref<128xi32, #tpu.memory_space<vmem>>) semaphore(%arg7 : memref<!tpu.dma_semaphore, #tpu.memory_space<semaphore_mem>>)
    %dma_wait3A_195 = arith.constant 3 : i32
    %dma_wait3A_196 = arith.constant 0 : i32
    %dma_wait3A_197 = arith.constant 0 : i32
    %dma_wait3A_198 = tpu.memref_slice %arg6[%dma_wait3A_195, %dma_wait3A_196, %dma_wait3A_197] : memref<5x128x128xf32, #tpu.memory_space<vmem>> -> memref<1x128x128xf32, #tpu.memory_space<vmem>>
    %dma_wait3A_199 = tpu.memref_squeeze %dma_wait3A_198 : memref<1x128x128xf32, #tpu.memory_space<vmem>> -> memref<128x128xf32, #tpu.memory_space<vmem>>
    %dma_wait3A_200 = arith.constant 0 : i32
    %dma_wait3A_201 = arith.constant 0 : i32
    %dma_wait3A_202 = tpu.memref_slice %arg3[%dma_wait3A_200, %dma_wait3A_201] : memref<100000x128xf32, #tpu.memory_space<hbm>> -> memref<128x128xf32, #tpu.memory_space<hbm>>
    %dma_wait3A_203 = arith.constant 0 : i32
    %dma_wait3A_204 = arith.constant 0 : i32
    %dma_wait3A_205 = tpu.memref_slice %arg6[%dma_wait3A_195, %dma_wait3A_203, %dma_wait3A_204] : memref<5x128x128xf32, #tpu.memory_space<vmem>> -> memref<1x128x128xf32, #tpu.memory_space<vmem>>
    %dma_wait3A_206 = tpu.memref_squeeze %dma_wait3A_205 : memref<1x128x128xf32, #tpu.memory_space<vmem>> -> memref<128x128xf32, #tpu.memory_space<vmem>>
    %dma_wait3A_207 = arith.constant 0 : i32
    %dma_wait3A_208 = arith.constant 0 : i32
    %dma_wait3A_209 = tpu.memref_slice %arg3[%dma_wait3A_207, %dma_wait3A_208] : memref<100000x128xf32, #tpu.memory_space<hbm>> -> memref<128x128xf32, #tpu.memory_space<hbm>>
    tpu.wait_dma2 semaphore(%arg10 : memref<!tpu.dma_semaphore, #tpu.memory_space<semaphore_mem>>) src(%dma_wait3A_209 : memref<128x128xf32, #tpu.memory_space<hbm>>) dst(%dma_wait3A_206 : memref<128x128xf32, #tpu.memory_space<vmem>>)
    %scan3A_210 = arith.constant 0 : i32
    %scan3A_211 = arith.constant 0 : i32
    %scan3A_212 = arith.constant 128 : i32
    %scan3A_213 = arith.addi %scan3A_211, %scan3A_212 : i32
    %scan3A_214 = arith.constant 1 : i32
    scf.for %scan3A_636 = %scan3A_211 to %scan3A_213 step %scan3A_214  : i32 {
      %get3A = arith.constant 3 : i32
      %get3A_637 = arith.index_cast %get3A : i32 to index
      %get3A_638 = arith.index_cast %scan3A_636 : i32 to index
      %get3A_639 = arith.constant 0 : index
      %get3A_640 = tpu.vector_load %arg6[%get3A_637, %get3A_638, %get3A_639] {strides = array<i32>} : memref<5x128x128xf32, #tpu.memory_space<vmem>>, vector<1x1x16xf32>,
      %get3A_641 = vector.shape_cast %get3A_640 : vector<1x1x16xf32> to vector<16xf32>
      %mul3A_642 = arith.constant 11.3137083 : f32
      %mul3A_643 = vector.broadcast %mul3A_642 : f32 to vector<16xf32>
      %mul3A_644 = arith.mulf %get3A_641, %mul3A_643 : vector<16xf32>
      %swap3A = arith.constant 3 : i32
      %swap3A_645 = arith.index_cast %swap3A : i32 to index
      %swap3A_646 = arith.index_cast %scan3A_636 : i32 to index
      %swap3A_647 = arith.constant 0 : index
      %swap3A_648 = tpu.vector_load %arg6[%swap3A_645, %swap3A_646, %swap3A_647] {strides = array<i32>} : memref<5x128x128xf32, #tpu.memory_space<vmem>>, vector<1x1x16xf32>,
      %swap3A_649 = vector.shape_cast %swap3A_648 : vector<1x1x16xf32> to vector<16xf32>
      %swap3A_650 = vector.shape_cast %mul3A_644 : vector<16xf32> to vector<1x1x16xf32>
      tpu.vector_store %arg6[%swap3A_645, %swap3A_646, %swap3A_647], %swap3A_650 {strides = array<i32>} : memref<5x128x128xf32, #tpu.memory_space<vmem>>, vector<1x1x16xf32>,
      %get3A_651 = arith.constant 3 : i32
      %get3A_652 = arith.index_cast %get3A_651 : i32 to index
      %get3A_653 = arith.index_cast %scan3A_636 : i32 to index
      %get3A_654 = arith.constant 16 : index
      %get3A_655 = tpu.vector_load %arg6[%get3A_652, %get3A_653, %get3A_654] {strides = array<i32>} : memref<5x128x128xf32, #tpu.memory_space<vmem>>, vector<1x1x16xf32>,
      %get3A_656 = vector.shape_cast %get3A_655 : vector<1x1x16xf32> to vector<16xf32>
      %mul3A_657 = arith.constant 11.3137083 : f32
      %mul3A_658 = vector.broadcast %mul3A_657 : f32 to vector<16xf32>
      %mul3A_659 = arith.mulf %get3A_656, %mul3A_658 : vector<16xf32>
      %swap3A_660 = arith.constant 3 : i32
      %swap3A_661 = arith.index_cast %swap3A_660 : i32 to index
      %swap3A_662 = arith.index_cast %scan3A_636 : i32 to index
      %swap3A_663 = arith.constant 16 : index
      %swap3A_664 = tpu.vector_load %arg6[%swap3A_661, %swap3A_662, %swap3A_663] {strides = array<i32>} : memref<5x128x128xf32, #tpu.memory_space<vmem>>, vector<1x1x16xf32>,
      %swap3A_665 = vector.shape_cast %swap3A_664 : vector<1x1x16xf32> to vector<16xf32>
      %swap3A_666 = vector.shape_cast %mul3A_659 : vector<16xf32> to vector<1x1x16xf32>
      tpu.vector_store %arg6[%swap3A_661, %swap3A_662, %swap3A_663], %swap3A_666 {strides = array<i32>} : memref<5x128x128xf32, #tpu.memory_space<vmem>>, vector<1x1x16xf32>,
      %get3A_667 = arith.constant 3 : i32
      %get3A_668 = arith.index_cast %get3A_667 : i32 to index
      %get3A_669 = arith.index_cast %scan3A_636 : i32 to index
      %get3A_670 = arith.constant 32 : index
      %get3A_671 = tpu.vector_load %arg6[%get3A_668, %get3A_669, %get3A_670] {strides = array<i32>} : memref<5x128x128xf32, #tpu.memory_space<vmem>>, vector<1x1x16xf32>,
      %get3A_672 = vector.shape_cast %get3A_671 : vector<1x1x16xf32> to vector<16xf32>
      %mul3A_673 = arith.constant 11.3137083 : f32
      %mul3A_674 = vector.broadcast %mul3A_673 : f32 to vector<16xf32>
      %mul3A_675 = arith.mulf %get3A_672, %mul3A_674 : vector<16xf32>
      %swap3A_676 = arith.constant 3 : i32
      %swap3A_677 = arith.index_cast %swap3A_676 : i32 to index
      %swap3A_678 = arith.index_cast %scan3A_636 : i32 to index
      %swap3A_679 = arith.constant 32 : index
      %swap3A_680 = tpu.vector_load %arg6[%swap3A_677, %swap3A_678, %swap3A_679] {strides = array<i32>} : memref<5x128x128xf32, #tpu.memory_space<vmem>>, vector<1x1x16xf32>,
      %swap3A_681 = vector.shape_cast %swap3A_680 : vector<1x1x16xf32> to vector<16xf32>
      %swap3A_682 = vector.shape_cast %mul3A_675 : vector<16xf32> to vector<1x1x16xf32>
      tpu.vector_store %arg6[%swap3A_677, %swap3A_678, %swap3A_679], %swap3A_682 {strides = array<i32>} : memref<5x128x128xf32, #tpu.memory_space<vmem>>, vector<1x1x16xf32>,
      %get3A_683 = arith.constant 3 : i32
      %get3A_684 = arith.index_cast %get3A_683 : i32 to index
      %get3A_685 = arith.index_cast %scan3A_636 : i32 to index
      %get3A_686 = arith.constant 48 : index
      %get3A_687 = tpu.vector_load %arg6[%get3A_684, %get3A_685, %get3A_686] {strides = array<i32>} : memref<5x128x128xf32, #tpu.memory_space<vmem>>, vector<1x1x16xf32>,
      %get3A_688 = vector.shape_cast %get3A_687 : vector<1x1x16xf32> to vector<16xf32>
      %mul3A_689 = arith.constant 11.3137083 : f32
      %mul3A_690 = vector.broadcast %mul3A_689 : f32 to vector<16xf32>
      %mul3A_691 = arith.mulf %get3A_688, %mul3A_690 : vector<16xf32>
      %swap3A_692 = arith.constant 3 : i32
      %swap3A_693 = arith.index_cast %swap3A_692 : i32 to index
      %swap3A_694 = arith.index_cast %scan3A_636 : i32 to index
      %swap3A_695 = arith.constant 48 : index
      %swap3A_696 = tpu.vector_load %arg6[%swap3A_693, %swap3A_694, %swap3A_695] {strides = array<i32>} : memref<5x128x128xf32, #tpu.memory_space<vmem>>, vector<1x1x16xf32>,
      %swap3A_697 = vector.shape_cast %swap3A_696 : vector<1x1x16xf32> to vector<16xf32>
      %swap3A_698 = vector.shape_cast %mul3A_691 : vector<16xf32> to vector<1x1x16xf32>
      tpu.vector_store %arg6[%swap3A_693, %swap3A_694, %swap3A_695], %swap3A_698 {strides = array<i32>} : memref<5x128x128xf32, #tpu.memory_space<vmem>>, vector<1x1x16xf32>,
      %get3A_699 = arith.constant 3 : i32
      %get3A_700 = arith.index_cast %get3A_699 : i32 to index
      %get3A_701 = arith.index_cast %scan3A_636 : i32 to index
      %get3A_702 = arith.constant 64 : index
      %get3A_703 = tpu.vector_load %arg6[%get3A_700, %get3A_701, %get3A_702] {strides = array<i32>} : memref<5x128x128xf32, #tpu.memory_space<vmem>>, vector<1x1x16xf32>,
      %get3A_704 = vector.shape_cast %get3A_703 : vector<1x1x16xf32> to vector<16xf32>
      %mul3A_705 = arith.constant 11.3137083 : f32
      %mul3A_706 = vector.broadcast %mul3A_705 : f32 to vector<16xf32>
      %mul3A_707 = arith.mulf %get3A_704, %mul3A_706 : vector<16xf32>
      %swap3A_708 = arith.constant 3 : i32
      %swap3A_709 = arith.index_cast %swap3A_708 : i32 to index
      %swap3A_710 = arith.index_cast %scan3A_636 : i32 to index
      %swap3A_711 = arith.constant 64 : index
      %swap3A_712 = tpu.vector_load %arg6[%swap3A_709, %swap3A_710, %swap3A_711] {strides = array<i32>} : memref<5x128x128xf32, #tpu.memory_space<vmem>>, vector<1x1x16xf32>,
      %swap3A_713 = vector.shape_cast %swap3A_712 : vector<1x1x16xf32> to vector<16xf32>
      %swap3A_714 = vector.shape_cast %mul3A_707 : vector<16xf32> to vector<1x1x16xf32>
      tpu.vector_store %arg6[%swap3A_709, %swap3A_710, %swap3A_711], %swap3A_714 {strides = array<i32>} : memref<5x128x128xf32, #tpu.memory_space<vmem>>, vector<1x1x16xf32>,
      %get3A_715 = arith.constant 3 : i32
      %get3A_716 = arith.index_cast %get3A_715 : i32 to index
      %get3A_717 = arith.index_cast %scan3A_636 : i32 to index
      %get3A_718 = arith.constant 80 : index
      %get3A_719 = tpu.vector_load %arg6[%get3A_716, %get3A_717, %get3A_718] {strides = array<i32>} : memref<5x128x128xf32, #tpu.memory_space<vmem>>, vector<1x1x16xf32>,
      %get3A_720 = vector.shape_cast %get3A_719 : vector<1x1x16xf32> to vector<16xf32>
      %mul3A_721 = arith.constant 11.3137083 : f32
      %mul3A_722 = vector.broadcast %mul3A_721 : f32 to vector<16xf32>
      %mul3A_723 = arith.mulf %get3A_720, %mul3A_722 : vector<16xf32>
      %swap3A_724 = arith.constant 3 : i32
      %swap3A_725 = arith.index_cast %swap3A_724 : i32 to index
      %swap3A_726 = arith.index_cast %scan3A_636 : i32 to index
      %swap3A_727 = arith.constant 80 : index
      %swap3A_728 = tpu.vector_load %arg6[%swap3A_725, %swap3A_726, %swap3A_727] {strides = array<i32>} : memref<5x128x128xf32, #tpu.memory_space<vmem>>, vector<1x1x16xf32>,
      %swap3A_729 = vector.shape_cast %swap3A_728 : vector<1x1x16xf32> to vector<16xf32>
      %swap3A_730 = vector.shape_cast %mul3A_723 : vector<16xf32> to vector<1x1x16xf32>
      tpu.vector_store %arg6[%swap3A_725, %swap3A_726, %swap3A_727], %swap3A_730 {strides = array<i32>} : memref<5x128x128xf32, #tpu.memory_space<vmem>>, vector<1x1x16xf32>,
      %get3A_731 = arith.constant 3 : i32
      %get3A_732 = arith.index_cast %get3A_731 : i32 to index
      %get3A_733 = arith.index_cast %scan3A_636 : i32 to index
      %get3A_734 = arith.constant 96 : index
      %get3A_735 = tpu.vector_load %arg6[%get3A_732, %get3A_733, %get3A_734] {strides = array<i32>} : memref<5x128x128xf32, #tpu.memory_space<vmem>>, vector<1x1x16xf32>,
      %get3A_736 = vector.shape_cast %get3A_735 : vector<1x1x16xf32> to vector<16xf32>
      %mul3A_737 = arith.constant 11.3137083 : f32
      %mul3A_738 = vector.broadcast %mul3A_737 : f32 to vector<16xf32>
      %mul3A_739 = arith.mulf %get3A_736, %mul3A_738 : vector<16xf32>
      %swap3A_740 = arith.constant 3 : i32
      %swap3A_741 = arith.index_cast %swap3A_740 : i32 to index
      %swap3A_742 = arith.index_cast %scan3A_636 : i32 to index
      %swap3A_743 = arith.constant 96 : index
      %swap3A_744 = tpu.vector_load %arg6[%swap3A_741, %swap3A_742, %swap3A_743] {strides = array<i32>} : memref<5x128x128xf32, #tpu.memory_space<vmem>>, vector<1x1x16xf32>,
      %swap3A_745 = vector.shape_cast %swap3A_744 : vector<1x1x16xf32> to vector<16xf32>
      %swap3A_746 = vector.shape_cast %mul3A_739 : vector<16xf32> to vector<1x1x16xf32>
      tpu.vector_store %arg6[%swap3A_741, %swap3A_742, %swap3A_743], %swap3A_746 {strides = array<i32>} : memref<5x128x128xf32, #tpu.memory_space<vmem>>, vector<1x1x16xf32>,
      %get3A_747 = arith.constant 3 : i32
      %get3A_748 = arith.index_cast %get3A_747 : i32 to index
      %get3A_749 = arith.index_cast %scan3A_636 : i32 to index
      %get3A_750 = arith.constant 112 : index
      %get3A_751 = tpu.vector_load %arg6[%get3A_748, %get3A_749, %get3A_750] {strides = array<i32>} : memref<5x128x128xf32, #tpu.memory_space<vmem>>, vector<1x1x16xf32>,
      %get3A_752 = vector.shape_cast %get3A_751 : vector<1x1x16xf32> to vector<16xf32>
      %mul3A_753 = arith.constant 11.3137083 : f32
      %mul3A_754 = vector.broadcast %mul3A_753 : f32 to vector<16xf32>
      %mul3A_755 = arith.mulf %get3A_752, %mul3A_754 : vector<16xf32>
      %swap3A_756 = arith.constant 3 : i32
      %swap3A_757 = arith.index_cast %swap3A_756 : i32 to index
      %swap3A_758 = arith.index_cast %scan3A_636 : i32 to index
      %swap3A_759 = arith.constant 112 : index
      %swap3A_760 = tpu.vector_load %arg6[%swap3A_757, %swap3A_758, %swap3A_759] {strides = array<i32>} : memref<5x128x128xf32, #tpu.memory_space<vmem>>, vector<1x1x16xf32>,
      %swap3A_761 = vector.shape_cast %swap3A_760 : vector<1x1x16xf32> to vector<16xf32>
      %swap3A_762 = vector.shape_cast %mul3A_755 : vector<16xf32> to vector<1x1x16xf32>
      tpu.vector_store %arg6[%swap3A_757, %swap3A_758, %swap3A_759], %swap3A_762 {strides = array<i32>} : memref<5x128x128xf32, #tpu.memory_space<vmem>>, vector<1x1x16xf32>,
    }
    %scan3A_215 = arith.constant 128 : i32
    %add3A_216 = arith.constant 384 : i32
    %add3A_217 = arith.addi %mul3A_2, %add3A_216 : i32
    %dma_start3A_218 = arith.constant 3 : i32
    %dma_start3A_219 = arith.constant 0 : i32
    %dma_start3A_220 = arith.constant 0 : i32
    %dma_start3A_221 = tpu.memref_slice %arg6[%dma_start3A_218, %dma_start3A_219, %dma_start3A_220] : memref<5x128x128xf32, #tpu.memory_space<vmem>> -> memref<1x128x128xf32, #tpu.memory_space<vmem>>
    %dma_start3A_222 = tpu.memref_squeeze %dma_start3A_221 : memref<1x128x128xf32, #tpu.memory_space<vmem>> -> memref<128x128xf32, #tpu.memory_space<vmem>>
    %dma_start3A_223 = arith.constant 0 : i32
    %dma_start3A_224 = tpu.memref_slice %arg4[%add3A_217, %dma_start3A_223] : memref<204800x128xf32, #tpu.memory_space<hbm>> -> memref<128x128xf32, #tpu.memory_space<hbm>>
    %dma_start3A_225 = arith.constant 0 : i32
    %dma_start3A_226 = tpu.memref_slice %arg4[%add3A_217, %dma_start3A_225] : memref<204800x128xf32, #tpu.memory_space<hbm>> -> memref<128x128xf32, #tpu.memory_space<hbm>>
    %dma_start3A_227 = arith.constant 0 : i32
    %dma_start3A_228 = arith.constant 0 : i32
    %dma_start3A_229 = tpu.memref_slice %arg6[%dma_start3A_218, %dma_start3A_227, %dma_start3A_228] : memref<5x128x128xf32, #tpu.memory_space<vmem>> -> memref<1x128x128xf32, #tpu.memory_space<vmem>>
    %dma_start3A_230 = tpu.memref_squeeze %dma_start3A_229 : memref<1x128x128xf32, #tpu.memory_space<vmem>> -> memref<128x128xf32, #tpu.memory_space<vmem>>
    tpu.enqueue_dma source(%dma_start3A_230 : memref<128x128xf32, #tpu.memory_space<vmem>>) target(%dma_start3A_226 : memref<128x128xf32, #tpu.memory_space<hbm>>) target_semaphore(%arg15 : memref<!tpu.dma_semaphore, #tpu.memory_space<semaphore_mem>>)
    %dma_wait3A_231 = arith.constant 1 : i32
    %dma_wait3A_232 = arith.constant 0 : i32
    %dma_wait3A_233 = arith.constant 0 : i32
    %dma_wait3A_234 = tpu.memref_slice %arg6[%dma_wait3A_231, %dma_wait3A_232, %dma_wait3A_233] : memref<5x128x128xf32, #tpu.memory_space<vmem>> -> memref<1x128x128xf32, #tpu.memory_space<vmem>>
    %dma_wait3A_235 = tpu.memref_squeeze %dma_wait3A_234 : memref<1x128x128xf32, #tpu.memory_space<vmem>> -> memref<128x128xf32, #tpu.memory_space<vmem>>
    %dma_wait3A_236 = arith.constant 0 : i32
    %dma_wait3A_237 = arith.constant 0 : i32
    %dma_wait3A_238 = tpu.memref_slice %arg3[%dma_wait3A_236, %dma_wait3A_237] : memref<100000x128xf32, #tpu.memory_space<hbm>> -> memref<128x128xf32, #tpu.memory_space<hbm>>
    %dma_wait3A_239 = arith.constant 0 : i32
    %dma_wait3A_240 = arith.constant 0 : i32
    %dma_wait3A_241 = tpu.memref_slice %arg6[%dma_wait3A_231, %dma_wait3A_239, %dma_wait3A_240] : memref<5x128x128xf32, #tpu.memory_space<vmem>> -> memref<1x128x128xf32, #tpu.memory_space<vmem>>
    %dma_wait3A_242 = tpu.memref_squeeze %dma_wait3A_241 : memref<1x128x128xf32, #tpu.memory_space<vmem>> -> memref<128x128xf32, #tpu.memory_space<vmem>>
    %dma_wait3A_243 = arith.constant 0 : i32
    %dma_wait3A_244 = arith.constant 0 : i32
    %dma_wait3A_245 = tpu.memref_slice %arg3[%dma_wait3A_243, %dma_wait3A_244] : memref<100000x128xf32, #tpu.memory_space<hbm>> -> memref<128x128xf32, #tpu.memory_space<hbm>>
    tpu.wait_dma2 semaphore(%arg13 : memref<!tpu.dma_semaphore, #tpu.memory_space<semaphore_mem>>) src(%dma_wait3A_245 : memref<128x128xf32, #tpu.memory_space<hbm>>) dst(%dma_wait3A_242 : memref<128x128xf32, #tpu.memory_space<vmem>>)
    %dma_start3A_246 = arith.constant 6 : i32
    %dma_start3A_247 = arith.constant 1 : i32
    %dma_start3A_248 = arith.constant 0 : i32
    %dma_start3A_249 = arith.constant 0 : i32
    %dma_start3A_250 = tpu.memref_slice %arg6[%dma_start3A_247, %dma_start3A_248, %dma_start3A_249] : memref<5x128x128xf32, #tpu.memory_space<vmem>> -> memref<1x128x128xf32, #tpu.memory_space<vmem>>
    %dma_start3A_251 = tpu.memref_squeeze %dma_start3A_250 : memref<1x128x128xf32, #tpu.memory_space<vmem>> -> memref<128x128xf32, #tpu.memory_space<vmem>>
    %dma_start3A_252 = arith.constant 0 : i32
    %dma_start3A_253 = tpu.memref_slice %arg5[%dma_start3A_246, %dma_start3A_252] : memref<50x128xi32, #tpu.memory_space<vmem>> -> memref<1x128xi32, #tpu.memory_space<vmem>>
    %dma_start3A_254 = tpu.memref_squeeze %dma_start3A_253 : memref<1x128xi32, #tpu.memory_space<vmem>> -> memref<128xi32, #tpu.memory_space<vmem>>
    %dma_start3A_255 = arith.constant 0 : i32
    %dma_start3A_256 = arith.constant 0 : i32
    %dma_start3A_257 = tpu.memref_slice %arg3[%dma_start3A_255, %dma_start3A_256] : memref<100000x128xf32, #tpu.memory_space<hbm>> -> memref<100000x128xf32, #tpu.memory_space<hbm>>
    tpu.enqueue_indirect_dma source(%dma_start3A_257 : memref<100000x128xf32, #tpu.memory_space<hbm>>) target(%dma_start3A_251 : memref<128x128xf32, #tpu.memory_space<vmem>>) offsets(%dma_start3A_254 : memref<128xi32, #tpu.memory_space<vmem>>) semaphore(%arg8 : memref<!tpu.dma_semaphore, #tpu.memory_space<semaphore_mem>>)
    %dma_wait3A_258 = arith.constant 4 : i32
    %dma_wait3A_259 = arith.constant 0 : i32
    %dma_wait3A_260 = arith.constant 0 : i32
    %dma_wait3A_261 = tpu.memref_slice %arg6[%dma_wait3A_258, %dma_wait3A_259, %dma_wait3A_260] : memref<5x128x128xf32, #tpu.memory_space<vmem>> -> memref<1x128x128xf32, #tpu.memory_space<vmem>>
    %dma_wait3A_262 = tpu.memref_squeeze %dma_wait3A_261 : memref<1x128x128xf32, #tpu.memory_space<vmem>> -> memref<128x128xf32, #tpu.memory_space<vmem>>
    %dma_wait3A_263 = arith.constant 0 : i32
    %dma_wait3A_264 = arith.constant 0 : i32
    %dma_wait3A_265 = tpu.memref_slice %arg3[%dma_wait3A_263, %dma_wait3A_264] : memref<100000x128xf32, #tpu.memory_space<hbm>> -> memref<128x128xf32, #tpu.memory_space<hbm>>
    %dma_wait3A_266 = arith.constant 0 : i32
    %dma_wait3A_267 = arith.constant 0 : i32
    %dma_wait3A_268 = tpu.memref_slice %arg6[%dma_wait3A_258, %dma_wait3A_266, %dma_wait3A_267] : memref<5x128x128xf32, #tpu.memory_space<vmem>> -> memref<1x128x128xf32, #tpu.memory_space<vmem>>
    %dma_wait3A_269 = tpu.memref_squeeze %dma_wait3A_268 : memref<1x128x128xf32, #tpu.memory_space<vmem>> -> memref<128x128xf32, #tpu.memory_space<vmem>>
    %dma_wait3A_270 = arith.constant 0 : i32
    %dma_wait3A_271 = arith.constant 0 : i32
    %dma_wait3A_272 = tpu.memref_slice %arg3[%dma_wait3A_270, %dma_wait3A_271] : memref<100000x128xf32, #tpu.memory_space<hbm>> -> memref<128x128xf32, #tpu.memory_space<hbm>>
    tpu.wait_dma2 semaphore(%arg11 : memref<!tpu.dma_semaphore, #tpu.memory_space<semaphore_mem>>) src(%dma_wait3A_272 : memref<128x128xf32, #tpu.memory_space<hbm>>) dst(%dma_wait3A_269 : memref<128x128xf32, #tpu.memory_space<vmem>>)
    %scan3A_273 = arith.constant 0 : i32
    %scan3A_274 = arith.constant 0 : i32
    %scan3A_275 = arith.constant 128 : i32
    %scan3A_276 = arith.addi %scan3A_274, %scan3A_275 : i32
    %scan3A_277 = arith.constant 1 : i32
    scf.for %scan3A_636 = %scan3A_274 to %scan3A_276 step %scan3A_277  : i32 {
      %get3A = arith.constant 4 : i32
      %get3A_637 = arith.index_cast %get3A : i32 to index
      %get3A_638 = arith.index_cast %scan3A_636 : i32 to index
      %get3A_639 = arith.constant 0 : index
      %get3A_640 = tpu.vector_load %arg6[%get3A_637, %get3A_638, %get3A_639] {strides = array<i32>} : memref<5x128x128xf32, #tpu.memory_space<vmem>>, vector<1x1x16xf32>,
      %get3A_641 = vector.shape_cast %get3A_640 : vector<1x1x16xf32> to vector<16xf32>
      %mul3A_642 = arith.constant 11.3137083 : f32
      %mul3A_643 = vector.broadcast %mul3A_642 : f32 to vector<16xf32>
      %mul3A_644 = arith.mulf %get3A_641, %mul3A_643 : vector<16xf32>
      %swap3A = arith.constant 4 : i32
      %swap3A_645 = arith.index_cast %swap3A : i32 to index
      %swap3A_646 = arith.index_cast %scan3A_636 : i32 to index
      %swap3A_647 = arith.constant 0 : index
      %swap3A_648 = tpu.vector_load %arg6[%swap3A_645, %swap3A_646, %swap3A_647] {strides = array<i32>} : memref<5x128x128xf32, #tpu.memory_space<vmem>>, vector<1x1x16xf32>,
      %swap3A_649 = vector.shape_cast %swap3A_648 : vector<1x1x16xf32> to vector<16xf32>
      %swap3A_650 = vector.shape_cast %mul3A_644 : vector<16xf32> to vector<1x1x16xf32>
      tpu.vector_store %arg6[%swap3A_645, %swap3A_646, %swap3A_647], %swap3A_650 {strides = array<i32>} : memref<5x128x128xf32, #tpu.memory_space<vmem>>, vector<1x1x16xf32>,
      %get3A_651 = arith.constant 4 : i32
      %get3A_652 = arith.index_cast %get3A_651 : i32 to index
      %get3A_653 = arith.index_cast %scan3A_636 : i32 to index
      %get3A_654 = arith.constant 16 : index
      %get3A_655 = tpu.vector_load %arg6[%get3A_652, %get3A_653, %get3A_654] {strides = array<i32>} : memref<5x128x128xf32, #tpu.memory_space<vmem>>, vector<1x1x16xf32>,
      %get3A_656 = vector.shape_cast %get3A_655 : vector<1x1x16xf32> to vector<16xf32>
      %mul3A_657 = arith.constant 11.3137083 : f32
      %mul3A_658 = vector.broadcast %mul3A_657 : f32 to vector<16xf32>
      %mul3A_659 = arith.mulf %get3A_656, %mul3A_658 : vector<16xf32>
      %swap3A_660 = arith.constant 4 : i32
      %swap3A_661 = arith.index_cast %swap3A_660 : i32 to index
      %swap3A_662 = arith.index_cast %scan3A_636 : i32 to index
      %swap3A_663 = arith.constant 16 : index
      %swap3A_664 = tpu.vector_load %arg6[%swap3A_661, %swap3A_662, %swap3A_663] {strides = array<i32>} : memref<5x128x128xf32, #tpu.memory_space<vmem>>, vector<1x1x16xf32>,
      %swap3A_665 = vector.shape_cast %swap3A_664 : vector<1x1x16xf32> to vector<16xf32>
      %swap3A_666 = vector.shape_cast %mul3A_659 : vector<16xf32> to vector<1x1x16xf32>
      tpu.vector_store %arg6[%swap3A_661, %swap3A_662, %swap3A_663], %swap3A_666 {strides = array<i32>} : memref<5x128x128xf32, #tpu.memory_space<vmem>>, vector<1x1x16xf32>,
      %get3A_667 = arith.constant 4 : i32
      %get3A_668 = arith.index_cast %get3A_667 : i32 to index
      %get3A_669 = arith.index_cast %scan3A_636 : i32 to index
      %get3A_670 = arith.constant 32 : index
      %get3A_671 = tpu.vector_load %arg6[%get3A_668, %get3A_669, %get3A_670] {strides = array<i32>} : memref<5x128x128xf32, #tpu.memory_space<vmem>>, vector<1x1x16xf32>,
      %get3A_672 = vector.shape_cast %get3A_671 : vector<1x1x16xf32> to vector<16xf32>
      %mul3A_673 = arith.constant 11.3137083 : f32
      %mul3A_674 = vector.broadcast %mul3A_673 : f32 to vector<16xf32>
      %mul3A_675 = arith.mulf %get3A_672, %mul3A_674 : vector<16xf32>
      %swap3A_676 = arith.constant 4 : i32
      %swap3A_677 = arith.index_cast %swap3A_676 : i32 to index
      %swap3A_678 = arith.index_cast %scan3A_636 : i32 to index
      %swap3A_679 = arith.constant 32 : index
      %swap3A_680 = tpu.vector_load %arg6[%swap3A_677, %swap3A_678, %swap3A_679] {strides = array<i32>} : memref<5x128x128xf32, #tpu.memory_space<vmem>>, vector<1x1x16xf32>,
      %swap3A_681 = vector.shape_cast %swap3A_680 : vector<1x1x16xf32> to vector<16xf32>
      %swap3A_682 = vector.shape_cast %mul3A_675 : vector<16xf32> to vector<1x1x16xf32>
      tpu.vector_store %arg6[%swap3A_677, %swap3A_678, %swap3A_679], %swap3A_682 {strides = array<i32>} : memref<5x128x128xf32, #tpu.memory_space<vmem>>, vector<1x1x16xf32>,
      %get3A_683 = arith.constant 4 : i32
      %get3A_684 = arith.index_cast %get3A_683 : i32 to index
      %get3A_685 = arith.index_cast %scan3A_636 : i32 to index
      %get3A_686 = arith.constant 48 : index
      %get3A_687 = tpu.vector_load %arg6[%get3A_684, %get3A_685, %get3A_686] {strides = array<i32>} : memref<5x128x128xf32, #tpu.memory_space<vmem>>, vector<1x1x16xf32>,
      %get3A_688 = vector.shape_cast %get3A_687 : vector<1x1x16xf32> to vector<16xf32>
      %mul3A_689 = arith.constant 11.3137083 : f32
      %mul3A_690 = vector.broadcast %mul3A_689 : f32 to vector<16xf32>
      %mul3A_691 = arith.mulf %get3A_688, %mul3A_690 : vector<16xf32>
      %swap3A_692 = arith.constant 4 : i32
      %swap3A_693 = arith.index_cast %swap3A_692 : i32 to index
      %swap3A_694 = arith.index_cast %scan3A_636 : i32 to index
      %swap3A_695 = arith.constant 48 : index
      %swap3A_696 = tpu.vector_load %arg6[%swap3A_693, %swap3A_694, %swap3A_695] {strides = array<i32>} : memref<5x128x128xf32, #tpu.memory_space<vmem>>, vector<1x1x16xf32>,
      %swap3A_697 = vector.shape_cast %swap3A_696 : vector<1x1x16xf32> to vector<16xf32>
      %swap3A_698 = vector.shape_cast %mul3A_691 : vector<16xf32> to vector<1x1x16xf32>
      tpu.vector_store %arg6[%swap3A_693, %swap3A_694, %swap3A_695], %swap3A_698 {strides = array<i32>} : memref<5x128x128xf32, #tpu.memory_space<vmem>>, vector<1x1x16xf32>,
      %get3A_699 = arith.constant 4 : i32
      %get3A_700 = arith.index_cast %get3A_699 : i32 to index
      %get3A_701 = arith.index_cast %scan3A_636 : i32 to index
      %get3A_702 = arith.constant 64 : index
      %get3A_703 = tpu.vector_load %arg6[%get3A_700, %get3A_701, %get3A_702] {strides = array<i32>} : memref<5x128x128xf32, #tpu.memory_space<vmem>>, vector<1x1x16xf32>,
      %get3A_704 = vector.shape_cast %get3A_703 : vector<1x1x16xf32> to vector<16xf32>
      %mul3A_705 = arith.constant 11.3137083 : f32
      %mul3A_706 = vector.broadcast %mul3A_705 : f32 to vector<16xf32>
      %mul3A_707 = arith.mulf %get3A_704, %mul3A_706 : vector<16xf32>
      %swap3A_708 = arith.constant 4 : i32
      %swap3A_709 = arith.index_cast %swap3A_708 : i32 to index
      %swap3A_710 = arith.index_cast %scan3A_636 : i32 to index
      %swap3A_711 = arith.constant 64 : index
      %swap3A_712 = tpu.vector_load %arg6[%swap3A_709, %swap3A_710, %swap3A_711] {strides = array<i32>} : memref<5x128x128xf32, #tpu.memory_space<vmem>>, vector<1x1x16xf32>,
      %swap3A_713 = vector.shape_cast %swap3A_712 : vector<1x1x16xf32> to vector<16xf32>
      %swap3A_714 = vector.shape_cast %mul3A_707 : vector<16xf32> to vector<1x1x16xf32>
      tpu.vector_store %arg6[%swap3A_709, %swap3A_710, %swap3A_711], %swap3A_714 {strides = array<i32>} : memref<5x128x128xf32, #tpu.memory_space<vmem>>, vector<1x1x16xf32>,
      %get3A_715 = arith.constant 4 : i32
      %get3A_716 = arith.index_cast %get3A_715 : i32 to index
      %get3A_717 = arith.index_cast %scan3A_636 : i32 to index
      %get3A_718 = arith.constant 80 : index
      %get3A_719 = tpu.vector_load %arg6[%get3A_716, %get3A_717, %get3A_718] {strides = array<i32>} : memref<5x128x128xf32, #tpu.memory_space<vmem>>, vector<1x1x16xf32>,
      %get3A_720 = vector.shape_cast %get3A_719 : vector<1x1x16xf32> to vector<16xf32>
      %mul3A_721 = arith.constant 11.3137083 : f32
      %mul3A_722 = vector.broadcast %mul3A_721 : f32 to vector<16xf32>
      %mul3A_723 = arith.mulf %get3A_720, %mul3A_722 : vector<16xf32>
      %swap3A_724 = arith.constant 4 : i32
      %swap3A_725 = arith.index_cast %swap3A_724 : i32 to index
      %swap3A_726 = arith.index_cast %scan3A_636 : i32 to index
      %swap3A_727 = arith.constant 80 : index
      %swap3A_728 = tpu.vector_load %arg6[%swap3A_725, %swap3A_726, %swap3A_727] {strides = array<i32>} : memref<5x128x128xf32, #tpu.memory_space<vmem>>, vector<1x1x16xf32>,
      %swap3A_729 = vector.shape_cast %swap3A_728 : vector<1x1x16xf32> to vector<16xf32>
      %swap3A_730 = vector.shape_cast %mul3A_723 : vector<16xf32> to vector<1x1x16xf32>
      tpu.vector_store %arg6[%swap3A_725, %swap3A_726, %swap3A_727], %swap3A_730 {strides = array<i32>} : memref<5x128x128xf32, #tpu.memory_space<vmem>>, vector<1x1x16xf32>,
      %get3A_731 = arith.constant 4 : i32
      %get3A_732 = arith.index_cast %get3A_731 : i32 to index
      %get3A_733 = arith.index_cast %scan3A_636 : i32 to index
      %get3A_734 = arith.constant 96 : index
      %get3A_735 = tpu.vector_load %arg6[%get3A_732, %get3A_733, %get3A_734] {strides = array<i32>} : memref<5x128x128xf32, #tpu.memory_space<vmem>>, vector<1x1x16xf32>,
      %get3A_736 = vector.shape_cast %get3A_735 : vector<1x1x16xf32> to vector<16xf32>
      %mul3A_737 = arith.constant 11.3137083 : f32
      %mul3A_738 = vector.broadcast %mul3A_737 : f32 to vector<16xf32>
      %mul3A_739 = arith.mulf %get3A_736, %mul3A_738 : vector<16xf32>
      %swap3A_740 = arith.constant 4 : i32
      %swap3A_741 = arith.index_cast %swap3A_740 : i32 to index
      %swap3A_742 = arith.index_cast %scan3A_636 : i32 to index
      %swap3A_743 = arith.constant 96 : index
      %swap3A_744 = tpu.vector_load %arg6[%swap3A_741, %swap3A_742, %swap3A_743] {strides = array<i32>} : memref<5x128x128xf32, #tpu.memory_space<vmem>>, vector<1x1x16xf32>,
      %swap3A_745 = vector.shape_cast %swap3A_744 : vector<1x1x16xf32> to vector<16xf32>
      %swap3A_746 = vector.shape_cast %mul3A_739 : vector<16xf32> to vector<1x1x16xf32>
      tpu.vector_store %arg6[%swap3A_741, %swap3A_742, %swap3A_743], %swap3A_746 {strides = array<i32>} : memref<5x128x128xf32, #tpu.memory_space<vmem>>, vector<1x1x16xf32>,
      %get3A_747 = arith.constant 4 : i32
      %get3A_748 = arith.index_cast %get3A_747 : i32 to index
      %get3A_749 = arith.index_cast %scan3A_636 : i32 to index
      %get3A_750 = arith.constant 112 : index
      %get3A_751 = tpu.vector_load %arg6[%get3A_748, %get3A_749, %get3A_750] {strides = array<i32>} : memref<5x128x128xf32, #tpu.memory_space<vmem>>, vector<1x1x16xf32>,
      %get3A_752 = vector.shape_cast %get3A_751 : vector<1x1x16xf32> to vector<16xf32>
      %mul3A_753 = arith.constant 11.3137083 : f32
      %mul3A_754 = vector.broadcast %mul3A_753 : f32 to vector<16xf32>
      %mul3A_755 = arith.mulf %get3A_752, %mul3A_754 : vector<16xf32>
      %swap3A_756 = arith.constant 4 : i32
      %swap3A_757 = arith.index_cast %swap3A_756 : i32 to index
      %swap3A_758 = arith.index_cast %scan3A_636 : i32 to index
      %swap3A_759 = arith.constant 112 : index
      %swap3A_760 = tpu.vector_load %arg6[%swap3A_757, %swap3A_758, %swap3A_759] {strides = array<i32>} : memref<5x128x128xf32, #tpu.memory_space<vmem>>, vector<1x1x16xf32>,
      %swap3A_761 = vector.shape_cast %swap3A_760 : vector<1x1x16xf32> to vector<16xf32>
      %swap3A_762 = vector.shape_cast %mul3A_755 : vector<16xf32> to vector<1x1x16xf32>
      tpu.vector_store %arg6[%swap3A_757, %swap3A_758, %swap3A_759], %swap3A_762 {strides = array<i32>} : memref<5x128x128xf32, #tpu.memory_space<vmem>>, vector<1x1x16xf32>,
    }
    %scan3A_278 = arith.constant 128 : i32
    %add3A_279 = arith.constant 512 : i32
    %add3A_280 = arith.addi %mul3A_2, %add3A_279 : i32
    %dma_start3A_281 = arith.constant 4 : i32
    %dma_start3A_282 = arith.constant 0 : i32
    %dma_start3A_283 = arith.constant 0 : i32
    %dma_start3A_284 = tpu.memref_slice %arg6[%dma_start3A_281, %dma_start3A_282, %dma_start3A_283] : memref<5x128x128xf32, #tpu.memory_space<vmem>> -> memref<1x128x128xf32, #tpu.memory_space<vmem>>
    %dma_start3A_285 = tpu.memref_squeeze %dma_start3A_284 : memref<1x128x128xf32, #tpu.memory_space<vmem>> -> memref<128x128xf32, #tpu.memory_space<vmem>>
    %dma_start3A_286 = arith.constant 0 : i32
    %dma_start3A_287 = tpu.memref_slice %arg4[%add3A_280, %dma_start3A_286] : memref<204800x128xf32, #tpu.memory_space<hbm>> -> memref<128x128xf32, #tpu.memory_space<hbm>>
    %dma_start3A_288 = arith.constant 0 : i32
    %dma_start3A_289 = tpu.memref_slice %arg4[%add3A_280, %dma_start3A_288] : memref<204800x128xf32, #tpu.memory_space<hbm>> -> memref<128x128xf32, #tpu.memory_space<hbm>>
    %dma_start3A_290 = arith.constant 0 : i32
    %dma_start3A_291 = arith.constant 0 : i32
    %dma_start3A_292 = tpu.memref_slice %arg6[%dma_start3A_281, %dma_start3A_290, %dma_start3A_291] : memref<5x128x128xf32, #tpu.memory_space<vmem>> -> memref<1x128x128xf32, #tpu.memory_space<vmem>>
    %dma_start3A_293 = tpu.memref_squeeze %dma_start3A_292 : memref<1x128x128xf32, #tpu.memory_space<vmem>> -> memref<128x128xf32, #tpu.memory_space<vmem>>
    tpu.enqueue_dma source(%dma_start3A_293 : memref<128x128xf32, #tpu.memory_space<vmem>>) target(%dma_start3A_289 : memref<128x128xf32, #tpu.memory_space<hbm>>) target_semaphore(%arg16 : memref<!tpu.dma_semaphore, #tpu.memory_space<semaphore_mem>>)
    %dma_wait3A_294 = arith.constant 2 : i32
    %dma_wait3A_295 = arith.constant 0 : i32
    %dma_wait3A_296 = arith.constant 0 : i32
    %dma_wait3A_297 = tpu.memref_slice %arg6[%dma_wait3A_294, %dma_wait3A_295, %dma_wait3A_296] : memref<5x128x128xf32, #tpu.memory_space<vmem>> -> memref<1x128x128xf32, #tpu.memory_space<vmem>>
    %dma_wait3A_298 = tpu.memref_squeeze %dma_wait3A_297 : memref<1x128x128xf32, #tpu.memory_space<vmem>> -> memref<128x128xf32, #tpu.memory_space<vmem>>
    %dma_wait3A_299 = arith.constant 0 : i32
    %dma_wait3A_300 = arith.constant 0 : i32
    %dma_wait3A_301 = tpu.memref_slice %arg3[%dma_wait3A_299, %dma_wait3A_300] : memref<100000x128xf32, #tpu.memory_space<hbm>> -> memref<128x128xf32, #tpu.memory_space<hbm>>
    %dma_wait3A_302 = arith.constant 0 : i32
    %dma_wait3A_303 = arith.constant 0 : i32
    %dma_wait3A_304 = tpu.memref_slice %arg6[%dma_wait3A_294, %dma_wait3A_302, %dma_wait3A_303] : memref<5x128x128xf32, #tpu.memory_space<vmem>> -> memref<1x128x128xf32, #tpu.memory_space<vmem>>
    %dma_wait3A_305 = tpu.memref_squeeze %dma_wait3A_304 : memref<1x128x128xf32, #tpu.memory_space<vmem>> -> memref<128x128xf32, #tpu.memory_space<vmem>>
    %dma_wait3A_306 = arith.constant 0 : i32
    %dma_wait3A_307 = arith.constant 0 : i32
    %dma_wait3A_308 = tpu.memref_slice %arg3[%dma_wait3A_306, %dma_wait3A_307] : memref<100000x128xf32, #tpu.memory_space<hbm>> -> memref<128x128xf32, #tpu.memory_space<hbm>>
    tpu.wait_dma2 semaphore(%arg14 : memref<!tpu.dma_semaphore, #tpu.memory_space<semaphore_mem>>) src(%dma_wait3A_308 : memref<128x128xf32, #tpu.memory_space<hbm>>) dst(%dma_wait3A_305 : memref<128x128xf32, #tpu.memory_space<vmem>>)
    %dma_start3A_309 = arith.constant 7 : i32
    %dma_start3A_310 = arith.constant 2 : i32
    %dma_start3A_311 = arith.constant 0 : i32
    %dma_start3A_312 = arith.constant 0 : i32
    %dma_start3A_313 = tpu.memref_slice %arg6[%dma_start3A_310, %dma_start3A_311, %dma_start3A_312] : memref<5x128x128xf32, #tpu.memory_space<vmem>> -> memref<1x128x128xf32, #tpu.memory_space<vmem>>
    %dma_start3A_314 = tpu.memref_squeeze %dma_start3A_313 : memref<1x128x128xf32, #tpu.memory_space<vmem>> -> memref<128x128xf32, #tpu.memory_space<vmem>>
    %dma_start3A_315 = arith.constant 0 : i32
    %dma_start3A_316 = tpu.memref_slice %arg5[%dma_start3A_309, %dma_start3A_315] : memref<50x128xi32, #tpu.memory_space<vmem>> -> memref<1x128xi32, #tpu.memory_space<vmem>>
    %dma_start3A_317 = tpu.memref_squeeze %dma_start3A_316 : memref<1x128xi32, #tpu.memory_space<vmem>> -> memref<128xi32, #tpu.memory_space<vmem>>
    %dma_start3A_318 = arith.constant 0 : i32
    %dma_start3A_319 = arith.constant 0 : i32
    %dma_start3A_320 = tpu.memref_slice %arg3[%dma_start3A_318, %dma_start3A_319] : memref<100000x128xf32, #tpu.memory_space<hbm>> -> memref<100000x128xf32, #tpu.memory_space<hbm>>
    tpu.enqueue_indirect_dma source(%dma_start3A_320 : memref<100000x128xf32, #tpu.memory_space<hbm>>) target(%dma_start3A_314 : memref<128x128xf32, #tpu.memory_space<vmem>>) offsets(%dma_start3A_317 : memref<128xi32, #tpu.memory_space<vmem>>) semaphore(%arg9 : memref<!tpu.dma_semaphore, #tpu.memory_space<semaphore_mem>>)
    %scan3A_321 = arith.constant 0 : i32
    %scan3A_322 = arith.constant 1 : i32
    %scan3A_323 = arith.constant 8 : i32
    %scan3A_324 = arith.addi %scan3A_322, %scan3A_323 : i32
    %scan3A_325 = arith.constant 1 : i32
    scf.for %scan3A_636 = %scan3A_322 to %scan3A_324 step %scan3A_325  : i32 {
      %mul3A_637 = arith.constant 5 : i32
      %mul3A_638 = arith.muli %scan3A_636, %mul3A_637 : i32
      %add3A_639 = arith.constant 0 : i32
      %add3A_640 = arith.addi %mul3A_638, %add3A_639 : i32
      %add3A_641 = arith.constant 0 : i32
      %add3A_642 = arith.addi %mul3A_638, %add3A_641 : i32
      %add3A_643 = arith.constant 3 : i32
      %add3A_644 = arith.addi %add3A_642, %add3A_643 : i32
      %dma_wait3A_645 = arith.constant 0 : i32
      %dma_wait3A_646 = arith.constant 0 : i32
      %dma_wait3A_647 = arith.constant 0 : i32
      %dma_wait3A_648 = tpu.memref_slice %arg6[%dma_wait3A_645, %dma_wait3A_646, %dma_wait3A_647] : memref<5x128x128xf32, #tpu.memory_space<vmem>> -> memref<1x128x128xf32, #tpu.memory_space<vmem>>
      %dma_wait3A_649 = tpu.memref_squeeze %dma_wait3A_648 : memref<1x128x128xf32, #tpu.memory_space<vmem>> -> memref<128x128xf32, #tpu.memory_space<vmem>>
      %dma_wait3A_650 = arith.constant 0 : i32
      %dma_wait3A_651 = arith.constant 0 : i32
      %dma_wait3A_652 = tpu.memref_slice %arg3[%dma_wait3A_650, %dma_wait3A_651] : memref<100000x128xf32, #tpu.memory_space<hbm>> -> memref<128x128xf32, #tpu.memory_space<hbm>>
      %dma_wait3A_653 = arith.constant 0 : i32
      %dma_wait3A_654 = arith.constant 0 : i32
      %dma_wait3A_655 = tpu.memref_slice %arg6[%dma_wait3A_645, %dma_wait3A_653, %dma_wait3A_654] : memref<5x128x128xf32, #tpu.memory_space<vmem>> -> memref<1x128x128xf32, #tpu.memory_space<vmem>>
      %dma_wait3A_656 = tpu.memref_squeeze %dma_wait3A_655 : memref<1x128x128xf32, #tpu.memory_space<vmem>> -> memref<128x128xf32, #tpu.memory_space<vmem>>
      %dma_wait3A_657 = arith.constant 0 : i32
      %dma_wait3A_658 = arith.constant 0 : i32
      %dma_wait3A_659 = tpu.memref_slice %arg3[%dma_wait3A_657, %dma_wait3A_658] : memref<100000x128xf32, #tpu.memory_space<hbm>> -> memref<128x128xf32, #tpu.memory_space<hbm>>
      tpu.wait_dma2 semaphore(%arg7 : memref<!tpu.dma_semaphore, #tpu.memory_space<semaphore_mem>>) src(%dma_wait3A_659 : memref<128x128xf32, #tpu.memory_space<hbm>>) dst(%dma_wait3A_656 : memref<128x128xf32, #tpu.memory_space<vmem>>)
      %scan3A_660 = arith.constant 0 : i32
      %scan3A_661 = arith.constant 0 : i32
      %scan3A_662 = arith.constant 128 : i32
      %scan3A_663 = arith.addi %scan3A_661, %scan3A_662 : i32
      %scan3A_664 = arith.constant 1 : i32
      scf.for %scan3A_984 = %scan3A_661 to %scan3A_663 step %scan3A_664  : i32 {
        %get3A = arith.constant 0 : i32
        %get3A_985 = arith.index_cast %get3A : i32 to index
        %get3A_986 = arith.index_cast %scan3A_984 : i32 to index
        %get3A_987 = arith.constant 0 : index
        %get3A_988 = tpu.vector_load %arg6[%get3A_985, %get3A_986, %get3A_987] {strides = array<i32>} : memref<5x128x128xf32, #tpu.memory_space<vmem>>, vector<1x1x16xf32>,
        %get3A_989 = vector.shape_cast %get3A_988 : vector<1x1x16xf32> to vector<16xf32>
        %mul3A_990 = arith.constant 11.3137083 : f32
        %mul3A_991 = vector.broadcast %mul3A_990 : f32 to vector<16xf32>
        %mul3A_992 = arith.mulf %get3A_989, %mul3A_991 : vector<16xf32>
        %swap3A = arith.constant 0 : i32
        %swap3A_993 = arith.index_cast %swap3A : i32 to index
        %swap3A_994 = arith.index_cast %scan3A_984 : i32 to index
        %swap3A_995 = arith.constant 0 : index
        %swap3A_996 = tpu.vector_load %arg6[%swap3A_993, %swap3A_994, %swap3A_995] {strides = array<i32>} : memref<5x128x128xf32, #tpu.memory_space<vmem>>, vector<1x1x16xf32>,
        %swap3A_997 = vector.shape_cast %swap3A_996 : vector<1x1x16xf32> to vector<16xf32>
        %swap3A_998 = vector.shape_cast %mul3A_992 : vector<16xf32> to vector<1x1x16xf32>
        tpu.vector_store %arg6[%swap3A_993, %swap3A_994, %swap3A_995], %swap3A_998 {strides = array<i32>} : memref<5x128x128xf32, #tpu.memory_space<vmem>>, vector<1x1x16xf32>,
        %get3A_999 = arith.constant 0 : i32
        %get3A_1000 = arith.index_cast %get3A_999 : i32 to index
        %get3A_1001 = arith.index_cast %scan3A_984 : i32 to index
        %get3A_1002 = arith.constant 16 : index
        %get3A_1003 = tpu.vector_load %arg6[%get3A_1000, %get3A_1001, %get3A_1002] {strides = array<i32>} : memref<5x128x128xf32, #tpu.memory_space<vmem>>, vector<1x1x16xf32>,
        %get3A_1004 = vector.shape_cast %get3A_1003 : vector<1x1x16xf32> to vector<16xf32>
        %mul3A_1005 = arith.constant 11.3137083 : f32
        %mul3A_1006 = vector.broadcast %mul3A_1005 : f32 to vector<16xf32>
        %mul3A_1007 = arith.mulf %get3A_1004, %mul3A_1006 : vector<16xf32>
        %swap3A_1008 = arith.constant 0 : i32
        %swap3A_1009 = arith.index_cast %swap3A_1008 : i32 to index
        %swap3A_1010 = arith.index_cast %scan3A_984 : i32 to index
        %swap3A_1011 = arith.constant 16 : index
        %swap3A_1012 = tpu.vector_load %arg6[%swap3A_1009, %swap3A_1010, %swap3A_1011] {strides = array<i32>} : memref<5x128x128xf32, #tpu.memory_space<vmem>>, vector<1x1x16xf32>,
        %swap3A_1013 = vector.shape_cast %swap3A_1012 : vector<1x1x16xf32> to vector<16xf32>
        %swap3A_1014 = vector.shape_cast %mul3A_1007 : vector<16xf32> to vector<1x1x16xf32>
        tpu.vector_store %arg6[%swap3A_1009, %swap3A_1010, %swap3A_1011], %swap3A_1014 {strides = array<i32>} : memref<5x128x128xf32, #tpu.memory_space<vmem>>, vector<1x1x16xf32>,
        %get3A_1015 = arith.constant 0 : i32
        %get3A_1016 = arith.index_cast %get3A_1015 : i32 to index
        %get3A_1017 = arith.index_cast %scan3A_984 : i32 to index
        %get3A_1018 = arith.constant 32 : index
        %get3A_1019 = tpu.vector_load %arg6[%get3A_1016, %get3A_1017, %get3A_1018] {strides = array<i32>} : memref<5x128x128xf32, #tpu.memory_space<vmem>>, vector<1x1x16xf32>,
        %get3A_1020 = vector.shape_cast %get3A_1019 : vector<1x1x16xf32> to vector<16xf32>
        %mul3A_1021 = arith.constant 11.3137083 : f32
        %mul3A_1022 = vector.broadcast %mul3A_1021 : f32 to vector<16xf32>
        %mul3A_1023 = arith.mulf %get3A_1020, %mul3A_1022 : vector<16xf32>
        %swap3A_1024 = arith.constant 0 : i32
        %swap3A_1025 = arith.index_cast %swap3A_1024 : i32 to index
        %swap3A_1026 = arith.index_cast %scan3A_984 : i32 to index
        %swap3A_1027 = arith.constant 32 : index
        %swap3A_1028 = tpu.vector_load %arg6[%swap3A_1025, %swap3A_1026, %swap3A_1027] {strides = array<i32>} : memref<5x128x128xf32, #tpu.memory_space<vmem>>, vector<1x1x16xf32>,
        %swap3A_1029 = vector.shape_cast %swap3A_1028 : vector<1x1x16xf32> to vector<16xf32>
        %swap3A_1030 = vector.shape_cast %mul3A_1023 : vector<16xf32> to vector<1x1x16xf32>
        tpu.vector_store %arg6[%swap3A_1025, %swap3A_1026, %swap3A_1027], %swap3A_1030 {strides = array<i32>} : memref<5x128x128xf32, #tpu.memory_space<vmem>>, vector<1x1x16xf32>,
        %get3A_1031 = arith.constant 0 : i32
        %get3A_1032 = arith.index_cast %get3A_1031 : i32 to index
        %get3A_1033 = arith.index_cast %scan3A_984 : i32 to index
        %get3A_1034 = arith.constant 48 : index
        %get3A_1035 = tpu.vector_load %arg6[%get3A_1032, %get3A_1033, %get3A_1034] {strides = array<i32>} : memref<5x128x128xf32, #tpu.memory_space<vmem>>, vector<1x1x16xf32>,
        %get3A_1036 = vector.shape_cast %get3A_1035 : vector<1x1x16xf32> to vector<16xf32>
        %mul3A_1037 = arith.constant 11.3137083 : f32
        %mul3A_1038 = vector.broadcast %mul3A_1037 : f32 to vector<16xf32>
        %mul3A_1039 = arith.mulf %get3A_1036, %mul3A_1038 : vector<16xf32>
        %swap3A_1040 = arith.constant 0 : i32
        %swap3A_1041 = arith.index_cast %swap3A_1040 : i32 to index
        %swap3A_1042 = arith.index_cast %scan3A_984 : i32 to index
        %swap3A_1043 = arith.constant 48 : index
        %swap3A_1044 = tpu.vector_load %arg6[%swap3A_1041, %swap3A_1042, %swap3A_1043] {strides = array<i32>} : memref<5x128x128xf32, #tpu.memory_space<vmem>>, vector<1x1x16xf32>,
        %swap3A_1045 = vector.shape_cast %swap3A_1044 : vector<1x1x16xf32> to vector<16xf32>
        %swap3A_1046 = vector.shape_cast %mul3A_1039 : vector<16xf32> to vector<1x1x16xf32>
        tpu.vector_store %arg6[%swap3A_1041, %swap3A_1042, %swap3A_1043], %swap3A_1046 {strides = array<i32>} : memref<5x128x128xf32, #tpu.memory_space<vmem>>, vector<1x1x16xf32>,
        %get3A_1047 = arith.constant 0 : i32
        %get3A_1048 = arith.index_cast %get3A_1047 : i32 to index
        %get3A_1049 = arith.index_cast %scan3A_984 : i32 to index
        %get3A_1050 = arith.constant 64 : index
        %get3A_1051 = tpu.vector_load %arg6[%get3A_1048, %get3A_1049, %get3A_1050] {strides = array<i32>} : memref<5x128x128xf32, #tpu.memory_space<vmem>>, vector<1x1x16xf32>,
        %get3A_1052 = vector.shape_cast %get3A_1051 : vector<1x1x16xf32> to vector<16xf32>
        %mul3A_1053 = arith.constant 11.3137083 : f32
        %mul3A_1054 = vector.broadcast %mul3A_1053 : f32 to vector<16xf32>
        %mul3A_1055 = arith.mulf %get3A_1052, %mul3A_1054 : vector<16xf32>
        %swap3A_1056 = arith.constant 0 : i32
        %swap3A_1057 = arith.index_cast %swap3A_1056 : i32 to index
        %swap3A_1058 = arith.index_cast %scan3A_984 : i32 to index
        %swap3A_1059 = arith.constant 64 : index
        %swap3A_1060 = tpu.vector_load %arg6[%swap3A_1057, %swap3A_1058, %swap3A_1059] {strides = array<i32>} : memref<5x128x128xf32, #tpu.memory_space<vmem>>, vector<1x1x16xf32>,
        %swap3A_1061 = vector.shape_cast %swap3A_1060 : vector<1x1x16xf32> to vector<16xf32>
        %swap3A_1062 = vector.shape_cast %mul3A_1055 : vector<16xf32> to vector<1x1x16xf32>
        tpu.vector_store %arg6[%swap3A_1057, %swap3A_1058, %swap3A_1059], %swap3A_1062 {strides = array<i32>} : memref<5x128x128xf32, #tpu.memory_space<vmem>>, vector<1x1x16xf32>,
        %get3A_1063 = arith.constant 0 : i32
        %get3A_1064 = arith.index_cast %get3A_1063 : i32 to index
        %get3A_1065 = arith.index_cast %scan3A_984 : i32 to index
        %get3A_1066 = arith.constant 80 : index
        %get3A_1067 = tpu.vector_load %arg6[%get3A_1064, %get3A_1065, %get3A_1066] {strides = array<i32>} : memref<5x128x128xf32, #tpu.memory_space<vmem>>, vector<1x1x16xf32>,
        %get3A_1068 = vector.shape_cast %get3A_1067 : vector<1x1x16xf32> to vector<16xf32>
        %mul3A_1069 = arith.constant 11.3137083 : f32
        %mul3A_1070 = vector.broadcast %mul3A_1069 : f32 to vector<16xf32>
        %mul3A_1071 = arith.mulf %get3A_1068, %mul3A_1070 : vector<16xf32>
        %swap3A_1072 = arith.constant 0 : i32
        %swap3A_1073 = arith.index_cast %swap3A_1072 : i32 to index
        %swap3A_1074 = arith.index_cast %scan3A_984 : i32 to index
        %swap3A_1075 = arith.constant 80 : index
        %swap3A_1076 = tpu.vector_load %arg6[%swap3A_1073, %swap3A_1074, %swap3A_1075] {strides = array<i32>} : memref<5x128x128xf32, #tpu.memory_space<vmem>>, vector<1x1x16xf32>,
        %swap3A_1077 = vector.shape_cast %swap3A_1076 : vector<1x1x16xf32> to vector<16xf32>
        %swap3A_1078 = vector.shape_cast %mul3A_1071 : vector<16xf32> to vector<1x1x16xf32>
        tpu.vector_store %arg6[%swap3A_1073, %swap3A_1074, %swap3A_1075], %swap3A_1078 {strides = array<i32>} : memref<5x128x128xf32, #tpu.memory_space<vmem>>, vector<1x1x16xf32>,
        %get3A_1079 = arith.constant 0 : i32
        %get3A_1080 = arith.index_cast %get3A_1079 : i32 to index
        %get3A_1081 = arith.index_cast %scan3A_984 : i32 to index
        %get3A_1082 = arith.constant 96 : index
        %get3A_1083 = tpu.vector_load %arg6[%get3A_1080, %get3A_1081, %get3A_1082] {strides = array<i32>} : memref<5x128x128xf32, #tpu.memory_space<vmem>>, vector<1x1x16xf32>,
        %get3A_1084 = vector.shape_cast %get3A_1083 : vector<1x1x16xf32> to vector<16xf32>
        %mul3A_1085 = arith.constant 11.3137083 : f32
        %mul3A_1086 = vector.broadcast %mul3A_1085 : f32 to vector<16xf32>
        %mul3A_1087 = arith.mulf %get3A_1084, %mul3A_1086 : vector<16xf32>
        %swap3A_1088 = arith.constant 0 : i32
        %swap3A_1089 = arith.index_cast %swap3A_1088 : i32 to index
        %swap3A_1090 = arith.index_cast %scan3A_984 : i32 to index
        %swap3A_1091 = arith.constant 96 : index
        %swap3A_1092 = tpu.vector_load %arg6[%swap3A_1089, %swap3A_1090, %swap3A_1091] {strides = array<i32>} : memref<5x128x128xf32, #tpu.memory_space<vmem>>, vector<1x1x16xf32>,
        %swap3A_1093 = vector.shape_cast %swap3A_1092 : vector<1x1x16xf32> to vector<16xf32>
        %swap3A_1094 = vector.shape_cast %mul3A_1087 : vector<16xf32> to vector<1x1x16xf32>
        tpu.vector_store %arg6[%swap3A_1089, %swap3A_1090, %swap3A_1091], %swap3A_1094 {strides = array<i32>} : memref<5x128x128xf32, #tpu.memory_space<vmem>>, vector<1x1x16xf32>,
        %get3A_1095 = arith.constant 0 : i32
        %get3A_1096 = arith.index_cast %get3A_1095 : i32 to index
        %get3A_1097 = arith.index_cast %scan3A_984 : i32 to index
        %get3A_1098 = arith.constant 112 : index
        %get3A_1099 = tpu.vector_load %arg6[%get3A_1096, %get3A_1097, %get3A_1098] {strides = array<i32>} : memref<5x128x128xf32, #tpu.memory_space<vmem>>, vector<1x1x16xf32>,
        %get3A_1100 = vector.shape_cast %get3A_1099 : vector<1x1x16xf32> to vector<16xf32>
        %mul3A_1101 = arith.constant 11.3137083 : f32
        %mul3A_1102 = vector.broadcast %mul3A_1101 : f32 to vector<16xf32>
        %mul3A_1103 = arith.mulf %get3A_1100, %mul3A_1102 : vector<16xf32>
        %swap3A_1104 = arith.constant 0 : i32
        %swap3A_1105 = arith.index_cast %swap3A_1104 : i32 to index
        %swap3A_1106 = arith.index_cast %scan3A_984 : i32 to index
        %swap3A_1107 = arith.constant 112 : index
        %swap3A_1108 = tpu.vector_load %arg6[%swap3A_1105, %swap3A_1106, %swap3A_1107] {strides = array<i32>} : memref<5x128x128xf32, #tpu.memory_space<vmem>>, vector<1x1x16xf32>,
        %swap3A_1109 = vector.shape_cast %swap3A_1108 : vector<1x1x16xf32> to vector<16xf32>
        %swap3A_1110 = vector.shape_cast %mul3A_1103 : vector<16xf32> to vector<1x1x16xf32>
        tpu.vector_store %arg6[%swap3A_1105, %swap3A_1106, %swap3A_1107], %swap3A_1110 {strides = array<i32>} : memref<5x128x128xf32, #tpu.memory_space<vmem>>, vector<1x1x16xf32>,
      }
      %scan3A_665 = arith.constant 128 : i32
      %mul3A_666 = arith.constant 128 : i32
      %mul3A_667 = arith.muli %add3A_640, %mul3A_666 : i32
      %add3A_668 = arith.addi %mul3A_2, %mul3A_667 : i32
      %dma_start3A_669 = arith.constant 0 : i32
      %dma_start3A_670 = arith.constant 0 : i32
      %dma_start3A_671 = arith.constant 0 : i32
      %dma_start3A_672 = tpu.memref_slice %arg6[%dma_start3A_669, %dma_start3A_670, %dma_start3A_671] : memref<5x128x128xf32, #tpu.memory_space<vmem>> -> memref<1x128x128xf32, #tpu.memory_space<vmem>>
      %dma_start3A_673 = tpu.memref_squeeze %dma_start3A_672 : memref<1x128x128xf32, #tpu.memory_space<vmem>> -> memref<128x128xf32, #tpu.memory_space<vmem>>
      %dma_start3A_674 = arith.constant 0 : i32
      %dma_start3A_675 = tpu.memref_slice %arg4[%add3A_668, %dma_start3A_674] : memref<204800x128xf32, #tpu.memory_space<hbm>> -> memref<128x128xf32, #tpu.memory_space<hbm>>
      %dma_start3A_676 = arith.constant 0 : i32
      %dma_start3A_677 = tpu.memref_slice %arg4[%add3A_668, %dma_start3A_676] : memref<204800x128xf32, #tpu.memory_space<hbm>> -> memref<128x128xf32, #tpu.memory_space<hbm>>
      %dma_start3A_678 = arith.constant 0 : i32
      %dma_start3A_679 = arith.constant 0 : i32
      %dma_start3A_680 = tpu.memref_slice %arg6[%dma_start3A_669, %dma_start3A_678, %dma_start3A_679] : memref<5x128x128xf32, #tpu.memory_space<vmem>> -> memref<1x128x128xf32, #tpu.memory_space<vmem>>
      %dma_start3A_681 = tpu.memref_squeeze %dma_start3A_680 : memref<1x128x128xf32, #tpu.memory_space<vmem>> -> memref<128x128xf32, #tpu.memory_space<vmem>>
      tpu.enqueue_dma source(%dma_start3A_681 : memref<128x128xf32, #tpu.memory_space<vmem>>) target(%dma_start3A_677 : memref<128x128xf32, #tpu.memory_space<hbm>>) target_semaphore(%arg12 : memref<!tpu.dma_semaphore, #tpu.memory_space<semaphore_mem>>)
      %dma_wait3A_682 = arith.constant 3 : i32
      %dma_wait3A_683 = arith.constant 0 : i32
      %dma_wait3A_684 = arith.constant 0 : i32
      %dma_wait3A_685 = tpu.memref_slice %arg6[%dma_wait3A_682, %dma_wait3A_683, %dma_wait3A_684] : memref<5x128x128xf32, #tpu.memory_space<vmem>> -> memref<1x128x128xf32, #tpu.memory_space<vmem>>
      %dma_wait3A_686 = tpu.memref_squeeze %dma_wait3A_685 : memref<1x128x128xf32, #tpu.memory_space<vmem>> -> memref<128x128xf32, #tpu.memory_space<vmem>>
      %dma_wait3A_687 = arith.constant 0 : i32
      %dma_wait3A_688 = arith.constant 0 : i32
      %dma_wait3A_689 = tpu.memref_slice %arg3[%dma_wait3A_687, %dma_wait3A_688] : memref<100000x128xf32, #tpu.memory_space<hbm>> -> memref<128x128xf32, #tpu.memory_space<hbm>>
      %dma_wait3A_690 = arith.constant 0 : i32
      %dma_wait3A_691 = arith.constant 0 : i32
      %dma_wait3A_692 = tpu.memref_slice %arg6[%dma_wait3A_682, %dma_wait3A_690, %dma_wait3A_691] : memref<5x128x128xf32, #tpu.memory_space<vmem>> -> memref<1x128x128xf32, #tpu.memory_space<vmem>>
      %dma_wait3A_693 = tpu.memref_squeeze %dma_wait3A_692 : memref<1x128x128xf32, #tpu.memory_space<vmem>> -> memref<128x128xf32, #tpu.memory_space<vmem>>
      %dma_wait3A_694 = arith.constant 0 : i32
      %dma_wait3A_695 = arith.constant 0 : i32
      %dma_wait3A_696 = tpu.memref_slice %arg3[%dma_wait3A_694, %dma_wait3A_695] : memref<100000x128xf32, #tpu.memory_space<hbm>> -> memref<128x128xf32, #tpu.memory_space<hbm>>
      tpu.wait_dma2 semaphore(%arg15 : memref<!tpu.dma_semaphore, #tpu.memory_space<semaphore_mem>>) src(%dma_wait3A_696 : memref<128x128xf32, #tpu.memory_space<hbm>>) dst(%dma_wait3A_693 : memref<128x128xf32, #tpu.memory_space<vmem>>)
      %dma_start3A_697 = arith.constant 3 : i32
      %dma_start3A_698 = arith.constant 0 : i32
      %dma_start3A_699 = arith.constant 0 : i32
      %dma_start3A_700 = tpu.memref_slice %arg6[%dma_start3A_697, %dma_start3A_698, %dma_start3A_699] : memref<5x128x128xf32, #tpu.memory_space<vmem>> -> memref<1x128x128xf32, #tpu.memory_space<vmem>>
      %dma_start3A_701 = tpu.memref_squeeze %dma_start3A_700 : memref<1x128x128xf32, #tpu.memory_space<vmem>> -> memref<128x128xf32, #tpu.memory_space<vmem>>
      %dma_start3A_702 = arith.constant 0 : i32
      %dma_start3A_703 = tpu.memref_slice %arg5[%add3A_644, %dma_start3A_702] : memref<50x128xi32, #tpu.memory_space<vmem>> -> memref<1x128xi32, #tpu.memory_space<vmem>>
      %dma_start3A_704 = tpu.memref_squeeze %dma_start3A_703 : memref<1x128xi32, #tpu.memory_space<vmem>> -> memref<128xi32, #tpu.memory_space<vmem>>
      %dma_start3A_705 = arith.constant 0 : i32
      %dma_start3A_706 = arith.constant 0 : i32
      %dma_start3A_707 = tpu.memref_slice %arg3[%dma_start3A_705, %dma_start3A_706] : memref<100000x128xf32, #tpu.memory_space<hbm>> -> memref<100000x128xf32, #tpu.memory_space<hbm>>
      tpu.enqueue_indirect_dma source(%dma_start3A_707 : memref<100000x128xf32, #tpu.memory_space<hbm>>) target(%dma_start3A_701 : memref<128x128xf32, #tpu.memory_space<vmem>>) offsets(%dma_start3A_704 : memref<128xi32, #tpu.memory_space<vmem>>) semaphore(%arg10 : memref<!tpu.dma_semaphore, #tpu.memory_space<semaphore_mem>>)
      %add3A_708 = arith.constant 1 : i32
      %add3A_709 = arith.addi %mul3A_638, %add3A_708 : i32
      %add3A_710 = arith.constant 1 : i32
      %add3A_711 = arith.addi %mul3A_638, %add3A_710 : i32
      %add3A_712 = arith.constant 3 : i32
      %add3A_713 = arith.addi %add3A_711, %add3A_712 : i32
      %dma_wait3A_714 = arith.constant 1 : i32
      %dma_wait3A_715 = arith.constant 0 : i32
      %dma_wait3A_716 = arith.constant 0 : i32
      %dma_wait3A_717 = tpu.memref_slice %arg6[%dma_wait3A_714, %dma_wait3A_715, %dma_wait3A_716] : memref<5x128x128xf32, #tpu.memory_space<vmem>> -> memref<1x128x128xf32, #tpu.memory_space<vmem>>
      %dma_wait3A_718 = tpu.memref_squeeze %dma_wait3A_717 : memref<1x128x128xf32, #tpu.memory_space<vmem>> -> memref<128x128xf32, #tpu.memory_space<vmem>>
      %dma_wait3A_719 = arith.constant 0 : i32
      %dma_wait3A_720 = arith.constant 0 : i32
      %dma_wait3A_721 = tpu.memref_slice %arg3[%dma_wait3A_719, %dma_wait3A_720] : memref<100000x128xf32, #tpu.memory_space<hbm>> -> memref<128x128xf32, #tpu.memory_space<hbm>>
      %dma_wait3A_722 = arith.constant 0 : i32
      %dma_wait3A_723 = arith.constant 0 : i32
      %dma_wait3A_724 = tpu.memref_slice %arg6[%dma_wait3A_714, %dma_wait3A_722, %dma_wait3A_723] : memref<5x128x128xf32, #tpu.memory_space<vmem>> -> memref<1x128x128xf32, #tpu.memory_space<vmem>>
      %dma_wait3A_725 = tpu.memref_squeeze %dma_wait3A_724 : memref<1x128x128xf32, #tpu.memory_space<vmem>> -> memref<128x128xf32, #tpu.memory_space<vmem>>
      %dma_wait3A_726 = arith.constant 0 : i32
      %dma_wait3A_727 = arith.constant 0 : i32
      %dma_wait3A_728 = tpu.memref_slice %arg3[%dma_wait3A_726, %dma_wait3A_727] : memref<100000x128xf32, #tpu.memory_space<hbm>> -> memref<128x128xf32, #tpu.memory_space<hbm>>
      tpu.wait_dma2 semaphore(%arg8 : memref<!tpu.dma_semaphore, #tpu.memory_space<semaphore_mem>>) src(%dma_wait3A_728 : memref<128x128xf32, #tpu.memory_space<hbm>>) dst(%dma_wait3A_725 : memref<128x128xf32, #tpu.memory_space<vmem>>)
      %scan3A_729 = arith.constant 0 : i32
      %scan3A_730 = arith.constant 0 : i32
      %scan3A_731 = arith.constant 128 : i32
      %scan3A_732 = arith.addi %scan3A_730, %scan3A_731 : i32
      %scan3A_733 = arith.constant 1 : i32
      scf.for %scan3A_984 = %scan3A_730 to %scan3A_732 step %scan3A_733  : i32 {
        %get3A = arith.constant 1 : i32
        %get3A_985 = arith.index_cast %get3A : i32 to index
        %get3A_986 = arith.index_cast %scan3A_984 : i32 to index
        %get3A_987 = arith.constant 0 : index
        %get3A_988 = tpu.vector_load %arg6[%get3A_985, %get3A_986, %get3A_987] {strides = array<i32>} : memref<5x128x128xf32, #tpu.memory_space<vmem>>, vector<1x1x16xf32>,
        %get3A_989 = vector.shape_cast %get3A_988 : vector<1x1x16xf32> to vector<16xf32>
        %mul3A_990 = arith.constant 11.3137083 : f32
        %mul3A_991 = vector.broadcast %mul3A_990 : f32 to vector<16xf32>
        %mul3A_992 = arith.mulf %get3A_989, %mul3A_991 : vector<16xf32>
        %swap3A = arith.constant 1 : i32
        %swap3A_993 = arith.index_cast %swap3A : i32 to index
        %swap3A_994 = arith.index_cast %scan3A_984 : i32 to index
        %swap3A_995 = arith.constant 0 : index
        %swap3A_996 = tpu.vector_load %arg6[%swap3A_993, %swap3A_994, %swap3A_995] {strides = array<i32>} : memref<5x128x128xf32, #tpu.memory_space<vmem>>, vector<1x1x16xf32>,
        %swap3A_997 = vector.shape_cast %swap3A_996 : vector<1x1x16xf32> to vector<16xf32>
        %swap3A_998 = vector.shape_cast %mul3A_992 : vector<16xf32> to vector<1x1x16xf32>
        tpu.vector_store %arg6[%swap3A_993, %swap3A_994, %swap3A_995], %swap3A_998 {strides = array<i32>} : memref<5x128x128xf32, #tpu.memory_space<vmem>>, vector<1x1x16xf32>,
        %get3A_999 = arith.constant 1 : i32
        %get3A_1000 = arith.index_cast %get3A_999 : i32 to index
        %get3A_1001 = arith.index_cast %scan3A_984 : i32 to index
        %get3A_1002 = arith.constant 16 : index
        %get3A_1003 = tpu.vector_load %arg6[%get3A_1000, %get3A_1001, %get3A_1002] {strides = array<i32>} : memref<5x128x128xf32, #tpu.memory_space<vmem>>, vector<1x1x16xf32>,
        %get3A_1004 = vector.shape_cast %get3A_1003 : vector<1x1x16xf32> to vector<16xf32>
        %mul3A_1005 = arith.constant 11.3137083 : f32
        %mul3A_1006 = vector.broadcast %mul3A_1005 : f32 to vector<16xf32>
        %mul3A_1007 = arith.mulf %get3A_1004, %mul3A_1006 : vector<16xf32>
        %swap3A_1008 = arith.constant 1 : i32
        %swap3A_1009 = arith.index_cast %swap3A_1008 : i32 to index
        %swap3A_1010 = arith.index_cast %scan3A_984 : i32 to index
        %swap3A_1011 = arith.constant 16 : index
        %swap3A_1012 = tpu.vector_load %arg6[%swap3A_1009, %swap3A_1010, %swap3A_1011] {strides = array<i32>} : memref<5x128x128xf32, #tpu.memory_space<vmem>>, vector<1x1x16xf32>,
        %swap3A_1013 = vector.shape_cast %swap3A_1012 : vector<1x1x16xf32> to vector<16xf32>
        %swap3A_1014 = vector.shape_cast %mul3A_1007 : vector<16xf32> to vector<1x1x16xf32>
        tpu.vector_store %arg6[%swap3A_1009, %swap3A_1010, %swap3A_1011], %swap3A_1014 {strides = array<i32>} : memref<5x128x128xf32, #tpu.memory_space<vmem>>, vector<1x1x16xf32>,
        %get3A_1015 = arith.constant 1 : i32
        %get3A_1016 = arith.index_cast %get3A_1015 : i32 to index
        %get3A_1017 = arith.index_cast %scan3A_984 : i32 to index
        %get3A_1018 = arith.constant 32 : index
        %get3A_1019 = tpu.vector_load %arg6[%get3A_1016, %get3A_1017, %get3A_1018] {strides = array<i32>} : memref<5x128x128xf32, #tpu.memory_space<vmem>>, vector<1x1x16xf32>,
        %get3A_1020 = vector.shape_cast %get3A_1019 : vector<1x1x16xf32> to vector<16xf32>
        %mul3A_1021 = arith.constant 11.3137083 : f32
        %mul3A_1022 = vector.broadcast %mul3A_1021 : f32 to vector<16xf32>
        %mul3A_1023 = arith.mulf %get3A_1020, %mul3A_1022 : vector<16xf32>
        %swap3A_1024 = arith.constant 1 : i32
        %swap3A_1025 = arith.index_cast %swap3A_1024 : i32 to index
        %swap3A_1026 = arith.index_cast %scan3A_984 : i32 to index
        %swap3A_1027 = arith.constant 32 : index
        %swap3A_1028 = tpu.vector_load %arg6[%swap3A_1025, %swap3A_1026, %swap3A_1027] {strides = array<i32>} : memref<5x128x128xf32, #tpu.memory_space<vmem>>, vector<1x1x16xf32>,
        %swap3A_1029 = vector.shape_cast %swap3A_1028 : vector<1x1x16xf32> to vector<16xf32>
        %swap3A_1030 = vector.shape_cast %mul3A_1023 : vector<16xf32> to vector<1x1x16xf32>
        tpu.vector_store %arg6[%swap3A_1025, %swap3A_1026, %swap3A_1027], %swap3A_1030 {strides = array<i32>} : memref<5x128x128xf32, #tpu.memory_space<vmem>>, vector<1x1x16xf32>,
        %get3A_1031 = arith.constant 1 : i32
        %get3A_1032 = arith.index_cast %get3A_1031 : i32 to index
        %get3A_1033 = arith.index_cast %scan3A_984 : i32 to index
        %get3A_1034 = arith.constant 48 : index
        %get3A_1035 = tpu.vector_load %arg6[%get3A_1032, %get3A_1033, %get3A_1034] {strides = array<i32>} : memref<5x128x128xf32, #tpu.memory_space<vmem>>, vector<1x1x16xf32>,
        %get3A_1036 = vector.shape_cast %get3A_1035 : vector<1x1x16xf32> to vector<16xf32>
        %mul3A_1037 = arith.constant 11.3137083 : f32
        %mul3A_1038 = vector.broadcast %mul3A_1037 : f32 to vector<16xf32>
        %mul3A_1039 = arith.mulf %get3A_1036, %mul3A_1038 : vector<16xf32>
        %swap3A_1040 = arith.constant 1 : i32
        %swap3A_1041 = arith.index_cast %swap3A_1040 : i32 to index
        %swap3A_1042 = arith.index_cast %scan3A_984 : i32 to index
        %swap3A_1043 = arith.constant 48 : index
        %swap3A_1044 = tpu.vector_load %arg6[%swap3A_1041, %swap3A_1042, %swap3A_1043] {strides = array<i32>} : memref<5x128x128xf32, #tpu.memory_space<vmem>>, vector<1x1x16xf32>,
        %swap3A_1045 = vector.shape_cast %swap3A_1044 : vector<1x1x16xf32> to vector<16xf32>
        %swap3A_1046 = vector.shape_cast %mul3A_1039 : vector<16xf32> to vector<1x1x16xf32>
        tpu.vector_store %arg6[%swap3A_1041, %swap3A_1042, %swap3A_1043], %swap3A_1046 {strides = array<i32>} : memref<5x128x128xf32, #tpu.memory_space<vmem>>, vector<1x1x16xf32>,
        %get3A_1047 = arith.constant 1 : i32
        %get3A_1048 = arith.index_cast %get3A_1047 : i32 to index
        %get3A_1049 = arith.index_cast %scan3A_984 : i32 to index
        %get3A_1050 = arith.constant 64 : index
        %get3A_1051 = tpu.vector_load %arg6[%get3A_1048, %get3A_1049, %get3A_1050] {strides = array<i32>} : memref<5x128x128xf32, #tpu.memory_space<vmem>>, vector<1x1x16xf32>,
        %get3A_1052 = vector.shape_cast %get3A_1051 : vector<1x1x16xf32> to vector<16xf32>
        %mul3A_1053 = arith.constant 11.3137083 : f32
        %mul3A_1054 = vector.broadcast %mul3A_1053 : f32 to vector<16xf32>
        %mul3A_1055 = arith.mulf %get3A_1052, %mul3A_1054 : vector<16xf32>
        %swap3A_1056 = arith.constant 1 : i32
        %swap3A_1057 = arith.index_cast %swap3A_1056 : i32 to index
        %swap3A_1058 = arith.index_cast %scan3A_984 : i32 to index
        %swap3A_1059 = arith.constant 64 : index
        %swap3A_1060 = tpu.vector_load %arg6[%swap3A_1057, %swap3A_1058, %swap3A_1059] {strides = array<i32>} : memref<5x128x128xf32, #tpu.memory_space<vmem>>, vector<1x1x16xf32>,
        %swap3A_1061 = vector.shape_cast %swap3A_1060 : vector<1x1x16xf32> to vector<16xf32>
        %swap3A_1062 = vector.shape_cast %mul3A_1055 : vector<16xf32> to vector<1x1x16xf32>
        tpu.vector_store %arg6[%swap3A_1057, %swap3A_1058, %swap3A_1059], %swap3A_1062 {strides = array<i32>} : memref<5x128x128xf32, #tpu.memory_space<vmem>>, vector<1x1x16xf32>,
        %get3A_1063 = arith.constant 1 : i32
        %get3A_1064 = arith.index_cast %get3A_1063 : i32 to index
        %get3A_1065 = arith.index_cast %scan3A_984 : i32 to index
        %get3A_1066 = arith.constant 80 : index
        %get3A_1067 = tpu.vector_load %arg6[%get3A_1064, %get3A_1065, %get3A_1066] {strides = array<i32>} : memref<5x128x128xf32, #tpu.memory_space<vmem>>, vector<1x1x16xf32>,
        %get3A_1068 = vector.shape_cast %get3A_1067 : vector<1x1x16xf32> to vector<16xf32>
        %mul3A_1069 = arith.constant 11.3137083 : f32
        %mul3A_1070 = vector.broadcast %mul3A_1069 : f32 to vector<16xf32>
        %mul3A_1071 = arith.mulf %get3A_1068, %mul3A_1070 : vector<16xf32>
        %swap3A_1072 = arith.constant 1 : i32
        %swap3A_1073 = arith.index_cast %swap3A_1072 : i32 to index
        %swap3A_1074 = arith.index_cast %scan3A_984 : i32 to index
        %swap3A_1075 = arith.constant 80 : index
        %swap3A_1076 = tpu.vector_load %arg6[%swap3A_1073, %swap3A_1074, %swap3A_1075] {strides = array<i32>} : memref<5x128x128xf32, #tpu.memory_space<vmem>>, vector<1x1x16xf32>,
        %swap3A_1077 = vector.shape_cast %swap3A_1076 : vector<1x1x16xf32> to vector<16xf32>
        %swap3A_1078 = vector.shape_cast %mul3A_1071 : vector<16xf32> to vector<1x1x16xf32>
        tpu.vector_store %arg6[%swap3A_1073, %swap3A_1074, %swap3A_1075], %swap3A_1078 {strides = array<i32>} : memref<5x128x128xf32, #tpu.memory_space<vmem>>, vector<1x1x16xf32>,
        %get3A_1079 = arith.constant 1 : i32
        %get3A_1080 = arith.index_cast %get3A_1079 : i32 to index
        %get3A_1081 = arith.index_cast %scan3A_984 : i32 to index
        %get3A_1082 = arith.constant 96 : index
        %get3A_1083 = tpu.vector_load %arg6[%get3A_1080, %get3A_1081, %get3A_1082] {strides = array<i32>} : memref<5x128x128xf32, #tpu.memory_space<vmem>>, vector<1x1x16xf32>,
        %get3A_1084 = vector.shape_cast %get3A_1083 : vector<1x1x16xf32> to vector<16xf32>
        %mul3A_1085 = arith.constant 11.3137083 : f32
        %mul3A_1086 = vector.broadcast %mul3A_1085 : f32 to vector<16xf32>
        %mul3A_1087 = arith.mulf %get3A_1084, %mul3A_1086 : vector<16xf32>
        %swap3A_1088 = arith.constant 1 : i32
        %swap3A_1089 = arith.index_cast %swap3A_1088 : i32 to index
        %swap3A_1090 = arith.index_cast %scan3A_984 : i32 to index
        %swap3A_1091 = arith.constant 96 : index
        %swap3A_1092 = tpu.vector_load %arg6[%swap3A_1089, %swap3A_1090, %swap3A_1091] {strides = array<i32>} : memref<5x128x128xf32, #tpu.memory_space<vmem>>, vector<1x1x16xf32>,
        %swap3A_1093 = vector.shape_cast %swap3A_1092 : vector<1x1x16xf32> to vector<16xf32>
        %swap3A_1094 = vector.shape_cast %mul3A_1087 : vector<16xf32> to vector<1x1x16xf32>
        tpu.vector_store %arg6[%swap3A_1089, %swap3A_1090, %swap3A_1091], %swap3A_1094 {strides = array<i32>} : memref<5x128x128xf32, #tpu.memory_space<vmem>>, vector<1x1x16xf32>,
        %get3A_1095 = arith.constant 1 : i32
        %get3A_1096 = arith.index_cast %get3A_1095 : i32 to index
        %get3A_1097 = arith.index_cast %scan3A_984 : i32 to index
        %get3A_1098 = arith.constant 112 : index
        %get3A_1099 = tpu.vector_load %arg6[%get3A_1096, %get3A_1097, %get3A_1098] {strides = array<i32>} : memref<5x128x128xf32, #tpu.memory_space<vmem>>, vector<1x1x16xf32>,
        %get3A_1100 = vector.shape_cast %get3A_1099 : vector<1x1x16xf32> to vector<16xf32>
        %mul3A_1101 = arith.constant 11.3137083 : f32
        %mul3A_1102 = vector.broadcast %mul3A_1101 : f32 to vector<16xf32>
        %mul3A_1103 = arith.mulf %get3A_1100, %mul3A_1102 : vector<16xf32>
        %swap3A_1104 = arith.constant 1 : i32
        %swap3A_1105 = arith.index_cast %swap3A_1104 : i32 to index
        %swap3A_1106 = arith.index_cast %scan3A_984 : i32 to index
        %swap3A_1107 = arith.constant 112 : index
        %swap3A_1108 = tpu.vector_load %arg6[%swap3A_1105, %swap3A_1106, %swap3A_1107] {strides = array<i32>} : memref<5x128x128xf32, #tpu.memory_space<vmem>>, vector<1x1x16xf32>,
        %swap3A_1109 = vector.shape_cast %swap3A_1108 : vector<1x1x16xf32> to vector<16xf32>
        %swap3A_1110 = vector.shape_cast %mul3A_1103 : vector<16xf32> to vector<1x1x16xf32>
        tpu.vector_store %arg6[%swap3A_1105, %swap3A_1106, %swap3A_1107], %swap3A_1110 {strides = array<i32>} : memref<5x128x128xf32, #tpu.memory_space<vmem>>, vector<1x1x16xf32>,
      }
      %scan3A_734 = arith.constant 128 : i32
      %mul3A_735 = arith.constant 128 : i32
      %mul3A_736 = arith.muli %add3A_709, %mul3A_735 : i32
      %add3A_737 = arith.addi %mul3A_2, %mul3A_736 : i32
      %dma_start3A_738 = arith.constant 1 : i32
      %dma_start3A_739 = arith.constant 0 : i32
      %dma_start3A_740 = arith.constant 0 : i32
      %dma_start3A_741 = tpu.memref_slice %arg6[%dma_start3A_738, %dma_start3A_739, %dma_start3A_740] : memref<5x128x128xf32, #tpu.memory_space<vmem>> -> memref<1x128x128xf32, #tpu.memory_space<vmem>>
      %dma_start3A_742 = tpu.memref_squeeze %dma_start3A_741 : memref<1x128x128xf32, #tpu.memory_space<vmem>> -> memref<128x128xf32, #tpu.memory_space<vmem>>
      %dma_start3A_743 = arith.constant 0 : i32
      %dma_start3A_744 = tpu.memref_slice %arg4[%add3A_737, %dma_start3A_743] : memref<204800x128xf32, #tpu.memory_space<hbm>> -> memref<128x128xf32, #tpu.memory_space<hbm>>
      %dma_start3A_745 = arith.constant 0 : i32
      %dma_start3A_746 = tpu.memref_slice %arg4[%add3A_737, %dma_start3A_745] : memref<204800x128xf32, #tpu.memory_space<hbm>> -> memref<128x128xf32, #tpu.memory_space<hbm>>
      %dma_start3A_747 = arith.constant 0 : i32
      %dma_start3A_748 = arith.constant 0 : i32
      %dma_start3A_749 = tpu.memref_slice %arg6[%dma_start3A_738, %dma_start3A_747, %dma_start3A_748] : memref<5x128x128xf32, #tpu.memory_space<vmem>> -> memref<1x128x128xf32, #tpu.memory_space<vmem>>
      %dma_start3A_750 = tpu.memref_squeeze %dma_start3A_749 : memref<1x128x128xf32, #tpu.memory_space<vmem>> -> memref<128x128xf32, #tpu.memory_space<vmem>>
      tpu.enqueue_dma source(%dma_start3A_750 : memref<128x128xf32, #tpu.memory_space<vmem>>) target(%dma_start3A_746 : memref<128x128xf32, #tpu.memory_space<hbm>>) target_semaphore(%arg13 : memref<!tpu.dma_semaphore, #tpu.memory_space<semaphore_mem>>)
      %dma_wait3A_751 = arith.constant 4 : i32
      %dma_wait3A_752 = arith.constant 0 : i32
      %dma_wait3A_753 = arith.constant 0 : i32
      %dma_wait3A_754 = tpu.memref_slice %arg6[%dma_wait3A_751, %dma_wait3A_752, %dma_wait3A_753] : memref<5x128x128xf32, #tpu.memory_space<vmem>> -> memref<1x128x128xf32, #tpu.memory_space<vmem>>
      %dma_wait3A_755 = tpu.memref_squeeze %dma_wait3A_754 : memref<1x128x128xf32, #tpu.memory_space<vmem>> -> memref<128x128xf32, #tpu.memory_space<vmem>>
      %dma_wait3A_756 = arith.constant 0 : i32
      %dma_wait3A_757 = arith.constant 0 : i32
      %dma_wait3A_758 = tpu.memref_slice %arg3[%dma_wait3A_756, %dma_wait3A_757] : memref<100000x128xf32, #tpu.memory_space<hbm>> -> memref<128x128xf32, #tpu.memory_space<hbm>>
      %dma_wait3A_759 = arith.constant 0 : i32
      %dma_wait3A_760 = arith.constant 0 : i32
      %dma_wait3A_761 = tpu.memref_slice %arg6[%dma_wait3A_751, %dma_wait3A_759, %dma_wait3A_760] : memref<5x128x128xf32, #tpu.memory_space<vmem>> -> memref<1x128x128xf32, #tpu.memory_space<vmem>>
      %dma_wait3A_762 = tpu.memref_squeeze %dma_wait3A_761 : memref<1x128x128xf32, #tpu.memory_space<vmem>> -> memref<128x128xf32, #tpu.memory_space<vmem>>
      %dma_wait3A_763 = arith.constant 0 : i32
      %dma_wait3A_764 = arith.constant 0 : i32
      %dma_wait3A_765 = tpu.memref_slice %arg3[%dma_wait3A_763, %dma_wait3A_764] : memref<100000x128xf32, #tpu.memory_space<hbm>> -> memref<128x128xf32, #tpu.memory_space<hbm>>
      tpu.wait_dma2 semaphore(%arg16 : memref<!tpu.dma_semaphore, #tpu.memory_space<semaphore_mem>>) src(%dma_wait3A_765 : memref<128x128xf32, #tpu.memory_space<hbm>>) dst(%dma_wait3A_762 : memref<128x128xf32, #tpu.memory_space<vmem>>)
      %dma_start3A_766 = arith.constant 4 : i32
      %dma_start3A_767 = arith.constant 0 : i32
      %dma_start3A_768 = arith.constant 0 : i32
      %dma_start3A_769 = tpu.memref_slice %arg6[%dma_start3A_766, %dma_start3A_767, %dma_start3A_768] : memref<5x128x128xf32, #tpu.memory_space<vmem>> -> memref<1x128x128xf32, #tpu.memory_space<vmem>>
      %dma_start3A_770 = tpu.memref_squeeze %dma_start3A_769 : memref<1x128x128xf32, #tpu.memory_space<vmem>> -> memref<128x128xf32, #tpu.memory_space<vmem>>
      %dma_start3A_771 = arith.constant 0 : i32
      %dma_start3A_772 = tpu.memref_slice %arg5[%add3A_713, %dma_start3A_771] : memref<50x128xi32, #tpu.memory_space<vmem>> -> memref<1x128xi32, #tpu.memory_space<vmem>>
      %dma_start3A_773 = tpu.memref_squeeze %dma_start3A_772 : memref<1x128xi32, #tpu.memory_space<vmem>> -> memref<128xi32, #tpu.memory_space<vmem>>
      %dma_start3A_774 = arith.constant 0 : i32
      %dma_start3A_775 = arith.constant 0 : i32
      %dma_start3A_776 = tpu.memref_slice %arg3[%dma_start3A_774, %dma_start3A_775] : memref<100000x128xf32, #tpu.memory_space<hbm>> -> memref<100000x128xf32, #tpu.memory_space<hbm>>
      tpu.enqueue_indirect_dma source(%dma_start3A_776 : memref<100000x128xf32, #tpu.memory_space<hbm>>) target(%dma_start3A_770 : memref<128x128xf32, #tpu.memory_space<vmem>>) offsets(%dma_start3A_773 : memref<128xi32, #tpu.memory_space<vmem>>) semaphore(%arg11 : memref<!tpu.dma_semaphore, #tpu.memory_space<semaphore_mem>>)
      %add3A_777 = arith.constant 2 : i32
      %add3A_778 = arith.addi %mul3A_638, %add3A_777 : i32
      %add3A_779 = arith.constant 2 : i32
      %add3A_780 = arith.addi %mul3A_638, %add3A_779 : i32
      %add3A_781 = arith.constant 3 : i32
      %add3A_782 = arith.addi %add3A_780, %add3A_781 : i32
      %dma_wait3A_783 = arith.constant 2 : i32
      %dma_wait3A_784 = arith.constant 0 : i32
      %dma_wait3A_785 = arith.constant 0 : i32
      %dma_wait3A_786 = tpu.memref_slice %arg6[%dma_wait3A_783, %dma_wait3A_784, %dma_wait3A_785] : memref<5x128x128xf32, #tpu.memory_space<vmem>> -> memref<1x128x128xf32, #tpu.memory_space<vmem>>
      %dma_wait3A_787 = tpu.memref_squeeze %dma_wait3A_786 : memref<1x128x128xf32, #tpu.memory_space<vmem>> -> memref<128x128xf32, #tpu.memory_space<vmem>>
      %dma_wait3A_788 = arith.constant 0 : i32
      %dma_wait3A_789 = arith.constant 0 : i32
      %dma_wait3A_790 = tpu.memref_slice %arg3[%dma_wait3A_788, %dma_wait3A_789] : memref<100000x128xf32, #tpu.memory_space<hbm>> -> memref<128x128xf32, #tpu.memory_space<hbm>>
      %dma_wait3A_791 = arith.constant 0 : i32
      %dma_wait3A_792 = arith.constant 0 : i32
      %dma_wait3A_793 = tpu.memref_slice %arg6[%dma_wait3A_783, %dma_wait3A_791, %dma_wait3A_792] : memref<5x128x128xf32, #tpu.memory_space<vmem>> -> memref<1x128x128xf32, #tpu.memory_space<vmem>>
      %dma_wait3A_794 = tpu.memref_squeeze %dma_wait3A_793 : memref<1x128x128xf32, #tpu.memory_space<vmem>> -> memref<128x128xf32, #tpu.memory_space<vmem>>
      %dma_wait3A_795 = arith.constant 0 : i32
      %dma_wait3A_796 = arith.constant 0 : i32
      %dma_wait3A_797 = tpu.memref_slice %arg3[%dma_wait3A_795, %dma_wait3A_796] : memref<100000x128xf32, #tpu.memory_space<hbm>> -> memref<128x128xf32, #tpu.memory_space<hbm>>
      tpu.wait_dma2 semaphore(%arg9 : memref<!tpu.dma_semaphore, #tpu.memory_space<semaphore_mem>>) src(%dma_wait3A_797 : memref<128x128xf32, #tpu.memory_space<hbm>>) dst(%dma_wait3A_794 : memref<128x128xf32, #tpu.memory_space<vmem>>)
      %scan3A_798 = arith.constant 0 : i32
      %scan3A_799 = arith.constant 0 : i32
      %scan3A_800 = arith.constant 128 : i32
      %scan3A_801 = arith.addi %scan3A_799, %scan3A_800 : i32
      %scan3A_802 = arith.constant 1 : i32
      scf.for %scan3A_984 = %scan3A_799 to %scan3A_801 step %scan3A_802  : i32 {
        %get3A = arith.constant 2 : i32
        %get3A_985 = arith.index_cast %get3A : i32 to index
        %get3A_986 = arith.index_cast %scan3A_984 : i32 to index
        %get3A_987 = arith.constant 0 : index
        %get3A_988 = tpu.vector_load %arg6[%get3A_985, %get3A_986, %get3A_987] {strides = array<i32>} : memref<5x128x128xf32, #tpu.memory_space<vmem>>, vector<1x1x16xf32>,
        %get3A_989 = vector.shape_cast %get3A_988 : vector<1x1x16xf32> to vector<16xf32>
        %mul3A_990 = arith.constant 11.3137083 : f32
        %mul3A_991 = vector.broadcast %mul3A_990 : f32 to vector<16xf32>
        %mul3A_992 = arith.mulf %get3A_989, %mul3A_991 : vector<16xf32>
        %swap3A = arith.constant 2 : i32
        %swap3A_993 = arith.index_cast %swap3A : i32 to index
        %swap3A_994 = arith.index_cast %scan3A_984 : i32 to index
        %swap3A_995 = arith.constant 0 : index
        %swap3A_996 = tpu.vector_load %arg6[%swap3A_993, %swap3A_994, %swap3A_995] {strides = array<i32>} : memref<5x128x128xf32, #tpu.memory_space<vmem>>, vector<1x1x16xf32>,
        %swap3A_997 = vector.shape_cast %swap3A_996 : vector<1x1x16xf32> to vector<16xf32>
        %swap3A_998 = vector.shape_cast %mul3A_992 : vector<16xf32> to vector<1x1x16xf32>
        tpu.vector_store %arg6[%swap3A_993, %swap3A_994, %swap3A_995], %swap3A_998 {strides = array<i32>} : memref<5x128x128xf32, #tpu.memory_space<vmem>>, vector<1x1x16xf32>,
        %get3A_999 = arith.constant 2 : i32
        %get3A_1000 = arith.index_cast %get3A_999 : i32 to index
        %get3A_1001 = arith.index_cast %scan3A_984 : i32 to index
        %get3A_1002 = arith.constant 16 : index
        %get3A_1003 = tpu.vector_load %arg6[%get3A_1000, %get3A_1001, %get3A_1002] {strides = array<i32>} : memref<5x128x128xf32, #tpu.memory_space<vmem>>, vector<1x1x16xf32>,
        %get3A_1004 = vector.shape_cast %get3A_1003 : vector<1x1x16xf32> to vector<16xf32>
        %mul3A_1005 = arith.constant 11.3137083 : f32
        %mul3A_1006 = vector.broadcast %mul3A_1005 : f32 to vector<16xf32>
        %mul3A_1007 = arith.mulf %get3A_1004, %mul3A_1006 : vector<16xf32>
        %swap3A_1008 = arith.constant 2 : i32
        %swap3A_1009 = arith.index_cast %swap3A_1008 : i32 to index
        %swap3A_1010 = arith.index_cast %scan3A_984 : i32 to index
        %swap3A_1011 = arith.constant 16 : index
        %swap3A_1012 = tpu.vector_load %arg6[%swap3A_1009, %swap3A_1010, %swap3A_1011] {strides = array<i32>} : memref<5x128x128xf32, #tpu.memory_space<vmem>>, vector<1x1x16xf32>,
        %swap3A_1013 = vector.shape_cast %swap3A_1012 : vector<1x1x16xf32> to vector<16xf32>
        %swap3A_1014 = vector.shape_cast %mul3A_1007 : vector<16xf32> to vector<1x1x16xf32>
        tpu.vector_store %arg6[%swap3A_1009, %swap3A_1010, %swap3A_1011], %swap3A_1014 {strides = array<i32>} : memref<5x128x128xf32, #tpu.memory_space<vmem>>, vector<1x1x16xf32>,
        %get3A_1015 = arith.constant 2 : i32
        %get3A_1016 = arith.index_cast %get3A_1015 : i32 to index
        %get3A_1017 = arith.index_cast %scan3A_984 : i32 to index
        %get3A_1018 = arith.constant 32 : index
        %get3A_1019 = tpu.vector_load %arg6[%get3A_1016, %get3A_1017, %get3A_1018] {strides = array<i32>} : memref<5x128x128xf32, #tpu.memory_space<vmem>>, vector<1x1x16xf32>,
        %get3A_1020 = vector.shape_cast %get3A_1019 : vector<1x1x16xf32> to vector<16xf32>
        %mul3A_1021 = arith.constant 11.3137083 : f32
        %mul3A_1022 = vector.broadcast %mul3A_1021 : f32 to vector<16xf32>
        %mul3A_1023 = arith.mulf %get3A_1020, %mul3A_1022 : vector<16xf32>
        %swap3A_1024 = arith.constant 2 : i32
        %swap3A_1025 = arith.index_cast %swap3A_1024 : i32 to index
        %swap3A_1026 = arith.index_cast %scan3A_984 : i32 to index
        %swap3A_1027 = arith.constant 32 : index
        %swap3A_1028 = tpu.vector_load %arg6[%swap3A_1025, %swap3A_1026, %swap3A_1027] {strides = array<i32>} : memref<5x128x128xf32, #tpu.memory_space<vmem>>, vector<1x1x16xf32>,
        %swap3A_1029 = vector.shape_cast %swap3A_1028 : vector<1x1x16xf32> to vector<16xf32>
        %swap3A_1030 = vector.shape_cast %mul3A_1023 : vector<16xf32> to vector<1x1x16xf32>
        tpu.vector_store %arg6[%swap3A_1025, %swap3A_1026, %swap3A_1027], %swap3A_1030 {strides = array<i32>} : memref<5x128x128xf32, #tpu.memory_space<vmem>>, vector<1x1x16xf32>,
        %get3A_1031 = arith.constant 2 : i32
        %get3A_1032 = arith.index_cast %get3A_1031 : i32 to index
        %get3A_1033 = arith.index_cast %scan3A_984 : i32 to index
        %get3A_1034 = arith.constant 48 : index
        %get3A_1035 = tpu.vector_load %arg6[%get3A_1032, %get3A_1033, %get3A_1034] {strides = array<i32>} : memref<5x128x128xf32, #tpu.memory_space<vmem>>, vector<1x1x16xf32>,
        %get3A_1036 = vector.shape_cast %get3A_1035 : vector<1x1x16xf32> to vector<16xf32>
        %mul3A_1037 = arith.constant 11.3137083 : f32
        %mul3A_1038 = vector.broadcast %mul3A_1037 : f32 to vector<16xf32>
        %mul3A_1039 = arith.mulf %get3A_1036, %mul3A_1038 : vector<16xf32>
        %swap3A_1040 = arith.constant 2 : i32
        %swap3A_1041 = arith.index_cast %swap3A_1040 : i32 to index
        %swap3A_1042 = arith.index_cast %scan3A_984 : i32 to index
        %swap3A_1043 = arith.constant 48 : index
        %swap3A_1044 = tpu.vector_load %arg6[%swap3A_1041, %swap3A_1042, %swap3A_1043] {strides = array<i32>} : memref<5x128x128xf32, #tpu.memory_space<vmem>>, vector<1x1x16xf32>,
        %swap3A_1045 = vector.shape_cast %swap3A_1044 : vector<1x1x16xf32> to vector<16xf32>
        %swap3A_1046 = vector.shape_cast %mul3A_1039 : vector<16xf32> to vector<1x1x16xf32>
        tpu.vector_store %arg6[%swap3A_1041, %swap3A_1042, %swap3A_1043], %swap3A_1046 {strides = array<i32>} : memref<5x128x128xf32, #tpu.memory_space<vmem>>, vector<1x1x16xf32>,
        %get3A_1047 = arith.constant 2 : i32
        %get3A_1048 = arith.index_cast %get3A_1047 : i32 to index
        %get3A_1049 = arith.index_cast %scan3A_984 : i32 to index
        %get3A_1050 = arith.constant 64 : index
        %get3A_1051 = tpu.vector_load %arg6[%get3A_1048, %get3A_1049, %get3A_1050] {strides = array<i32>} : memref<5x128x128xf32, #tpu.memory_space<vmem>>, vector<1x1x16xf32>,
        %get3A_1052 = vector.shape_cast %get3A_1051 : vector<1x1x16xf32> to vector<16xf32>
        %mul3A_1053 = arith.constant 11.3137083 : f32
        %mul3A_1054 = vector.broadcast %mul3A_1053 : f32 to vector<16xf32>
        %mul3A_1055 = arith.mulf %get3A_1052, %mul3A_1054 : vector<16xf32>
        %swap3A_1056 = arith.constant 2 : i32
        %swap3A_1057 = arith.index_cast %swap3A_1056 : i32 to index
        %swap3A_1058 = arith.index_cast %scan3A_984 : i32 to index
        %swap3A_1059 = arith.constant 64 : index
        %swap3A_1060 = tpu.vector_load %arg6[%swap3A_1057, %swap3A_1058, %swap3A_1059] {strides = array<i32>} : memref<5x128x128xf32, #tpu.memory_space<vmem>>, vector<1x1x16xf32>,
        %swap3A_1061 = vector.shape_cast %swap3A_1060 : vector<1x1x16xf32> to vector<16xf32>
        %swap3A_1062 = vector.shape_cast %mul3A_1055 : vector<16xf32> to vector<1x1x16xf32>
        tpu.vector_store %arg6[%swap3A_1057, %swap3A_1058, %swap3A_1059], %swap3A_1062 {strides = array<i32>} : memref<5x128x128xf32, #tpu.memory_space<vmem>>, vector<1x1x16xf32>,
        %get3A_1063 = arith.constant 2 : i32
        %get3A_1064 = arith.index_cast %get3A_1063 : i32 to index
        %get3A_1065 = arith.index_cast %scan3A_984 : i32 to index
        %get3A_1066 = arith.constant 80 : index
        %get3A_1067 = tpu.vector_load %arg6[%get3A_1064, %get3A_1065, %get3A_1066] {strides = array<i32>} : memref<5x128x128xf32, #tpu.memory_space<vmem>>, vector<1x1x16xf32>,
        %get3A_1068 = vector.shape_cast %get3A_1067 : vector<1x1x16xf32> to vector<16xf32>
        %mul3A_1069 = arith.constant 11.3137083 : f32
        %mul3A_1070 = vector.broadcast %mul3A_1069 : f32 to vector<16xf32>
        %mul3A_1071 = arith.mulf %get3A_1068, %mul3A_1070 : vector<16xf32>
        %swap3A_1072 = arith.constant 2 : i32
        %swap3A_1073 = arith.index_cast %swap3A_1072 : i32 to index
        %swap3A_1074 = arith.index_cast %scan3A_984 : i32 to index
        %swap3A_1075 = arith.constant 80 : index
        %swap3A_1076 = tpu.vector_load %arg6[%swap3A_1073, %swap3A_1074, %swap3A_1075] {strides = array<i32>} : memref<5x128x128xf32, #tpu.memory_space<vmem>>, vector<1x1x16xf32>,
        %swap3A_1077 = vector.shape_cast %swap3A_1076 : vector<1x1x16xf32> to vector<16xf32>
        %swap3A_1078 = vector.shape_cast %mul3A_1071 : vector<16xf32> to vector<1x1x16xf32>
        tpu.vector_store %arg6[%swap3A_1073, %swap3A_1074, %swap3A_1075], %swap3A_1078 {strides = array<i32>} : memref<5x128x128xf32, #tpu.memory_space<vmem>>, vector<1x1x16xf32>,
        %get3A_1079 = arith.constant 2 : i32
        %get3A_1080 = arith.index_cast %get3A_1079 : i32 to index
        %get3A_1081 = arith.index_cast %scan3A_984 : i32 to index
        %get3A_1082 = arith.constant 96 : index
        %get3A_1083 = tpu.vector_load %arg6[%get3A_1080, %get3A_1081, %get3A_1082] {strides = array<i32>} : memref<5x128x128xf32, #tpu.memory_space<vmem>>, vector<1x1x16xf32>,
        %get3A_1084 = vector.shape_cast %get3A_1083 : vector<1x1x16xf32> to vector<16xf32>
        %mul3A_1085 = arith.constant 11.3137083 : f32
        %mul3A_1086 = vector.broadcast %mul3A_1085 : f32 to vector<16xf32>
        %mul3A_1087 = arith.mulf %get3A_1084, %mul3A_1086 : vector<16xf32>
        %swap3A_1088 = arith.constant 2 : i32
        %swap3A_1089 = arith.index_cast %swap3A_1088 : i32 to index
        %swap3A_1090 = arith.index_cast %scan3A_984 : i32 to index
        %swap3A_1091 = arith.constant 96 : index
        %swap3A_1092 = tpu.vector_load %arg6[%swap3A_1089, %swap3A_1090, %swap3A_1091] {strides = array<i32>} : memref<5x128x128xf32, #tpu.memory_space<vmem>>, vector<1x1x16xf32>,
        %swap3A_1093 = vector.shape_cast %swap3A_1092 : vector<1x1x16xf32> to vector<16xf32>
        %swap3A_1094 = vector.shape_cast %mul3A_1087 : vector<16xf32> to vector<1x1x16xf32>
        tpu.vector_store %arg6[%swap3A_1089, %swap3A_1090, %swap3A_1091], %swap3A_1094 {strides = array<i32>} : memref<5x128x128xf32, #tpu.memory_space<vmem>>, vector<1x1x16xf32>,
        %get3A_1095 = arith.constant 2 : i32
        %get3A_1096 = arith.index_cast %get3A_1095 : i32 to index
        %get3A_1097 = arith.index_cast %scan3A_984 : i32 to index
        %get3A_1098 = arith.constant 112 : index
        %get3A_1099 = tpu.vector_load %arg6[%get3A_1096, %get3A_1097, %get3A_1098] {strides = array<i32>} : memref<5x128x128xf32, #tpu.memory_space<vmem>>, vector<1x1x16xf32>,
        %get3A_1100 = vector.shape_cast %get3A_1099 : vector<1x1x16xf32> to vector<16xf32>
        %mul3A_1101 = arith.constant 11.3137083 : f32
        %mul3A_1102 = vector.broadcast %mul3A_1101 : f32 to vector<16xf32>
        %mul3A_1103 = arith.mulf %get3A_1100, %mul3A_1102 : vector<16xf32>
        %swap3A_1104 = arith.constant 2 : i32
        %swap3A_1105 = arith.index_cast %swap3A_1104 : i32 to index
        %swap3A_1106 = arith.index_cast %scan3A_984 : i32 to index
        %swap3A_1107 = arith.constant 112 : index
        %swap3A_1108 = tpu.vector_load %arg6[%swap3A_1105, %swap3A_1106, %swap3A_1107] {strides = array<i32>} : memref<5x128x128xf32, #tpu.memory_space<vmem>>, vector<1x1x16xf32>,
        %swap3A_1109 = vector.shape_cast %swap3A_1108 : vector<1x1x16xf32> to vector<16xf32>
        %swap3A_1110 = vector.shape_cast %mul3A_1103 : vector<16xf32> to vector<1x1x16xf32>
        tpu.vector_store %arg6[%swap3A_1105, %swap3A_1106, %swap3A_1107], %swap3A_1110 {strides = array<i32>} : memref<5x128x128xf32, #tpu.memory_space<vmem>>, vector<1x1x16xf32>,
      }
      %scan3A_803 = arith.constant 128 : i32
      %mul3A_804 = arith.constant 128 : i32
      %mul3A_805 = arith.muli %add3A_778, %mul3A_804 : i32
      %add3A_806 = arith.addi %mul3A_2, %mul3A_805 : i32
      %dma_start3A_807 = arith.constant 2 : i32
      %dma_start3A_808 = arith.constant 0 : i32
      %dma_start3A_809 = arith.constant 0 : i32
      %dma_start3A_810 = tpu.memref_slice %arg6[%dma_start3A_807, %dma_start3A_808, %dma_start3A_809] : memref<5x128x128xf32, #tpu.memory_space<vmem>> -> memref<1x128x128xf32, #tpu.memory_space<vmem>>
      %dma_start3A_811 = tpu.memref_squeeze %dma_start3A_810 : memref<1x128x128xf32, #tpu.memory_space<vmem>> -> memref<128x128xf32, #tpu.memory_space<vmem>>
      %dma_start3A_812 = arith.constant 0 : i32
      %dma_start3A_813 = tpu.memref_slice %arg4[%add3A_806, %dma_start3A_812] : memref<204800x128xf32, #tpu.memory_space<hbm>> -> memref<128x128xf32, #tpu.memory_space<hbm>>
      %dma_start3A_814 = arith.constant 0 : i32
      %dma_start3A_815 = tpu.memref_slice %arg4[%add3A_806, %dma_start3A_814] : memref<204800x128xf32, #tpu.memory_space<hbm>> -> memref<128x128xf32, #tpu.memory_space<hbm>>
      %dma_start3A_816 = arith.constant 0 : i32
      %dma_start3A_817 = arith.constant 0 : i32
      %dma_start3A_818 = tpu.memref_slice %arg6[%dma_start3A_807, %dma_start3A_816, %dma_start3A_817] : memref<5x128x128xf32, #tpu.memory_space<vmem>> -> memref<1x128x128xf32, #tpu.memory_space<vmem>>
      %dma_start3A_819 = tpu.memref_squeeze %dma_start3A_818 : memref<1x128x128xf32, #tpu.memory_space<vmem>> -> memref<128x128xf32, #tpu.memory_space<vmem>>
      tpu.enqueue_dma source(%dma_start3A_819 : memref<128x128xf32, #tpu.memory_space<vmem>>) target(%dma_start3A_815 : memref<128x128xf32, #tpu.memory_space<hbm>>) target_semaphore(%arg14 : memref<!tpu.dma_semaphore, #tpu.memory_space<semaphore_mem>>)
      %dma_wait3A_820 = arith.constant 0 : i32
      %dma_wait3A_821 = arith.constant 0 : i32
      %dma_wait3A_822 = arith.constant 0 : i32
      %dma_wait3A_823 = tpu.memref_slice %arg6[%dma_wait3A_820, %dma_wait3A_821, %dma_wait3A_822] : memref<5x128x128xf32, #tpu.memory_space<vmem>> -> memref<1x128x128xf32, #tpu.memory_space<vmem>>
      %dma_wait3A_824 = tpu.memref_squeeze %dma_wait3A_823 : memref<1x128x128xf32, #tpu.memory_space<vmem>> -> memref<128x128xf32, #tpu.memory_space<vmem>>
      %dma_wait3A_825 = arith.constant 0 : i32
      %dma_wait3A_826 = arith.constant 0 : i32
      %dma_wait3A_827 = tpu.memref_slice %arg3[%dma_wait3A_825, %dma_wait3A_826] : memref<100000x128xf32, #tpu.memory_space<hbm>> -> memref<128x128xf32, #tpu.memory_space<hbm>>
      %dma_wait3A_828 = arith.constant 0 : i32
      %dma_wait3A_829 = arith.constant 0 : i32
      %dma_wait3A_830 = tpu.memref_slice %arg6[%dma_wait3A_820, %dma_wait3A_828, %dma_wait3A_829] : memref<5x128x128xf32, #tpu.memory_space<vmem>> -> memref<1x128x128xf32, #tpu.memory_space<vmem>>
      %dma_wait3A_831 = tpu.memref_squeeze %dma_wait3A_830 : memref<1x128x128xf32, #tpu.memory_space<vmem>> -> memref<128x128xf32, #tpu.memory_space<vmem>>
      %dma_wait3A_832 = arith.constant 0 : i32
      %dma_wait3A_833 = arith.constant 0 : i32
      %dma_wait3A_834 = tpu.memref_slice %arg3[%dma_wait3A_832, %dma_wait3A_833] : memref<100000x128xf32, #tpu.memory_space<hbm>> -> memref<128x128xf32, #tpu.memory_space<hbm>>
      tpu.wait_dma2 semaphore(%arg12 : memref<!tpu.dma_semaphore, #tpu.memory_space<semaphore_mem>>) src(%dma_wait3A_834 : memref<128x128xf32, #tpu.memory_space<hbm>>) dst(%dma_wait3A_831 : memref<128x128xf32, #tpu.memory_space<vmem>>)
      %dma_start3A_835 = arith.constant 0 : i32
      %dma_start3A_836 = arith.constant 0 : i32
      %dma_start3A_837 = arith.constant 0 : i32
      %dma_start3A_838 = tpu.memref_slice %arg6[%dma_start3A_835, %dma_start3A_836, %dma_start3A_837] : memref<5x128x128xf32, #tpu.memory_space<vmem>> -> memref<1x128x128xf32, #tpu.memory_space<vmem>>
      %dma_start3A_839 = tpu.memref_squeeze %dma_start3A_838 : memref<1x128x128xf32, #tpu.memory_space<vmem>> -> memref<128x128xf32, #tpu.memory_space<vmem>>
      %dma_start3A_840 = arith.constant 0 : i32
      %dma_start3A_841 = tpu.memref_slice %arg5[%add3A_782, %dma_start3A_840] : memref<50x128xi32, #tpu.memory_space<vmem>> -> memref<1x128xi32, #tpu.memory_space<vmem>>
      %dma_start3A_842 = tpu.memref_squeeze %dma_start3A_841 : memref<1x128xi32, #tpu.memory_space<vmem>> -> memref<128xi32, #tpu.memory_space<vmem>>
      %dma_start3A_843 = arith.constant 0 : i32
      %dma_start3A_844 = arith.constant 0 : i32
      %dma_start3A_845 = tpu.memref_slice %arg3[%dma_start3A_843, %dma_start3A_844] : memref<100000x128xf32, #tpu.memory_space<hbm>> -> memref<100000x128xf32, #tpu.memory_space<hbm>>
      tpu.enqueue_indirect_dma source(%dma_start3A_845 : memref<100000x128xf32, #tpu.memory_space<hbm>>) target(%dma_start3A_839 : memref<128x128xf32, #tpu.memory_space<vmem>>) offsets(%dma_start3A_842 : memref<128xi32, #tpu.memory_space<vmem>>) semaphore(%arg7 : memref<!tpu.dma_semaphore, #tpu.memory_space<semaphore_mem>>)
      %add3A_846 = arith.constant 3 : i32
      %add3A_847 = arith.addi %mul3A_638, %add3A_846 : i32
      %add3A_848 = arith.constant 3 : i32
      %add3A_849 = arith.addi %mul3A_638, %add3A_848 : i32
      %add3A_850 = arith.constant 3 : i32
      %add3A_851 = arith.addi %add3A_849, %add3A_850 : i32
      %dma_wait3A_852 = arith.constant 3 : i32
      %dma_wait3A_853 = arith.constant 0 : i32
      %dma_wait3A_854 = arith.constant 0 : i32
      %dma_wait3A_855 = tpu.memref_slice %arg6[%dma_wait3A_852, %dma_wait3A_853, %dma_wait3A_854] : memref<5x128x128xf32, #tpu.memory_space<vmem>> -> memref<1x128x128xf32, #tpu.memory_space<vmem>>
      %dma_wait3A_856 = tpu.memref_squeeze %dma_wait3A_855 : memref<1x128x128xf32, #tpu.memory_space<vmem>> -> memref<128x128xf32, #tpu.memory_space<vmem>>
      %dma_wait3A_857 = arith.constant 0 : i32
      %dma_wait3A_858 = arith.constant 0 : i32
      %dma_wait3A_859 = tpu.memref_slice %arg3[%dma_wait3A_857, %dma_wait3A_858] : memref<100000x128xf32, #tpu.memory_space<hbm>> -> memref<128x128xf32, #tpu.memory_space<hbm>>
      %dma_wait3A_860 = arith.constant 0 : i32
      %dma_wait3A_861 = arith.constant 0 : i32
      %dma_wait3A_862 = tpu.memref_slice %arg6[%dma_wait3A_852, %dma_wait3A_860, %dma_wait3A_861] : memref<5x128x128xf32, #tpu.memory_space<vmem>> -> memref<1x128x128xf32, #tpu.memory_space<vmem>>
      %dma_wait3A_863 = tpu.memref_squeeze %dma_wait3A_862 : memref<1x128x128xf32, #tpu.memory_space<vmem>> -> memref<128x128xf32, #tpu.memory_space<vmem>>
      %dma_wait3A_864 = arith.constant 0 : i32
      %dma_wait3A_865 = arith.constant 0 : i32
      %dma_wait3A_866 = tpu.memref_slice %arg3[%dma_wait3A_864, %dma_wait3A_865] : memref<100000x128xf32, #tpu.memory_space<hbm>> -> memref<128x128xf32, #tpu.memory_space<hbm>>
      tpu.wait_dma2 semaphore(%arg10 : memref<!tpu.dma_semaphore, #tpu.memory_space<semaphore_mem>>) src(%dma_wait3A_866 : memref<128x128xf32, #tpu.memory_space<hbm>>) dst(%dma_wait3A_863 : memref<128x128xf32, #tpu.memory_space<vmem>>)
      %scan3A_867 = arith.constant 0 : i32
      %scan3A_868 = arith.constant 0 : i32
      %scan3A_869 = arith.constant 128 : i32
      %scan3A_870 = arith.addi %scan3A_868, %scan3A_869 : i32
      %scan3A_871 = arith.constant 1 : i32
      scf.for %scan3A_984 = %scan3A_868 to %scan3A_870 step %scan3A_871  : i32 {
        %get3A = arith.constant 3 : i32
        %get3A_985 = arith.index_cast %get3A : i32 to index
        %get3A_986 = arith.index_cast %scan3A_984 : i32 to index
        %get3A_987 = arith.constant 0 : index
        %get3A_988 = tpu.vector_load %arg6[%get3A_985, %get3A_986, %get3A_987] {strides = array<i32>} : memref<5x128x128xf32, #tpu.memory_space<vmem>>, vector<1x1x16xf32>,
        %get3A_989 = vector.shape_cast %get3A_988 : vector<1x1x16xf32> to vector<16xf32>
        %mul3A_990 = arith.constant 11.3137083 : f32
        %mul3A_991 = vector.broadcast %mul3A_990 : f32 to vector<16xf32>
        %mul3A_992 = arith.mulf %get3A_989, %mul3A_991 : vector<16xf32>
        %swap3A = arith.constant 3 : i32
        %swap3A_993 = arith.index_cast %swap3A : i32 to index
        %swap3A_994 = arith.index_cast %scan3A_984 : i32 to index
        %swap3A_995 = arith.constant 0 : index
        %swap3A_996 = tpu.vector_load %arg6[%swap3A_993, %swap3A_994, %swap3A_995] {strides = array<i32>} : memref<5x128x128xf32, #tpu.memory_space<vmem>>, vector<1x1x16xf32>,
        %swap3A_997 = vector.shape_cast %swap3A_996 : vector<1x1x16xf32> to vector<16xf32>
        %swap3A_998 = vector.shape_cast %mul3A_992 : vector<16xf32> to vector<1x1x16xf32>
        tpu.vector_store %arg6[%swap3A_993, %swap3A_994, %swap3A_995], %swap3A_998 {strides = array<i32>} : memref<5x128x128xf32, #tpu.memory_space<vmem>>, vector<1x1x16xf32>,
        %get3A_999 = arith.constant 3 : i32
        %get3A_1000 = arith.index_cast %get3A_999 : i32 to index
        %get3A_1001 = arith.index_cast %scan3A_984 : i32 to index
        %get3A_1002 = arith.constant 16 : index
        %get3A_1003 = tpu.vector_load %arg6[%get3A_1000, %get3A_1001, %get3A_1002] {strides = array<i32>} : memref<5x128x128xf32, #tpu.memory_space<vmem>>, vector<1x1x16xf32>,
        %get3A_1004 = vector.shape_cast %get3A_1003 : vector<1x1x16xf32> to vector<16xf32>
        %mul3A_1005 = arith.constant 11.3137083 : f32
        %mul3A_1006 = vector.broadcast %mul3A_1005 : f32 to vector<16xf32>
        %mul3A_1007 = arith.mulf %get3A_1004, %mul3A_1006 : vector<16xf32>
        %swap3A_1008 = arith.constant 3 : i32
        %swap3A_1009 = arith.index_cast %swap3A_1008 : i32 to index
        %swap3A_1010 = arith.index_cast %scan3A_984 : i32 to index
        %swap3A_1011 = arith.constant 16 : index
        %swap3A_1012 = tpu.vector_load %arg6[%swap3A_1009, %swap3A_1010, %swap3A_1011] {strides = array<i32>} : memref<5x128x128xf32, #tpu.memory_space<vmem>>, vector<1x1x16xf32>,
        %swap3A_1013 = vector.shape_cast %swap3A_1012 : vector<1x1x16xf32> to vector<16xf32>
        %swap3A_1014 = vector.shape_cast %mul3A_1007 : vector<16xf32> to vector<1x1x16xf32>
        tpu.vector_store %arg6[%swap3A_1009, %swap3A_1010, %swap3A_1011], %swap3A_1014 {strides = array<i32>} : memref<5x128x128xf32, #tpu.memory_space<vmem>>, vector<1x1x16xf32>,
        %get3A_1015 = arith.constant 3 : i32
        %get3A_1016 = arith.index_cast %get3A_1015 : i32 to index
        %get3A_1017 = arith.index_cast %scan3A_984 : i32 to index
        %get3A_1018 = arith.constant 32 : index
        %get3A_1019 = tpu.vector_load %arg6[%get3A_1016, %get3A_1017, %get3A_1018] {strides = array<i32>} : memref<5x128x128xf32, #tpu.memory_space<vmem>>, vector<1x1x16xf32>,
        %get3A_1020 = vector.shape_cast %get3A_1019 : vector<1x1x16xf32> to vector<16xf32>
        %mul3A_1021 = arith.constant 11.3137083 : f32
        %mul3A_1022 = vector.broadcast %mul3A_1021 : f32 to vector<16xf32>
        %mul3A_1023 = arith.mulf %get3A_1020, %mul3A_1022 : vector<16xf32>
        %swap3A_1024 = arith.constant 3 : i32
        %swap3A_1025 = arith.index_cast %swap3A_1024 : i32 to index
        %swap3A_1026 = arith.index_cast %scan3A_984 : i32 to index
        %swap3A_1027 = arith.constant 32 : index
        %swap3A_1028 = tpu.vector_load %arg6[%swap3A_1025, %swap3A_1026, %swap3A_1027] {strides = array<i32>} : memref<5x128x128xf32, #tpu.memory_space<vmem>>, vector<1x1x16xf32>,
        %swap3A_1029 = vector.shape_cast %swap3A_1028 : vector<1x1x16xf32> to vector<16xf32>
        %swap3A_1030 = vector.shape_cast %mul3A_1023 : vector<16xf32> to vector<1x1x16xf32>
        tpu.vector_store %arg6[%swap3A_1025, %swap3A_1026, %swap3A_1027], %swap3A_1030 {strides = array<i32>} : memref<5x128x128xf32, #tpu.memory_space<vmem>>, vector<1x1x16xf32>,
        %get3A_1031 = arith.constant 3 : i32
        %get3A_1032 = arith.index_cast %get3A_1031 : i32 to index
        %get3A_1033 = arith.index_cast %scan3A_984 : i32 to index
        %get3A_1034 = arith.constant 48 : index
        %get3A_1035 = tpu.vector_load %arg6[%get3A_1032, %get3A_1033, %get3A_1034] {strides = array<i32>} : memref<5x128x128xf32, #tpu.memory_space<vmem>>, vector<1x1x16xf32>,
        %get3A_1036 = vector.shape_cast %get3A_1035 : vector<1x1x16xf32> to vector<16xf32>
        %mul3A_1037 = arith.constant 11.3137083 : f32
        %mul3A_1038 = vector.broadcast %mul3A_1037 : f32 to vector<16xf32>
        %mul3A_1039 = arith.mulf %get3A_1036, %mul3A_1038 : vector<16xf32>
        %swap3A_1040 = arith.constant 3 : i32
        %swap3A_1041 = arith.index_cast %swap3A_1040 : i32 to index
        %swap3A_1042 = arith.index_cast %scan3A_984 : i32 to index
        %swap3A_1043 = arith.constant 48 : index
        %swap3A_1044 = tpu.vector_load %arg6[%swap3A_1041, %swap3A_1042, %swap3A_1043] {strides = array<i32>} : memref<5x128x128xf32, #tpu.memory_space<vmem>>, vector<1x1x16xf32>,
        %swap3A_1045 = vector.shape_cast %swap3A_1044 : vector<1x1x16xf32> to vector<16xf32>
        %swap3A_1046 = vector.shape_cast %mul3A_1039 : vector<16xf32> to vector<1x1x16xf32>
        tpu.vector_store %arg6[%swap3A_1041, %swap3A_1042, %swap3A_1043], %swap3A_1046 {strides = array<i32>} : memref<5x128x128xf32, #tpu.memory_space<vmem>>, vector<1x1x16xf32>,
        %get3A_1047 = arith.constant 3 : i32
        %get3A_1048 = arith.index_cast %get3A_1047 : i32 to index
        %get3A_1049 = arith.index_cast %scan3A_984 : i32 to index
        %get3A_1050 = arith.constant 64 : index
        %get3A_1051 = tpu.vector_load %arg6[%get3A_1048, %get3A_1049, %get3A_1050] {strides = array<i32>} : memref<5x128x128xf32, #tpu.memory_space<vmem>>, vector<1x1x16xf32>,
        %get3A_1052 = vector.shape_cast %get3A_1051 : vector<1x1x16xf32> to vector<16xf32>
        %mul3A_1053 = arith.constant 11.3137083 : f32
        %mul3A_1054 = vector.broadcast %mul3A_1053 : f32 to vector<16xf32>
        %mul3A_1055 = arith.mulf %get3A_1052, %mul3A_1054 : vector<16xf32>
        %swap3A_1056 = arith.constant 3 : i32
        %swap3A_1057 = arith.index_cast %swap3A_1056 : i32 to index
        %swap3A_1058 = arith.index_cast %scan3A_984 : i32 to index
        %swap3A_1059 = arith.constant 64 : index
        %swap3A_1060 = tpu.vector_load %arg6[%swap3A_1057, %swap3A_1058, %swap3A_1059] {strides = array<i32>} : memref<5x128x128xf32, #tpu.memory_space<vmem>>, vector<1x1x16xf32>,
        %swap3A_1061 = vector.shape_cast %swap3A_1060 : vector<1x1x16xf32> to vector<16xf32>
        %swap3A_1062 = vector.shape_cast %mul3A_1055 : vector<16xf32> to vector<1x1x16xf32>
        tpu.vector_store %arg6[%swap3A_1057, %swap3A_1058, %swap3A_1059], %swap3A_1062 {strides = array<i32>} : memref<5x128x128xf32, #tpu.memory_space<vmem>>, vector<1x1x16xf32>,
        %get3A_1063 = arith.constant 3 : i32
        %get3A_1064 = arith.index_cast %get3A_1063 : i32 to index
        %get3A_1065 = arith.index_cast %scan3A_984 : i32 to index
        %get3A_1066 = arith.constant 80 : index
        %get3A_1067 = tpu.vector_load %arg6[%get3A_1064, %get3A_1065, %get3A_1066] {strides = array<i32>} : memref<5x128x128xf32, #tpu.memory_space<vmem>>, vector<1x1x16xf32>,
        %get3A_1068 = vector.shape_cast %get3A_1067 : vector<1x1x16xf32> to vector<16xf32>
        %mul3A_1069 = arith.constant 11.3137083 : f32
        %mul3A_1070 = vector.broadcast %mul3A_1069 : f32 to vector<16xf32>
        %mul3A_1071 = arith.mulf %get3A_1068, %mul3A_1070 : vector<16xf32>
        %swap3A_1072 = arith.constant 3 : i32
        %swap3A_1073 = arith.index_cast %swap3A_1072 : i32 to index
        %swap3A_1074 = arith.index_cast %scan3A_984 : i32 to index
        %swap3A_1075 = arith.constant 80 : index
        %swap3A_1076 = tpu.vector_load %arg6[%swap3A_1073, %swap3A_1074, %swap3A_1075] {strides = array<i32>} : memref<5x128x128xf32, #tpu.memory_space<vmem>>, vector<1x1x16xf32>,
        %swap3A_1077 = vector.shape_cast %swap3A_1076 : vector<1x1x16xf32> to vector<16xf32>
        %swap3A_1078 = vector.shape_cast %mul3A_1071 : vector<16xf32> to vector<1x1x16xf32>
        tpu.vector_store %arg6[%swap3A_1073, %swap3A_1074, %swap3A_1075], %swap3A_1078 {strides = array<i32>} : memref<5x128x128xf32, #tpu.memory_space<vmem>>, vector<1x1x16xf32>,
        %get3A_1079 = arith.constant 3 : i32
        %get3A_1080 = arith.index_cast %get3A_1079 : i32 to index
        %get3A_1081 = arith.index_cast %scan3A_984 : i32 to index
        %get3A_1082 = arith.constant 96 : index
        %get3A_1083 = tpu.vector_load %arg6[%get3A_1080, %get3A_1081, %get3A_1082] {strides = array<i32>} : memref<5x128x128xf32, #tpu.memory_space<vmem>>, vector<1x1x16xf32>,
        %get3A_1084 = vector.shape_cast %get3A_1083 : vector<1x1x16xf32> to vector<16xf32>
        %mul3A_1085 = arith.constant 11.3137083 : f32
        %mul3A_1086 = vector.broadcast %mul3A_1085 : f32 to vector<16xf32>
        %mul3A_1087 = arith.mulf %get3A_1084, %mul3A_1086 : vector<16xf32>
        %swap3A_1088 = arith.constant 3 : i32
        %swap3A_1089 = arith.index_cast %swap3A_1088 : i32 to index
        %swap3A_1090 = arith.index_cast %scan3A_984 : i32 to index
        %swap3A_1091 = arith.constant 96 : index
        %swap3A_1092 = tpu.vector_load %arg6[%swap3A_1089, %swap3A_1090, %swap3A_1091] {strides = array<i32>} : memref<5x128x128xf32, #tpu.memory_space<vmem>>, vector<1x1x16xf32>,
        %swap3A_1093 = vector.shape_cast %swap3A_1092 : vector<1x1x16xf32> to vector<16xf32>
        %swap3A_1094 = vector.shape_cast %mul3A_1087 : vector<16xf32> to vector<1x1x16xf32>
        tpu.vector_store %arg6[%swap3A_1089, %swap3A_1090, %swap3A_1091], %swap3A_1094 {strides = array<i32>} : memref<5x128x128xf32, #tpu.memory_space<vmem>>, vector<1x1x16xf32>,
        %get3A_1095 = arith.constant 3 : i32
        %get3A_1096 = arith.index_cast %get3A_1095 : i32 to index
        %get3A_1097 = arith.index_cast %scan3A_984 : i32 to index
        %get3A_1098 = arith.constant 112 : index
        %get3A_1099 = tpu.vector_load %arg6[%get3A_1096, %get3A_1097, %get3A_1098] {strides = array<i32>} : memref<5x128x128xf32, #tpu.memory_space<vmem>>, vector<1x1x16xf32>,
        %get3A_1100 = vector.shape_cast %get3A_1099 : vector<1x1x16xf32> to vector<16xf32>
        %mul3A_1101 = arith.constant 11.3137083 : f32
        %mul3A_1102 = vector.broadcast %mul3A_1101 : f32 to vector<16xf32>
        %mul3A_1103 = arith.mulf %get3A_1100, %mul3A_1102 : vector<16xf32>
        %swap3A_1104 = arith.constant 3 : i32
        %swap3A_1105 = arith.index_cast %swap3A_1104 : i32 to index
        %swap3A_1106 = arith.index_cast %scan3A_984 : i32 to index
        %swap3A_1107 = arith.constant 112 : index
        %swap3A_1108 = tpu.vector_load %arg6[%swap3A_1105, %swap3A_1106, %swap3A_1107] {strides = array<i32>} : memref<5x128x128xf32, #tpu.memory_space<vmem>>, vector<1x1x16xf32>,
        %swap3A_1109 = vector.shape_cast %swap3A_1108 : vector<1x1x16xf32> to vector<16xf32>
        %swap3A_1110 = vector.shape_cast %mul3A_1103 : vector<16xf32> to vector<1x1x16xf32>
        tpu.vector_store %arg6[%swap3A_1105, %swap3A_1106, %swap3A_1107], %swap3A_1110 {strides = array<i32>} : memref<5x128x128xf32, #tpu.memory_space<vmem>>, vector<1x1x16xf32>,
      }
      %scan3A_872 = arith.constant 128 : i32
      %mul3A_873 = arith.constant 128 : i32
      %mul3A_874 = arith.muli %add3A_847, %mul3A_873 : i32
      %add3A_875 = arith.addi %mul3A_2, %mul3A_874 : i32
      %dma_start3A_876 = arith.constant 3 : i32
      %dma_start3A_877 = arith.constant 0 : i32
      %dma_start3A_878 = arith.constant 0 : i32
      %dma_start3A_879 = tpu.memref_slice %arg6[%dma_start3A_876, %dma_start3A_877, %dma_start3A_878] : memref<5x128x128xf32, #tpu.memory_space<vmem>> -> memref<1x128x128xf32, #tpu.memory_space<vmem>>
      %dma_start3A_880 = tpu.memref_squeeze %dma_start3A_879 : memref<1x128x128xf32, #tpu.memory_space<vmem>> -> memref<128x128xf32, #tpu.memory_space<vmem>>
      %dma_start3A_881 = arith.constant 0 : i32
      %dma_start3A_882 = tpu.memref_slice %arg4[%add3A_875, %dma_start3A_881] : memref<204800x128xf32, #tpu.memory_space<hbm>> -> memref<128x128xf32, #tpu.memory_space<hbm>>
      %dma_start3A_883 = arith.constant 0 : i32
      %dma_start3A_884 = tpu.memref_slice %arg4[%add3A_875, %dma_start3A_883] : memref<204800x128xf32, #tpu.memory_space<hbm>> -> memref<128x128xf32, #tpu.memory_space<hbm>>
      %dma_start3A_885 = arith.constant 0 : i32
      %dma_start3A_886 = arith.constant 0 : i32
      %dma_start3A_887 = tpu.memref_slice %arg6[%dma_start3A_876, %dma_start3A_885, %dma_start3A_886] : memref<5x128x128xf32, #tpu.memory_space<vmem>> -> memref<1x128x128xf32, #tpu.memory_space<vmem>>
      %dma_start3A_888 = tpu.memref_squeeze %dma_start3A_887 : memref<1x128x128xf32, #tpu.memory_space<vmem>> -> memref<128x128xf32, #tpu.memory_space<vmem>>
      tpu.enqueue_dma source(%dma_start3A_888 : memref<128x128xf32, #tpu.memory_space<vmem>>) target(%dma_start3A_884 : memref<128x128xf32, #tpu.memory_space<hbm>>) target_semaphore(%arg15 : memref<!tpu.dma_semaphore, #tpu.memory_space<semaphore_mem>>)
      %dma_wait3A_889 = arith.constant 1 : i32
      %dma_wait3A_890 = arith.constant 0 : i32
      %dma_wait3A_891 = arith.constant 0 : i32
      %dma_wait3A_892 = tpu.memref_slice %arg6[%dma_wait3A_889, %dma_wait3A_890, %dma_wait3A_891] : memref<5x128x128xf32, #tpu.memory_space<vmem>> -> memref<1x128x128xf32, #tpu.memory_space<vmem>>
      %dma_wait3A_893 = tpu.memref_squeeze %dma_wait3A_892 : memref<1x128x128xf32, #tpu.memory_space<vmem>> -> memref<128x128xf32, #tpu.memory_space<vmem>>
      %dma_wait3A_894 = arith.constant 0 : i32
      %dma_wait3A_895 = arith.constant 0 : i32
      %dma_wait3A_896 = tpu.memref_slice %arg3[%dma_wait3A_894, %dma_wait3A_895] : memref<100000x128xf32, #tpu.memory_space<hbm>> -> memref<128x128xf32, #tpu.memory_space<hbm>>
      %dma_wait3A_897 = arith.constant 0 : i32
      %dma_wait3A_898 = arith.constant 0 : i32
      %dma_wait3A_899 = tpu.memref_slice %arg6[%dma_wait3A_889, %dma_wait3A_897, %dma_wait3A_898] : memref<5x128x128xf32, #tpu.memory_space<vmem>> -> memref<1x128x128xf32, #tpu.memory_space<vmem>>
      %dma_wait3A_900 = tpu.memref_squeeze %dma_wait3A_899 : memref<1x128x128xf32, #tpu.memory_space<vmem>> -> memref<128x128xf32, #tpu.memory_space<vmem>>
      %dma_wait3A_901 = arith.constant 0 : i32
      %dma_wait3A_902 = arith.constant 0 : i32
      %dma_wait3A_903 = tpu.memref_slice %arg3[%dma_wait3A_901, %dma_wait3A_902] : memref<100000x128xf32, #tpu.memory_space<hbm>> -> memref<128x128xf32, #tpu.memory_space<hbm>>
      tpu.wait_dma2 semaphore(%arg13 : memref<!tpu.dma_semaphore, #tpu.memory_space<semaphore_mem>>) src(%dma_wait3A_903 : memref<128x128xf32, #tpu.memory_space<hbm>>) dst(%dma_wait3A_900 : memref<128x128xf32, #tpu.memory_space<vmem>>)
      %dma_start3A_904 = arith.constant 1 : i32
      %dma_start3A_905 = arith.constant 0 : i32
      %dma_start3A_906 = arith.constant 0 : i32
      %dma_start3A_907 = tpu.memref_slice %arg6[%dma_start3A_904, %dma_start3A_905, %dma_start3A_906] : memref<5x128x128xf32, #tpu.memory_space<vmem>> -> memref<1x128x128xf32, #tpu.memory_space<vmem>>
      %dma_start3A_908 = tpu.memref_squeeze %dma_start3A_907 : memref<1x128x128xf32, #tpu.memory_space<vmem>> -> memref<128x128xf32, #tpu.memory_space<vmem>>
      %dma_start3A_909 = arith.constant 0 : i32
      %dma_start3A_910 = tpu.memref_slice %arg5[%add3A_851, %dma_start3A_909] : memref<50x128xi32, #tpu.memory_space<vmem>> -> memref<1x128xi32, #tpu.memory_space<vmem>>
      %dma_start3A_911 = tpu.memref_squeeze %dma_start3A_910 : memref<1x128xi32, #tpu.memory_space<vmem>> -> memref<128xi32, #tpu.memory_space<vmem>>
      %dma_start3A_912 = arith.constant 0 : i32
      %dma_start3A_913 = arith.constant 0 : i32
      %dma_start3A_914 = tpu.memref_slice %arg3[%dma_start3A_912, %dma_start3A_913] : memref<100000x128xf32, #tpu.memory_space<hbm>> -> memref<100000x128xf32, #tpu.memory_space<hbm>>
      tpu.enqueue_indirect_dma source(%dma_start3A_914 : memref<100000x128xf32, #tpu.memory_space<hbm>>) target(%dma_start3A_908 : memref<128x128xf32, #tpu.memory_space<vmem>>) offsets(%dma_start3A_911 : memref<128xi32, #tpu.memory_space<vmem>>) semaphore(%arg8 : memref<!tpu.dma_semaphore, #tpu.memory_space<semaphore_mem>>)
      %add3A_915 = arith.constant 4 : i32
      %add3A_916 = arith.addi %mul3A_638, %add3A_915 : i32
      %add3A_917 = arith.constant 4 : i32
      %add3A_918 = arith.addi %mul3A_638, %add3A_917 : i32
      %add3A_919 = arith.constant 3 : i32
      %add3A_920 = arith.addi %add3A_918, %add3A_919 : i32
      %dma_wait3A_921 = arith.constant 4 : i32
      %dma_wait3A_922 = arith.constant 0 : i32
      %dma_wait3A_923 = arith.constant 0 : i32
      %dma_wait3A_924 = tpu.memref_slice %arg6[%dma_wait3A_921, %dma_wait3A_922, %dma_wait3A_923] : memref<5x128x128xf32, #tpu.memory_space<vmem>> -> memref<1x128x128xf32, #tpu.memory_space<vmem>>
      %dma_wait3A_925 = tpu.memref_squeeze %dma_wait3A_924 : memref<1x128x128xf32, #tpu.memory_space<vmem>> -> memref<128x128xf32, #tpu.memory_space<vmem>>
      %dma_wait3A_926 = arith.constant 0 : i32
      %dma_wait3A_927 = arith.constant 0 : i32
      %dma_wait3A_928 = tpu.memref_slice %arg3[%dma_wait3A_926, %dma_wait3A_927] : memref<100000x128xf32, #tpu.memory_space<hbm>> -> memref<128x128xf32, #tpu.memory_space<hbm>>
      %dma_wait3A_929 = arith.constant 0 : i32
      %dma_wait3A_930 = arith.constant 0 : i32
      %dma_wait3A_931 = tpu.memref_slice %arg6[%dma_wait3A_921, %dma_wait3A_929, %dma_wait3A_930] : memref<5x128x128xf32, #tpu.memory_space<vmem>> -> memref<1x128x128xf32, #tpu.memory_space<vmem>>
      %dma_wait3A_932 = tpu.memref_squeeze %dma_wait3A_931 : memref<1x128x128xf32, #tpu.memory_space<vmem>> -> memref<128x128xf32, #tpu.memory_space<vmem>>
      %dma_wait3A_933 = arith.constant 0 : i32
      %dma_wait3A_934 = arith.constant 0 : i32
      %dma_wait3A_935 = tpu.memref_slice %arg3[%dma_wait3A_933, %dma_wait3A_934] : memref<100000x128xf32, #tpu.memory_space<hbm>> -> memref<128x128xf32, #tpu.memory_space<hbm>>
      tpu.wait_dma2 semaphore(%arg11 : memref<!tpu.dma_semaphore, #tpu.memory_space<semaphore_mem>>) src(%dma_wait3A_935 : memref<128x128xf32, #tpu.memory_space<hbm>>) dst(%dma_wait3A_932 : memref<128x128xf32, #tpu.memory_space<vmem>>)
      %scan3A_936 = arith.constant 0 : i32
      %scan3A_937 = arith.constant 0 : i32
      %scan3A_938 = arith.constant 128 : i32
      %scan3A_939 = arith.addi %scan3A_937, %scan3A_938 : i32
      %scan3A_940 = arith.constant 1 : i32
      scf.for %scan3A_984 = %scan3A_937 to %scan3A_939 step %scan3A_940  : i32 {
        %get3A = arith.constant 4 : i32
        %get3A_985 = arith.index_cast %get3A : i32 to index
        %get3A_986 = arith.index_cast %scan3A_984 : i32 to index
        %get3A_987 = arith.constant 0 : index
        %get3A_988 = tpu.vector_load %arg6[%get3A_985, %get3A_986, %get3A_987] {strides = array<i32>} : memref<5x128x128xf32, #tpu.memory_space<vmem>>, vector<1x1x16xf32>,
        %get3A_989 = vector.shape_cast %get3A_988 : vector<1x1x16xf32> to vector<16xf32>
        %mul3A_990 = arith.constant 11.3137083 : f32
        %mul3A_991 = vector.broadcast %mul3A_990 : f32 to vector<16xf32>
        %mul3A_992 = arith.mulf %get3A_989, %mul3A_991 : vector<16xf32>
        %swap3A = arith.constant 4 : i32
        %swap3A_993 = arith.index_cast %swap3A : i32 to index
        %swap3A_994 = arith.index_cast %scan3A_984 : i32 to index
        %swap3A_995 = arith.constant 0 : index
        %swap3A_996 = tpu.vector_load %arg6[%swap3A_993, %swap3A_994, %swap3A_995] {strides = array<i32>} : memref<5x128x128xf32, #tpu.memory_space<vmem>>, vector<1x1x16xf32>,
        %swap3A_997 = vector.shape_cast %swap3A_996 : vector<1x1x16xf32> to vector<16xf32>
        %swap3A_998 = vector.shape_cast %mul3A_992 : vector<16xf32> to vector<1x1x16xf32>
        tpu.vector_store %arg6[%swap3A_993, %swap3A_994, %swap3A_995], %swap3A_998 {strides = array<i32>} : memref<5x128x128xf32, #tpu.memory_space<vmem>>, vector<1x1x16xf32>,
        %get3A_999 = arith.constant 4 : i32
        %get3A_1000 = arith.index_cast %get3A_999 : i32 to index
        %get3A_1001 = arith.index_cast %scan3A_984 : i32 to index
        %get3A_1002 = arith.constant 16 : index
        %get3A_1003 = tpu.vector_load %arg6[%get3A_1000, %get3A_1001, %get3A_1002] {strides = array<i32>} : memref<5x128x128xf32, #tpu.memory_space<vmem>>, vector<1x1x16xf32>,
        %get3A_1004 = vector.shape_cast %get3A_1003 : vector<1x1x16xf32> to vector<16xf32>
        %mul3A_1005 = arith.constant 11.3137083 : f32
        %mul3A_1006 = vector.broadcast %mul3A_1005 : f32 to vector<16xf32>
        %mul3A_1007 = arith.mulf %get3A_1004, %mul3A_1006 : vector<16xf32>
        %swap3A_1008 = arith.constant 4 : i32
        %swap3A_1009 = arith.index_cast %swap3A_1008 : i32 to index
        %swap3A_1010 = arith.index_cast %scan3A_984 : i32 to index
        %swap3A_1011 = arith.constant 16 : index
        %swap3A_1012 = tpu.vector_load %arg6[%swap3A_1009, %swap3A_1010, %swap3A_1011] {strides = array<i32>} : memref<5x128x128xf32, #tpu.memory_space<vmem>>, vector<1x1x16xf32>,
        %swap3A_1013 = vector.shape_cast %swap3A_1012 : vector<1x1x16xf32> to vector<16xf32>
        %swap3A_1014 = vector.shape_cast %mul3A_1007 : vector<16xf32> to vector<1x1x16xf32>
        tpu.vector_store %arg6[%swap3A_1009, %swap3A_1010, %swap3A_1011], %swap3A_1014 {strides = array<i32>} : memref<5x128x128xf32, #tpu.memory_space<vmem>>, vector<1x1x16xf32>,
        %get3A_1015 = arith.constant 4 : i32
        %get3A_1016 = arith.index_cast %get3A_1015 : i32 to index
        %get3A_1017 = arith.index_cast %scan3A_984 : i32 to index
        %get3A_1018 = arith.constant 32 : index
        %get3A_1019 = tpu.vector_load %arg6[%get3A_1016, %get3A_1017, %get3A_1018] {strides = array<i32>} : memref<5x128x128xf32, #tpu.memory_space<vmem>>, vector<1x1x16xf32>,
        %get3A_1020 = vector.shape_cast %get3A_1019 : vector<1x1x16xf32> to vector<16xf32>
        %mul3A_1021 = arith.constant 11.3137083 : f32
        %mul3A_1022 = vector.broadcast %mul3A_1021 : f32 to vector<16xf32>
        %mul3A_1023 = arith.mulf %get3A_1020, %mul3A_1022 : vector<16xf32>
        %swap3A_1024 = arith.constant 4 : i32
        %swap3A_1025 = arith.index_cast %swap3A_1024 : i32 to index
        %swap3A_1026 = arith.index_cast %scan3A_984 : i32 to index
        %swap3A_1027 = arith.constant 32 : index
        %swap3A_1028 = tpu.vector_load %arg6[%swap3A_1025, %swap3A_1026, %swap3A_1027] {strides = array<i32>} : memref<5x128x128xf32, #tpu.memory_space<vmem>>, vector<1x1x16xf32>,
        %swap3A_1029 = vector.shape_cast %swap3A_1028 : vector<1x1x16xf32> to vector<16xf32>
        %swap3A_1030 = vector.shape_cast %mul3A_1023 : vector<16xf32> to vector<1x1x16xf32>
        tpu.vector_store %arg6[%swap3A_1025, %swap3A_1026, %swap3A_1027], %swap3A_1030 {strides = array<i32>} : memref<5x128x128xf32, #tpu.memory_space<vmem>>, vector<1x1x16xf32>,
        %get3A_1031 = arith.constant 4 : i32
        %get3A_1032 = arith.index_cast %get3A_1031 : i32 to index
        %get3A_1033 = arith.index_cast %scan3A_984 : i32 to index
        %get3A_1034 = arith.constant 48 : index
        %get3A_1035 = tpu.vector_load %arg6[%get3A_1032, %get3A_1033, %get3A_1034] {strides = array<i32>} : memref<5x128x128xf32, #tpu.memory_space<vmem>>, vector<1x1x16xf32>,
        %get3A_1036 = vector.shape_cast %get3A_1035 : vector<1x1x16xf32> to vector<16xf32>
        %mul3A_1037 = arith.constant 11.3137083 : f32
        %mul3A_1038 = vector.broadcast %mul3A_1037 : f32 to vector<16xf32>
        %mul3A_1039 = arith.mulf %get3A_1036, %mul3A_1038 : vector<16xf32>
        %swap3A_1040 = arith.constant 4 : i32
        %swap3A_1041 = arith.index_cast %swap3A_1040 : i32 to index
        %swap3A_1042 = arith.index_cast %scan3A_984 : i32 to index
        %swap3A_1043 = arith.constant 48 : index
        %swap3A_1044 = tpu.vector_load %arg6[%swap3A_1041, %swap3A_1042, %swap3A_1043] {strides = array<i32>} : memref<5x128x128xf32, #tpu.memory_space<vmem>>, vector<1x1x16xf32>,
        %swap3A_1045 = vector.shape_cast %swap3A_1044 : vector<1x1x16xf32> to vector<16xf32>
        %swap3A_1046 = vector.shape_cast %mul3A_1039 : vector<16xf32> to vector<1x1x16xf32>
        tpu.vector_store %arg6[%swap3A_1041, %swap3A_1042, %swap3A_1043], %swap3A_1046 {strides = array<i32>} : memref<5x128x128xf32, #tpu.memory_space<vmem>>, vector<1x1x16xf32>,
        %get3A_1047 = arith.constant 4 : i32
        %get3A_1048 = arith.index_cast %get3A_1047 : i32 to index
        %get3A_1049 = arith.index_cast %scan3A_984 : i32 to index
        %get3A_1050 = arith.constant 64 : index
        %get3A_1051 = tpu.vector_load %arg6[%get3A_1048, %get3A_1049, %get3A_1050] {strides = array<i32>} : memref<5x128x128xf32, #tpu.memory_space<vmem>>, vector<1x1x16xf32>,
        %get3A_1052 = vector.shape_cast %get3A_1051 : vector<1x1x16xf32> to vector<16xf32>
        %mul3A_1053 = arith.constant 11.3137083 : f32
        %mul3A_1054 = vector.broadcast %mul3A_1053 : f32 to vector<16xf32>
        %mul3A_1055 = arith.mulf %get3A_1052, %mul3A_1054 : vector<16xf32>
        %swap3A_1056 = arith.constant 4 : i32
        %swap3A_1057 = arith.index_cast %swap3A_1056 : i32 to index
        %swap3A_1058 = arith.index_cast %scan3A_984 : i32 to index
        %swap3A_1059 = arith.constant 64 : index
        %swap3A_1060 = tpu.vector_load %arg6[%swap3A_1057, %swap3A_1058, %swap3A_1059] {strides = array<i32>} : memref<5x128x128xf32, #tpu.memory_space<vmem>>, vector<1x1x16xf32>,
        %swap3A_1061 = vector.shape_cast %swap3A_1060 : vector<1x1x16xf32> to vector<16xf32>
        %swap3A_1062 = vector.shape_cast %mul3A_1055 : vector<16xf32> to vector<1x1x16xf32>
        tpu.vector_store %arg6[%swap3A_1057, %swap3A_1058, %swap3A_1059], %swap3A_1062 {strides = array<i32>} : memref<5x128x128xf32, #tpu.memory_space<vmem>>, vector<1x1x16xf32>,
        %get3A_1063 = arith.constant 4 : i32
        %get3A_1064 = arith.index_cast %get3A_1063 : i32 to index
        %get3A_1065 = arith.index_cast %scan3A_984 : i32 to index
        %get3A_1066 = arith.constant 80 : index
        %get3A_1067 = tpu.vector_load %arg6[%get3A_1064, %get3A_1065, %get3A_1066] {strides = array<i32>} : memref<5x128x128xf32, #tpu.memory_space<vmem>>, vector<1x1x16xf32>,
        %get3A_1068 = vector.shape_cast %get3A_1067 : vector<1x1x16xf32> to vector<16xf32>
        %mul3A_1069 = arith.constant 11.3137083 : f32
        %mul3A_1070 = vector.broadcast %mul3A_1069 : f32 to vector<16xf32>
        %mul3A_1071 = arith.mulf %get3A_1068, %mul3A_1070 : vector<16xf32>
        %swap3A_1072 = arith.constant 4 : i32
        %swap3A_1073 = arith.index_cast %swap3A_1072 : i32 to index
        %swap3A_1074 = arith.index_cast %scan3A_984 : i32 to index
        %swap3A_1075 = arith.constant 80 : index
        %swap3A_1076 = tpu.vector_load %arg6[%swap3A_1073, %swap3A_1074, %swap3A_1075] {strides = array<i32>} : memref<5x128x128xf32, #tpu.memory_space<vmem>>, vector<1x1x16xf32>,
        %swap3A_1077 = vector.shape_cast %swap3A_1076 : vector<1x1x16xf32> to vector<16xf32>
        %swap3A_1078 = vector.shape_cast %mul3A_1071 : vector<16xf32> to vector<1x1x16xf32>
        tpu.vector_store %arg6[%swap3A_1073, %swap3A_1074, %swap3A_1075], %swap3A_1078 {strides = array<i32>} : memref<5x128x128xf32, #tpu.memory_space<vmem>>, vector<1x1x16xf32>,
        %get3A_1079 = arith.constant 4 : i32
        %get3A_1080 = arith.index_cast %get3A_1079 : i32 to index
        %get3A_1081 = arith.index_cast %scan3A_984 : i32 to index
        %get3A_1082 = arith.constant 96 : index
        %get3A_1083 = tpu.vector_load %arg6[%get3A_1080, %get3A_1081, %get3A_1082] {strides = array<i32>} : memref<5x128x128xf32, #tpu.memory_space<vmem>>, vector<1x1x16xf32>,
        %get3A_1084 = vector.shape_cast %get3A_1083 : vector<1x1x16xf32> to vector<16xf32>
        %mul3A_1085 = arith.constant 11.3137083 : f32
        %mul3A_1086 = vector.broadcast %mul3A_1085 : f32 to vector<16xf32>
        %mul3A_1087 = arith.mulf %get3A_1084, %mul3A_1086 : vector<16xf32>
        %swap3A_1088 = arith.constant 4 : i32
        %swap3A_1089 = arith.index_cast %swap3A_1088 : i32 to index
        %swap3A_1090 = arith.index_cast %scan3A_984 : i32 to index
        %swap3A_1091 = arith.constant 96 : index
        %swap3A_1092 = tpu.vector_load %arg6[%swap3A_1089, %swap3A_1090, %swap3A_1091] {strides = array<i32>} : memref<5x128x128xf32, #tpu.memory_space<vmem>>, vector<1x1x16xf32>,
        %swap3A_1093 = vector.shape_cast %swap3A_1092 : vector<1x1x16xf32> to vector<16xf32>
        %swap3A_1094 = vector.shape_cast %mul3A_1087 : vector<16xf32> to vector<1x1x16xf32>
        tpu.vector_store %arg6[%swap3A_1089, %swap3A_1090, %swap3A_1091], %swap3A_1094 {strides = array<i32>} : memref<5x128x128xf32, #tpu.memory_space<vmem>>, vector<1x1x16xf32>,
        %get3A_1095 = arith.constant 4 : i32
        %get3A_1096 = arith.index_cast %get3A_1095 : i32 to index
        %get3A_1097 = arith.index_cast %scan3A_984 : i32 to index
        %get3A_1098 = arith.constant 112 : index
        %get3A_1099 = tpu.vector_load %arg6[%get3A_1096, %get3A_1097, %get3A_1098] {strides = array<i32>} : memref<5x128x128xf32, #tpu.memory_space<vmem>>, vector<1x1x16xf32>,
        %get3A_1100 = vector.shape_cast %get3A_1099 : vector<1x1x16xf32> to vector<16xf32>
        %mul3A_1101 = arith.constant 11.3137083 : f32
        %mul3A_1102 = vector.broadcast %mul3A_1101 : f32 to vector<16xf32>
        %mul3A_1103 = arith.mulf %get3A_1100, %mul3A_1102 : vector<16xf32>
        %swap3A_1104 = arith.constant 4 : i32
        %swap3A_1105 = arith.index_cast %swap3A_1104 : i32 to index
        %swap3A_1106 = arith.index_cast %scan3A_984 : i32 to index
        %swap3A_1107 = arith.constant 112 : index
        %swap3A_1108 = tpu.vector_load %arg6[%swap3A_1105, %swap3A_1106, %swap3A_1107] {strides = array<i32>} : memref<5x128x128xf32, #tpu.memory_space<vmem>>, vector<1x1x16xf32>,
        %swap3A_1109 = vector.shape_cast %swap3A_1108 : vector<1x1x16xf32> to vector<16xf32>
        %swap3A_1110 = vector.shape_cast %mul3A_1103 : vector<16xf32> to vector<1x1x16xf32>
        tpu.vector_store %arg6[%swap3A_1105, %swap3A_1106, %swap3A_1107], %swap3A_1110 {strides = array<i32>} : memref<5x128x128xf32, #tpu.memory_space<vmem>>, vector<1x1x16xf32>,
      }
      %scan3A_941 = arith.constant 128 : i32
      %mul3A_942 = arith.constant 128 : i32
      %mul3A_943 = arith.muli %add3A_916, %mul3A_942 : i32
      %add3A_944 = arith.addi %mul3A_2, %mul3A_943 : i32
      %dma_start3A_945 = arith.constant 4 : i32
      %dma_start3A_946 = arith.constant 0 : i32
      %dma_start3A_947 = arith.constant 0 : i32
      %dma_start3A_948 = tpu.memref_slice %arg6[%dma_start3A_945, %dma_start3A_946, %dma_start3A_947] : memref<5x128x128xf32, #tpu.memory_space<vmem>> -> memref<1x128x128xf32, #tpu.memory_space<vmem>>
      %dma_start3A_949 = tpu.memref_squeeze %dma_start3A_948 : memref<1x128x128xf32, #tpu.memory_space<vmem>> -> memref<128x128xf32, #tpu.memory_space<vmem>>
      %dma_start3A_950 = arith.constant 0 : i32
      %dma_start3A_951 = tpu.memref_slice %arg4[%add3A_944, %dma_start3A_950] : memref<204800x128xf32, #tpu.memory_space<hbm>> -> memref<128x128xf32, #tpu.memory_space<hbm>>
      %dma_start3A_952 = arith.constant 0 : i32
      %dma_start3A_953 = tpu.memref_slice %arg4[%add3A_944, %dma_start3A_952] : memref<204800x128xf32, #tpu.memory_space<hbm>> -> memref<128x128xf32, #tpu.memory_space<hbm>>
      %dma_start3A_954 = arith.constant 0 : i32
      %dma_start3A_955 = arith.constant 0 : i32
      %dma_start3A_956 = tpu.memref_slice %arg6[%dma_start3A_945, %dma_start3A_954, %dma_start3A_955] : memref<5x128x128xf32, #tpu.memory_space<vmem>> -> memref<1x128x128xf32, #tpu.memory_space<vmem>>
      %dma_start3A_957 = tpu.memref_squeeze %dma_start3A_956 : memref<1x128x128xf32, #tpu.memory_space<vmem>> -> memref<128x128xf32, #tpu.memory_space<vmem>>
      tpu.enqueue_dma source(%dma_start3A_957 : memref<128x128xf32, #tpu.memory_space<vmem>>) target(%dma_start3A_953 : memref<128x128xf32, #tpu.memory_space<hbm>>) target_semaphore(%arg16 : memref<!tpu.dma_semaphore, #tpu.memory_space<semaphore_mem>>)
      %dma_wait3A_958 = arith.constant 2 : i32
      %dma_wait3A_959 = arith.constant 0 : i32
      %dma_wait3A_960 = arith.constant 0 : i32
      %dma_wait3A_961 = tpu.memref_slice %arg6[%dma_wait3A_958, %dma_wait3A_959, %dma_wait3A_960] : memref<5x128x128xf32, #tpu.memory_space<vmem>> -> memref<1x128x128xf32, #tpu.memory_space<vmem>>
      %dma_wait3A_962 = tpu.memref_squeeze %dma_wait3A_961 : memref<1x128x128xf32, #tpu.memory_space<vmem>> -> memref<128x128xf32, #tpu.memory_space<vmem>>
      %dma_wait3A_963 = arith.constant 0 : i32
      %dma_wait3A_964 = arith.constant 0 : i32
      %dma_wait3A_965 = tpu.memref_slice %arg3[%dma_wait3A_963, %dma_wait3A_964] : memref<100000x128xf32, #tpu.memory_space<hbm>> -> memref<128x128xf32, #tpu.memory_space<hbm>>
      %dma_wait3A_966 = arith.constant 0 : i32
      %dma_wait3A_967 = arith.constant 0 : i32
      %dma_wait3A_968 = tpu.memref_slice %arg6[%dma_wait3A_958, %dma_wait3A_966, %dma_wait3A_967] : memref<5x128x128xf32, #tpu.memory_space<vmem>> -> memref<1x128x128xf32, #tpu.memory_space<vmem>>
      %dma_wait3A_969 = tpu.memref_squeeze %dma_wait3A_968 : memref<1x128x128xf32, #tpu.memory_space<vmem>> -> memref<128x128xf32, #tpu.memory_space<vmem>>
      %dma_wait3A_970 = arith.constant 0 : i32
      %dma_wait3A_971 = arith.constant 0 : i32
      %dma_wait3A_972 = tpu.memref_slice %arg3[%dma_wait3A_970, %dma_wait3A_971] : memref<100000x128xf32, #tpu.memory_space<hbm>> -> memref<128x128xf32, #tpu.memory_space<hbm>>
      tpu.wait_dma2 semaphore(%arg14 : memref<!tpu.dma_semaphore, #tpu.memory_space<semaphore_mem>>) src(%dma_wait3A_972 : memref<128x128xf32, #tpu.memory_space<hbm>>) dst(%dma_wait3A_969 : memref<128x128xf32, #tpu.memory_space<vmem>>)
      %dma_start3A_973 = arith.constant 2 : i32
      %dma_start3A_974 = arith.constant 0 : i32
      %dma_start3A_975 = arith.constant 0 : i32
      %dma_start3A_976 = tpu.memref_slice %arg6[%dma_start3A_973, %dma_start3A_974, %dma_start3A_975] : memref<5x128x128xf32, #tpu.memory_space<vmem>> -> memref<1x128x128xf32, #tpu.memory_space<vmem>>
      %dma_start3A_977 = tpu.memref_squeeze %dma_start3A_976 : memref<1x128x128xf32, #tpu.memory_space<vmem>> -> memref<128x128xf32, #tpu.memory_space<vmem>>
      %dma_start3A_978 = arith.constant 0 : i32
      %dma_start3A_979 = tpu.memref_slice %arg5[%add3A_920, %dma_start3A_978] : memref<50x128xi32, #tpu.memory_space<vmem>> -> memref<1x128xi32, #tpu.memory_space<vmem>>
      %dma_start3A_980 = tpu.memref_squeeze %dma_start3A_979 : memref<1x128xi32, #tpu.memory_space<vmem>> -> memref<128xi32, #tpu.memory_space<vmem>>
      %dma_start3A_981 = arith.constant 0 : i32
      %dma_start3A_982 = arith.constant 0 : i32
      %dma_start3A_983 = tpu.memref_slice %arg3[%dma_start3A_981, %dma_start3A_982] : memref<100000x128xf32, #tpu.memory_space<hbm>> -> memref<100000x128xf32, #tpu.memory_space<hbm>>
      tpu.enqueue_indirect_dma source(%dma_start3A_983 : memref<100000x128xf32, #tpu.memory_space<hbm>>) target(%dma_start3A_977 : memref<128x128xf32, #tpu.memory_space<vmem>>) offsets(%dma_start3A_980 : memref<128xi32, #tpu.memory_space<vmem>>) semaphore(%arg9 : memref<!tpu.dma_semaphore, #tpu.memory_space<semaphore_mem>>)
    }
    %scan3A_326 = arith.constant 8 : i32
    %dma_wait3A_327 = arith.constant 0 : i32
    %dma_wait3A_328 = arith.constant 0 : i32
    %dma_wait3A_329 = arith.constant 0 : i32
    %dma_wait3A_330 = tpu.memref_slice %arg6[%dma_wait3A_327, %dma_wait3A_328, %dma_wait3A_329] : memref<5x128x128xf32, #tpu.memory_space<vmem>> -> memref<1x128x128xf32, #tpu.memory_space<vmem>>
    %dma_wait3A_331 = tpu.memref_squeeze %dma_wait3A_330 : memref<1x128x128xf32, #tpu.memory_space<vmem>> -> memref<128x128xf32, #tpu.memory_space<vmem>>
    %dma_wait3A_332 = arith.constant 0 : i32
    %dma_wait3A_333 = arith.constant 0 : i32
    %dma_wait3A_334 = tpu.memref_slice %arg3[%dma_wait3A_332, %dma_wait3A_333] : memref<100000x128xf32, #tpu.memory_space<hbm>> -> memref<128x128xf32, #tpu.memory_space<hbm>>
    %dma_wait3A_335 = arith.constant 0 : i32
    %dma_wait3A_336 = arith.constant 0 : i32
    %dma_wait3A_337 = tpu.memref_slice %arg6[%dma_wait3A_327, %dma_wait3A_335, %dma_wait3A_336] : memref<5x128x128xf32, #tpu.memory_space<vmem>> -> memref<1x128x128xf32, #tpu.memory_space<vmem>>
    %dma_wait3A_338 = tpu.memref_squeeze %dma_wait3A_337 : memref<1x128x128xf32, #tpu.memory_space<vmem>> -> memref<128x128xf32, #tpu.memory_space<vmem>>
    %dma_wait3A_339 = arith.constant 0 : i32
    %dma_wait3A_340 = arith.constant 0 : i32
    %dma_wait3A_341 = tpu.memref_slice %arg3[%dma_wait3A_339, %dma_wait3A_340] : memref<100000x128xf32, #tpu.memory_space<hbm>> -> memref<128x128xf32, #tpu.memory_space<hbm>>
    tpu.wait_dma2 semaphore(%arg7 : memref<!tpu.dma_semaphore, #tpu.memory_space<semaphore_mem>>) src(%dma_wait3A_341 : memref<128x128xf32, #tpu.memory_space<hbm>>) dst(%dma_wait3A_338 : memref<128x128xf32, #tpu.memory_space<vmem>>)
    %scan3A_342 = arith.constant 0 : i32
    %scan3A_343 = arith.constant 0 : i32
    %scan3A_344 = arith.constant 128 : i32
    %scan3A_345 = arith.addi %scan3A_343, %scan3A_344 : i32
    %scan3A_346 = arith.constant 1 : i32
    scf.for %scan3A_636 = %scan3A_343 to %scan3A_345 step %scan3A_346  : i32 {
      %get3A = arith.constant 0 : i32
      %get3A_637 = arith.index_cast %get3A : i32 to index
      %get3A_638 = arith.index_cast %scan3A_636 : i32 to index
      %get3A_639 = arith.constant 0 : index
      %get3A_640 = tpu.vector_load %arg6[%get3A_637, %get3A_638, %get3A_639] {strides = array<i32>} : memref<5x128x128xf32, #tpu.memory_space<vmem>>, vector<1x1x16xf32>,
      %get3A_641 = vector.shape_cast %get3A_640 : vector<1x1x16xf32> to vector<16xf32>
      %mul3A_642 = arith.constant 11.3137083 : f32
      %mul3A_643 = vector.broadcast %mul3A_642 : f32 to vector<16xf32>
      %mul3A_644 = arith.mulf %get3A_641, %mul3A_643 : vector<16xf32>
      %swap3A = arith.constant 0 : i32
      %swap3A_645 = arith.index_cast %swap3A : i32 to index
      %swap3A_646 = arith.index_cast %scan3A_636 : i32 to index
      %swap3A_647 = arith.constant 0 : index
      %swap3A_648 = tpu.vector_load %arg6[%swap3A_645, %swap3A_646, %swap3A_647] {strides = array<i32>} : memref<5x128x128xf32, #tpu.memory_space<vmem>>, vector<1x1x16xf32>,
      %swap3A_649 = vector.shape_cast %swap3A_648 : vector<1x1x16xf32> to vector<16xf32>
      %swap3A_650 = vector.shape_cast %mul3A_644 : vector<16xf32> to vector<1x1x16xf32>
      tpu.vector_store %arg6[%swap3A_645, %swap3A_646, %swap3A_647], %swap3A_650 {strides = array<i32>} : memref<5x128x128xf32, #tpu.memory_space<vmem>>, vector<1x1x16xf32>,
      %get3A_651 = arith.constant 0 : i32
      %get3A_652 = arith.index_cast %get3A_651 : i32 to index
      %get3A_653 = arith.index_cast %scan3A_636 : i32 to index
      %get3A_654 = arith.constant 16 : index
      %get3A_655 = tpu.vector_load %arg6[%get3A_652, %get3A_653, %get3A_654] {strides = array<i32>} : memref<5x128x128xf32, #tpu.memory_space<vmem>>, vector<1x1x16xf32>,
      %get3A_656 = vector.shape_cast %get3A_655 : vector<1x1x16xf32> to vector<16xf32>
      %mul3A_657 = arith.constant 11.3137083 : f32
      %mul3A_658 = vector.broadcast %mul3A_657 : f32 to vector<16xf32>
      %mul3A_659 = arith.mulf %get3A_656, %mul3A_658 : vector<16xf32>
      %swap3A_660 = arith.constant 0 : i32
      %swap3A_661 = arith.index_cast %swap3A_660 : i32 to index
      %swap3A_662 = arith.index_cast %scan3A_636 : i32 to index
      %swap3A_663 = arith.constant 16 : index
      %swap3A_664 = tpu.vector_load %arg6[%swap3A_661, %swap3A_662, %swap3A_663] {strides = array<i32>} : memref<5x128x128xf32, #tpu.memory_space<vmem>>, vector<1x1x16xf32>,
      %swap3A_665 = vector.shape_cast %swap3A_664 : vector<1x1x16xf32> to vector<16xf32>
      %swap3A_666 = vector.shape_cast %mul3A_659 : vector<16xf32> to vector<1x1x16xf32>
      tpu.vector_store %arg6[%swap3A_661, %swap3A_662, %swap3A_663], %swap3A_666 {strides = array<i32>} : memref<5x128x128xf32, #tpu.memory_space<vmem>>, vector<1x1x16xf32>,
      %get3A_667 = arith.constant 0 : i32
      %get3A_668 = arith.index_cast %get3A_667 : i32 to index
      %get3A_669 = arith.index_cast %scan3A_636 : i32 to index
      %get3A_670 = arith.constant 32 : index
      %get3A_671 = tpu.vector_load %arg6[%get3A_668, %get3A_669, %get3A_670] {strides = array<i32>} : memref<5x128x128xf32, #tpu.memory_space<vmem>>, vector<1x1x16xf32>,
      %get3A_672 = vector.shape_cast %get3A_671 : vector<1x1x16xf32> to vector<16xf32>
      %mul3A_673 = arith.constant 11.3137083 : f32
      %mul3A_674 = vector.broadcast %mul3A_673 : f32 to vector<16xf32>
      %mul3A_675 = arith.mulf %get3A_672, %mul3A_674 : vector<16xf32>
      %swap3A_676 = arith.constant 0 : i32
      %swap3A_677 = arith.index_cast %swap3A_676 : i32 to index
      %swap3A_678 = arith.index_cast %scan3A_636 : i32 to index
      %swap3A_679 = arith.constant 32 : index
      %swap3A_680 = tpu.vector_load %arg6[%swap3A_677, %swap3A_678, %swap3A_679] {strides = array<i32>} : memref<5x128x128xf32, #tpu.memory_space<vmem>>, vector<1x1x16xf32>,
      %swap3A_681 = vector.shape_cast %swap3A_680 : vector<1x1x16xf32> to vector<16xf32>
      %swap3A_682 = vector.shape_cast %mul3A_675 : vector<16xf32> to vector<1x1x16xf32>
      tpu.vector_store %arg6[%swap3A_677, %swap3A_678, %swap3A_679], %swap3A_682 {strides = array<i32>} : memref<5x128x128xf32, #tpu.memory_space<vmem>>, vector<1x1x16xf32>,
      %get3A_683 = arith.constant 0 : i32
      %get3A_684 = arith.index_cast %get3A_683 : i32 to index
      %get3A_685 = arith.index_cast %scan3A_636 : i32 to index
      %get3A_686 = arith.constant 48 : index
      %get3A_687 = tpu.vector_load %arg6[%get3A_684, %get3A_685, %get3A_686] {strides = array<i32>} : memref<5x128x128xf32, #tpu.memory_space<vmem>>, vector<1x1x16xf32>,
      %get3A_688 = vector.shape_cast %get3A_687 : vector<1x1x16xf32> to vector<16xf32>
      %mul3A_689 = arith.constant 11.3137083 : f32
      %mul3A_690 = vector.broadcast %mul3A_689 : f32 to vector<16xf32>
      %mul3A_691 = arith.mulf %get3A_688, %mul3A_690 : vector<16xf32>
      %swap3A_692 = arith.constant 0 : i32
      %swap3A_693 = arith.index_cast %swap3A_692 : i32 to index
      %swap3A_694 = arith.index_cast %scan3A_636 : i32 to index
      %swap3A_695 = arith.constant 48 : index
      %swap3A_696 = tpu.vector_load %arg6[%swap3A_693, %swap3A_694, %swap3A_695] {strides = array<i32>} : memref<5x128x128xf32, #tpu.memory_space<vmem>>, vector<1x1x16xf32>,
      %swap3A_697 = vector.shape_cast %swap3A_696 : vector<1x1x16xf32> to vector<16xf32>
      %swap3A_698 = vector.shape_cast %mul3A_691 : vector<16xf32> to vector<1x1x16xf32>
      tpu.vector_store %arg6[%swap3A_693, %swap3A_694, %swap3A_695], %swap3A_698 {strides = array<i32>} : memref<5x128x128xf32, #tpu.memory_space<vmem>>, vector<1x1x16xf32>,
      %get3A_699 = arith.constant 0 : i32
      %get3A_700 = arith.index_cast %get3A_699 : i32 to index
      %get3A_701 = arith.index_cast %scan3A_636 : i32 to index
      %get3A_702 = arith.constant 64 : index
      %get3A_703 = tpu.vector_load %arg6[%get3A_700, %get3A_701, %get3A_702] {strides = array<i32>} : memref<5x128x128xf32, #tpu.memory_space<vmem>>, vector<1x1x16xf32>,
      %get3A_704 = vector.shape_cast %get3A_703 : vector<1x1x16xf32> to vector<16xf32>
      %mul3A_705 = arith.constant 11.3137083 : f32
      %mul3A_706 = vector.broadcast %mul3A_705 : f32 to vector<16xf32>
      %mul3A_707 = arith.mulf %get3A_704, %mul3A_706 : vector<16xf32>
      %swap3A_708 = arith.constant 0 : i32
      %swap3A_709 = arith.index_cast %swap3A_708 : i32 to index
      %swap3A_710 = arith.index_cast %scan3A_636 : i32 to index
      %swap3A_711 = arith.constant 64 : index
      %swap3A_712 = tpu.vector_load %arg6[%swap3A_709, %swap3A_710, %swap3A_711] {strides = array<i32>} : memref<5x128x128xf32, #tpu.memory_space<vmem>>, vector<1x1x16xf32>,
      %swap3A_713 = vector.shape_cast %swap3A_712 : vector<1x1x16xf32> to vector<16xf32>
      %swap3A_714 = vector.shape_cast %mul3A_707 : vector<16xf32> to vector<1x1x16xf32>
      tpu.vector_store %arg6[%swap3A_709, %swap3A_710, %swap3A_711], %swap3A_714 {strides = array<i32>} : memref<5x128x128xf32, #tpu.memory_space<vmem>>, vector<1x1x16xf32>,
      %get3A_715 = arith.constant 0 : i32
      %get3A_716 = arith.index_cast %get3A_715 : i32 to index
      %get3A_717 = arith.index_cast %scan3A_636 : i32 to index
      %get3A_718 = arith.constant 80 : index
      %get3A_719 = tpu.vector_load %arg6[%get3A_716, %get3A_717, %get3A_718] {strides = array<i32>} : memref<5x128x128xf32, #tpu.memory_space<vmem>>, vector<1x1x16xf32>,
      %get3A_720 = vector.shape_cast %get3A_719 : vector<1x1x16xf32> to vector<16xf32>
      %mul3A_721 = arith.constant 11.3137083 : f32
      %mul3A_722 = vector.broadcast %mul3A_721 : f32 to vector<16xf32>
      %mul3A_723 = arith.mulf %get3A_720, %mul3A_722 : vector<16xf32>
      %swap3A_724 = arith.constant 0 : i32
      %swap3A_725 = arith.index_cast %swap3A_724 : i32 to index
      %swap3A_726 = arith.index_cast %scan3A_636 : i32 to index
      %swap3A_727 = arith.constant 80 : index
      %swap3A_728 = tpu.vector_load %arg6[%swap3A_725, %swap3A_726, %swap3A_727] {strides = array<i32>} : memref<5x128x128xf32, #tpu.memory_space<vmem>>, vector<1x1x16xf32>,
      %swap3A_729 = vector.shape_cast %swap3A_728 : vector<1x1x16xf32> to vector<16xf32>
      %swap3A_730 = vector.shape_cast %mul3A_723 : vector<16xf32> to vector<1x1x16xf32>
      tpu.vector_store %arg6[%swap3A_725, %swap3A_726, %swap3A_727], %swap3A_730 {strides = array<i32>} : memref<5x128x128xf32, #tpu.memory_space<vmem>>, vector<1x1x16xf32>,
      %get3A_731 = arith.constant 0 : i32
      %get3A_732 = arith.index_cast %get3A_731 : i32 to index
      %get3A_733 = arith.index_cast %scan3A_636 : i32 to index
      %get3A_734 = arith.constant 96 : index
      %get3A_735 = tpu.vector_load %arg6[%get3A_732, %get3A_733, %get3A_734] {strides = array<i32>} : memref<5x128x128xf32, #tpu.memory_space<vmem>>, vector<1x1x16xf32>,
      %get3A_736 = vector.shape_cast %get3A_735 : vector<1x1x16xf32> to vector<16xf32>
      %mul3A_737 = arith.constant 11.3137083 : f32
      %mul3A_738 = vector.broadcast %mul3A_737 : f32 to vector<16xf32>
      %mul3A_739 = arith.mulf %get3A_736, %mul3A_738 : vector<16xf32>
      %swap3A_740 = arith.constant 0 : i32
      %swap3A_741 = arith.index_cast %swap3A_740 : i32 to index
      %swap3A_742 = arith.index_cast %scan3A_636 : i32 to index
      %swap3A_743 = arith.constant 96 : index
      %swap3A_744 = tpu.vector_load %arg6[%swap3A_741, %swap3A_742, %swap3A_743] {strides = array<i32>} : memref<5x128x128xf32, #tpu.memory_space<vmem>>, vector<1x1x16xf32>,
      %swap3A_745 = vector.shape_cast %swap3A_744 : vector<1x1x16xf32> to vector<16xf32>
      %swap3A_746 = vector.shape_cast %mul3A_739 : vector<16xf32> to vector<1x1x16xf32>
      tpu.vector_store %arg6[%swap3A_741, %swap3A_742, %swap3A_743], %swap3A_746 {strides = array<i32>} : memref<5x128x128xf32, #tpu.memory_space<vmem>>, vector<1x1x16xf32>,
      %get3A_747 = arith.constant 0 : i32
      %get3A_748 = arith.index_cast %get3A_747 : i32 to index
      %get3A_749 = arith.index_cast %scan3A_636 : i32 to index
      %get3A_750 = arith.constant 112 : index
      %get3A_751 = tpu.vector_load %arg6[%get3A_748, %get3A_749, %get3A_750] {strides = array<i32>} : memref<5x128x128xf32, #tpu.memory_space<vmem>>, vector<1x1x16xf32>,
      %get3A_752 = vector.shape_cast %get3A_751 : vector<1x1x16xf32> to vector<16xf32>
      %mul3A_753 = arith.constant 11.3137083 : f32
      %mul3A_754 = vector.broadcast %mul3A_753 : f32 to vector<16xf32>
      %mul3A_755 = arith.mulf %get3A_752, %mul3A_754 : vector<16xf32>
      %swap3A_756 = arith.constant 0 : i32
      %swap3A_757 = arith.index_cast %swap3A_756 : i32 to index
      %swap3A_758 = arith.index_cast %scan3A_636 : i32 to index
      %swap3A_759 = arith.constant 112 : index
      %swap3A_760 = tpu.vector_load %arg6[%swap3A_757, %swap3A_758, %swap3A_759] {strides = array<i32>} : memref<5x128x128xf32, #tpu.memory_space<vmem>>, vector<1x1x16xf32>,
      %swap3A_761 = vector.shape_cast %swap3A_760 : vector<1x1x16xf32> to vector<16xf32>
      %swap3A_762 = vector.shape_cast %mul3A_755 : vector<16xf32> to vector<1x1x16xf32>
      tpu.vector_store %arg6[%swap3A_757, %swap3A_758, %swap3A_759], %swap3A_762 {strides = array<i32>} : memref<5x128x128xf32, #tpu.memory_space<vmem>>, vector<1x1x16xf32>,
    }
    %scan3A_347 = arith.constant 128 : i32
    %add3A_348 = arith.constant 5760 : i32
    %add3A_349 = arith.addi %mul3A_2, %add3A_348 : i32
    %dma_start3A_350 = arith.constant 0 : i32
    %dma_start3A_351 = arith.constant 0 : i32
    %dma_start3A_352 = arith.constant 0 : i32
    %dma_start3A_353 = tpu.memref_slice %arg6[%dma_start3A_350, %dma_start3A_351, %dma_start3A_352] : memref<5x128x128xf32, #tpu.memory_space<vmem>> -> memref<1x128x128xf32, #tpu.memory_space<vmem>>
    %dma_start3A_354 = tpu.memref_squeeze %dma_start3A_353 : memref<1x128x128xf32, #tpu.memory_space<vmem>> -> memref<128x128xf32, #tpu.memory_space<vmem>>
    %dma_start3A_355 = arith.constant 0 : i32
    %dma_start3A_356 = tpu.memref_slice %arg4[%add3A_349, %dma_start3A_355] : memref<204800x128xf32, #tpu.memory_space<hbm>> -> memref<128x128xf32, #tpu.memory_space<hbm>>
    %dma_start3A_357 = arith.constant 0 : i32
    %dma_start3A_358 = tpu.memref_slice %arg4[%add3A_349, %dma_start3A_357] : memref<204800x128xf32, #tpu.memory_space<hbm>> -> memref<128x128xf32, #tpu.memory_space<hbm>>
    %dma_start3A_359 = arith.constant 0 : i32
    %dma_start3A_360 = arith.constant 0 : i32
    %dma_start3A_361 = tpu.memref_slice %arg6[%dma_start3A_350, %dma_start3A_359, %dma_start3A_360] : memref<5x128x128xf32, #tpu.memory_space<vmem>> -> memref<1x128x128xf32, #tpu.memory_space<vmem>>
    %dma_start3A_362 = tpu.memref_squeeze %dma_start3A_361 : memref<1x128x128xf32, #tpu.memory_space<vmem>> -> memref<128x128xf32, #tpu.memory_space<vmem>>
    tpu.enqueue_dma source(%dma_start3A_362 : memref<128x128xf32, #tpu.memory_space<vmem>>) target(%dma_start3A_358 : memref<128x128xf32, #tpu.memory_space<hbm>>) target_semaphore(%arg12 : memref<!tpu.dma_semaphore, #tpu.memory_space<semaphore_mem>>)
    %dma_wait3A_363 = arith.constant 3 : i32
    %dma_wait3A_364 = arith.constant 0 : i32
    %dma_wait3A_365 = arith.constant 0 : i32
    %dma_wait3A_366 = tpu.memref_slice %arg6[%dma_wait3A_363, %dma_wait3A_364, %dma_wait3A_365] : memref<5x128x128xf32, #tpu.memory_space<vmem>> -> memref<1x128x128xf32, #tpu.memory_space<vmem>>
    %dma_wait3A_367 = tpu.memref_squeeze %dma_wait3A_366 : memref<1x128x128xf32, #tpu.memory_space<vmem>> -> memref<128x128xf32, #tpu.memory_space<vmem>>
    %dma_wait3A_368 = arith.constant 0 : i32
    %dma_wait3A_369 = arith.constant 0 : i32
    %dma_wait3A_370 = tpu.memref_slice %arg3[%dma_wait3A_368, %dma_wait3A_369] : memref<100000x128xf32, #tpu.memory_space<hbm>> -> memref<128x128xf32, #tpu.memory_space<hbm>>
    %dma_wait3A_371 = arith.constant 0 : i32
    %dma_wait3A_372 = arith.constant 0 : i32
    %dma_wait3A_373 = tpu.memref_slice %arg6[%dma_wait3A_363, %dma_wait3A_371, %dma_wait3A_372] : memref<5x128x128xf32, #tpu.memory_space<vmem>> -> memref<1x128x128xf32, #tpu.memory_space<vmem>>
    %dma_wait3A_374 = tpu.memref_squeeze %dma_wait3A_373 : memref<1x128x128xf32, #tpu.memory_space<vmem>> -> memref<128x128xf32, #tpu.memory_space<vmem>>
    %dma_wait3A_375 = arith.constant 0 : i32
    %dma_wait3A_376 = arith.constant 0 : i32
    %dma_wait3A_377 = tpu.memref_slice %arg3[%dma_wait3A_375, %dma_wait3A_376] : memref<100000x128xf32, #tpu.memory_space<hbm>> -> memref<128x128xf32, #tpu.memory_space<hbm>>
    tpu.wait_dma2 semaphore(%arg15 : memref<!tpu.dma_semaphore, #tpu.memory_space<semaphore_mem>>) src(%dma_wait3A_377 : memref<128x128xf32, #tpu.memory_space<hbm>>) dst(%dma_wait3A_374 : memref<128x128xf32, #tpu.memory_space<vmem>>)
    %dma_start3A_378 = arith.constant 48 : i32
    %dma_start3A_379 = arith.constant 3 : i32
    %dma_start3A_380 = arith.constant 0 : i32
    %dma_start3A_381 = arith.constant 0 : i32
    %dma_start3A_382 = tpu.memref_slice %arg6[%dma_start3A_379, %dma_start3A_380, %dma_start3A_381] : memref<5x128x128xf32, #tpu.memory_space<vmem>> -> memref<1x128x128xf32, #tpu.memory_space<vmem>>
    %dma_start3A_383 = tpu.memref_squeeze %dma_start3A_382 : memref<1x128x128xf32, #tpu.memory_space<vmem>> -> memref<128x128xf32, #tpu.memory_space<vmem>>
    %dma_start3A_384 = arith.constant 0 : i32
    %dma_start3A_385 = tpu.memref_slice %arg5[%dma_start3A_378, %dma_start3A_384] : memref<50x128xi32, #tpu.memory_space<vmem>> -> memref<1x128xi32, #tpu.memory_space<vmem>>
    %dma_start3A_386 = tpu.memref_squeeze %dma_start3A_385 : memref<1x128xi32, #tpu.memory_space<vmem>> -> memref<128xi32, #tpu.memory_space<vmem>>
    %dma_start3A_387 = arith.constant 0 : i32
    %dma_start3A_388 = arith.constant 0 : i32
    %dma_start3A_389 = tpu.memref_slice %arg3[%dma_start3A_387, %dma_start3A_388] : memref<100000x128xf32, #tpu.memory_space<hbm>> -> memref<100000x128xf32, #tpu.memory_space<hbm>>
    tpu.enqueue_indirect_dma source(%dma_start3A_389 : memref<100000x128xf32, #tpu.memory_space<hbm>>) target(%dma_start3A_383 : memref<128x128xf32, #tpu.memory_space<vmem>>) offsets(%dma_start3A_386 : memref<128xi32, #tpu.memory_space<vmem>>) semaphore(%arg10 : memref<!tpu.dma_semaphore, #tpu.memory_space<semaphore_mem>>)
    %dma_wait3A_390 = arith.constant 1 : i32
    %dma_wait3A_391 = arith.constant 0 : i32
    %dma_wait3A_392 = arith.constant 0 : i32
    %dma_wait3A_393 = tpu.memref_slice %arg6[%dma_wait3A_390, %dma_wait3A_391, %dma_wait3A_392] : memref<5x128x128xf32, #tpu.memory_space<vmem>> -> memref<1x128x128xf32, #tpu.memory_space<vmem>>
    %dma_wait3A_394 = tpu.memref_squeeze %dma_wait3A_393 : memref<1x128x128xf32, #tpu.memory_space<vmem>> -> memref<128x128xf32, #tpu.memory_space<vmem>>
    %dma_wait3A_395 = arith.constant 0 : i32
    %dma_wait3A_396 = arith.constant 0 : i32
    %dma_wait3A_397 = tpu.memref_slice %arg3[%dma_wait3A_395, %dma_wait3A_396] : memref<100000x128xf32, #tpu.memory_space<hbm>> -> memref<128x128xf32, #tpu.memory_space<hbm>>
    %dma_wait3A_398 = arith.constant 0 : i32
    %dma_wait3A_399 = arith.constant 0 : i32
    %dma_wait3A_400 = tpu.memref_slice %arg6[%dma_wait3A_390, %dma_wait3A_398, %dma_wait3A_399] : memref<5x128x128xf32, #tpu.memory_space<vmem>> -> memref<1x128x128xf32, #tpu.memory_space<vmem>>
    %dma_wait3A_401 = tpu.memref_squeeze %dma_wait3A_400 : memref<1x128x128xf32, #tpu.memory_space<vmem>> -> memref<128x128xf32, #tpu.memory_space<vmem>>
    %dma_wait3A_402 = arith.constant 0 : i32
    %dma_wait3A_403 = arith.constant 0 : i32
    %dma_wait3A_404 = tpu.memref_slice %arg3[%dma_wait3A_402, %dma_wait3A_403] : memref<100000x128xf32, #tpu.memory_space<hbm>> -> memref<128x128xf32, #tpu.memory_space<hbm>>
    tpu.wait_dma2 semaphore(%arg8 : memref<!tpu.dma_semaphore, #tpu.memory_space<semaphore_mem>>) src(%dma_wait3A_404 : memref<128x128xf32, #tpu.memory_space<hbm>>) dst(%dma_wait3A_401 : memref<128x128xf32, #tpu.memory_space<vmem>>)
    %scan3A_405 = arith.constant 0 : i32
    %scan3A_406 = arith.constant 0 : i32
    %scan3A_407 = arith.constant 128 : i32
    %scan3A_408 = arith.addi %scan3A_406, %scan3A_407 : i32
    %scan3A_409 = arith.constant 1 : i32
    scf.for %scan3A_636 = %scan3A_406 to %scan3A_408 step %scan3A_409  : i32 {
      %get3A = arith.constant 1 : i32
      %get3A_637 = arith.index_cast %get3A : i32 to index
      %get3A_638 = arith.index_cast %scan3A_636 : i32 to index
      %get3A_639 = arith.constant 0 : index
      %get3A_640 = tpu.vector_load %arg6[%get3A_637, %get3A_638, %get3A_639] {strides = array<i32>} : memref<5x128x128xf32, #tpu.memory_space<vmem>>, vector<1x1x16xf32>,
      %get3A_641 = vector.shape_cast %get3A_640 : vector<1x1x16xf32> to vector<16xf32>
      %mul3A_642 = arith.constant 11.3137083 : f32
      %mul3A_643 = vector.broadcast %mul3A_642 : f32 to vector<16xf32>
      %mul3A_644 = arith.mulf %get3A_641, %mul3A_643 : vector<16xf32>
      %swap3A = arith.constant 1 : i32
      %swap3A_645 = arith.index_cast %swap3A : i32 to index
      %swap3A_646 = arith.index_cast %scan3A_636 : i32 to index
      %swap3A_647 = arith.constant 0 : index
      %swap3A_648 = tpu.vector_load %arg6[%swap3A_645, %swap3A_646, %swap3A_647] {strides = array<i32>} : memref<5x128x128xf32, #tpu.memory_space<vmem>>, vector<1x1x16xf32>,
      %swap3A_649 = vector.shape_cast %swap3A_648 : vector<1x1x16xf32> to vector<16xf32>
      %swap3A_650 = vector.shape_cast %mul3A_644 : vector<16xf32> to vector<1x1x16xf32>
      tpu.vector_store %arg6[%swap3A_645, %swap3A_646, %swap3A_647], %swap3A_650 {strides = array<i32>} : memref<5x128x128xf32, #tpu.memory_space<vmem>>, vector<1x1x16xf32>,
      %get3A_651 = arith.constant 1 : i32
      %get3A_652 = arith.index_cast %get3A_651 : i32 to index
      %get3A_653 = arith.index_cast %scan3A_636 : i32 to index
      %get3A_654 = arith.constant 16 : index
      %get3A_655 = tpu.vector_load %arg6[%get3A_652, %get3A_653, %get3A_654] {strides = array<i32>} : memref<5x128x128xf32, #tpu.memory_space<vmem>>, vector<1x1x16xf32>,
      %get3A_656 = vector.shape_cast %get3A_655 : vector<1x1x16xf32> to vector<16xf32>
      %mul3A_657 = arith.constant 11.3137083 : f32
      %mul3A_658 = vector.broadcast %mul3A_657 : f32 to vector<16xf32>
      %mul3A_659 = arith.mulf %get3A_656, %mul3A_658 : vector<16xf32>
      %swap3A_660 = arith.constant 1 : i32
      %swap3A_661 = arith.index_cast %swap3A_660 : i32 to index
      %swap3A_662 = arith.index_cast %scan3A_636 : i32 to index
      %swap3A_663 = arith.constant 16 : index
      %swap3A_664 = tpu.vector_load %arg6[%swap3A_661, %swap3A_662, %swap3A_663] {strides = array<i32>} : memref<5x128x128xf32, #tpu.memory_space<vmem>>, vector<1x1x16xf32>,
      %swap3A_665 = vector.shape_cast %swap3A_664 : vector<1x1x16xf32> to vector<16xf32>
      %swap3A_666 = vector.shape_cast %mul3A_659 : vector<16xf32> to vector<1x1x16xf32>
      tpu.vector_store %arg6[%swap3A_661, %swap3A_662, %swap3A_663], %swap3A_666 {strides = array<i32>} : memref<5x128x128xf32, #tpu.memory_space<vmem>>, vector<1x1x16xf32>,
      %get3A_667 = arith.constant 1 : i32
      %get3A_668 = arith.index_cast %get3A_667 : i32 to index
      %get3A_669 = arith.index_cast %scan3A_636 : i32 to index
      %get3A_670 = arith.constant 32 : index
      %get3A_671 = tpu.vector_load %arg6[%get3A_668, %get3A_669, %get3A_670] {strides = array<i32>} : memref<5x128x128xf32, #tpu.memory_space<vmem>>, vector<1x1x16xf32>,
      %get3A_672 = vector.shape_cast %get3A_671 : vector<1x1x16xf32> to vector<16xf32>
      %mul3A_673 = arith.constant 11.3137083 : f32
      %mul3A_674 = vector.broadcast %mul3A_673 : f32 to vector<16xf32>
      %mul3A_675 = arith.mulf %get3A_672, %mul3A_674 : vector<16xf32>
      %swap3A_676 = arith.constant 1 : i32
      %swap3A_677 = arith.index_cast %swap3A_676 : i32 to index
      %swap3A_678 = arith.index_cast %scan3A_636 : i32 to index
      %swap3A_679 = arith.constant 32 : index
      %swap3A_680 = tpu.vector_load %arg6[%swap3A_677, %swap3A_678, %swap3A_679] {strides = array<i32>} : memref<5x128x128xf32, #tpu.memory_space<vmem>>, vector<1x1x16xf32>,
      %swap3A_681 = vector.shape_cast %swap3A_680 : vector<1x1x16xf32> to vector<16xf32>
      %swap3A_682 = vector.shape_cast %mul3A_675 : vector<16xf32> to vector<1x1x16xf32>
      tpu.vector_store %arg6[%swap3A_677, %swap3A_678, %swap3A_679], %swap3A_682 {strides = array<i32>} : memref<5x128x128xf32, #tpu.memory_space<vmem>>, vector<1x1x16xf32>,
      %get3A_683 = arith.constant 1 : i32
      %get3A_684 = arith.index_cast %get3A_683 : i32 to index
      %get3A_685 = arith.index_cast %scan3A_636 : i32 to index
      %get3A_686 = arith.constant 48 : index
      %get3A_687 = tpu.vector_load %arg6[%get3A_684, %get3A_685, %get3A_686] {strides = array<i32>} : memref<5x128x128xf32, #tpu.memory_space<vmem>>, vector<1x1x16xf32>,
      %get3A_688 = vector.shape_cast %get3A_687 : vector<1x1x16xf32> to vector<16xf32>
      %mul3A_689 = arith.constant 11.3137083 : f32
      %mul3A_690 = vector.broadcast %mul3A_689 : f32 to vector<16xf32>
      %mul3A_691 = arith.mulf %get3A_688, %mul3A_690 : vector<16xf32>
      %swap3A_692 = arith.constant 1 : i32
      %swap3A_693 = arith.index_cast %swap3A_692 : i32 to index
      %swap3A_694 = arith.index_cast %scan3A_636 : i32 to index
      %swap3A_695 = arith.constant 48 : index
      %swap3A_696 = tpu.vector_load %arg6[%swap3A_693, %swap3A_694, %swap3A_695] {strides = array<i32>} : memref<5x128x128xf32, #tpu.memory_space<vmem>>, vector<1x1x16xf32>,
      %swap3A_697 = vector.shape_cast %swap3A_696 : vector<1x1x16xf32> to vector<16xf32>
      %swap3A_698 = vector.shape_cast %mul3A_691 : vector<16xf32> to vector<1x1x16xf32>
      tpu.vector_store %arg6[%swap3A_693, %swap3A_694, %swap3A_695], %swap3A_698 {strides = array<i32>} : memref<5x128x128xf32, #tpu.memory_space<vmem>>, vector<1x1x16xf32>,
      %get3A_699 = arith.constant 1 : i32
      %get3A_700 = arith.index_cast %get3A_699 : i32 to index
      %get3A_701 = arith.index_cast %scan3A_636 : i32 to index
      %get3A_702 = arith.constant 64 : index
      %get3A_703 = tpu.vector_load %arg6[%get3A_700, %get3A_701, %get3A_702] {strides = array<i32>} : memref<5x128x128xf32, #tpu.memory_space<vmem>>, vector<1x1x16xf32>,
      %get3A_704 = vector.shape_cast %get3A_703 : vector<1x1x16xf32> to vector<16xf32>
      %mul3A_705 = arith.constant 11.3137083 : f32
      %mul3A_706 = vector.broadcast %mul3A_705 : f32 to vector<16xf32>
      %mul3A_707 = arith.mulf %get3A_704, %mul3A_706 : vector<16xf32>
      %swap3A_708 = arith.constant 1 : i32
      %swap3A_709 = arith.index_cast %swap3A_708 : i32 to index
      %swap3A_710 = arith.index_cast %scan3A_636 : i32 to index
      %swap3A_711 = arith.constant 64 : index
      %swap3A_712 = tpu.vector_load %arg6[%swap3A_709, %swap3A_710, %swap3A_711] {strides = array<i32>} : memref<5x128x128xf32, #tpu.memory_space<vmem>>, vector<1x1x16xf32>,
      %swap3A_713 = vector.shape_cast %swap3A_712 : vector<1x1x16xf32> to vector<16xf32>
      %swap3A_714 = vector.shape_cast %mul3A_707 : vector<16xf32> to vector<1x1x16xf32>
      tpu.vector_store %arg6[%swap3A_709, %swap3A_710, %swap3A_711], %swap3A_714 {strides = array<i32>} : memref<5x128x128xf32, #tpu.memory_space<vmem>>, vector<1x1x16xf32>,
      %get3A_715 = arith.constant 1 : i32
      %get3A_716 = arith.index_cast %get3A_715 : i32 to index
      %get3A_717 = arith.index_cast %scan3A_636 : i32 to index
      %get3A_718 = arith.constant 80 : index
      %get3A_719 = tpu.vector_load %arg6[%get3A_716, %get3A_717, %get3A_718] {strides = array<i32>} : memref<5x128x128xf32, #tpu.memory_space<vmem>>, vector<1x1x16xf32>,
      %get3A_720 = vector.shape_cast %get3A_719 : vector<1x1x16xf32> to vector<16xf32>
      %mul3A_721 = arith.constant 11.3137083 : f32
      %mul3A_722 = vector.broadcast %mul3A_721 : f32 to vector<16xf32>
      %mul3A_723 = arith.mulf %get3A_720, %mul3A_722 : vector<16xf32>
      %swap3A_724 = arith.constant 1 : i32
      %swap3A_725 = arith.index_cast %swap3A_724 : i32 to index
      %swap3A_726 = arith.index_cast %scan3A_636 : i32 to index
      %swap3A_727 = arith.constant 80 : index
      %swap3A_728 = tpu.vector_load %arg6[%swap3A_725, %swap3A_726, %swap3A_727] {strides = array<i32>} : memref<5x128x128xf32, #tpu.memory_space<vmem>>, vector<1x1x16xf32>,
      %swap3A_729 = vector.shape_cast %swap3A_728 : vector<1x1x16xf32> to vector<16xf32>
      %swap3A_730 = vector.shape_cast %mul3A_723 : vector<16xf32> to vector<1x1x16xf32>
      tpu.vector_store %arg6[%swap3A_725, %swap3A_726, %swap3A_727], %swap3A_730 {strides = array<i32>} : memref<5x128x128xf32, #tpu.memory_space<vmem>>, vector<1x1x16xf32>,
      %get3A_731 = arith.constant 1 : i32
      %get3A_732 = arith.index_cast %get3A_731 : i32 to index
      %get3A_733 = arith.index_cast %scan3A_636 : i32 to index
      %get3A_734 = arith.constant 96 : index
      %get3A_735 = tpu.vector_load %arg6[%get3A_732, %get3A_733, %get3A_734] {strides = array<i32>} : memref<5x128x128xf32, #tpu.memory_space<vmem>>, vector<1x1x16xf32>,
      %get3A_736 = vector.shape_cast %get3A_735 : vector<1x1x16xf32> to vector<16xf32>
      %mul3A_737 = arith.constant 11.3137083 : f32
      %mul3A_738 = vector.broadcast %mul3A_737 : f32 to vector<16xf32>
      %mul3A_739 = arith.mulf %get3A_736, %mul3A_738 : vector<16xf32>
      %swap3A_740 = arith.constant 1 : i32
      %swap3A_741 = arith.index_cast %swap3A_740 : i32 to index
      %swap3A_742 = arith.index_cast %scan3A_636 : i32 to index
      %swap3A_743 = arith.constant 96 : index
      %swap3A_744 = tpu.vector_load %arg6[%swap3A_741, %swap3A_742, %swap3A_743] {strides = array<i32>} : memref<5x128x128xf32, #tpu.memory_space<vmem>>, vector<1x1x16xf32>,
      %swap3A_745 = vector.shape_cast %swap3A_744 : vector<1x1x16xf32> to vector<16xf32>
      %swap3A_746 = vector.shape_cast %mul3A_739 : vector<16xf32> to vector<1x1x16xf32>
      tpu.vector_store %arg6[%swap3A_741, %swap3A_742, %swap3A_743], %swap3A_746 {strides = array<i32>} : memref<5x128x128xf32, #tpu.memory_space<vmem>>, vector<1x1x16xf32>,
      %get3A_747 = arith.constant 1 : i32
      %get3A_748 = arith.index_cast %get3A_747 : i32 to index
      %get3A_749 = arith.index_cast %scan3A_636 : i32 to index
      %get3A_750 = arith.constant 112 : index
      %get3A_751 = tpu.vector_load %arg6[%get3A_748, %get3A_749, %get3A_750] {strides = array<i32>} : memref<5x128x128xf32, #tpu.memory_space<vmem>>, vector<1x1x16xf32>,
      %get3A_752 = vector.shape_cast %get3A_751 : vector<1x1x16xf32> to vector<16xf32>
      %mul3A_753 = arith.constant 11.3137083 : f32
      %mul3A_754 = vector.broadcast %mul3A_753 : f32 to vector<16xf32>
      %mul3A_755 = arith.mulf %get3A_752, %mul3A_754 : vector<16xf32>
      %swap3A_756 = arith.constant 1 : i32
      %swap3A_757 = arith.index_cast %swap3A_756 : i32 to index
      %swap3A_758 = arith.index_cast %scan3A_636 : i32 to index
      %swap3A_759 = arith.constant 112 : index
      %swap3A_760 = tpu.vector_load %arg6[%swap3A_757, %swap3A_758, %swap3A_759] {strides = array<i32>} : memref<5x128x128xf32, #tpu.memory_space<vmem>>, vector<1x1x16xf32>,
      %swap3A_761 = vector.shape_cast %swap3A_760 : vector<1x1x16xf32> to vector<16xf32>
      %swap3A_762 = vector.shape_cast %mul3A_755 : vector<16xf32> to vector<1x1x16xf32>
      tpu.vector_store %arg6[%swap3A_757, %swap3A_758, %swap3A_759], %swap3A_762 {strides = array<i32>} : memref<5x128x128xf32, #tpu.memory_space<vmem>>, vector<1x1x16xf32>,
    }
    %scan3A_410 = arith.constant 128 : i32
    %add3A_411 = arith.constant 5888 : i32
    %add3A_412 = arith.addi %mul3A_2, %add3A_411 : i32
    %dma_start3A_413 = arith.constant 1 : i32
    %dma_start3A_414 = arith.constant 0 : i32
    %dma_start3A_415 = arith.constant 0 : i32
    %dma_start3A_416 = tpu.memref_slice %arg6[%dma_start3A_413, %dma_start3A_414, %dma_start3A_415] : memref<5x128x128xf32, #tpu.memory_space<vmem>> -> memref<1x128x128xf32, #tpu.memory_space<vmem>>
    %dma_start3A_417 = tpu.memref_squeeze %dma_start3A_416 : memref<1x128x128xf32, #tpu.memory_space<vmem>> -> memref<128x128xf32, #tpu.memory_space<vmem>>
    %dma_start3A_418 = arith.constant 0 : i32
    %dma_start3A_419 = tpu.memref_slice %arg4[%add3A_412, %dma_start3A_418] : memref<204800x128xf32, #tpu.memory_space<hbm>> -> memref<128x128xf32, #tpu.memory_space<hbm>>
    %dma_start3A_420 = arith.constant 0 : i32
    %dma_start3A_421 = tpu.memref_slice %arg4[%add3A_412, %dma_start3A_420] : memref<204800x128xf32, #tpu.memory_space<hbm>> -> memref<128x128xf32, #tpu.memory_space<hbm>>
    %dma_start3A_422 = arith.constant 0 : i32
    %dma_start3A_423 = arith.constant 0 : i32
    %dma_start3A_424 = tpu.memref_slice %arg6[%dma_start3A_413, %dma_start3A_422, %dma_start3A_423] : memref<5x128x128xf32, #tpu.memory_space<vmem>> -> memref<1x128x128xf32, #tpu.memory_space<vmem>>
    %dma_start3A_425 = tpu.memref_squeeze %dma_start3A_424 : memref<1x128x128xf32, #tpu.memory_space<vmem>> -> memref<128x128xf32, #tpu.memory_space<vmem>>
    tpu.enqueue_dma source(%dma_start3A_425 : memref<128x128xf32, #tpu.memory_space<vmem>>) target(%dma_start3A_421 : memref<128x128xf32, #tpu.memory_space<hbm>>) target_semaphore(%arg13 : memref<!tpu.dma_semaphore, #tpu.memory_space<semaphore_mem>>)
    %dma_wait3A_426 = arith.constant 4 : i32
    %dma_wait3A_427 = arith.constant 0 : i32
    %dma_wait3A_428 = arith.constant 0 : i32
    %dma_wait3A_429 = tpu.memref_slice %arg6[%dma_wait3A_426, %dma_wait3A_427, %dma_wait3A_428] : memref<5x128x128xf32, #tpu.memory_space<vmem>> -> memref<1x128x128xf32, #tpu.memory_space<vmem>>
    %dma_wait3A_430 = tpu.memref_squeeze %dma_wait3A_429 : memref<1x128x128xf32, #tpu.memory_space<vmem>> -> memref<128x128xf32, #tpu.memory_space<vmem>>
    %dma_wait3A_431 = arith.constant 0 : i32
    %dma_wait3A_432 = arith.constant 0 : i32
    %dma_wait3A_433 = tpu.memref_slice %arg3[%dma_wait3A_431, %dma_wait3A_432] : memref<100000x128xf32, #tpu.memory_space<hbm>> -> memref<128x128xf32, #tpu.memory_space<hbm>>
    %dma_wait3A_434 = arith.constant 0 : i32
    %dma_wait3A_435 = arith.constant 0 : i32
    %dma_wait3A_436 = tpu.memref_slice %arg6[%dma_wait3A_426, %dma_wait3A_434, %dma_wait3A_435] : memref<5x128x128xf32, #tpu.memory_space<vmem>> -> memref<1x128x128xf32, #tpu.memory_space<vmem>>
    %dma_wait3A_437 = tpu.memref_squeeze %dma_wait3A_436 : memref<1x128x128xf32, #tpu.memory_space<vmem>> -> memref<128x128xf32, #tpu.memory_space<vmem>>
    %dma_wait3A_438 = arith.constant 0 : i32
    %dma_wait3A_439 = arith.constant 0 : i32
    %dma_wait3A_440 = tpu.memref_slice %arg3[%dma_wait3A_438, %dma_wait3A_439] : memref<100000x128xf32, #tpu.memory_space<hbm>> -> memref<128x128xf32, #tpu.memory_space<hbm>>
    tpu.wait_dma2 semaphore(%arg16 : memref<!tpu.dma_semaphore, #tpu.memory_space<semaphore_mem>>) src(%dma_wait3A_440 : memref<128x128xf32, #tpu.memory_space<hbm>>) dst(%dma_wait3A_437 : memref<128x128xf32, #tpu.memory_space<vmem>>)
    %dma_start3A_441 = arith.constant 49 : i32
    %dma_start3A_442 = arith.constant 4 : i32
    %dma_start3A_443 = arith.constant 0 : i32
    %dma_start3A_444 = arith.constant 0 : i32
    %dma_start3A_445 = tpu.memref_slice %arg6[%dma_start3A_442, %dma_start3A_443, %dma_start3A_444] : memref<5x128x128xf32, #tpu.memory_space<vmem>> -> memref<1x128x128xf32, #tpu.memory_space<vmem>>
    %dma_start3A_446 = tpu.memref_squeeze %dma_start3A_445 : memref<1x128x128xf32, #tpu.memory_space<vmem>> -> memref<128x128xf32, #tpu.memory_space<vmem>>
    %dma_start3A_447 = arith.constant 0 : i32
    %dma_start3A_448 = tpu.memref_slice %arg5[%dma_start3A_441, %dma_start3A_447] : memref<50x128xi32, #tpu.memory_space<vmem>> -> memref<1x128xi32, #tpu.memory_space<vmem>>
    %dma_start3A_449 = tpu.memref_squeeze %dma_start3A_448 : memref<1x128xi32, #tpu.memory_space<vmem>> -> memref<128xi32, #tpu.memory_space<vmem>>
    %dma_start3A_450 = arith.constant 0 : i32
    %dma_start3A_451 = arith.constant 0 : i32
    %dma_start3A_452 = tpu.memref_slice %arg3[%dma_start3A_450, %dma_start3A_451] : memref<100000x128xf32, #tpu.memory_space<hbm>> -> memref<100000x128xf32, #tpu.memory_space<hbm>>
    tpu.enqueue_indirect_dma source(%dma_start3A_452 : memref<100000x128xf32, #tpu.memory_space<hbm>>) target(%dma_start3A_446 : memref<128x128xf32, #tpu.memory_space<vmem>>) offsets(%dma_start3A_449 : memref<128xi32, #tpu.memory_space<vmem>>) semaphore(%arg11 : memref<!tpu.dma_semaphore, #tpu.memory_space<semaphore_mem>>)
    %dma_wait3A_453 = arith.constant 2 : i32
    %dma_wait3A_454 = arith.constant 0 : i32
    %dma_wait3A_455 = arith.constant 0 : i32
    %dma_wait3A_456 = tpu.memref_slice %arg6[%dma_wait3A_453, %dma_wait3A_454, %dma_wait3A_455] : memref<5x128x128xf32, #tpu.memory_space<vmem>> -> memref<1x128x128xf32, #tpu.memory_space<vmem>>
    %dma_wait3A_457 = tpu.memref_squeeze %dma_wait3A_456 : memref<1x128x128xf32, #tpu.memory_space<vmem>> -> memref<128x128xf32, #tpu.memory_space<vmem>>
    %dma_wait3A_458 = arith.constant 0 : i32
    %dma_wait3A_459 = arith.constant 0 : i32
    %dma_wait3A_460 = tpu.memref_slice %arg3[%dma_wait3A_458, %dma_wait3A_459] : memref<100000x128xf32, #tpu.memory_space<hbm>> -> memref<128x128xf32, #tpu.memory_space<hbm>>
    %dma_wait3A_461 = arith.constant 0 : i32
    %dma_wait3A_462 = arith.constant 0 : i32
    %dma_wait3A_463 = tpu.memref_slice %arg6[%dma_wait3A_453, %dma_wait3A_461, %dma_wait3A_462] : memref<5x128x128xf32, #tpu.memory_space<vmem>> -> memref<1x128x128xf32, #tpu.memory_space<vmem>>
    %dma_wait3A_464 = tpu.memref_squeeze %dma_wait3A_463 : memref<1x128x128xf32, #tpu.memory_space<vmem>> -> memref<128x128xf32, #tpu.memory_space<vmem>>
    %dma_wait3A_465 = arith.constant 0 : i32
    %dma_wait3A_466 = arith.constant 0 : i32
    %dma_wait3A_467 = tpu.memref_slice %arg3[%dma_wait3A_465, %dma_wait3A_466] : memref<100000x128xf32, #tpu.memory_space<hbm>> -> memref<128x128xf32, #tpu.memory_space<hbm>>
    tpu.wait_dma2 semaphore(%arg9 : memref<!tpu.dma_semaphore, #tpu.memory_space<semaphore_mem>>) src(%dma_wait3A_467 : memref<128x128xf32, #tpu.memory_space<hbm>>) dst(%dma_wait3A_464 : memref<128x128xf32, #tpu.memory_space<vmem>>)
    %scan3A_468 = arith.constant 0 : i32
    %scan3A_469 = arith.constant 0 : i32
    %scan3A_470 = arith.constant 128 : i32
    %scan3A_471 = arith.addi %scan3A_469, %scan3A_470 : i32
    %scan3A_472 = arith.constant 1 : i32
    scf.for %scan3A_636 = %scan3A_469 to %scan3A_471 step %scan3A_472  : i32 {
      %get3A = arith.constant 2 : i32
      %get3A_637 = arith.index_cast %get3A : i32 to index
      %get3A_638 = arith.index_cast %scan3A_636 : i32 to index
      %get3A_639 = arith.constant 0 : index
      %get3A_640 = tpu.vector_load %arg6[%get3A_637, %get3A_638, %get3A_639] {strides = array<i32>} : memref<5x128x128xf32, #tpu.memory_space<vmem>>, vector<1x1x16xf32>,
      %get3A_641 = vector.shape_cast %get3A_640 : vector<1x1x16xf32> to vector<16xf32>
      %mul3A_642 = arith.constant 11.3137083 : f32
      %mul3A_643 = vector.broadcast %mul3A_642 : f32 to vector<16xf32>
      %mul3A_644 = arith.mulf %get3A_641, %mul3A_643 : vector<16xf32>
      %swap3A = arith.constant 2 : i32
      %swap3A_645 = arith.index_cast %swap3A : i32 to index
      %swap3A_646 = arith.index_cast %scan3A_636 : i32 to index
      %swap3A_647 = arith.constant 0 : index
      %swap3A_648 = tpu.vector_load %arg6[%swap3A_645, %swap3A_646, %swap3A_647] {strides = array<i32>} : memref<5x128x128xf32, #tpu.memory_space<vmem>>, vector<1x1x16xf32>,
      %swap3A_649 = vector.shape_cast %swap3A_648 : vector<1x1x16xf32> to vector<16xf32>
      %swap3A_650 = vector.shape_cast %mul3A_644 : vector<16xf32> to vector<1x1x16xf32>
      tpu.vector_store %arg6[%swap3A_645, %swap3A_646, %swap3A_647], %swap3A_650 {strides = array<i32>} : memref<5x128x128xf32, #tpu.memory_space<vmem>>, vector<1x1x16xf32>,
      %get3A_651 = arith.constant 2 : i32
      %get3A_652 = arith.index_cast %get3A_651 : i32 to index
      %get3A_653 = arith.index_cast %scan3A_636 : i32 to index
      %get3A_654 = arith.constant 16 : index
      %get3A_655 = tpu.vector_load %arg6[%get3A_652, %get3A_653, %get3A_654] {strides = array<i32>} : memref<5x128x128xf32, #tpu.memory_space<vmem>>, vector<1x1x16xf32>,
      %get3A_656 = vector.shape_cast %get3A_655 : vector<1x1x16xf32> to vector<16xf32>
      %mul3A_657 = arith.constant 11.3137083 : f32
      %mul3A_658 = vector.broadcast %mul3A_657 : f32 to vector<16xf32>
      %mul3A_659 = arith.mulf %get3A_656, %mul3A_658 : vector<16xf32>
      %swap3A_660 = arith.constant 2 : i32
      %swap3A_661 = arith.index_cast %swap3A_660 : i32 to index
      %swap3A_662 = arith.index_cast %scan3A_636 : i32 to index
      %swap3A_663 = arith.constant 16 : index
      %swap3A_664 = tpu.vector_load %arg6[%swap3A_661, %swap3A_662, %swap3A_663] {strides = array<i32>} : memref<5x128x128xf32, #tpu.memory_space<vmem>>, vector<1x1x16xf32>,
      %swap3A_665 = vector.shape_cast %swap3A_664 : vector<1x1x16xf32> to vector<16xf32>
      %swap3A_666 = vector.shape_cast %mul3A_659 : vector<16xf32> to vector<1x1x16xf32>
      tpu.vector_store %arg6[%swap3A_661, %swap3A_662, %swap3A_663], %swap3A_666 {strides = array<i32>} : memref<5x128x128xf32, #tpu.memory_space<vmem>>, vector<1x1x16xf32>,
      %get3A_667 = arith.constant 2 : i32
      %get3A_668 = arith.index_cast %get3A_667 : i32 to index
      %get3A_669 = arith.index_cast %scan3A_636 : i32 to index
      %get3A_670 = arith.constant 32 : index
      %get3A_671 = tpu.vector_load %arg6[%get3A_668, %get3A_669, %get3A_670] {strides = array<i32>} : memref<5x128x128xf32, #tpu.memory_space<vmem>>, vector<1x1x16xf32>,
      %get3A_672 = vector.shape_cast %get3A_671 : vector<1x1x16xf32> to vector<16xf32>
      %mul3A_673 = arith.constant 11.3137083 : f32
      %mul3A_674 = vector.broadcast %mul3A_673 : f32 to vector<16xf32>
      %mul3A_675 = arith.mulf %get3A_672, %mul3A_674 : vector<16xf32>
      %swap3A_676 = arith.constant 2 : i32
      %swap3A_677 = arith.index_cast %swap3A_676 : i32 to index
      %swap3A_678 = arith.index_cast %scan3A_636 : i32 to index
      %swap3A_679 = arith.constant 32 : index
      %swap3A_680 = tpu.vector_load %arg6[%swap3A_677, %swap3A_678, %swap3A_679] {strides = array<i32>} : memref<5x128x128xf32, #tpu.memory_space<vmem>>, vector<1x1x16xf32>,
      %swap3A_681 = vector.shape_cast %swap3A_680 : vector<1x1x16xf32> to vector<16xf32>
      %swap3A_682 = vector.shape_cast %mul3A_675 : vector<16xf32> to vector<1x1x16xf32>
      tpu.vector_store %arg6[%swap3A_677, %swap3A_678, %swap3A_679], %swap3A_682 {strides = array<i32>} : memref<5x128x128xf32, #tpu.memory_space<vmem>>, vector<1x1x16xf32>,
      %get3A_683 = arith.constant 2 : i32
      %get3A_684 = arith.index_cast %get3A_683 : i32 to index
      %get3A_685 = arith.index_cast %scan3A_636 : i32 to index
      %get3A_686 = arith.constant 48 : index
      %get3A_687 = tpu.vector_load %arg6[%get3A_684, %get3A_685, %get3A_686] {strides = array<i32>} : memref<5x128x128xf32, #tpu.memory_space<vmem>>, vector<1x1x16xf32>,
      %get3A_688 = vector.shape_cast %get3A_687 : vector<1x1x16xf32> to vector<16xf32>
      %mul3A_689 = arith.constant 11.3137083 : f32
      %mul3A_690 = vector.broadcast %mul3A_689 : f32 to vector<16xf32>
      %mul3A_691 = arith.mulf %get3A_688, %mul3A_690 : vector<16xf32>
      %swap3A_692 = arith.constant 2 : i32
      %swap3A_693 = arith.index_cast %swap3A_692 : i32 to index
      %swap3A_694 = arith.index_cast %scan3A_636 : i32 to index
      %swap3A_695 = arith.constant 48 : index
      %swap3A_696 = tpu.vector_load %arg6[%swap3A_693, %swap3A_694, %swap3A_695] {strides = array<i32>} : memref<5x128x128xf32, #tpu.memory_space<vmem>>, vector<1x1x16xf32>,
      %swap3A_697 = vector.shape_cast %swap3A_696 : vector<1x1x16xf32> to vector<16xf32>
      %swap3A_698 = vector.shape_cast %mul3A_691 : vector<16xf32> to vector<1x1x16xf32>
      tpu.vector_store %arg6[%swap3A_693, %swap3A_694, %swap3A_695], %swap3A_698 {strides = array<i32>} : memref<5x128x128xf32, #tpu.memory_space<vmem>>, vector<1x1x16xf32>,
      %get3A_699 = arith.constant 2 : i32
      %get3A_700 = arith.index_cast %get3A_699 : i32 to index
      %get3A_701 = arith.index_cast %scan3A_636 : i32 to index
      %get3A_702 = arith.constant 64 : index
      %get3A_703 = tpu.vector_load %arg6[%get3A_700, %get3A_701, %get3A_702] {strides = array<i32>} : memref<5x128x128xf32, #tpu.memory_space<vmem>>, vector<1x1x16xf32>,
      %get3A_704 = vector.shape_cast %get3A_703 : vector<1x1x16xf32> to vector<16xf32>
      %mul3A_705 = arith.constant 11.3137083 : f32
      %mul3A_706 = vector.broadcast %mul3A_705 : f32 to vector<16xf32>
      %mul3A_707 = arith.mulf %get3A_704, %mul3A_706 : vector<16xf32>
      %swap3A_708 = arith.constant 2 : i32
      %swap3A_709 = arith.index_cast %swap3A_708 : i32 to index
      %swap3A_710 = arith.index_cast %scan3A_636 : i32 to index
      %swap3A_711 = arith.constant 64 : index
      %swap3A_712 = tpu.vector_load %arg6[%swap3A_709, %swap3A_710, %swap3A_711] {strides = array<i32>} : memref<5x128x128xf32, #tpu.memory_space<vmem>>, vector<1x1x16xf32>,
      %swap3A_713 = vector.shape_cast %swap3A_712 : vector<1x1x16xf32> to vector<16xf32>
      %swap3A_714 = vector.shape_cast %mul3A_707 : vector<16xf32> to vector<1x1x16xf32>
      tpu.vector_store %arg6[%swap3A_709, %swap3A_710, %swap3A_711], %swap3A_714 {strides = array<i32>} : memref<5x128x128xf32, #tpu.memory_space<vmem>>, vector<1x1x16xf32>,
      %get3A_715 = arith.constant 2 : i32
      %get3A_716 = arith.index_cast %get3A_715 : i32 to index
      %get3A_717 = arith.index_cast %scan3A_636 : i32 to index
      %get3A_718 = arith.constant 80 : index
      %get3A_719 = tpu.vector_load %arg6[%get3A_716, %get3A_717, %get3A_718] {strides = array<i32>} : memref<5x128x128xf32, #tpu.memory_space<vmem>>, vector<1x1x16xf32>,
      %get3A_720 = vector.shape_cast %get3A_719 : vector<1x1x16xf32> to vector<16xf32>
      %mul3A_721 = arith.constant 11.3137083 : f32
      %mul3A_722 = vector.broadcast %mul3A_721 : f32 to vector<16xf32>
      %mul3A_723 = arith.mulf %get3A_720, %mul3A_722 : vector<16xf32>
      %swap3A_724 = arith.constant 2 : i32
      %swap3A_725 = arith.index_cast %swap3A_724 : i32 to index
      %swap3A_726 = arith.index_cast %scan3A_636 : i32 to index
      %swap3A_727 = arith.constant 80 : index
      %swap3A_728 = tpu.vector_load %arg6[%swap3A_725, %swap3A_726, %swap3A_727] {strides = array<i32>} : memref<5x128x128xf32, #tpu.memory_space<vmem>>, vector<1x1x16xf32>,
      %swap3A_729 = vector.shape_cast %swap3A_728 : vector<1x1x16xf32> to vector<16xf32>
      %swap3A_730 = vector.shape_cast %mul3A_723 : vector<16xf32> to vector<1x1x16xf32>
      tpu.vector_store %arg6[%swap3A_725, %swap3A_726, %swap3A_727], %swap3A_730 {strides = array<i32>} : memref<5x128x128xf32, #tpu.memory_space<vmem>>, vector<1x1x16xf32>,
      %get3A_731 = arith.constant 2 : i32
      %get3A_732 = arith.index_cast %get3A_731 : i32 to index
      %get3A_733 = arith.index_cast %scan3A_636 : i32 to index
      %get3A_734 = arith.constant 96 : index
      %get3A_735 = tpu.vector_load %arg6[%get3A_732, %get3A_733, %get3A_734] {strides = array<i32>} : memref<5x128x128xf32, #tpu.memory_space<vmem>>, vector<1x1x16xf32>,
      %get3A_736 = vector.shape_cast %get3A_735 : vector<1x1x16xf32> to vector<16xf32>
      %mul3A_737 = arith.constant 11.3137083 : f32
      %mul3A_738 = vector.broadcast %mul3A_737 : f32 to vector<16xf32>
      %mul3A_739 = arith.mulf %get3A_736, %mul3A_738 : vector<16xf32>
      %swap3A_740 = arith.constant 2 : i32
      %swap3A_741 = arith.index_cast %swap3A_740 : i32 to index
      %swap3A_742 = arith.index_cast %scan3A_636 : i32 to index
      %swap3A_743 = arith.constant 96 : index
      %swap3A_744 = tpu.vector_load %arg6[%swap3A_741, %swap3A_742, %swap3A_743] {strides = array<i32>} : memref<5x128x128xf32, #tpu.memory_space<vmem>>, vector<1x1x16xf32>,
      %swap3A_745 = vector.shape_cast %swap3A_744 : vector<1x1x16xf32> to vector<16xf32>
      %swap3A_746 = vector.shape_cast %mul3A_739 : vector<16xf32> to vector<1x1x16xf32>
      tpu.vector_store %arg6[%swap3A_741, %swap3A_742, %swap3A_743], %swap3A_746 {strides = array<i32>} : memref<5x128x128xf32, #tpu.memory_space<vmem>>, vector<1x1x16xf32>,
      %get3A_747 = arith.constant 2 : i32
      %get3A_748 = arith.index_cast %get3A_747 : i32 to index
      %get3A_749 = arith.index_cast %scan3A_636 : i32 to index
      %get3A_750 = arith.constant 112 : index
      %get3A_751 = tpu.vector_load %arg6[%get3A_748, %get3A_749, %get3A_750] {strides = array<i32>} : memref<5x128x128xf32, #tpu.memory_space<vmem>>, vector<1x1x16xf32>,
      %get3A_752 = vector.shape_cast %get3A_751 : vector<1x1x16xf32> to vector<16xf32>
      %mul3A_753 = arith.constant 11.3137083 : f32
      %mul3A_754 = vector.broadcast %mul3A_753 : f32 to vector<16xf32>
      %mul3A_755 = arith.mulf %get3A_752, %mul3A_754 : vector<16xf32>
      %swap3A_756 = arith.constant 2 : i32
      %swap3A_757 = arith.index_cast %swap3A_756 : i32 to index
      %swap3A_758 = arith.index_cast %scan3A_636 : i32 to index
      %swap3A_759 = arith.constant 112 : index
      %swap3A_760 = tpu.vector_load %arg6[%swap3A_757, %swap3A_758, %swap3A_759] {strides = array<i32>} : memref<5x128x128xf32, #tpu.memory_space<vmem>>, vector<1x1x16xf32>,
      %swap3A_761 = vector.shape_cast %swap3A_760 : vector<1x1x16xf32> to vector<16xf32>
      %swap3A_762 = vector.shape_cast %mul3A_755 : vector<16xf32> to vector<1x1x16xf32>
      tpu.vector_store %arg6[%swap3A_757, %swap3A_758, %swap3A_759], %swap3A_762 {strides = array<i32>} : memref<5x128x128xf32, #tpu.memory_space<vmem>>, vector<1x1x16xf32>,
    }
    %scan3A_473 = arith.constant 128 : i32
    %add3A_474 = arith.constant 6016 : i32
    %add3A_475 = arith.addi %mul3A_2, %add3A_474 : i32
    %dma_start3A_476 = arith.constant 2 : i32
    %dma_start3A_477 = arith.constant 0 : i32
    %dma_start3A_478 = arith.constant 0 : i32
    %dma_start3A_479 = tpu.memref_slice %arg6[%dma_start3A_476, %dma_start3A_477, %dma_start3A_478] : memref<5x128x128xf32, #tpu.memory_space<vmem>> -> memref<1x128x128xf32, #tpu.memory_space<vmem>>
    %dma_start3A_480 = tpu.memref_squeeze %dma_start3A_479 : memref<1x128x128xf32, #tpu.memory_space<vmem>> -> memref<128x128xf32, #tpu.memory_space<vmem>>
    %dma_start3A_481 = arith.constant 0 : i32
    %dma_start3A_482 = tpu.memref_slice %arg4[%add3A_475, %dma_start3A_481] : memref<204800x128xf32, #tpu.memory_space<hbm>> -> memref<128x128xf32, #tpu.memory_space<hbm>>
    %dma_start3A_483 = arith.constant 0 : i32
    %dma_start3A_484 = tpu.memref_slice %arg4[%add3A_475, %dma_start3A_483] : memref<204800x128xf32, #tpu.memory_space<hbm>> -> memref<128x128xf32, #tpu.memory_space<hbm>>
    %dma_start3A_485 = arith.constant 0 : i32
    %dma_start3A_486 = arith.constant 0 : i32
    %dma_start3A_487 = tpu.memref_slice %arg6[%dma_start3A_476, %dma_start3A_485, %dma_start3A_486] : memref<5x128x128xf32, #tpu.memory_space<vmem>> -> memref<1x128x128xf32, #tpu.memory_space<vmem>>
    %dma_start3A_488 = tpu.memref_squeeze %dma_start3A_487 : memref<1x128x128xf32, #tpu.memory_space<vmem>> -> memref<128x128xf32, #tpu.memory_space<vmem>>
    tpu.enqueue_dma source(%dma_start3A_488 : memref<128x128xf32, #tpu.memory_space<vmem>>) target(%dma_start3A_484 : memref<128x128xf32, #tpu.memory_space<hbm>>) target_semaphore(%arg14 : memref<!tpu.dma_semaphore, #tpu.memory_space<semaphore_mem>>)
    %dma_wait3A_489 = arith.constant 3 : i32
    %dma_wait3A_490 = arith.constant 0 : i32
    %dma_wait3A_491 = arith.constant 0 : i32
    %dma_wait3A_492 = tpu.memref_slice %arg6[%dma_wait3A_489, %dma_wait3A_490, %dma_wait3A_491] : memref<5x128x128xf32, #tpu.memory_space<vmem>> -> memref<1x128x128xf32, #tpu.memory_space<vmem>>
    %dma_wait3A_493 = tpu.memref_squeeze %dma_wait3A_492 : memref<1x128x128xf32, #tpu.memory_space<vmem>> -> memref<128x128xf32, #tpu.memory_space<vmem>>
    %dma_wait3A_494 = arith.constant 0 : i32
    %dma_wait3A_495 = arith.constant 0 : i32
    %dma_wait3A_496 = tpu.memref_slice %arg3[%dma_wait3A_494, %dma_wait3A_495] : memref<100000x128xf32, #tpu.memory_space<hbm>> -> memref<128x128xf32, #tpu.memory_space<hbm>>
    %dma_wait3A_497 = arith.constant 0 : i32
    %dma_wait3A_498 = arith.constant 0 : i32
    %dma_wait3A_499 = tpu.memref_slice %arg6[%dma_wait3A_489, %dma_wait3A_497, %dma_wait3A_498] : memref<5x128x128xf32, #tpu.memory_space<vmem>> -> memref<1x128x128xf32, #tpu.memory_space<vmem>>
    %dma_wait3A_500 = tpu.memref_squeeze %dma_wait3A_499 : memref<1x128x128xf32, #tpu.memory_space<vmem>> -> memref<128x128xf32, #tpu.memory_space<vmem>>
    %dma_wait3A_501 = arith.constant 0 : i32
    %dma_wait3A_502 = arith.constant 0 : i32
    %dma_wait3A_503 = tpu.memref_slice %arg3[%dma_wait3A_501, %dma_wait3A_502] : memref<100000x128xf32, #tpu.memory_space<hbm>> -> memref<128x128xf32, #tpu.memory_space<hbm>>
    tpu.wait_dma2 semaphore(%arg10 : memref<!tpu.dma_semaphore, #tpu.memory_space<semaphore_mem>>) src(%dma_wait3A_503 : memref<128x128xf32, #tpu.memory_space<hbm>>) dst(%dma_wait3A_500 : memref<128x128xf32, #tpu.memory_space<vmem>>)
    %scan3A_504 = arith.constant 0 : i32
    %scan3A_505 = arith.constant 0 : i32
    %scan3A_506 = arith.constant 128 : i32
    %scan3A_507 = arith.addi %scan3A_505, %scan3A_506 : i32
    %scan3A_508 = arith.constant 1 : i32
    scf.for %scan3A_636 = %scan3A_505 to %scan3A_507 step %scan3A_508  : i32 {
      %get3A = arith.constant 3 : i32
      %get3A_637 = arith.index_cast %get3A : i32 to index
      %get3A_638 = arith.index_cast %scan3A_636 : i32 to index
      %get3A_639 = arith.constant 0 : index
      %get3A_640 = tpu.vector_load %arg6[%get3A_637, %get3A_638, %get3A_639] {strides = array<i32>} : memref<5x128x128xf32, #tpu.memory_space<vmem>>, vector<1x1x16xf32>,
      %get3A_641 = vector.shape_cast %get3A_640 : vector<1x1x16xf32> to vector<16xf32>
      %mul3A_642 = arith.constant 11.3137083 : f32
      %mul3A_643 = vector.broadcast %mul3A_642 : f32 to vector<16xf32>
      %mul3A_644 = arith.mulf %get3A_641, %mul3A_643 : vector<16xf32>
      %swap3A = arith.constant 3 : i32
      %swap3A_645 = arith.index_cast %swap3A : i32 to index
      %swap3A_646 = arith.index_cast %scan3A_636 : i32 to index
      %swap3A_647 = arith.constant 0 : index
      %swap3A_648 = tpu.vector_load %arg6[%swap3A_645, %swap3A_646, %swap3A_647] {strides = array<i32>} : memref<5x128x128xf32, #tpu.memory_space<vmem>>, vector<1x1x16xf32>,
      %swap3A_649 = vector.shape_cast %swap3A_648 : vector<1x1x16xf32> to vector<16xf32>
      %swap3A_650 = vector.shape_cast %mul3A_644 : vector<16xf32> to vector<1x1x16xf32>
      tpu.vector_store %arg6[%swap3A_645, %swap3A_646, %swap3A_647], %swap3A_650 {strides = array<i32>} : memref<5x128x128xf32, #tpu.memory_space<vmem>>, vector<1x1x16xf32>,
      %get3A_651 = arith.constant 3 : i32
      %get3A_652 = arith.index_cast %get3A_651 : i32 to index
      %get3A_653 = arith.index_cast %scan3A_636 : i32 to index
      %get3A_654 = arith.constant 16 : index
      %get3A_655 = tpu.vector_load %arg6[%get3A_652, %get3A_653, %get3A_654] {strides = array<i32>} : memref<5x128x128xf32, #tpu.memory_space<vmem>>, vector<1x1x16xf32>,
      %get3A_656 = vector.shape_cast %get3A_655 : vector<1x1x16xf32> to vector<16xf32>
      %mul3A_657 = arith.constant 11.3137083 : f32
      %mul3A_658 = vector.broadcast %mul3A_657 : f32 to vector<16xf32>
      %mul3A_659 = arith.mulf %get3A_656, %mul3A_658 : vector<16xf32>
      %swap3A_660 = arith.constant 3 : i32
      %swap3A_661 = arith.index_cast %swap3A_660 : i32 to index
      %swap3A_662 = arith.index_cast %scan3A_636 : i32 to index
      %swap3A_663 = arith.constant 16 : index
      %swap3A_664 = tpu.vector_load %arg6[%swap3A_661, %swap3A_662, %swap3A_663] {strides = array<i32>} : memref<5x128x128xf32, #tpu.memory_space<vmem>>, vector<1x1x16xf32>,
      %swap3A_665 = vector.shape_cast %swap3A_664 : vector<1x1x16xf32> to vector<16xf32>
      %swap3A_666 = vector.shape_cast %mul3A_659 : vector<16xf32> to vector<1x1x16xf32>
      tpu.vector_store %arg6[%swap3A_661, %swap3A_662, %swap3A_663], %swap3A_666 {strides = array<i32>} : memref<5x128x128xf32, #tpu.memory_space<vmem>>, vector<1x1x16xf32>,
      %get3A_667 = arith.constant 3 : i32
      %get3A_668 = arith.index_cast %get3A_667 : i32 to index
      %get3A_669 = arith.index_cast %scan3A_636 : i32 to index
      %get3A_670 = arith.constant 32 : index
      %get3A_671 = tpu.vector_load %arg6[%get3A_668, %get3A_669, %get3A_670] {strides = array<i32>} : memref<5x128x128xf32, #tpu.memory_space<vmem>>, vector<1x1x16xf32>,
      %get3A_672 = vector.shape_cast %get3A_671 : vector<1x1x16xf32> to vector<16xf32>
      %mul3A_673 = arith.constant 11.3137083 : f32
      %mul3A_674 = vector.broadcast %mul3A_673 : f32 to vector<16xf32>
      %mul3A_675 = arith.mulf %get3A_672, %mul3A_674 : vector<16xf32>
      %swap3A_676 = arith.constant 3 : i32
      %swap3A_677 = arith.index_cast %swap3A_676 : i32 to index
      %swap3A_678 = arith.index_cast %scan3A_636 : i32 to index
      %swap3A_679 = arith.constant 32 : index
      %swap3A_680 = tpu.vector_load %arg6[%swap3A_677, %swap3A_678, %swap3A_679] {strides = array<i32>} : memref<5x128x128xf32, #tpu.memory_space<vmem>>, vector<1x1x16xf32>,
      %swap3A_681 = vector.shape_cast %swap3A_680 : vector<1x1x16xf32> to vector<16xf32>
      %swap3A_682 = vector.shape_cast %mul3A_675 : vector<16xf32> to vector<1x1x16xf32>
      tpu.vector_store %arg6[%swap3A_677, %swap3A_678, %swap3A_679], %swap3A_682 {strides = array<i32>} : memref<5x128x128xf32, #tpu.memory_space<vmem>>, vector<1x1x16xf32>,
      %get3A_683 = arith.constant 3 : i32
      %get3A_684 = arith.index_cast %get3A_683 : i32 to index
      %get3A_685 = arith.index_cast %scan3A_636 : i32 to index
      %get3A_686 = arith.constant 48 : index
      %get3A_687 = tpu.vector_load %arg6[%get3A_684, %get3A_685, %get3A_686] {strides = array<i32>} : memref<5x128x128xf32, #tpu.memory_space<vmem>>, vector<1x1x16xf32>,
      %get3A_688 = vector.shape_cast %get3A_687 : vector<1x1x16xf32> to vector<16xf32>
      %mul3A_689 = arith.constant 11.3137083 : f32
      %mul3A_690 = vector.broadcast %mul3A_689 : f32 to vector<16xf32>
      %mul3A_691 = arith.mulf %get3A_688, %mul3A_690 : vector<16xf32>
      %swap3A_692 = arith.constant 3 : i32
      %swap3A_693 = arith.index_cast %swap3A_692 : i32 to index
      %swap3A_694 = arith.index_cast %scan3A_636 : i32 to index
      %swap3A_695 = arith.constant 48 : index
      %swap3A_696 = tpu.vector_load %arg6[%swap3A_693, %swap3A_694, %swap3A_695] {strides = array<i32>} : memref<5x128x128xf32, #tpu.memory_space<vmem>>, vector<1x1x16xf32>,
      %swap3A_697 = vector.shape_cast %swap3A_696 : vector<1x1x16xf32> to vector<16xf32>
      %swap3A_698 = vector.shape_cast %mul3A_691 : vector<16xf32> to vector<1x1x16xf32>
      tpu.vector_store %arg6[%swap3A_693, %swap3A_694, %swap3A_695], %swap3A_698 {strides = array<i32>} : memref<5x128x128xf32, #tpu.memory_space<vmem>>, vector<1x1x16xf32>,
      %get3A_699 = arith.constant 3 : i32
      %get3A_700 = arith.index_cast %get3A_699 : i32 to index
      %get3A_701 = arith.index_cast %scan3A_636 : i32 to index
      %get3A_702 = arith.constant 64 : index
      %get3A_703 = tpu.vector_load %arg6[%get3A_700, %get3A_701, %get3A_702] {strides = array<i32>} : memref<5x128x128xf32, #tpu.memory_space<vmem>>, vector<1x1x16xf32>,
      %get3A_704 = vector.shape_cast %get3A_703 : vector<1x1x16xf32> to vector<16xf32>
      %mul3A_705 = arith.constant 11.3137083 : f32
      %mul3A_706 = vector.broadcast %mul3A_705 : f32 to vector<16xf32>
      %mul3A_707 = arith.mulf %get3A_704, %mul3A_706 : vector<16xf32>
      %swap3A_708 = arith.constant 3 : i32
      %swap3A_709 = arith.index_cast %swap3A_708 : i32 to index
      %swap3A_710 = arith.index_cast %scan3A_636 : i32 to index
      %swap3A_711 = arith.constant 64 : index
      %swap3A_712 = tpu.vector_load %arg6[%swap3A_709, %swap3A_710, %swap3A_711] {strides = array<i32>} : memref<5x128x128xf32, #tpu.memory_space<vmem>>, vector<1x1x16xf32>,
      %swap3A_713 = vector.shape_cast %swap3A_712 : vector<1x1x16xf32> to vector<16xf32>
      %swap3A_714 = vector.shape_cast %mul3A_707 : vector<16xf32> to vector<1x1x16xf32>
      tpu.vector_store %arg6[%swap3A_709, %swap3A_710, %swap3A_711], %swap3A_714 {strides = array<i32>} : memref<5x128x128xf32, #tpu.memory_space<vmem>>, vector<1x1x16xf32>,
      %get3A_715 = arith.constant 3 : i32
      %get3A_716 = arith.index_cast %get3A_715 : i32 to index
      %get3A_717 = arith.index_cast %scan3A_636 : i32 to index
      %get3A_718 = arith.constant 80 : index
      %get3A_719 = tpu.vector_load %arg6[%get3A_716, %get3A_717, %get3A_718] {strides = array<i32>} : memref<5x128x128xf32, #tpu.memory_space<vmem>>, vector<1x1x16xf32>,
      %get3A_720 = vector.shape_cast %get3A_719 : vector<1x1x16xf32> to vector<16xf32>
      %mul3A_721 = arith.constant 11.3137083 : f32
      %mul3A_722 = vector.broadcast %mul3A_721 : f32 to vector<16xf32>
      %mul3A_723 = arith.mulf %get3A_720, %mul3A_722 : vector<16xf32>
      %swap3A_724 = arith.constant 3 : i32
      %swap3A_725 = arith.index_cast %swap3A_724 : i32 to index
      %swap3A_726 = arith.index_cast %scan3A_636 : i32 to index
      %swap3A_727 = arith.constant 80 : index
      %swap3A_728 = tpu.vector_load %arg6[%swap3A_725, %swap3A_726, %swap3A_727] {strides = array<i32>} : memref<5x128x128xf32, #tpu.memory_space<vmem>>, vector<1x1x16xf32>,
      %swap3A_729 = vector.shape_cast %swap3A_728 : vector<1x1x16xf32> to vector<16xf32>
      %swap3A_730 = vector.shape_cast %mul3A_723 : vector<16xf32> to vector<1x1x16xf32>
      tpu.vector_store %arg6[%swap3A_725, %swap3A_726, %swap3A_727], %swap3A_730 {strides = array<i32>} : memref<5x128x128xf32, #tpu.memory_space<vmem>>, vector<1x1x16xf32>,
      %get3A_731 = arith.constant 3 : i32
      %get3A_732 = arith.index_cast %get3A_731 : i32 to index
      %get3A_733 = arith.index_cast %scan3A_636 : i32 to index
      %get3A_734 = arith.constant 96 : index
      %get3A_735 = tpu.vector_load %arg6[%get3A_732, %get3A_733, %get3A_734] {strides = array<i32>} : memref<5x128x128xf32, #tpu.memory_space<vmem>>, vector<1x1x16xf32>,
      %get3A_736 = vector.shape_cast %get3A_735 : vector<1x1x16xf32> to vector<16xf32>
      %mul3A_737 = arith.constant 11.3137083 : f32
      %mul3A_738 = vector.broadcast %mul3A_737 : f32 to vector<16xf32>
      %mul3A_739 = arith.mulf %get3A_736, %mul3A_738 : vector<16xf32>
      %swap3A_740 = arith.constant 3 : i32
      %swap3A_741 = arith.index_cast %swap3A_740 : i32 to index
      %swap3A_742 = arith.index_cast %scan3A_636 : i32 to index
      %swap3A_743 = arith.constant 96 : index
      %swap3A_744 = tpu.vector_load %arg6[%swap3A_741, %swap3A_742, %swap3A_743] {strides = array<i32>} : memref<5x128x128xf32, #tpu.memory_space<vmem>>, vector<1x1x16xf32>,
      %swap3A_745 = vector.shape_cast %swap3A_744 : vector<1x1x16xf32> to vector<16xf32>
      %swap3A_746 = vector.shape_cast %mul3A_739 : vector<16xf32> to vector<1x1x16xf32>
      tpu.vector_store %arg6[%swap3A_741, %swap3A_742, %swap3A_743], %swap3A_746 {strides = array<i32>} : memref<5x128x128xf32, #tpu.memory_space<vmem>>, vector<1x1x16xf32>,
      %get3A_747 = arith.constant 3 : i32
      %get3A_748 = arith.index_cast %get3A_747 : i32 to index
      %get3A_749 = arith.index_cast %scan3A_636 : i32 to index
      %get3A_750 = arith.constant 112 : index
      %get3A_751 = tpu.vector_load %arg6[%get3A_748, %get3A_749, %get3A_750] {strides = array<i32>} : memref<5x128x128xf32, #tpu.memory_space<vmem>>, vector<1x1x16xf32>,
      %get3A_752 = vector.shape_cast %get3A_751 : vector<1x1x16xf32> to vector<16xf32>
      %mul3A_753 = arith.constant 11.3137083 : f32
      %mul3A_754 = vector.broadcast %mul3A_753 : f32 to vector<16xf32>
      %mul3A_755 = arith.mulf %get3A_752, %mul3A_754 : vector<16xf32>
      %swap3A_756 = arith.constant 3 : i32
      %swap3A_757 = arith.index_cast %swap3A_756 : i32 to index
      %swap3A_758 = arith.index_cast %scan3A_636 : i32 to index
      %swap3A_759 = arith.constant 112 : index
      %swap3A_760 = tpu.vector_load %arg6[%swap3A_757, %swap3A_758, %swap3A_759] {strides = array<i32>} : memref<5x128x128xf32, #tpu.memory_space<vmem>>, vector<1x1x16xf32>,
      %swap3A_761 = vector.shape_cast %swap3A_760 : vector<1x1x16xf32> to vector<16xf32>
      %swap3A_762 = vector.shape_cast %mul3A_755 : vector<16xf32> to vector<1x1x16xf32>
      tpu.vector_store %arg6[%swap3A_757, %swap3A_758, %swap3A_759], %swap3A_762 {strides = array<i32>} : memref<5x128x128xf32, #tpu.memory_space<vmem>>, vector<1x1x16xf32>,
    }
    %scan3A_509 = arith.constant 128 : i32
    %add3A_510 = arith.constant 6144 : i32
    %add3A_511 = arith.addi %mul3A_2, %add3A_510 : i32
    %dma_start3A_512 = arith.constant 3 : i32
    %dma_start3A_513 = arith.constant 0 : i32
    %dma_start3A_514 = arith.constant 0 : i32
    %dma_start3A_515 = tpu.memref_slice %arg6[%dma_start3A_512, %dma_start3A_513, %dma_start3A_514] : memref<5x128x128xf32, #tpu.memory_space<vmem>> -> memref<1x128x128xf32, #tpu.memory_space<vmem>>
    %dma_start3A_516 = tpu.memref_squeeze %dma_start3A_515 : memref<1x128x128xf32, #tpu.memory_space<vmem>> -> memref<128x128xf32, #tpu.memory_space<vmem>>
    %dma_start3A_517 = arith.constant 0 : i32
    %dma_start3A_518 = tpu.memref_slice %arg4[%add3A_511, %dma_start3A_517] : memref<204800x128xf32, #tpu.memory_space<hbm>> -> memref<128x128xf32, #tpu.memory_space<hbm>>
    %dma_start3A_519 = arith.constant 0 : i32
    %dma_start3A_520 = tpu.memref_slice %arg4[%add3A_511, %dma_start3A_519] : memref<204800x128xf32, #tpu.memory_space<hbm>> -> memref<128x128xf32, #tpu.memory_space<hbm>>
    %dma_start3A_521 = arith.constant 0 : i32
    %dma_start3A_522 = arith.constant 0 : i32
    %dma_start3A_523 = tpu.memref_slice %arg6[%dma_start3A_512, %dma_start3A_521, %dma_start3A_522] : memref<5x128x128xf32, #tpu.memory_space<vmem>> -> memref<1x128x128xf32, #tpu.memory_space<vmem>>
    %dma_start3A_524 = tpu.memref_squeeze %dma_start3A_523 : memref<1x128x128xf32, #tpu.memory_space<vmem>> -> memref<128x128xf32, #tpu.memory_space<vmem>>
    tpu.enqueue_dma source(%dma_start3A_524 : memref<128x128xf32, #tpu.memory_space<vmem>>) target(%dma_start3A_520 : memref<128x128xf32, #tpu.memory_space<hbm>>) target_semaphore(%arg15 : memref<!tpu.dma_semaphore, #tpu.memory_space<semaphore_mem>>)
    %dma_wait3A_525 = arith.constant 4 : i32
    %dma_wait3A_526 = arith.constant 0 : i32
    %dma_wait3A_527 = arith.constant 0 : i32
    %dma_wait3A_528 = tpu.memref_slice %arg6[%dma_wait3A_525, %dma_wait3A_526, %dma_wait3A_527] : memref<5x128x128xf32, #tpu.memory_space<vmem>> -> memref<1x128x128xf32, #tpu.memory_space<vmem>>
    %dma_wait3A_529 = tpu.memref_squeeze %dma_wait3A_528 : memref<1x128x128xf32, #tpu.memory_space<vmem>> -> memref<128x128xf32, #tpu.memory_space<vmem>>
    %dma_wait3A_530 = arith.constant 0 : i32
    %dma_wait3A_531 = arith.constant 0 : i32
    %dma_wait3A_532 = tpu.memref_slice %arg3[%dma_wait3A_530, %dma_wait3A_531] : memref<100000x128xf32, #tpu.memory_space<hbm>> -> memref<128x128xf32, #tpu.memory_space<hbm>>
    %dma_wait3A_533 = arith.constant 0 : i32
    %dma_wait3A_534 = arith.constant 0 : i32
    %dma_wait3A_535 = tpu.memref_slice %arg6[%dma_wait3A_525, %dma_wait3A_533, %dma_wait3A_534] : memref<5x128x128xf32, #tpu.memory_space<vmem>> -> memref<1x128x128xf32, #tpu.memory_space<vmem>>
    %dma_wait3A_536 = tpu.memref_squeeze %dma_wait3A_535 : memref<1x128x128xf32, #tpu.memory_space<vmem>> -> memref<128x128xf32, #tpu.memory_space<vmem>>
    %dma_wait3A_537 = arith.constant 0 : i32
    %dma_wait3A_538 = arith.constant 0 : i32
    %dma_wait3A_539 = tpu.memref_slice %arg3[%dma_wait3A_537, %dma_wait3A_538] : memref<100000x128xf32, #tpu.memory_space<hbm>> -> memref<128x128xf32, #tpu.memory_space<hbm>>
    tpu.wait_dma2 semaphore(%arg11 : memref<!tpu.dma_semaphore, #tpu.memory_space<semaphore_mem>>) src(%dma_wait3A_539 : memref<128x128xf32, #tpu.memory_space<hbm>>) dst(%dma_wait3A_536 : memref<128x128xf32, #tpu.memory_space<vmem>>)
    %scan3A_540 = arith.constant 0 : i32
    %scan3A_541 = arith.constant 0 : i32
    %scan3A_542 = arith.constant 128 : i32
    %scan3A_543 = arith.addi %scan3A_541, %scan3A_542 : i32
    %scan3A_544 = arith.constant 1 : i32
    scf.for %scan3A_636 = %scan3A_541 to %scan3A_543 step %scan3A_544  : i32 {
      %get3A = arith.constant 4 : i32
      %get3A_637 = arith.index_cast %get3A : i32 to index
      %get3A_638 = arith.index_cast %scan3A_636 : i32 to index
      %get3A_639 = arith.constant 0 : index
      %get3A_640 = tpu.vector_load %arg6[%get3A_637, %get3A_638, %get3A_639] {strides = array<i32>} : memref<5x128x128xf32, #tpu.memory_space<vmem>>, vector<1x1x16xf32>,
      %get3A_641 = vector.shape_cast %get3A_640 : vector<1x1x16xf32> to vector<16xf32>
      %mul3A_642 = arith.constant 11.3137083 : f32
      %mul3A_643 = vector.broadcast %mul3A_642 : f32 to vector<16xf32>
      %mul3A_644 = arith.mulf %get3A_641, %mul3A_643 : vector<16xf32>
      %swap3A = arith.constant 4 : i32
      %swap3A_645 = arith.index_cast %swap3A : i32 to index
      %swap3A_646 = arith.index_cast %scan3A_636 : i32 to index
      %swap3A_647 = arith.constant 0 : index
      %swap3A_648 = tpu.vector_load %arg6[%swap3A_645, %swap3A_646, %swap3A_647] {strides = array<i32>} : memref<5x128x128xf32, #tpu.memory_space<vmem>>, vector<1x1x16xf32>,
      %swap3A_649 = vector.shape_cast %swap3A_648 : vector<1x1x16xf32> to vector<16xf32>
      %swap3A_650 = vector.shape_cast %mul3A_644 : vector<16xf32> to vector<1x1x16xf32>
      tpu.vector_store %arg6[%swap3A_645, %swap3A_646, %swap3A_647], %swap3A_650 {strides = array<i32>} : memref<5x128x128xf32, #tpu.memory_space<vmem>>, vector<1x1x16xf32>,
      %get3A_651 = arith.constant 4 : i32
      %get3A_652 = arith.index_cast %get3A_651 : i32 to index
      %get3A_653 = arith.index_cast %scan3A_636 : i32 to index
      %get3A_654 = arith.constant 16 : index
      %get3A_655 = tpu.vector_load %arg6[%get3A_652, %get3A_653, %get3A_654] {strides = array<i32>} : memref<5x128x128xf32, #tpu.memory_space<vmem>>, vector<1x1x16xf32>,
      %get3A_656 = vector.shape_cast %get3A_655 : vector<1x1x16xf32> to vector<16xf32>
      %mul3A_657 = arith.constant 11.3137083 : f32
      %mul3A_658 = vector.broadcast %mul3A_657 : f32 to vector<16xf32>
      %mul3A_659 = arith.mulf %get3A_656, %mul3A_658 : vector<16xf32>
      %swap3A_660 = arith.constant 4 : i32
      %swap3A_661 = arith.index_cast %swap3A_660 : i32 to index
      %swap3A_662 = arith.index_cast %scan3A_636 : i32 to index
      %swap3A_663 = arith.constant 16 : index
      %swap3A_664 = tpu.vector_load %arg6[%swap3A_661, %swap3A_662, %swap3A_663] {strides = array<i32>} : memref<5x128x128xf32, #tpu.memory_space<vmem>>, vector<1x1x16xf32>,
      %swap3A_665 = vector.shape_cast %swap3A_664 : vector<1x1x16xf32> to vector<16xf32>
      %swap3A_666 = vector.shape_cast %mul3A_659 : vector<16xf32> to vector<1x1x16xf32>
      tpu.vector_store %arg6[%swap3A_661, %swap3A_662, %swap3A_663], %swap3A_666 {strides = array<i32>} : memref<5x128x128xf32, #tpu.memory_space<vmem>>, vector<1x1x16xf32>,
      %get3A_667 = arith.constant 4 : i32
      %get3A_668 = arith.index_cast %get3A_667 : i32 to index
      %get3A_669 = arith.index_cast %scan3A_636 : i32 to index
      %get3A_670 = arith.constant 32 : index
      %get3A_671 = tpu.vector_load %arg6[%get3A_668, %get3A_669, %get3A_670] {strides = array<i32>} : memref<5x128x128xf32, #tpu.memory_space<vmem>>, vector<1x1x16xf32>,
      %get3A_672 = vector.shape_cast %get3A_671 : vector<1x1x16xf32> to vector<16xf32>
      %mul3A_673 = arith.constant 11.3137083 : f32
      %mul3A_674 = vector.broadcast %mul3A_673 : f32 to vector<16xf32>
      %mul3A_675 = arith.mulf %get3A_672, %mul3A_674 : vector<16xf32>
      %swap3A_676 = arith.constant 4 : i32
      %swap3A_677 = arith.index_cast %swap3A_676 : i32 to index
      %swap3A_678 = arith.index_cast %scan3A_636 : i32 to index
      %swap3A_679 = arith.constant 32 : index
      %swap3A_680 = tpu.vector_load %arg6[%swap3A_677, %swap3A_678, %swap3A_679] {strides = array<i32>} : memref<5x128x128xf32, #tpu.memory_space<vmem>>, vector<1x1x16xf32>,
      %swap3A_681 = vector.shape_cast %swap3A_680 : vector<1x1x16xf32> to vector<16xf32>
      %swap3A_682 = vector.shape_cast %mul3A_675 : vector<16xf32> to vector<1x1x16xf32>
      tpu.vector_store %arg6[%swap3A_677, %swap3A_678, %swap3A_679], %swap3A_682 {strides = array<i32>} : memref<5x128x128xf32, #tpu.memory_space<vmem>>, vector<1x1x16xf32>,
      %get3A_683 = arith.constant 4 : i32
      %get3A_684 = arith.index_cast %get3A_683 : i32 to index
      %get3A_685 = arith.index_cast %scan3A_636 : i32 to index
      %get3A_686 = arith.constant 48 : index
      %get3A_687 = tpu.vector_load %arg6[%get3A_684, %get3A_685, %get3A_686] {strides = array<i32>} : memref<5x128x128xf32, #tpu.memory_space<vmem>>, vector<1x1x16xf32>,
      %get3A_688 = vector.shape_cast %get3A_687 : vector<1x1x16xf32> to vector<16xf32>
      %mul3A_689 = arith.constant 11.3137083 : f32
      %mul3A_690 = vector.broadcast %mul3A_689 : f32 to vector<16xf32>
      %mul3A_691 = arith.mulf %get3A_688, %mul3A_690 : vector<16xf32>
      %swap3A_692 = arith.constant 4 : i32
      %swap3A_693 = arith.index_cast %swap3A_692 : i32 to index
      %swap3A_694 = arith.index_cast %scan3A_636 : i32 to index
      %swap3A_695 = arith.constant 48 : index
      %swap3A_696 = tpu.vector_load %arg6[%swap3A_693, %swap3A_694, %swap3A_695] {strides = array<i32>} : memref<5x128x128xf32, #tpu.memory_space<vmem>>, vector<1x1x16xf32>,
      %swap3A_697 = vector.shape_cast %swap3A_696 : vector<1x1x16xf32> to vector<16xf32>
      %swap3A_698 = vector.shape_cast %mul3A_691 : vector<16xf32> to vector<1x1x16xf32>
      tpu.vector_store %arg6[%swap3A_693, %swap3A_694, %swap3A_695], %swap3A_698 {strides = array<i32>} : memref<5x128x128xf32, #tpu.memory_space<vmem>>, vector<1x1x16xf32>,
      %get3A_699 = arith.constant 4 : i32
      %get3A_700 = arith.index_cast %get3A_699 : i32 to index
      %get3A_701 = arith.index_cast %scan3A_636 : i32 to index
      %get3A_702 = arith.constant 64 : index
      %get3A_703 = tpu.vector_load %arg6[%get3A_700, %get3A_701, %get3A_702] {strides = array<i32>} : memref<5x128x128xf32, #tpu.memory_space<vmem>>, vector<1x1x16xf32>,
      %get3A_704 = vector.shape_cast %get3A_703 : vector<1x1x16xf32> to vector<16xf32>
      %mul3A_705 = arith.constant 11.3137083 : f32
      %mul3A_706 = vector.broadcast %mul3A_705 : f32 to vector<16xf32>
      %mul3A_707 = arith.mulf %get3A_704, %mul3A_706 : vector<16xf32>
      %swap3A_708 = arith.constant 4 : i32
      %swap3A_709 = arith.index_cast %swap3A_708 : i32 to index
      %swap3A_710 = arith.index_cast %scan3A_636 : i32 to index
      %swap3A_711 = arith.constant 64 : index
      %swap3A_712 = tpu.vector_load %arg6[%swap3A_709, %swap3A_710, %swap3A_711] {strides = array<i32>} : memref<5x128x128xf32, #tpu.memory_space<vmem>>, vector<1x1x16xf32>,
      %swap3A_713 = vector.shape_cast %swap3A_712 : vector<1x1x16xf32> to vector<16xf32>
      %swap3A_714 = vector.shape_cast %mul3A_707 : vector<16xf32> to vector<1x1x16xf32>
      tpu.vector_store %arg6[%swap3A_709, %swap3A_710, %swap3A_711], %swap3A_714 {strides = array<i32>} : memref<5x128x128xf32, #tpu.memory_space<vmem>>, vector<1x1x16xf32>,
      %get3A_715 = arith.constant 4 : i32
      %get3A_716 = arith.index_cast %get3A_715 : i32 to index
      %get3A_717 = arith.index_cast %scan3A_636 : i32 to index
      %get3A_718 = arith.constant 80 : index
      %get3A_719 = tpu.vector_load %arg6[%get3A_716, %get3A_717, %get3A_718] {strides = array<i32>} : memref<5x128x128xf32, #tpu.memory_space<vmem>>, vector<1x1x16xf32>,
      %get3A_720 = vector.shape_cast %get3A_719 : vector<1x1x16xf32> to vector<16xf32>
      %mul3A_721 = arith.constant 11.3137083 : f32
      %mul3A_722 = vector.broadcast %mul3A_721 : f32 to vector<16xf32>
      %mul3A_723 = arith.mulf %get3A_720, %mul3A_722 : vector<16xf32>
      %swap3A_724 = arith.constant 4 : i32
      %swap3A_725 = arith.index_cast %swap3A_724 : i32 to index
      %swap3A_726 = arith.index_cast %scan3A_636 : i32 to index
      %swap3A_727 = arith.constant 80 : index
      %swap3A_728 = tpu.vector_load %arg6[%swap3A_725, %swap3A_726, %swap3A_727] {strides = array<i32>} : memref<5x128x128xf32, #tpu.memory_space<vmem>>, vector<1x1x16xf32>,
      %swap3A_729 = vector.shape_cast %swap3A_728 : vector<1x1x16xf32> to vector<16xf32>
      %swap3A_730 = vector.shape_cast %mul3A_723 : vector<16xf32> to vector<1x1x16xf32>
      tpu.vector_store %arg6[%swap3A_725, %swap3A_726, %swap3A_727], %swap3A_730 {strides = array<i32>} : memref<5x128x128xf32, #tpu.memory_space<vmem>>, vector<1x1x16xf32>,
      %get3A_731 = arith.constant 4 : i32
      %get3A_732 = arith.index_cast %get3A_731 : i32 to index
      %get3A_733 = arith.index_cast %scan3A_636 : i32 to index
      %get3A_734 = arith.constant 96 : index
      %get3A_735 = tpu.vector_load %arg6[%get3A_732, %get3A_733, %get3A_734] {strides = array<i32>} : memref<5x128x128xf32, #tpu.memory_space<vmem>>, vector<1x1x16xf32>,
      %get3A_736 = vector.shape_cast %get3A_735 : vector<1x1x16xf32> to vector<16xf32>
      %mul3A_737 = arith.constant 11.3137083 : f32
      %mul3A_738 = vector.broadcast %mul3A_737 : f32 to vector<16xf32>
      %mul3A_739 = arith.mulf %get3A_736, %mul3A_738 : vector<16xf32>
      %swap3A_740 = arith.constant 4 : i32
      %swap3A_741 = arith.index_cast %swap3A_740 : i32 to index
      %swap3A_742 = arith.index_cast %scan3A_636 : i32 to index
      %swap3A_743 = arith.constant 96 : index
      %swap3A_744 = tpu.vector_load %arg6[%swap3A_741, %swap3A_742, %swap3A_743] {strides = array<i32>} : memref<5x128x128xf32, #tpu.memory_space<vmem>>, vector<1x1x16xf32>,
      %swap3A_745 = vector.shape_cast %swap3A_744 : vector<1x1x16xf32> to vector<16xf32>
      %swap3A_746 = vector.shape_cast %mul3A_739 : vector<16xf32> to vector<1x1x16xf32>
      tpu.vector_store %arg6[%swap3A_741, %swap3A_742, %swap3A_743], %swap3A_746 {strides = array<i32>} : memref<5x128x128xf32, #tpu.memory_space<vmem>>, vector<1x1x16xf32>,
      %get3A_747 = arith.constant 4 : i32
      %get3A_748 = arith.index_cast %get3A_747 : i32 to index
      %get3A_749 = arith.index_cast %scan3A_636 : i32 to index
      %get3A_750 = arith.constant 112 : index
      %get3A_751 = tpu.vector_load %arg6[%get3A_748, %get3A_749, %get3A_750] {strides = array<i32>} : memref<5x128x128xf32, #tpu.memory_space<vmem>>, vector<1x1x16xf32>,
      %get3A_752 = vector.shape_cast %get3A_751 : vector<1x1x16xf32> to vector<16xf32>
      %mul3A_753 = arith.constant 11.3137083 : f32
      %mul3A_754 = vector.broadcast %mul3A_753 : f32 to vector<16xf32>
      %mul3A_755 = arith.mulf %get3A_752, %mul3A_754 : vector<16xf32>
      %swap3A_756 = arith.constant 4 : i32
      %swap3A_757 = arith.index_cast %swap3A_756 : i32 to index
      %swap3A_758 = arith.index_cast %scan3A_636 : i32 to index
      %swap3A_759 = arith.constant 112 : index
      %swap3A_760 = tpu.vector_load %arg6[%swap3A_757, %swap3A_758, %swap3A_759] {strides = array<i32>} : memref<5x128x128xf32, #tpu.memory_space<vmem>>, vector<1x1x16xf32>,
      %swap3A_761 = vector.shape_cast %swap3A_760 : vector<1x1x16xf32> to vector<16xf32>
      %swap3A_762 = vector.shape_cast %mul3A_755 : vector<16xf32> to vector<1x1x16xf32>
      tpu.vector_store %arg6[%swap3A_757, %swap3A_758, %swap3A_759], %swap3A_762 {strides = array<i32>} : memref<5x128x128xf32, #tpu.memory_space<vmem>>, vector<1x1x16xf32>,
    }
    %scan3A_545 = arith.constant 128 : i32
    %add3A_546 = arith.constant 6272 : i32
    %add3A_547 = arith.addi %mul3A_2, %add3A_546 : i32
    %dma_start3A_548 = arith.constant 4 : i32
    %dma_start3A_549 = arith.constant 0 : i32
    %dma_start3A_550 = arith.constant 0 : i32
    %dma_start3A_551 = tpu.memref_slice %arg6[%dma_start3A_548, %dma_start3A_549, %dma_start3A_550] : memref<5x128x128xf32, #tpu.memory_space<vmem>> -> memref<1x128x128xf32, #tpu.memory_space<vmem>>
    %dma_start3A_552 = tpu.memref_squeeze %dma_start3A_551 : memref<1x128x128xf32, #tpu.memory_space<vmem>> -> memref<128x128xf32, #tpu.memory_space<vmem>>
    %dma_start3A_553 = arith.constant 0 : i32
    %dma_start3A_554 = tpu.memref_slice %arg4[%add3A_547, %dma_start3A_553] : memref<204800x128xf32, #tpu.memory_space<hbm>> -> memref<128x128xf32, #tpu.memory_space<hbm>>
    %dma_start3A_555 = arith.constant 0 : i32
    %dma_start3A_556 = tpu.memref_slice %arg4[%add3A_547, %dma_start3A_555] : memref<204800x128xf32, #tpu.memory_space<hbm>> -> memref<128x128xf32, #tpu.memory_space<hbm>>
    %dma_start3A_557 = arith.constant 0 : i32
    %dma_start3A_558 = arith.constant 0 : i32
    %dma_start3A_559 = tpu.memref_slice %arg6[%dma_start3A_548, %dma_start3A_557, %dma_start3A_558] : memref<5x128x128xf32, #tpu.memory_space<vmem>> -> memref<1x128x128xf32, #tpu.memory_space<vmem>>
    %dma_start3A_560 = tpu.memref_squeeze %dma_start3A_559 : memref<1x128x128xf32, #tpu.memory_space<vmem>> -> memref<128x128xf32, #tpu.memory_space<vmem>>
    tpu.enqueue_dma source(%dma_start3A_560 : memref<128x128xf32, #tpu.memory_space<vmem>>) target(%dma_start3A_556 : memref<128x128xf32, #tpu.memory_space<hbm>>) target_semaphore(%arg16 : memref<!tpu.dma_semaphore, #tpu.memory_space<semaphore_mem>>)
    %dma_wait3A_561 = arith.constant 0 : i32
    %dma_wait3A_562 = arith.constant 0 : i32
    %dma_wait3A_563 = arith.constant 0 : i32
    %dma_wait3A_564 = tpu.memref_slice %arg6[%dma_wait3A_561, %dma_wait3A_562, %dma_wait3A_563] : memref<5x128x128xf32, #tpu.memory_space<vmem>> -> memref<1x128x128xf32, #tpu.memory_space<vmem>>
    %dma_wait3A_565 = tpu.memref_squeeze %dma_wait3A_564 : memref<1x128x128xf32, #tpu.memory_space<vmem>> -> memref<128x128xf32, #tpu.memory_space<vmem>>
    %dma_wait3A_566 = arith.constant 0 : i32
    %dma_wait3A_567 = arith.constant 0 : i32
    %dma_wait3A_568 = tpu.memref_slice %arg3[%dma_wait3A_566, %dma_wait3A_567] : memref<100000x128xf32, #tpu.memory_space<hbm>> -> memref<128x128xf32, #tpu.memory_space<hbm>>
    %dma_wait3A_569 = arith.constant 0 : i32
    %dma_wait3A_570 = arith.constant 0 : i32
    %dma_wait3A_571 = tpu.memref_slice %arg6[%dma_wait3A_561, %dma_wait3A_569, %dma_wait3A_570] : memref<5x128x128xf32, #tpu.memory_space<vmem>> -> memref<1x128x128xf32, #tpu.memory_space<vmem>>
    %dma_wait3A_572 = tpu.memref_squeeze %dma_wait3A_571 : memref<1x128x128xf32, #tpu.memory_space<vmem>> -> memref<128x128xf32, #tpu.memory_space<vmem>>
    %dma_wait3A_573 = arith.constant 0 : i32
    %dma_wait3A_574 = arith.constant 0 : i32
    %dma_wait3A_575 = tpu.memref_slice %arg3[%dma_wait3A_573, %dma_wait3A_574] : memref<100000x128xf32, #tpu.memory_space<hbm>> -> memref<128x128xf32, #tpu.memory_space<hbm>>
    tpu.wait_dma2 semaphore(%arg12 : memref<!tpu.dma_semaphore, #tpu.memory_space<semaphore_mem>>) src(%dma_wait3A_575 : memref<128x128xf32, #tpu.memory_space<hbm>>) dst(%dma_wait3A_572 : memref<128x128xf32, #tpu.memory_space<vmem>>)
    %dma_wait3A_576 = arith.constant 1 : i32
    %dma_wait3A_577 = arith.constant 0 : i32
    %dma_wait3A_578 = arith.constant 0 : i32
    %dma_wait3A_579 = tpu.memref_slice %arg6[%dma_wait3A_576, %dma_wait3A_577, %dma_wait3A_578] : memref<5x128x128xf32, #tpu.memory_space<vmem>> -> memref<1x128x128xf32, #tpu.memory_space<vmem>>
    %dma_wait3A_580 = tpu.memref_squeeze %dma_wait3A_579 : memref<1x128x128xf32, #tpu.memory_space<vmem>> -> memref<128x128xf32, #tpu.memory_space<vmem>>
    %dma_wait3A_581 = arith.constant 0 : i32
    %dma_wait3A_582 = arith.constant 0 : i32
    %dma_wait3A_583 = tpu.memref_slice %arg3[%dma_wait3A_581, %dma_wait3A_582] : memref<100000x128xf32, #tpu.memory_space<hbm>> -> memref<128x128xf32, #tpu.memory_space<hbm>>
    %dma_wait3A_584 = arith.constant 0 : i32
    %dma_wait3A_585 = arith.constant 0 : i32
    %dma_wait3A_586 = tpu.memref_slice %arg6[%dma_wait3A_576, %dma_wait3A_584, %dma_wait3A_585] : memref<5x128x128xf32, #tpu.memory_space<vmem>> -> memref<1x128x128xf32, #tpu.memory_space<vmem>>
    %dma_wait3A_587 = tpu.memref_squeeze %dma_wait3A_586 : memref<1x128x128xf32, #tpu.memory_space<vmem>> -> memref<128x128xf32, #tpu.memory_space<vmem>>
    %dma_wait3A_588 = arith.constant 0 : i32
    %dma_wait3A_589 = arith.constant 0 : i32
    %dma_wait3A_590 = tpu.memref_slice %arg3[%dma_wait3A_588, %dma_wait3A_589] : memref<100000x128xf32, #tpu.memory_space<hbm>> -> memref<128x128xf32, #tpu.memory_space<hbm>>
    tpu.wait_dma2 semaphore(%arg13 : memref<!tpu.dma_semaphore, #tpu.memory_space<semaphore_mem>>) src(%dma_wait3A_590 : memref<128x128xf32, #tpu.memory_space<hbm>>) dst(%dma_wait3A_587 : memref<128x128xf32, #tpu.memory_space<vmem>>)
    %dma_wait3A_591 = arith.constant 2 : i32
    %dma_wait3A_592 = arith.constant 0 : i32
    %dma_wait3A_593 = arith.constant 0 : i32
    %dma_wait3A_594 = tpu.memref_slice %arg6[%dma_wait3A_591, %dma_wait3A_592, %dma_wait3A_593] : memref<5x128x128xf32, #tpu.memory_space<vmem>> -> memref<1x128x128xf32, #tpu.memory_space<vmem>>
    %dma_wait3A_595 = tpu.memref_squeeze %dma_wait3A_594 : memref<1x128x128xf32, #tpu.memory_space<vmem>> -> memref<128x128xf32, #tpu.memory_space<vmem>>
    %dma_wait3A_596 = arith.constant 0 : i32
    %dma_wait3A_597 = arith.constant 0 : i32
    %dma_wait3A_598 = tpu.memref_slice %arg3[%dma_wait3A_596, %dma_wait3A_597] : memref<100000x128xf32, #tpu.memory_space<hbm>> -> memref<128x128xf32, #tpu.memory_space<hbm>>
    %dma_wait3A_599 = arith.constant 0 : i32
    %dma_wait3A_600 = arith.constant 0 : i32
    %dma_wait3A_601 = tpu.memref_slice %arg6[%dma_wait3A_591, %dma_wait3A_599, %dma_wait3A_600] : memref<5x128x128xf32, #tpu.memory_space<vmem>> -> memref<1x128x128xf32, #tpu.memory_space<vmem>>
    %dma_wait3A_602 = tpu.memref_squeeze %dma_wait3A_601 : memref<1x128x128xf32, #tpu.memory_space<vmem>> -> memref<128x128xf32, #tpu.memory_space<vmem>>
    %dma_wait3A_603 = arith.constant 0 : i32
    %dma_wait3A_604 = arith.constant 0 : i32
    %dma_wait3A_605 = tpu.memref_slice %arg3[%dma_wait3A_603, %dma_wait3A_604] : memref<100000x128xf32, #tpu.memory_space<hbm>> -> memref<128x128xf32, #tpu.memory_space<hbm>>
    tpu.wait_dma2 semaphore(%arg14 : memref<!tpu.dma_semaphore, #tpu.memory_space<semaphore_mem>>) src(%dma_wait3A_605 : memref<128x128xf32, #tpu.memory_space<hbm>>) dst(%dma_wait3A_602 : memref<128x128xf32, #tpu.memory_space<vmem>>)
    %dma_wait3A_606 = arith.constant 3 : i32
    %dma_wait3A_607 = arith.constant 0 : i32
    %dma_wait3A_608 = arith.constant 0 : i32
    %dma_wait3A_609 = tpu.memref_slice %arg6[%dma_wait3A_606, %dma_wait3A_607, %dma_wait3A_608] : memref<5x128x128xf32, #tpu.memory_space<vmem>> -> memref<1x128x128xf32, #tpu.memory_space<vmem>>
    %dma_wait3A_610 = tpu.memref_squeeze %dma_wait3A_609 : memref<1x128x128xf32, #tpu.memory_space<vmem>> -> memref<128x128xf32, #tpu.memory_space<vmem>>
    %dma_wait3A_611 = arith.constant 0 : i32
    %dma_wait3A_612 = arith.constant 0 : i32
    %dma_wait3A_613 = tpu.memref_slice %arg3[%dma_wait3A_611, %dma_wait3A_612] : memref<100000x128xf32, #tpu.memory_space<hbm>> -> memref<128x128xf32, #tpu.memory_space<hbm>>
    %dma_wait3A_614 = arith.constant 0 : i32
    %dma_wait3A_615 = arith.constant 0 : i32
    %dma_wait3A_616 = tpu.memref_slice %arg6[%dma_wait3A_606, %dma_wait3A_614, %dma_wait3A_615] : memref<5x128x128xf32, #tpu.memory_space<vmem>> -> memref<1x128x128xf32, #tpu.memory_space<vmem>>
    %dma_wait3A_617 = tpu.memref_squeeze %dma_wait3A_616 : memref<1x128x128xf32, #tpu.memory_space<vmem>> -> memref<128x128xf32, #tpu.memory_space<vmem>>
    %dma_wait3A_618 = arith.constant 0 : i32
    %dma_wait3A_619 = arith.constant 0 : i32
    %dma_wait3A_620 = tpu.memref_slice %arg3[%dma_wait3A_618, %dma_wait3A_619] : memref<100000x128xf32, #tpu.memory_space<hbm>> -> memref<128x128xf32, #tpu.memory_space<hbm>>
    tpu.wait_dma2 semaphore(%arg15 : memref<!tpu.dma_semaphore, #tpu.memory_space<semaphore_mem>>) src(%dma_wait3A_620 : memref<128x128xf32, #tpu.memory_space<hbm>>) dst(%dma_wait3A_617 : memref<128x128xf32, #tpu.memory_space<vmem>>)
    %dma_wait3A_621 = arith.constant 4 : i32
    %dma_wait3A_622 = arith.constant 0 : i32
    %dma_wait3A_623 = arith.constant 0 : i32
    %dma_wait3A_624 = tpu.memref_slice %arg6[%dma_wait3A_621, %dma_wait3A_622, %dma_wait3A_623] : memref<5x128x128xf32, #tpu.memory_space<vmem>> -> memref<1x128x128xf32, #tpu.memory_space<vmem>>
    %dma_wait3A_625 = tpu.memref_squeeze %dma_wait3A_624 : memref<1x128x128xf32, #tpu.memory_space<vmem>> -> memref<128x128xf32, #tpu.memory_space<vmem>>
    %dma_wait3A_626 = arith.constant 0 : i32
    %dma_wait3A_627 = arith.constant 0 : i32
    %dma_wait3A_628 = tpu.memref_slice %arg3[%dma_wait3A_626, %dma_wait3A_627] : memref<100000x128xf32, #tpu.memory_space<hbm>> -> memref<128x128xf32, #tpu.memory_space<hbm>>
    %dma_wait3A_629 = arith.constant 0 : i32
    %dma_wait3A_630 = arith.constant 0 : i32
    %dma_wait3A_631 = tpu.memref_slice %arg6[%dma_wait3A_621, %dma_wait3A_629, %dma_wait3A_630] : memref<5x128x128xf32, #tpu.memory_space<vmem>> -> memref<1x128x128xf32, #tpu.memory_space<vmem>>
    %dma_wait3A_632 = tpu.memref_squeeze %dma_wait3A_631 : memref<1x128x128xf32, #tpu.memory_space<vmem>> -> memref<128x128xf32, #tpu.memory_space<vmem>>
    %dma_wait3A_633 = arith.constant 0 : i32
    %dma_wait3A_634 = arith.constant 0 : i32
    %dma_wait3A_635 = tpu.memref_slice %arg3[%dma_wait3A_633, %dma_wait3A_634] : memref<100000x128xf32, #tpu.memory_space<hbm>> -> memref<128x128xf32, #tpu.memory_space<hbm>>
    tpu.wait_dma2 semaphore(%arg16 : memref<!tpu.dma_semaphore, #tpu.memory_space<semaphore_mem>>) src(%dma_wait3A_635 : memref<128x128xf32, #tpu.memory_space<hbm>>) dst(%dma_wait3A_632 : memref<128x128xf32, #tpu.memory_space<vmem>>)
    return
  }
}

</mosaic_0001>

<sc_bundles>
// kernel: kernel.3.cloned.1.call-start
scs
__scs_entry_jumppad:
0x0: {  	(pc) =	sbr.rel $0x88, $3  }
0x1: {  	(tag) =	ssettag $0x0;
	lr =	simm.s32 $0x1  }
0x2: {  	[smem:$0x3F9F] =	sst lr;
	_ =	strace $0xD0000000  }
0x3: {  	_ = 	snop  }
0x4: {  	_ = 	snop  }
0x5: {  	_ = 	snop  }
0x6: {  	_ = 	snop  }
0x7: {  	_ = 	snop  }
__scs_overlays_trampoline_lowered:
0x8: {  	[smem:$0x3FAE] =	sst s0  }
0x9: {  	[smem:$0x3FAF] =	sst s1  }
0xa: {  	[smem:$0x3FB0] =	sst s2  }
0xb: {  	[smem:$0x3FB1] =	sst s3  }
0xc: {  	[smem:$0x3FB2] =	sst s4  }
0xd: {  	[smem:$0x3FB3] =	sst s5  }
0xe: {  	[smem:$0x3FB4] =	sst s6  }
0xf: {  	[smem:$0x3FB5] =	sst s7  }
0x10: {  	[smem:$0x3FB6] =	sst s8  }
0x11: {  	[smem:$0x3FB7] =	sst s9;
	s0 =	simm.s32 @!p0 $0x0  }
0x12: {  	s1 =	sld [smem:$0x3F9D];
	s0 =	simm.s32 @p0 $0x1  }
0x13: {  	[smem:$0x3FB8] =	sst s0;
	s0 =	simm.s32 @!p1 $0x0  }
0x14: {  	s2 =	sld [smem:$0x3F9C];
	s0 =	simm.s32 @p1 $0x1  }
0x15: {  	[smem:$0x3FB9] =	sst s0;
	s0 =	simm.s32 @!p2 $0x0  }
0x16: {  	s3 =	sld [smem:$0x3FDB];
	s0 =	simm.s32 @p2 $0x1  }
0x17: {  	s4 =	simm.s32 $0x1BF5;
	[smem:$0x3FBB] =	sst s0  }
0x18: {  	s0 =	sld [smem:$0x3F9E];
	_ =	swait.ge [sflag:s4], $0x0  }
0x19: {  	s7 =	sld [smem:$0x3F9F]  }
0x1a: {  	s8 =	sadd.s32 $0xFFFFE003, lr  }
0x1b: {  	s9 =	sadd.s32 $0xFFFFFEF7, lr;
	s5 =	simm.s32 $0xFFFFFFFF;
	p2 =	slt.u32 s8, $0xFFFFF086  }
0x1c: {  	p1 =	slt.u32 s9, $0xF7A;
	s5 =	simm.s32 @!p2 $0x0  }
0x1d: {  	s5 =	simm.s32 @p1 $0x1;
	p0 =	seq.s32 s7, s2  }
0x1e: {  	s7 =	smul.u32 @!p0 $0xF7A, s2;
	p2 =	seq.s32 @!p0 s5, $0x0  }
0x1f: {  	s9 =	smul.u32 $0xF7A, s1;
	s8 =	simm.s32 @!p0 $0x1BF5;
	p2 =	por !p2, p0  }
0x20: {  	[sflag:s8] =	ssyncset.s32 @!p0 $0xFFFFF086;
	s6 =	sadd.s32 @!p0 s3, s7;
	s7 =	simm.s32 @!p0 $0x108  }
0x21: {  	s3 =	sadd.s32 s3, s9;
	s6 =	sadd.s32 @!p0 $0x88, s6;
	s7 =	simm.s32 @p2 $0x1082  }
0x22: {  	[simem:s7], [sflag:s8] =	dma.local @!p0 [hbm:s6], $0xF7A  }
0x23: {  	s9 =	sor.u32 $0xD0000000, s2;
	s6 =	simm.s32 $0x108;
	_ =	swait.ge @!p0 [sflag:s8], $0x0  }
0x24: {  	s3 =	sadd.s32 $0x88, s3;
	s6 =	simm.s32 @!p1 $0x1082;
	[sflag:s4] =	ssyncset.s32 $0xFFFFF086  }
0x25: {  	[simem:s6], [sflag:s4] =	dma.local [hbm:s3], $0xF7A  }
0x26: {  	[smem:$0x3F9F] =	sst s1;
	(tag) =	ssettag s2;
	_ =	strace s9  }
0x27: {  	s1 =	sld [smem:$0x3FAF]  }
0x28: {  	s2 =	sld [smem:$0x3FB0]  }
0x29: {  	s4 =	sld [smem:$0x3FB2]  }
0x2a: {  	p0 =	seq.s32 s5, $0x0;
	s5 =	sld [smem:$0x3FB3]  }
0x2b: {  	s6 =	sld [smem:$0x3FB4]  }
0x2c: {  	s7 =	sld [smem:$0x3FB5]  }
0x2d: {  	s3 =	simm.s32 $0x108;
	s8 =	sld [smem:$0x3FB6]  }
0x2e: {  	s3 =	simm.s32 @!p0 $0x1082;
	s9 =	sld [smem:$0x3FB7]  }
0x2f: {  	lr =	sadd.s32 s0, s3;
	s0 =	sld [smem:$0x3FAE]  }
0x30: {  	s3 =	sld [smem:$0x3FB1]  }
0x31: {  	[smem:$0x3FBA] =	sst s10  }
0x32: {  	s10 =	sld [smem:$0x3FB8];
	_ =	sdelay $0x3  }
0x33: {  	p0 =	seq.s32 s10, $0x1;
	s10 =	sld [smem:$0x3FBA];
	_ =	sdelay $0x3  }
0x34: {  	[smem:$0x3FBA] =	sst s10  }
0x35: {  	s10 =	sld [smem:$0x3FB9];
	_ =	sdelay $0x3  }
0x36: {  	p1 =	seq.s32 s10, $0x1;
	s10 =	sld [smem:$0x3FBA];
	_ =	sdelay $0x3  }
0x37: {  	[smem:$0x3FBA] =	sst s10  }
0x38: {  	s10 =	sld [smem:$0x3FBB]  }
0x39: {  	_ = 	snop;
	(pc) =	sbr.ind lr, $3  }
0x3a: {  	_ = 	snop  }
0x3b: {  	_ = 	snop  }
0x3c: {  	p2 =	seq.s32 s10, $0x1;
	s10 =	sld [smem:$0x3FBA]  }
0x3d: {  	_ =	shalt  }
0x3e: {  	_ =	shalt  }
0x3f: {  	_ =	shalt  }
0x40: {  	_ =	shalt  }
0x41: {  	_ =	shalt  }
0x42: {  	_ =	shalt  }
0x43: {  	_ =	shalt  }
0x44: {  	_ =	shalt  }
0x45: {  	_ =	shalt  }
0x46: {  	_ =	shalt  }
0x47: {  	_ =	shalt  }
0x48: {  	_ =	shalt  }
0x49: {  	_ =	shalt  }
0x4a: {  	_ =	shalt  }
0x4b: {  	_ =	shalt  }
0x4c: {  	_ =	shalt  }
0x4d: {  	_ =	shalt  }
0x4e: {  	_ =	shalt  }
0x4f: {  	_ =	shalt  }
0x50: {  	_ =	shalt  }
0x51: {  	_ =	shalt  }
0x52: {  	_ =	shalt  }
0x53: {  	_ =	shalt  }
0x54: {  	_ =	shalt  }
0x55: {  	_ =	shalt  }
0x56: {  	_ =	shalt  }
0x57: {  	_ =	shalt  }
0x58: {  	_ =	shalt  }
0x59: {  	_ =	shalt  }
0x5a: {  	_ =	shalt  }
0x5b: {  	_ =	shalt  }
0x5c: {  	_ =	shalt  }
0x5d: {  	_ =	shalt  }
0x5e: {  	_ =	shalt  }
0x5f: {  	_ =	shalt  }
0x60: {  	_ =	shalt  }
0x61: {  	_ =	shalt  }
0x62: {  	_ =	shalt  }
0x63: {  	_ =	shalt  }
0x64: {  	_ =	shalt  }
0x65: {  	_ =	shalt  }
0x66: {  	_ =	shalt  }
0x67: {  	_ =	shalt  }
0x68: {  	_ =	shalt  }
0x69: {  	_ =	shalt  }
0x6a: {  	_ =	shalt  }
0x6b: {  	_ =	shalt  }
0x6c: {  	_ =	shalt  }
0x6d: {  	_ =	shalt  }
0x6e: {  	_ =	shalt  }
0x6f: {  	_ =	shalt  }
0x70: {  	_ =	shalt  }
0x71: {  	_ =	shalt  }
0x72: {  	_ =	shalt  }
0x73: {  	_ =	shalt  }
0x74: {  	_ =	shalt  }
0x75: {  	_ =	shalt  }
0x76: {  	_ =	shalt  }
0x77: {  	_ =	shalt  }
0x78: {  	_ =	shalt  }
0x79: {  	_ =	shalt  }
0x7a: {  	_ =	shalt  }
0x7b: {  	_ =	shalt  }
0x7c: {  	_ =	shalt  }
0x7d: {  	_ =	shalt  }
0x7e: {  	_ =	shalt  }
0x7f: {  	_ =	shalt  }
0x80: {  	_ =	shalt  }
0x81: {  	_ =	shalt  }
0x82: {  	_ =	shalt  }
0x83: {  	_ =	shalt  }
0x84: {  	_ =	shalt  }
0x85: {  	_ =	shalt  }
0x86: {  	_ =	shalt  }
0x87: {  	_ =	shalt  }
.Lfunc_end0:
.L_simem_size_0:
called_computation_lowered:
.L_overlay_start_0:
0x88: {  	s2 =	sld [smem:$0x3FD9]  }
0x89: {  	s3 =	sld [smem:$0x3FFE];
	_ =	sdelay $0x1  }
0x8a: {  	s1 =	srdreg.scid  }
0x8b: {  	s0 =	sand.u32 $0x1, s1  }
0x8c: {  	s17 =	sshll.u32 s0, $0xA;
	s2 =	sadd.s32 s3, s2  }
0x8d: {  	s2 =	sadd.s32 s2, s17  }
0x8e: {  	[smem:$0x3FC6] =	sst s2  }
0x8f: {  	_ = 	snop  }
0x90: {  	s2 =	sld [smem:$0x3FC8]  }
0x91: {  	s18 =	sld [smem:$0x3FD0];
	(tm) =	ssettm $0x1  }
0x92: {  	s4 =	sld [smem:$0x3FFB];
	_ =	sdelay $0x3  }
0x93: {  	_ =	strace s4  }
0x94: {  	s4 =	sld [smem:$0x3FFC];
	_ =	sdelay $0x3  }
0x95: {  	_ =	strace s4  }
0x96: {  	s4 =	sld [smem:$0x3FFD];
	_ =	sdelay $0x3  }
0x97: {  	_ =	strace s4  }
0x98: {  	_ =	strace $0x8FFFFFFF  }
0x99: {  	s19 =	sld [smem:$0x3FDB];
	_ =	sdelay $0x1  }
0x9a: {  	s5 =	simm.s32 $_scs_section_size  }
0x9b: {  	s6 =	simm.s32 $_size__tile_overlayer_lowered;
	s7 =	simm.s32 $_tile_overlayer_lowered  }
0x9c: {  	s22 =	simm.s32 $0x1BFF;
	s21 =	sshll.u32 s7, $0x1;
	s4 =	sadd.s32 s5, s19  }
0x9d: {  	s8 =	simm.s32 $0x0;
	s20 =	sshll.u32 s6, $0x1;
	s6 =	sadd.s32 s21, s4  }
0x9e: {  	[timem:s8], [sflag:s22] =	dma.local [hbm:s6], s20  }
0x9f: {  	_ =	swait.ge [sflag:s22], s20  }
0xa0: {  	s5 =	ssub.s32 $0x0, s20;
	[sflag:s22] =	ssyncset.done $0x0  }
0xa1: {  	[sflag:s22] =	ssyncadd.s32 s5;
	_ =	sdelay $0x1  }
0xa2: {  	s23 =	simm.s32 $0x1B8B  }
0xa3: {  	_ =	swait.ge [sflag:s23], $0x1  }
0xa4: {  	[sflag:s23] =	ssyncset.done $0x0  }
0xa5: {  	s25 =	simm.s32 $0x1B8E;
	s24 =	sld [smem:$0x3FFE];
	[sflag:s23] =	ssyncadd.s32 $0xFFFFFFFF  }
0xa6: {  	s26 =	simm.s32 $execute0_lowered;
	[smem:$0x3FD2] =	sst s25  }
0xa7: {  	s6 =	sshll.u32 s26, $0x1;
	_ =	strace $0x80000046;
	[dreg:$0x1] =	wrdreg $0xFFFFFFFF  }
0xa8: {  	s28 =	simm.s32 $_size_execute0_lowered;
	s4 =	sadd.s32 s4, s6;
	[dreg:$0x0] =	wrdreg $0x0  }
0xa9: {  	s6 =	sshll.u32 s28, $0x1;
	[dreg:$0x2] =	wrdreg s4  }
0xaa: {  	[dreg:$0x3] =	wrdreg s6  }
0xab: {  	[dreg:$0x4] =	wrdreg $0xC0  }
0xac: {  	_ =	task [dreg:s8], $0x5FFFF  }
0xad: {  	[dreg:$0x1] =	wrdreg $0xFFFFFFFF  }
0xae: {  	[dreg:$0x0] =	wrdreg $0x60  }
0xaf: {  	[dreg:$0x2] =	wrdreg s24  }
0xb0: {  	[dreg:$0x3] =	wrdreg s2  }
0xb1: {  	[dreg:$0x4] =	wrdreg s18  }
0xb2: {  	[dreg:$0x5] =	wrdreg $0x9  }
0xb3: {  	_ =	task.clear_ibuf [dreg:s8], $0x6FFFF;
	_ =	strace $0x90000046  }
0xb4: {  	s29 =	simm.s32 $0x9;
	_ =	strace $0x80000048  }
0xb5: {  	_ =	swait.ge [sflag:s29], $0x1  }
0xb6: {  	[sflag:s29] =	ssyncadd.s32 $0xFFFFFFFF  }
0xb7: {  	_ =	strace $0x90000048  }
0xb8: {  	_ =	sfence  }
0xb9: {  	s30 =	sld [smem:$0x0];
	_ =	sdelay $0x2  }
0xba: {  	s31 =	sshll.u32 s1, $0xD;
	s1 =	sshrl.u32 s1, $0x2  }
0xbb: {  	s3 =	sand.u32 $0x4000, s31;
	s1 =	sadd.s32 s1, s30  }
0xbc: {  	s0 =	sor.u32 s3, s0;
	s1 =	sshll.u32 s1, $0x11  }
0xbd: {  	s0 =	sor.u32 s1, s0  }
0xbe: {  	s0 =	sadd.s32 $0x8F2B, s0  }
0xbf: {  	[sflag:s0] =	ssyncadd.remote.s32 $0x1  }
0xc0: {  	_ =	sfence.sel $0xFFFF  }
0xc1: {  	[dreg:$0x0] =	wrdreg $0xFFFFFFFF;
	(pc) =	sbr.abs _section_cstart, $3  }
0xc2: {  	[dreg:$0x1] =	wrdreg $0xFFFFFFFF  }
0xc3: {  	_ =	task.clear_ibuf [dreg:s8], $0x2FFFF;
	_ =	strace $0x9FFFFFFF  }
0xc4: {  	(tm) =	ssettm $0x7FFFFFFF  }
0xc5: {  	_ =	shalt  }
tec
execute0_lowered:
.L_overlay_start_1:
0x0: {  	(tag) =	ssettag $0x1  }
0x1: {  	s0 =	rddreg [dreg:$0x0];
	s1 =	srdreg.scid  }
0x2: {  	s3 =	stileid.u32;
	s2 =	rddreg [dreg:$0x1];
	s29 =	simm.s32 $0xDC00  }
0x3: {  	s30 =	simm.s32 $0x2;
	s1 =	sand.u32 $0x1, s1;
	s4 =	sshll.u32 s3, $0x1  }
0x4: {  	s31 =	simm.s32 $0x4;
	s28 =	simm.s32 $0x7;
	s5 =	sor.u32 s1, s4  }
0x5: {  	s10 =	simm.s32 $0xA;
	s3 =	rddreg [dreg:$0x2];
	s6 =	smul.u32 $0x380, s5  }
0x6: {  	s4 =	simm.s32 $0x0;
	s1 =	ssub.s32 $0x2, s1;
	s9 =	smul.u32 $0x19000, s5  }
0x7: {  	[smem:$0x7FF] =	sst s4;
	s7 =	smul.u32 $0xC8000, s5;
	s8 =	sshrl.u32 s1, $0x1  }
0x8: {  	_ =	strace $0x80000047;
	s1 =	ssub.s32 s1, s8;
	s16 =	sadd.s32 s3, s9  }
0x9: {  	s0 =	sadd.s32 s6, s0;
	s26 =	smax.u32 s1, $0x1;
	[dreg:$0x4] =	wrdreg s16  }
0xa: {  	s7 =	sshrl.u32 s7, $0x3;
	s0 =	sadd.s32 $0x400, s0;
	[dreg:$0xf] =	wrdreg s26  }
0xb: {  	s7 =	sadd.s32 s3, s7;
	s17 =	sadd.s32 $0x800, s16;
	[dreg:$0x5] =	wrdreg s0  }
0xc: {  	s11 =	simm.s32 $0x0;
	[dreg:$0x6] =	wrdreg s17;
	s18 =	sadd.s32 $0x1000, s7  }
0xd: {  	s5 =	smul.u32 $0x1900, s5;
	s19 =	sadd.s32 $0x1800, s7;
	[dreg:$0x7] =	wrdreg s18  }
0xe: {  	s8 =	simm.s32 $0x8;
	s20 =	sadd.s32 $0x2000, s7;
	[dreg:$0x8] =	wrdreg s19  }
0xf: {  	s12 =	sor.u32 $0x80, s5;
	s21 =	sadd.s32 $0x16800, s7;
	[dreg:$0x9] =	wrdreg s20  }
0x10: {  	s13 =	sadd.s32 $0x100, s5;
	s22 =	sadd.s32 $0x17000, s7;
	[dreg:$0xa] =	wrdreg s21  }
0x11: {  	s1 =	simm.s32 $0x11C00;
	s23 =	sadd.s32 $0x17800, s7;
	[dreg:$0xb] =	wrdreg s22  }
0x12: {  	s9 =	simm.s32 $0x9;
	s24 =	sadd.s32 $0x18000, s7;
	[dreg:$0xc] =	wrdreg s23  }
0x13: {  	s26 =	simm.s32 $0x1;
	s25 =	sadd.s32 $0x18800, s7;
	[dreg:$0xd] =	wrdreg s24  }
0x14: {  	s0 =	simm.s32 $0x3;
	s7 =	simm.s32 $0x5;
	[dreg:$0xe] =	wrdreg s25  }
0x15: {  	s20 =	simm.s32 $0xB;
	s21 =	simm.s32 $0x80;
	s22 =	simm.s32 $0x1C00  }
0x16: {  	s23 =	simm.s32 $0x5C00;
	s25 =	simm.s32 $0x9C00;
	s24 =	simm.s32 $0x6  }
.LBB2_1:
0x17: {  	s6 =	rddreg [dreg:$0x5]  }
0x18: {  	[tilespmem:s4], [sflag:$0xB] =	stream.linear.gather [hbm4b:s6+s4], $0x1900, $0x38;
	[tilespmem:$0x15C00] =	vst v63  }
0x19: {  	_ =	swait.ge [sflag:s20], $0x1900  }
0x1a: {  	[sflag:s20] =	ssyncset.done $0x0  }
0x1b: {  	[sflag:s20] =	ssyncadd.s32 $0xFFFFE700  }
0x1c: {  	[tilespmem:s22], [sflag:$0x1] =	stream.indirect.gather [hbm4b:s2+s21], $0x80, s4, s21, $0xb8;
	[tilespmem:$0x15C00] =	vst v63  }
0x1d: {  	_ = 	snop  }
0x1e: {  	[tilespmem:s23], [sflag:$0x2] =	stream.indirect.gather [hbm4b:s2+s21], $0x80, s21, s21, $0xb8;
	[tilespmem:$0x15C00] =	vst v63  }
0x1f: {  	s19 =	simm.s32 $0x100  }
0x20: {  	[tilespmem:s25], [sflag:$0x3] =	stream.indirect.gather [hbm4b:s2+s21], $0x80, s19, s21, $0xb8;
	[tilespmem:$0x15C00] =	vst v63  }
0x21: {  	_ =	swait.ge [sflag:s26], $0x4000  }
0x22: {  	[sflag:s26] =	ssyncset.done $0x0  }
0x23: {  	s14 =	simm.s32 $0x0;
	[sflag:s26] =	ssyncadd.s32 $0xFFFFC000  }
0x24: {  	v3 =	vld [tilespmem:s14+$0x1C00]  }
0x25: {  	v5 =	vld [tilespmem:s14+$0x1C10]  }
0x26: {  	v4 =	vld [tilespmem:s14+$0x1C20]  }
0x27: {  	v2 =	vld [tilespmem:s14+$0x1C30]  }
0x28: {  	v0 =	vld [tilespmem:s14+$0x1C40]  }
0x29: {  	v1 =	vld [tilespmem:s14+$0x1C50];
	v6 =	vmul.f32 $1.131370830e+01, v3  }
0x2a: {  	s15 =	simm.s32 $0x200;
	v5 =	vmul.f32 $1.131370830e+01, v5;
	v3 =	vld [tilespmem:s14+$0x1C60]  }
.LBB2_2:
0x2b: {  	s16 =	sshra.s32 s15, $0x2;
	p0 =	sne.s32 s15, $0xFE00;
	[tilespmem:s14+$0x1C00] =	vst v6;
	v4 =	vmul.f32 $1.131370830e+01, v4;
	v6 =	vld [tilespmem:s14+$0x1C70]  }
0x2c: {  	v7 =	vld [tilespmem:s16+$0x1C00];
	[tilespmem:s14+$0x1C10] =	vst v5;
	v2 =	vmul.f32 $1.131370830e+01, v2  }
0x2d: {  	v5 =	vld [tilespmem:s16+$0x1C10];
	[tilespmem:s14+$0x1C20] =	vst v4;
	v0 =	vmul.f32 $1.131370830e+01, v0  }
.Ltmp0:
0x2e: {  	v4 =	vld [tilespmem:s16+$0x1C20];
	[tilespmem:s14+$0x1C30] =	vst v2;
	v1 =	vmul.f32 $1.131370830e+01, v1;
	(pc) =	sbr.rel @p0 .LBB2_2-.Ltmp0, $4  }
0x2f: {  	v2 =	vld [tilespmem:s16+$0x1C30];
	[tilespmem:s14+$0x1C40] =	vst v0;
	v3 =	vmul.f32 $1.131370830e+01, v3  }
0x30: {  	v0 =	vld [tilespmem:s16+$0x1C40];
	[tilespmem:s14+$0x1C50] =	vst v1;
	v8 =	vmul.f32 $1.131370830e+01, v6  }
0x31: {  	v6 =	vmul.f32 $1.131370830e+01, v7;
	v1 =	vld [tilespmem:s16+$0x1C50];
	[tilespmem:s14+$0x1C60] =	vst v3  }
0x32: {  	s15 =	sadd.s32 $0x200, s15;
	v5 =	vmul.f32 $1.131370830e+01, v5;
	v3 =	vld [tilespmem:s16+$0x1C60];
	[tilespmem:s14+$0x1C70] =	vst v8;
	s14 =	smov.u32 s16  }
0x33: {  	[tilespmem:s14+$0x1C00] =	vst v6;
	v4 =	vmul.f32 $1.131370830e+01, v4;
	v6 =	vld [tilespmem:s14+$0x1C70]  }
0x34: {  	[tilespmem:s14+$0x1C10] =	vst v5;
	v2 =	vmul.f32 $1.131370830e+01, v2  }
0x35: {  	[tilespmem:s14+$0x1C20] =	vst v4;
	v0 =	vmul.f32 $1.131370830e+01, v0  }
0x36: {  	[tilespmem:s14+$0x1C30] =	vst v2;
	v1 =	vmul.f32 $1.131370830e+01, v1  }
0x37: {  	[tilespmem:s14+$0x1C40] =	vst v0;
	v0 =	vmul.f32 $1.131370830e+01, v3  }
0x38: {  	[tilespmem:s14+$0x1C50] =	vst v1;
	v1 =	vmul.f32 $1.131370830e+01, v6  }
0x39: {  	[tilespmem:s14+$0x1C60] =	vst v0  }
0x3a: {  	s18 =	simm.s32 $0x0;
	s6 =	rddreg [dreg:$0x4];
	[tilespmem:s14+$0x1C70] =	vst v1  }
0x3b: {  	[hbm4b:s6+s18] =	stream.linear.scatter [tilespmem:s22], [sflag:$0x6], $0x4000, $0x38;
	[tilespmem:$0x15C00] =	vst v63  }
0x3c: {  	s19 =	simm.s32 $0x180  }
0x3d: {  	[tilespmem:s29], [sflag:$0x4] =	stream.indirect.gather [hbm4b:s2+s21], $0x80, s19, s21, $0xb8;
	[tilespmem:$0x15C00] =	vst v63  }
0x3e: {  	_ =	swait.ge [sflag:s30], $0x4000  }
0x3f: {  	[sflag:s30] =	ssyncset.done $0x0  }
0x40: {  	s14 =	simm.s32 $0x0;
	[sflag:s30] =	ssyncadd.s32 $0xFFFFC000  }
0x41: {  	v3 =	vld [tilespmem:s14+$0x5C00]  }
0x42: {  	v5 =	vld [tilespmem:s14+$0x5C10]  }
0x43: {  	v4 =	vld [tilespmem:s14+$0x5C20]  }
0x44: {  	v2 =	vld [tilespmem:s14+$0x5C30]  }
0x45: {  	v0 =	vld [tilespmem:s14+$0x5C40]  }
0x46: {  	v1 =	vld [tilespmem:s14+$0x5C50];
	v6 =	vmul.f32 $1.131370830e+01, v3  }
0x47: {  	s15 =	simm.s32 $0x200;
	v5 =	vmul.f32 $1.131370830e+01, v5;
	v3 =	vld [tilespmem:s14+$0x5C60]  }
.LBB2_4:
0x48: {  	s16 =	sshra.s32 s15, $0x2;
	p0 =	sne.s32 s15, $0xFE00;
	[tilespmem:s14+$0x5C00] =	vst v6;
	v4 =	vmul.f32 $1.131370830e+01, v4;
	v6 =	vld [tilespmem:s14+$0x5C70]  }
0x49: {  	v7 =	vld [tilespmem:s16+$0x5C00];
	[tilespmem:s14+$0x5C10] =	vst v5;
	v2 =	vmul.f32 $1.131370830e+01, v2  }
0x4a: {  	v5 =	vld [tilespmem:s16+$0x5C10];
	[tilespmem:s14+$0x5C20] =	vst v4;
	v0 =	vmul.f32 $1.131370830e+01, v0  }
.Ltmp1:
0x4b: {  	v4 =	vld [tilespmem:s16+$0x5C20];
	[tilespmem:s14+$0x5C30] =	vst v2;
	v1 =	vmul.f32 $1.131370830e+01, v1;
	(pc) =	sbr.rel @p0 .LBB2_4-.Ltmp1, $4  }
0x4c: {  	v2 =	vld [tilespmem:s16+$0x5C30];
	[tilespmem:s14+$0x5C40] =	vst v0;
	v3 =	vmul.f32 $1.131370830e+01, v3  }
0x4d: {  	v0 =	vld [tilespmem:s16+$0x5C40];
	[tilespmem:s14+$0x5C50] =	vst v1;
	v8 =	vmul.f32 $1.131370830e+01, v6  }
0x4e: {  	v6 =	vmul.f32 $1.131370830e+01, v7;
	v1 =	vld [tilespmem:s16+$0x5C50];
	[tilespmem:s14+$0x5C60] =	vst v3  }
0x4f: {  	s15 =	sadd.s32 $0x200, s15;
	v5 =	vmul.f32 $1.131370830e+01, v5;
	v3 =	vld [tilespmem:s16+$0x5C60];
	[tilespmem:s14+$0x5C70] =	vst v8;
	s14 =	smov.u32 s16  }
0x50: {  	[tilespmem:s14+$0x5C00] =	vst v6;
	v4 =	vmul.f32 $1.131370830e+01, v4;
	v6 =	vld [tilespmem:s14+$0x5C70]  }
0x51: {  	[tilespmem:s14+$0x5C10] =	vst v5;
	v2 =	vmul.f32 $1.131370830e+01, v2  }
0x52: {  	[tilespmem:s14+$0x5C20] =	vst v4;
	v0 =	vmul.f32 $1.131370830e+01, v0  }
0x53: {  	[tilespmem:s14+$0x5C30] =	vst v2;
	v1 =	vmul.f32 $1.131370830e+01, v1  }
0x54: {  	[tilespmem:s14+$0x5C40] =	vst v0;
	v0 =	vmul.f32 $1.131370830e+01, v3  }
0x55: {  	[tilespmem:s14+$0x5C50] =	vst v1;
	v1 =	vmul.f32 $1.131370830e+01, v6  }
0x56: {  	[tilespmem:s14+$0x5C60] =	vst v0  }
0x57: {  	s18 =	simm.s32 $0x0;
	s6 =	rddreg [dreg:$0x6];
	[tilespmem:s14+$0x5C70] =	vst v1  }
0x58: {  	[hbm4b:s6+s18] =	stream.linear.scatter [tilespmem:s23], [sflag:$0x7], $0x4000, $0x38;
	[tilespmem:$0x15C00] =	vst v63  }
0x59: {  	s19 =	simm.s32 $0x200  }
0x5a: {  	[tilespmem:s1], [sflag:$0x5] =	stream.indirect.gather [hbm4b:s2+s21], $0x80, s19, s21, $0xb8;
	[tilespmem:$0x15C00] =	vst v63  }
0x5b: {  	_ =	swait.ge [sflag:s0], $0x4000  }
0x5c: {  	[sflag:s0] =	ssyncset.done $0x0  }
0x5d: {  	s14 =	simm.s32 $0x0;
	[sflag:s0] =	ssyncadd.s32 $0xFFFFC000  }
0x5e: {  	v3 =	vld [tilespmem:s14+$0x9C00]  }
0x5f: {  	v5 =	vld [tilespmem:s14+$0x9C10]  }
0x60: {  	v4 =	vld [tilespmem:s14+$0x9C20]  }
0x61: {  	v2 =	vld [tilespmem:s14+$0x9C30]  }
0x62: {  	v0 =	vld [tilespmem:s14+$0x9C40]  }
0x63: {  	v1 =	vld [tilespmem:s14+$0x9C50];
	v6 =	vmul.f32 $1.131370830e+01, v3  }
0x64: {  	s15 =	simm.s32 $0x200;
	v5 =	vmul.f32 $1.131370830e+01, v5;
	v3 =	vld [tilespmem:s14+$0x9C60]  }
.LBB2_6:
0x65: {  	s16 =	sshra.s32 s15, $0x2;
	p0 =	sne.s32 s15, $0xFE00;
	[tilespmem:s14+$0x9C00] =	vst v6;
	v4 =	vmul.f32 $1.131370830e+01, v4;
	v6 =	vld [tilespmem:s14+$0x9C70]  }
0x66: {  	v7 =	vld [tilespmem:s16+$0x9C00];
	[tilespmem:s14+$0x9C10] =	vst v5;
	v2 =	vmul.f32 $1.131370830e+01, v2  }
0x67: {  	v5 =	vld [tilespmem:s16+$0x9C10];
	[tilespmem:s14+$0x9C20] =	vst v4;
	v0 =	vmul.f32 $1.131370830e+01, v0  }
.Ltmp2:
0x68: {  	v4 =	vld [tilespmem:s16+$0x9C20];
	[tilespmem:s14+$0x9C30] =	vst v2;
	v1 =	vmul.f32 $1.131370830e+01, v1;
	(pc) =	sbr.rel @p0 .LBB2_6-.Ltmp2, $4  }
0x69: {  	v2 =	vld [tilespmem:s16+$0x9C30];
	[tilespmem:s14+$0x9C40] =	vst v0;
	v3 =	vmul.f32 $1.131370830e+01, v3  }
0x6a: {  	v0 =	vld [tilespmem:s16+$0x9C40];
	[tilespmem:s14+$0x9C50] =	vst v1;
	v8 =	vmul.f32 $1.131370830e+01, v6  }
0x6b: {  	v6 =	vmul.f32 $1.131370830e+01, v7;
	v1 =	vld [tilespmem:s16+$0x9C50];
	[tilespmem:s14+$0x9C60] =	vst v3  }
0x6c: {  	s15 =	sadd.s32 $0x200, s15;
	v5 =	vmul.f32 $1.131370830e+01, v5;
	v3 =	vld [tilespmem:s16+$0x9C60];
	[tilespmem:s14+$0x9C70] =	vst v8;
	s14 =	smov.u32 s16  }
0x6d: {  	[tilespmem:s14+$0x9C00] =	vst v6;
	v4 =	vmul.f32 $1.131370830e+01, v4;
	v6 =	vld [tilespmem:s14+$0x9C70]  }
0x6e: {  	[tilespmem:s14+$0x9C10] =	vst v5;
	v2 =	vmul.f32 $1.131370830e+01, v2  }
0x6f: {  	[tilespmem:s14+$0x9C20] =	vst v4;
	v0 =	vmul.f32 $1.131370830e+01, v0  }
0x70: {  	[tilespmem:s14+$0x9C30] =	vst v2;
	v1 =	vmul.f32 $1.131370830e+01, v1  }
0x71: {  	[tilespmem:s14+$0x9C40] =	vst v0;
	v0 =	vmul.f32 $1.131370830e+01, v3  }
0x72: {  	[tilespmem:s14+$0x9C50] =	vst v1;
	v1 =	vmul.f32 $1.131370830e+01, v6  }
0x73: {  	[tilespmem:s14+$0x9C60] =	vst v0  }
0x74: {  	s18 =	simm.s32 $0x0;
	s6 =	rddreg [dreg:$0x7];
	[tilespmem:s14+$0x9C70] =	vst v1  }
0x75: {  	[hbm4b:s6+s18] =	stream.linear.scatter [tilespmem:s25], [sflag:$0x8], $0x4000, $0x38;
	[tilespmem:$0x15C00] =	vst v63  }
0x76: {  	_ =	swait.ge [sflag:s24], $0x4000  }
0x77: {  	[sflag:s24] =	ssyncset.done $0x0  }
0x78: {  	s19 =	simm.s32 $0x280;
	[sflag:s24] =	ssyncadd.s32 $0xFFFFC000  }
0x79: {  	[tilespmem:s22], [sflag:$0x1] =	stream.indirect.gather [hbm4b:s2+s21], $0x80, s19, s21, $0xb8;
	[tilespmem:$0x15C00] =	vst v63  }
0x7a: {  	_ =	swait.ge [sflag:s31], $0x4000  }
0x7b: {  	[sflag:s31] =	ssyncset.done $0x0  }
0x7c: {  	s14 =	simm.s32 $0x0;
	[sflag:s31] =	ssyncadd.s32 $0xFFFFC000  }
0x7d: {  	v3 =	vld [tilespmem:s14+$0xDC00]  }
0x7e: {  	v5 =	vld [tilespmem:s14+$0xDC10]  }
0x7f: {  	v4 =	vld [tilespmem:s14+$0xDC20]  }
0x80: {  	v2 =	vld [tilespmem:s14+$0xDC30]  }
0x81: {  	v0 =	vld [tilespmem:s14+$0xDC40]  }
0x82: {  	v1 =	vld [tilespmem:s14+$0xDC50];
	v6 =	vmul.f32 $1.131370830e+01, v3  }
0x83: {  	s15 =	simm.s32 $0x200;
	v5 =	vmul.f32 $1.131370830e+01, v5;
	v3 =	vld [tilespmem:s14+$0xDC60]  }
.LBB2_8:
0x84: {  	s16 =	sshra.s32 s15, $0x2;
	p0 =	sne.s32 s15, $0xFE00;
	[tilespmem:s14+$0xDC00] =	vst v6;
	v4 =	vmul.f32 $1.131370830e+01, v4;
	v6 =	vld [tilespmem:s14+$0xDC70]  }
0x85: {  	v7 =	vld [tilespmem:s16+$0xDC00];
	[tilespmem:s14+$0xDC10] =	vst v5;
	v2 =	vmul.f32 $1.131370830e+01, v2  }
0x86: {  	v5 =	vld [tilespmem:s16+$0xDC10];
	[tilespmem:s14+$0xDC20] =	vst v4;
	v0 =	vmul.f32 $1.131370830e+01, v0  }
.Ltmp3:
0x87: {  	v4 =	vld [tilespmem:s16+$0xDC20];
	[tilespmem:s14+$0xDC30] =	vst v2;
	v1 =	vmul.f32 $1.131370830e+01, v1;
	(pc) =	sbr.rel @p0 .LBB2_8-.Ltmp3, $4  }
0x88: {  	v2 =	vld [tilespmem:s16+$0xDC30];
	[tilespmem:s14+$0xDC40] =	vst v0;
	v3 =	vmul.f32 $1.131370830e+01, v3  }
0x89: {  	v0 =	vld [tilespmem:s16+$0xDC40];
	[tilespmem:s14+$0xDC50] =	vst v1;
	v8 =	vmul.f32 $1.131370830e+01, v6  }
0x8a: {  	v6 =	vmul.f32 $1.131370830e+01, v7;
	v1 =	vld [tilespmem:s16+$0xDC50];
	[tilespmem:s14+$0xDC60] =	vst v3  }
0x8b: {  	s15 =	sadd.s32 $0x200, s15;
	v5 =	vmul.f32 $1.131370830e+01, v5;
	v3 =	vld [tilespmem:s16+$0xDC60];
	[tilespmem:s14+$0xDC70] =	vst v8;
	s14 =	smov.u32 s16  }
0x8c: {  	[tilespmem:s14+$0xDC00] =	vst v6;
	v4 =	vmul.f32 $1.131370830e+01, v4;
	v6 =	vld [tilespmem:s14+$0xDC70]  }
0x8d: {  	[tilespmem:s14+$0xDC10] =	vst v5;
	v2 =	vmul.f32 $1.131370830e+01, v2  }
0x8e: {  	[tilespmem:s14+$0xDC20] =	vst v4;
	v0 =	vmul.f32 $1.131370830e+01, v0  }
0x8f: {  	[tilespmem:s14+$0xDC30] =	vst v2;
	v1 =	vmul.f32 $1.131370830e+01, v1  }
0x90: {  	[tilespmem:s14+$0xDC40] =	vst v0;
	v0 =	vmul.f32 $1.131370830e+01, v3  }
0x91: {  	[tilespmem:s14+$0xDC50] =	vst v1;
	v1 =	vmul.f32 $1.131370830e+01, v6  }
0x92: {  	[tilespmem:s14+$0xDC60] =	vst v0  }
0x93: {  	s18 =	simm.s32 $0x0;
	s6 =	rddreg [dreg:$0x8];
	[tilespmem:s14+$0xDC70] =	vst v1  }
0x94: {  	[hbm4b:s6+s18] =	stream.linear.scatter [tilespmem:s29], [sflag:$0x9], $0x4000, $0x38;
	[tilespmem:$0x15C00] =	vst v63  }
0x95: {  	_ =	swait.ge [sflag:s28], $0x4000  }
0x96: {  	[sflag:s28] =	ssyncset.done $0x0  }
0x97: {  	s19 =	simm.s32 $0x300;
	[sflag:s28] =	ssyncadd.s32 $0xFFFFC000  }
0x98: {  	[tilespmem:s23], [sflag:$0x2] =	stream.indirect.gather [hbm4b:s2+s21], $0x80, s19, s21, $0xb8;
	[tilespmem:$0x15C00] =	vst v63  }
0x99: {  	_ =	swait.ge [sflag:s7], $0x4000  }
0x9a: {  	[sflag:s7] =	ssyncset.done $0x0  }
0x9b: {  	s14 =	simm.s32 $0x0;
	[sflag:s7] =	ssyncadd.s32 $0xFFFFC000  }
0x9c: {  	v3 =	vld [tilespmem:s14+$0x11C00]  }
0x9d: {  	v5 =	vld [tilespmem:s14+$0x11C10]  }
0x9e: {  	v4 =	vld [tilespmem:s14+$0x11C20]  }
0x9f: {  	v2 =	vld [tilespmem:s14+$0x11C30]  }
0xa0: {  	v0 =	vld [tilespmem:s14+$0x11C40]  }
0xa1: {  	v1 =	vld [tilespmem:s14+$0x11C50];
	v6 =	vmul.f32 $1.131370830e+01, v3  }
0xa2: {  	s15 =	simm.s32 $0x200;
	v5 =	vmul.f32 $1.131370830e+01, v5;
	v3 =	vld [tilespmem:s14+$0x11C60]  }
.LBB2_10:
0xa3: {  	s16 =	sshra.s32 s15, $0x2;
	p0 =	sne.s32 s15, $0xFE00;
	[tilespmem:s14+$0x11C00] =	vst v6;
	v4 =	vmul.f32 $1.131370830e+01, v4;
	v6 =	vld [tilespmem:s14+$0x11C70]  }
0xa4: {  	v7 =	vld [tilespmem:s16+$0x11C00];
	[tilespmem:s14+$0x11C10] =	vst v5;
	v2 =	vmul.f32 $1.131370830e+01, v2  }
0xa5: {  	v5 =	vld [tilespmem:s16+$0x11C10];
	[tilespmem:s14+$0x11C20] =	vst v4;
	v0 =	vmul.f32 $1.131370830e+01, v0  }
.Ltmp4:
0xa6: {  	v4 =	vld [tilespmem:s16+$0x11C20];
	[tilespmem:s14+$0x11C30] =	vst v2;
	v1 =	vmul.f32 $1.131370830e+01, v1;
	(pc) =	sbr.rel @p0 .LBB2_10-.Ltmp4, $4  }
0xa7: {  	v2 =	vld [tilespmem:s16+$0x11C30];
	[tilespmem:s14+$0x11C40] =	vst v0;
	v3 =	vmul.f32 $1.131370830e+01, v3  }
0xa8: {  	v0 =	vld [tilespmem:s16+$0x11C40];
	[tilespmem:s14+$0x11C50] =	vst v1;
	v8 =	vmul.f32 $1.131370830e+01, v6  }
0xa9: {  	v6 =	vmul.f32 $1.131370830e+01, v7;
	v1 =	vld [tilespmem:s16+$0x11C50];
	[tilespmem:s14+$0x11C60] =	vst v3  }
0xaa: {  	s15 =	sadd.s32 $0x200, s15;
	v5 =	vmul.f32 $1.131370830e+01, v5;
	v3 =	vld [tilespmem:s16+$0x11C60];
	[tilespmem:s14+$0x11C70] =	vst v8;
	s14 =	smov.u32 s16  }
0xab: {  	[tilespmem:s14+$0x11C00] =	vst v6;
	v4 =	vmul.f32 $1.131370830e+01, v4;
	v61 =	vld [tilespmem:s14+$0x11C70]  }
0xac: {  	[tilespmem:s14+$0x11C10] =	vst v5;
	v2 =	vmul.f32 $1.131370830e+01, v2  }
0xad: {  	[tilespmem:s14+$0x11C20] =	vst v4;
	v0 =	vmul.f32 $1.131370830e+01, v0  }
0xae: {  	[tilespmem:s14+$0x11C30] =	vst v2;
	v1 =	vmul.f32 $1.131370830e+01, v1  }
0xaf: {  	[tilespmem:s14+$0x11C40] =	vst v0;
	v62 =	vmul.f32 $1.131370830e+01, v3  }
0xb0: {  	[tilespmem:s14+$0x11C50] =	vst v1;
	v63 =	vmul.f32 $1.131370830e+01, v61  }
0xb1: {  	[tilespmem:s14+$0x11C60] =	vst v62  }
0xb2: {  	s6 =	rddreg [dreg:$0x9];
	[tilespmem:s14+$0x11C70] =	vst v63  }
0xb3: {  	[hbm4b:s6+s4] =	stream.linear.scatter [tilespmem:s1], [sflag:$0xA], $0x4000, $0x38;
	[tilespmem:$0x15C00] =	vst v63  }
0xb4: {  	_ =	swait.ge [sflag:s8], $0x4000  }
0xb5: {  	[sflag:s8] =	ssyncset.done $0x0  }
0xb6: {  	s19 =	simm.s32 $0x380;
	s14 =	simm.s32 $0x1;
	[sflag:s8] =	ssyncadd.s32 $0xFFFFC000  }
0xb7: {  	[tilespmem:s25], [sflag:$0x3] =	stream.indirect.gather [hbm4b:s2+s21], $0x80, s19, s21, $0xb8;
	[tilespmem:$0x15C00] =	vst v63  }
.LBB2_12:
0xb8: {  	_ =	swait.ge [sflag:s26], $0x4000  }
0xb9: {  	[sflag:s26] =	ssyncset.done $0x0  }
0xba: {  	s15 =	simm.s32 $0x0;
	[sflag:s26] =	ssyncadd.s32 $0xFFFFC000  }
0xbb: {  	v2 =	vld [tilespmem:s15+$0x1C00]  }
0xbc: {  	v5 =	vld [tilespmem:s15+$0x1C10]  }
0xbd: {  	v4 =	vld [tilespmem:s15+$0x1C20]  }
0xbe: {  	v3 =	vld [tilespmem:s15+$0x1C30]  }
0xbf: {  	v0 =	vld [tilespmem:s15+$0x1C40]  }
0xc0: {  	v1 =	vld [tilespmem:s15+$0x1C50];
	v6 =	vmul.f32 $1.131370830e+01, v2  }
0xc1: {  	s16 =	simm.s32 $0x200;
	v5 =	vmul.f32 $1.131370830e+01, v5;
	v2 =	vld [tilespmem:s15+$0x1C60]  }
.LBB2_13:
0xc2: {  	s17 =	sshra.s32 s16, $0x2;
	p0 =	sne.s32 s16, $0xFE00;
	[tilespmem:s15+$0x1C00] =	vst v6;
	v4 =	vmul.f32 $1.131370830e+01, v4;
	v6 =	vld [tilespmem:s15+$0x1C70]  }
0xc3: {  	v7 =	vld [tilespmem:s17+$0x1C00];
	[tilespmem:s15+$0x1C10] =	vst v5;
	v3 =	vmul.f32 $1.131370830e+01, v3  }
0xc4: {  	v5 =	vld [tilespmem:s17+$0x1C10];
	[tilespmem:s15+$0x1C20] =	vst v4;
	v0 =	vmul.f32 $1.131370830e+01, v0  }
.Ltmp5:
0xc5: {  	v4 =	vld [tilespmem:s17+$0x1C20];
	[tilespmem:s15+$0x1C30] =	vst v3;
	v1 =	vmul.f32 $1.131370830e+01, v1;
	(pc) =	sbr.rel @p0 .LBB2_13-.Ltmp5, $4  }
0xc6: {  	v3 =	vld [tilespmem:s17+$0x1C30];
	[tilespmem:s15+$0x1C40] =	vst v0;
	v2 =	vmul.f32 $1.131370830e+01, v2  }
0xc7: {  	v0 =	vld [tilespmem:s17+$0x1C40];
	[tilespmem:s15+$0x1C50] =	vst v1;
	v8 =	vmul.f32 $1.131370830e+01, v6  }
0xc8: {  	v6 =	vmul.f32 $1.131370830e+01, v7;
	v1 =	vld [tilespmem:s17+$0x1C50];
	[tilespmem:s15+$0x1C60] =	vst v2  }
0xc9: {  	s16 =	sadd.s32 $0x200, s16;
	v5 =	vmul.f32 $1.131370830e+01, v5;
	v2 =	vld [tilespmem:s17+$0x1C60];
	[tilespmem:s15+$0x1C70] =	vst v8;
	s15 =	smov.u32 s17  }
0xca: {  	[tilespmem:s15+$0x1C00] =	vst v6;
	v4 =	vmul.f32 $1.131370830e+01, v4;
	v6 =	vld [tilespmem:s15+$0x1C70]  }
0xcb: {  	[tilespmem:s15+$0x1C10] =	vst v5;
	v3 =	vmul.f32 $1.131370830e+01, v3  }
0xcc: {  	[tilespmem:s15+$0x1C20] =	vst v4;
	v0 =	vmul.f32 $1.131370830e+01, v0  }
0xcd: {  	s17 =	smul.u32 $0x280, s14;
	[tilespmem:s15+$0x1C30] =	vst v3;
	v1 =	vmul.f32 $1.131370830e+01, v1  }
0xce: {  	[tilespmem:s15+$0x1C40] =	vst v0;
	v0 =	vmul.f32 $1.131370830e+01, v2  }
0xcf: {  	s16 =	sadd.s32 s5, s17;
	[tilespmem:s15+$0x1C50] =	vst v1;
	v1 =	vmul.f32 $1.131370830e+01, v6  }
0xd0: {  	s16 =	sshll.u32 s16, $0x4;
	[tilespmem:s15+$0x1C60] =	vst v0  }
0xd1: {  	s19 =	simm.s32 $0x0;
	s18 =	sadd.s32 s3, s16;
	[tilespmem:s15+$0x1C70] =	vst v1  }
0xd2: {  	[hbm4b:s18+s19] =	stream.linear.scatter [tilespmem:s22], [sflag:$0x6], $0x4000, $0x38;
	[tilespmem:$0x15C00] =	vst v63  }
0xd3: {  	_ =	swait.ge [sflag:s9], $0x4000  }
0xd4: {  	[sflag:s9] =	ssyncset.done $0x0  }
0xd5: {  	s15 =	sadd.s32 $0x180, s17;
	[sflag:s9] =	ssyncadd.s32 $0xFFFFC000  }
0xd6: {  	[tilespmem:s29], [sflag:$0x4] =	stream.indirect.gather [hbm4b:s2+s21], $0x80, s15, s21, $0xb8;
	[tilespmem:$0x15C00] =	vst v63  }
0xd7: {  	_ =	swait.ge [sflag:s30], $0x4000  }
0xd8: {  	[sflag:s30] =	ssyncset.done $0x0  }
0xd9: {  	s16 =	simm.s32 $0x0;
	[sflag:s30] =	ssyncadd.s32 $0xFFFFC000  }
0xda: {  	v3 =	vld [tilespmem:s16+$0x5C00]  }
0xdb: {  	v5 =	vld [tilespmem:s16+$0x5C10]  }
0xdc: {  	v4 =	vld [tilespmem:s16+$0x5C20]  }
0xdd: {  	v2 =	vld [tilespmem:s16+$0x5C30]  }
0xde: {  	v0 =	vld [tilespmem:s16+$0x5C40]  }
0xdf: {  	v1 =	vld [tilespmem:s16+$0x5C50];
	v6 =	vmul.f32 $1.131370830e+01, v3  }
0xe0: {  	s18 =	simm.s32 $0x200;
	v5 =	vmul.f32 $1.131370830e+01, v5;
	v3 =	vld [tilespmem:s16+$0x5C60]  }
.LBB2_15:
0xe1: {  	s19 =	sshra.s32 s18, $0x2;
	p0 =	sne.s32 s18, $0xFE00;
	[tilespmem:s16+$0x5C00] =	vst v6;
	v4 =	vmul.f32 $1.131370830e+01, v4;
	v6 =	vld [tilespmem:s16+$0x5C70]  }
0xe2: {  	v7 =	vld [tilespmem:s19+$0x5C00];
	[tilespmem:s16+$0x5C10] =	vst v5;
	v2 =	vmul.f32 $1.131370830e+01, v2  }
0xe3: {  	v5 =	vld [tilespmem:s19+$0x5C10];
	[tilespmem:s16+$0x5C20] =	vst v4;
	v0 =	vmul.f32 $1.131370830e+01, v0  }
.Ltmp6:
0xe4: {  	v4 =	vld [tilespmem:s19+$0x5C20];
	[tilespmem:s16+$0x5C30] =	vst v2;
	v1 =	vmul.f32 $1.131370830e+01, v1;
	(pc) =	sbr.rel @p0 .LBB2_15-.Ltmp6, $4  }
0xe5: {  	v2 =	vld [tilespmem:s19+$0x5C30];
	[tilespmem:s16+$0x5C40] =	vst v0;
	v3 =	vmul.f32 $1.131370830e+01, v3  }
0xe6: {  	v0 =	vld [tilespmem:s19+$0x5C40];
	[tilespmem:s16+$0x5C50] =	vst v1;
	v8 =	vmul.f32 $1.131370830e+01, v6  }
0xe7: {  	v6 =	vmul.f32 $1.131370830e+01, v7;
	v1 =	vld [tilespmem:s19+$0x5C50];
	[tilespmem:s16+$0x5C60] =	vst v3  }
0xe8: {  	s18 =	sadd.s32 $0x200, s18;
	v5 =	vmul.f32 $1.131370830e+01, v5;
	v3 =	vld [tilespmem:s19+$0x5C60];
	[tilespmem:s16+$0x5C70] =	vst v8;
	s16 =	smov.u32 s19  }
0xe9: {  	[tilespmem:s16+$0x5C00] =	vst v6;
	v4 =	vmul.f32 $1.131370830e+01, v4;
	v6 =	vld [tilespmem:s16+$0x5C70]  }
0xea: {  	[tilespmem:s16+$0x5C10] =	vst v5;
	v2 =	vmul.f32 $1.131370830e+01, v2  }
0xeb: {  	[tilespmem:s16+$0x5C20] =	vst v4;
	v0 =	vmul.f32 $1.131370830e+01, v0  }
0xec: {  	[tilespmem:s16+$0x5C30] =	vst v2;
	v1 =	vmul.f32 $1.131370830e+01, v1  }
0xed: {  	[tilespmem:s16+$0x5C40] =	vst v0;
	v0 =	vmul.f32 $1.131370830e+01, v3  }
0xee: {  	s18 =	sadd.s32 s17, s12;
	[tilespmem:s16+$0x5C50] =	vst v1;
	v1 =	vmul.f32 $1.131370830e+01, v6  }
0xef: {  	s18 =	sshll.u32 s18, $0x4;
	[tilespmem:s16+$0x5C60] =	vst v0  }
0xf0: {  	s19 =	simm.s32 $0x0;
	s18 =	sadd.s32 s3, s18;
	[tilespmem:s16+$0x5C70] =	vst v1  }
0xf1: {  	[hbm4b:s18+s19] =	stream.linear.scatter [tilespmem:s23], [sflag:$0x7], $0x4000, $0x38;
	[tilespmem:$0x15C00] =	vst v63  }
0xf2: {  	_ =	swait.ge [sflag:s10], $0x4000  }
0xf3: {  	[sflag:s10] =	ssyncset.done $0x0  }
0xf4: {  	s16 =	sadd.s32 $0x200, s17;
	[sflag:s10] =	ssyncadd.s32 $0xFFFFC000  }
0xf5: {  	[tilespmem:s1], [sflag:$0x5] =	stream.indirect.gather [hbm4b:s2+s21], $0x80, s16, s21, $0xb8;
	[tilespmem:$0x15C00] =	vst v63  }
0xf6: {  	_ =	swait.ge [sflag:s0], $0x4000  }
0xf7: {  	[sflag:s0] =	ssyncset.done $0x0  }
0xf8: {  	s18 =	simm.s32 $0x0;
	[sflag:s0] =	ssyncadd.s32 $0xFFFFC000  }
0xf9: {  	v3 =	vld [tilespmem:s18+$0x9C00]  }
0xfa: {  	v5 =	vld [tilespmem:s18+$0x9C10]  }
0xfb: {  	v4 =	vld [tilespmem:s18+$0x9C20]  }
0xfc: {  	v2 =	vld [tilespmem:s18+$0x9C30]  }
0xfd: {  	v0 =	vld [tilespmem:s18+$0x9C40]  }
0xfe: {  	v1 =	vld [tilespmem:s18+$0x9C50];
	v6 =	vmul.f32 $1.131370830e+01, v3  }
0xff: {  	s19 =	simm.s32 $0x200;
	v5 =	vmul.f32 $1.131370830e+01, v5;
	v3 =	vld [tilespmem:s18+$0x9C60]  }
.LBB2_17:
0x100: {  	s6 =	sshra.s32 s19, $0x2;
	p0 =	sne.s32 s19, $0xFE00;
	[tilespmem:s18+$0x9C00] =	vst v6;
	v4 =	vmul.f32 $1.131370830e+01, v4;
	v6 =	vld [tilespmem:s18+$0x9C70]  }
0x101: {  	v7 =	vld [tilespmem:s6+$0x9C00];
	[tilespmem:s18+$0x9C10] =	vst v5;
	v2 =	vmul.f32 $1.131370830e+01, v2  }
0x102: {  	v5 =	vld [tilespmem:s6+$0x9C10];
	[tilespmem:s18+$0x9C20] =	vst v4;
	v0 =	vmul.f32 $1.131370830e+01, v0  }
.Ltmp7:
0x103: {  	v4 =	vld [tilespmem:s6+$0x9C20];
	[tilespmem:s18+$0x9C30] =	vst v2;
	v1 =	vmul.f32 $1.131370830e+01, v1;
	(pc) =	sbr.rel @p0 .LBB2_17-.Ltmp7, $4  }
0x104: {  	v2 =	vld [tilespmem:s6+$0x9C30];
	[tilespmem:s18+$0x9C40] =	vst v0;
	v3 =	vmul.f32 $1.131370830e+01, v3  }
0x105: {  	v0 =	vld [tilespmem:s6+$0x9C40];
	[tilespmem:s18+$0x9C50] =	vst v1;
	v8 =	vmul.f32 $1.131370830e+01, v6  }
0x106: {  	v6 =	vmul.f32 $1.131370830e+01, v7;
	v1 =	vld [tilespmem:s6+$0x9C50];
	[tilespmem:s18+$0x9C60] =	vst v3  }
0x107: {  	s19 =	sadd.s32 $0x200, s19;
	v5 =	vmul.f32 $1.131370830e+01, v5;
	v3 =	vld [tilespmem:s6+$0x9C60];
	[tilespmem:s18+$0x9C70] =	vst v8;
	s18 =	smov.u32 s6  }
0x108: {  	[tilespmem:s18+$0x9C00] =	vst v6;
	v4 =	vmul.f32 $1.131370830e+01, v4;
	v6 =	vld [tilespmem:s18+$0x9C70]  }
0x109: {  	[tilespmem:s18+$0x9C10] =	vst v5;
	v2 =	vmul.f32 $1.131370830e+01, v2  }
0x10a: {  	[tilespmem:s18+$0x9C20] =	vst v4;
	v0 =	vmul.f32 $1.131370830e+01, v0  }
0x10b: {  	[tilespmem:s18+$0x9C30] =	vst v2;
	v1 =	vmul.f32 $1.131370830e+01, v1  }
0x10c: {  	[tilespmem:s18+$0x9C40] =	vst v0;
	v0 =	vmul.f32 $1.131370830e+01, v3  }
0x10d: {  	s6 =	sadd.s32 s17, s13;
	[tilespmem:s18+$0x9C50] =	vst v1;
	v1 =	vmul.f32 $1.131370830e+01, v6  }
0x10e: {  	s6 =	sshll.u32 s6, $0x4;
	[tilespmem:s18+$0x9C60] =	vst v0  }
0x10f: {  	s19 =	smul.u32 $0xA00, s14;
	s6 =	sadd.s32 s3, s6;
	[tilespmem:s18+$0x9C70] =	vst v1;
	s18 =	simm.s32 $0x0  }
0x110: {  	[hbm4b:s6+s18] =	stream.linear.scatter [tilespmem:s25], [sflag:$0x8], $0x4000, $0x38;
	[tilespmem:$0x15C00] =	vst v63  }
0x111: {  	_ =	swait.ge [sflag:s24], $0x4000  }
0x112: {  	s17 =	sshra.s32 s19, $0x2;
	[sflag:s24] =	ssyncset.done $0x0  }
0x113: {  	s6 =	sadd.s32 $0x280, s17;
	[sflag:s24] =	ssyncadd.s32 $0xFFFFC000  }
0x114: {  	[tilespmem:s22], [sflag:$0x1] =	stream.indirect.gather [hbm4b:s2+s21], $0x80, s6, s21, $0xb8;
	[tilespmem:$0x15C00] =	vst v63  }
0x115: {  	_ =	swait.ge [sflag:s31], $0x4000  }
0x116: {  	[sflag:s31] =	ssyncset.done $0x0  }
0x117: {  	s18 =	simm.s32 $0x0;
	[sflag:s31] =	ssyncadd.s32 $0xFFFFC000  }
0x118: {  	v3 =	vld [tilespmem:s18+$0xDC00]  }
0x119: {  	v5 =	vld [tilespmem:s18+$0xDC10]  }
0x11a: {  	v4 =	vld [tilespmem:s18+$0xDC20]  }
0x11b: {  	v2 =	vld [tilespmem:s18+$0xDC30]  }
0x11c: {  	v0 =	vld [tilespmem:s18+$0xDC40]  }
0x11d: {  	v1 =	vld [tilespmem:s18+$0xDC50];
	v6 =	vmul.f32 $1.131370830e+01, v3  }
0x11e: {  	s19 =	simm.s32 $0x200;
	v5 =	vmul.f32 $1.131370830e+01, v5;
	v3 =	vld [tilespmem:s18+$0xDC60]  }
.LBB2_19:
0x11f: {  	s6 =	sshra.s32 s19, $0x2;
	p0 =	sne.s32 s19, $0xFE00;
	[tilespmem:s18+$0xDC00] =	vst v6;
	v4 =	vmul.f32 $1.131370830e+01, v4;
	v6 =	vld [tilespmem:s18+$0xDC70]  }
0x120: {  	v7 =	vld [tilespmem:s6+$0xDC00];
	[tilespmem:s18+$0xDC10] =	vst v5;
	v2 =	vmul.f32 $1.131370830e+01, v2  }
0x121: {  	v5 =	vld [tilespmem:s6+$0xDC10];
	[tilespmem:s18+$0xDC20] =	vst v4;
	v0 =	vmul.f32 $1.131370830e+01, v0  }
.Ltmp8:
0x122: {  	v4 =	vld [tilespmem:s6+$0xDC20];
	[tilespmem:s18+$0xDC30] =	vst v2;
	v1 =	vmul.f32 $1.131370830e+01, v1;
	(pc) =	sbr.rel @p0 .LBB2_19-.Ltmp8, $4  }
0x123: {  	v2 =	vld [tilespmem:s6+$0xDC30];
	[tilespmem:s18+$0xDC40] =	vst v0;
	v3 =	vmul.f32 $1.131370830e+01, v3  }
0x124: {  	v0 =	vld [tilespmem:s6+$0xDC40];
	[tilespmem:s18+$0xDC50] =	vst v1;
	v8 =	vmul.f32 $1.131370830e+01, v6  }
0x125: {  	v6 =	vmul.f32 $1.131370830e+01, v7;
	v1 =	vld [tilespmem:s6+$0xDC50];
	[tilespmem:s18+$0xDC60] =	vst v3  }
0x126: {  	s19 =	sadd.s32 $0x200, s19;
	v5 =	vmul.f32 $1.131370830e+01, v5;
	v3 =	vld [tilespmem:s6+$0xDC60];
	[tilespmem:s18+$0xDC70] =	vst v8;
	s18 =	smov.u32 s6  }
0x127: {  	[tilespmem:s18+$0xDC00] =	vst v6;
	v4 =	vmul.f32 $1.131370830e+01, v4;
	v6 =	vld [tilespmem:s18+$0xDC70]  }
0x128: {  	[tilespmem:s18+$0xDC10] =	vst v5;
	v2 =	vmul.f32 $1.131370830e+01, v2  }
0x129: {  	[tilespmem:s18+$0xDC20] =	vst v4;
	v0 =	vmul.f32 $1.131370830e+01, v0  }
0x12a: {  	[tilespmem:s18+$0xDC30] =	vst v2;
	v1 =	vmul.f32 $1.131370830e+01, v1  }
0x12b: {  	[tilespmem:s18+$0xDC40] =	vst v0;
	v0 =	vmul.f32 $1.131370830e+01, v3  }
0x12c: {  	s6 =	sadd.s32 s5, s15;
	[tilespmem:s18+$0xDC50] =	vst v1;
	v1 =	vmul.f32 $1.131370830e+01, v6  }
0x12d: {  	s6 =	sshll.u32 s6, $0x4;
	[tilespmem:s18+$0xDC60] =	vst v0  }
0x12e: {  	s6 =	sadd.s32 s3, s6;
	[tilespmem:s18+$0xDC70] =	vst v1;
	s18 =	simm.s32 $0x0  }
0x12f: {  	[hbm4b:s6+s18] =	stream.linear.scatter [tilespmem:s29], [sflag:$0x9], $0x4000, $0x38;
	[tilespmem:$0x15C00] =	vst v63  }
0x130: {  	_ =	swait.ge [sflag:s28], $0x4000  }
0x131: {  	[sflag:s28] =	ssyncset.done $0x0  }
0x132: {  	s19 =	sadd.s32 $0x300, s17;
	[sflag:s28] =	ssyncadd.s32 $0xFFFFC000  }
0x133: {  	[tilespmem:s23], [sflag:$0x2] =	stream.indirect.gather [hbm4b:s2+s21], $0x80, s19, s21, $0xb8;
	[tilespmem:$0x15C00] =	vst v63  }
0x134: {  	_ =	swait.ge [sflag:s7], $0x4000  }
0x135: {  	[sflag:s7] =	ssyncset.done $0x0  }
0x136: {  	s15 =	simm.s32 $0x0;
	[sflag:s7] =	ssyncadd.s32 $0xFFFFC000  }
0x137: {  	v3 =	vld [tilespmem:s15+$0x11C00]  }
0x138: {  	v5 =	vld [tilespmem:s15+$0x11C10]  }
0x139: {  	v4 =	vld [tilespmem:s15+$0x11C20]  }
0x13a: {  	v2 =	vld [tilespmem:s15+$0x11C30]  }
0x13b: {  	v0 =	vld [tilespmem:s15+$0x11C40]  }
0x13c: {  	v1 =	vld [tilespmem:s15+$0x11C50];
	v6 =	vmul.f32 $1.131370830e+01, v3  }
0x13d: {  	s18 =	simm.s32 $0x200;
	v5 =	vmul.f32 $1.131370830e+01, v5;
	v3 =	vld [tilespmem:s15+$0x11C60]  }
.LBB2_21:
0x13e: {  	s6 =	sshra.s32 s18, $0x2;
	p0 =	sne.s32 s18, $0xFE00;
	[tilespmem:s15+$0x11C00] =	vst v6;
	v4 =	vmul.f32 $1.131370830e+01, v4;
	v6 =	vld [tilespmem:s15+$0x11C70]  }
0x13f: {  	v7 =	vld [tilespmem:s6+$0x11C00];
	[tilespmem:s15+$0x11C10] =	vst v5;
	v2 =	vmul.f32 $1.131370830e+01, v2  }
0x140: {  	v5 =	vld [tilespmem:s6+$0x11C10];
	[tilespmem:s15+$0x11C20] =	vst v4;
	v0 =	vmul.f32 $1.131370830e+01, v0  }
.Ltmp9:
0x141: {  	v4 =	vld [tilespmem:s6+$0x11C20];
	[tilespmem:s15+$0x11C30] =	vst v2;
	v1 =	vmul.f32 $1.131370830e+01, v1;
	(pc) =	sbr.rel @p0 .LBB2_21-.Ltmp9, $4  }
0x142: {  	v2 =	vld [tilespmem:s6+$0x11C30];
	[tilespmem:s15+$0x11C40] =	vst v0;
	v3 =	vmul.f32 $1.131370830e+01, v3  }
0x143: {  	v0 =	vld [tilespmem:s6+$0x11C40];
	[tilespmem:s15+$0x11C50] =	vst v1;
	v8 =	vmul.f32 $1.131370830e+01, v6  }
0x144: {  	v6 =	vmul.f32 $1.131370830e+01, v7;
	v1 =	vld [tilespmem:s6+$0x11C50];
	[tilespmem:s15+$0x11C60] =	vst v3  }
0x145: {  	s18 =	sadd.s32 $0x200, s18;
	v5 =	vmul.f32 $1.131370830e+01, v5;
	v3 =	vld [tilespmem:s6+$0x11C60];
	[tilespmem:s15+$0x11C70] =	vst v8;
	s15 =	smov.u32 s6  }
0x146: {  	[tilespmem:s15+$0x11C00] =	vst v6;
	v4 =	vmul.f32 $1.131370830e+01, v4;
	v61 =	vld [tilespmem:s15+$0x11C70]  }
0x147: {  	[tilespmem:s15+$0x11C10] =	vst v5;
	v2 =	vmul.f32 $1.131370830e+01, v2  }
0x148: {  	[tilespmem:s15+$0x11C20] =	vst v4;
	v0 =	vmul.f32 $1.131370830e+01, v0  }
0x149: {  	[tilespmem:s15+$0x11C30] =	vst v2;
	v1 =	vmul.f32 $1.131370830e+01, v1  }
0x14a: {  	[tilespmem:s15+$0x11C40] =	vst v0;
	v62 =	vmul.f32 $1.131370830e+01, v3  }
0x14b: {  	s6 =	sadd.s32 s5, s16;
	[tilespmem:s15+$0x11C50] =	vst v1;
	v63 =	vmul.f32 $1.131370830e+01, v61  }
0x14c: {  	s14 =	sadd.s32 $0x1, s14;
	s6 =	sshll.u32 s6, $0x4;
	[tilespmem:s15+$0x11C60] =	vst v62  }
0x14d: {  	p0 =	sne.s32 s14, $0x9;
	s6 =	sadd.s32 s3, s6;
	[tilespmem:s15+$0x11C70] =	vst v63  }
0x14e: {  	[hbm4b:s6+s4] =	stream.linear.scatter [tilespmem:s1], [sflag:$0xA], $0x4000, $0x38;
	[tilespmem:$0x15C00] =	vst v63  }
.Ltmp10:
0x14f: {  	_ = 	snop;
	(pc) =	sbr.rel @p0 .LBB2_12-.Ltmp10, $4  }
0x150: {  	_ =	swait.ge [sflag:s8], $0x4000  }
0x151: {  	[sflag:s8] =	ssyncset.done $0x0  }
0x152: {  	s19 =	sadd.s32 $0x380, s17;
	[sflag:s8] =	ssyncadd.s32 $0xFFFFC000  }
0x153: {  	[tilespmem:s25], [sflag:$0x3] =	stream.indirect.gather [hbm4b:s2+s21], $0x80, s19, s21, $0xb8;
	[tilespmem:$0x15C00] =	vst v63  }
0x154: {  	_ =	swait.ge [sflag:s26], $0x4000  }
0x155: {  	[sflag:s26] =	ssyncset.done $0x0  }
0x156: {  	s14 =	simm.s32 $0x0;
	[sflag:s26] =	ssyncadd.s32 $0xFFFFC000  }
0x157: {  	v3 =	vld [tilespmem:s14+$0x1C00]  }
0x158: {  	v5 =	vld [tilespmem:s14+$0x1C10]  }
0x159: {  	v4 =	vld [tilespmem:s14+$0x1C20]  }
0x15a: {  	v2 =	vld [tilespmem:s14+$0x1C30]  }
0x15b: {  	v0 =	vld [tilespmem:s14+$0x1C40]  }
0x15c: {  	v1 =	vld [tilespmem:s14+$0x1C50];
	v6 =	vmul.f32 $1.131370830e+01, v3  }
0x15d: {  	s15 =	simm.s32 $0x200;
	v5 =	vmul.f32 $1.131370830e+01, v5;
	v3 =	vld [tilespmem:s14+$0x1C60]  }
.LBB2_24:
0x15e: {  	s6 =	sshra.s32 s15, $0x2;
	p0 =	sne.s32 s15, $0xFE00;
	[tilespmem:s14+$0x1C00] =	vst v6;
	v4 =	vmul.f32 $1.131370830e+01, v4;
	v6 =	vld [tilespmem:s14+$0x1C70]  }
0x15f: {  	v7 =	vld [tilespmem:s6+$0x1C00];
	[tilespmem:s14+$0x1C10] =	vst v5;
	v2 =	vmul.f32 $1.131370830e+01, v2  }
0x160: {  	v5 =	vld [tilespmem:s6+$0x1C10];
	[tilespmem:s14+$0x1C20] =	vst v4;
	v0 =	vmul.f32 $1.131370830e+01, v0  }
.Ltmp11:
0x161: {  	v4 =	vld [tilespmem:s6+$0x1C20];
	[tilespmem:s14+$0x1C30] =	vst v2;
	v1 =	vmul.f32 $1.131370830e+01, v1;
	(pc) =	sbr.rel @p0 .LBB2_24-.Ltmp11, $4  }
0x162: {  	v2 =	vld [tilespmem:s6+$0x1C30];
	[tilespmem:s14+$0x1C40] =	vst v0;
	v3 =	vmul.f32 $1.131370830e+01, v3  }
0x163: {  	v0 =	vld [tilespmem:s6+$0x1C40];
	[tilespmem:s14+$0x1C50] =	vst v1;
	v8 =	vmul.f32 $1.131370830e+01, v6  }
0x164: {  	v6 =	vmul.f32 $1.131370830e+01, v7;
	v1 =	vld [tilespmem:s6+$0x1C50];
	[tilespmem:s14+$0x1C60] =	vst v3  }
0x165: {  	s15 =	sadd.s32 $0x200, s15;
	v5 =	vmul.f32 $1.131370830e+01, v5;
	v3 =	vld [tilespmem:s6+$0x1C60];
	[tilespmem:s14+$0x1C70] =	vst v8;
	s14 =	smov.u32 s6  }
0x166: {  	[tilespmem:s14+$0x1C00] =	vst v6;
	v4 =	vmul.f32 $1.131370830e+01, v4;
	v6 =	vld [tilespmem:s14+$0x1C70]  }
0x167: {  	[tilespmem:s14+$0x1C10] =	vst v5;
	v2 =	vmul.f32 $1.131370830e+01, v2  }
0x168: {  	[tilespmem:s14+$0x1C20] =	vst v4;
	v0 =	vmul.f32 $1.131370830e+01, v0  }
0x169: {  	[tilespmem:s14+$0x1C30] =	vst v2;
	v1 =	vmul.f32 $1.131370830e+01, v1  }
0x16a: {  	[tilespmem:s14+$0x1C40] =	vst v0;
	v0 =	vmul.f32 $1.131370830e+01, v3  }
0x16b: {  	[tilespmem:s14+$0x1C50] =	vst v1;
	v1 =	vmul.f32 $1.131370830e+01, v6  }
0x16c: {  	[tilespmem:s14+$0x1C60] =	vst v0  }
0x16d: {  	s6 =	simm.s32 $0x0;
	s18 =	rddreg [dreg:$0xa];
	[tilespmem:s14+$0x1C70] =	vst v1  }
0x16e: {  	[hbm4b:s18+s6] =	stream.linear.scatter [tilespmem:s22], [sflag:$0x6], $0x4000, $0x38;
	[tilespmem:$0x15C00] =	vst v63  }
0x16f: {  	_ =	swait.ge [sflag:s9], $0x4000  }
0x170: {  	[sflag:s9] =	ssyncset.done $0x0  }
0x171: {  	s19 =	simm.s32 $0x1800;
	[sflag:s9] =	ssyncadd.s32 $0xFFFFC000  }
0x172: {  	[tilespmem:s29], [sflag:$0x4] =	stream.indirect.gather [hbm4b:s2+s21], $0x80, s19, s21, $0xb8;
	[tilespmem:$0x15C00] =	vst v63  }
0x173: {  	_ =	swait.ge [sflag:s30], $0x4000  }
0x174: {  	[sflag:s30] =	ssyncset.done $0x0  }
0x175: {  	s14 =	simm.s32 $0x0;
	[sflag:s30] =	ssyncadd.s32 $0xFFFFC000  }
0x176: {  	v3 =	vld [tilespmem:s14+$0x5C00]  }
0x177: {  	v5 =	vld [tilespmem:s14+$0x5C10]  }
0x178: {  	v4 =	vld [tilespmem:s14+$0x5C20]  }
0x179: {  	v2 =	vld [tilespmem:s14+$0x5C30]  }
0x17a: {  	v0 =	vld [tilespmem:s14+$0x5C40]  }
0x17b: {  	v1 =	vld [tilespmem:s14+$0x5C50];
	v6 =	vmul.f32 $1.131370830e+01, v3  }
0x17c: {  	s15 =	simm.s32 $0x200;
	v5 =	vmul.f32 $1.131370830e+01, v5;
	v3 =	vld [tilespmem:s14+$0x5C60]  }
.LBB2_26:
0x17d: {  	s6 =	sshra.s32 s15, $0x2;
	p0 =	sne.s32 s15, $0xFE00;
	[tilespmem:s14+$0x5C00] =	vst v6;
	v4 =	vmul.f32 $1.131370830e+01, v4;
	v6 =	vld [tilespmem:s14+$0x5C70]  }
0x17e: {  	v7 =	vld [tilespmem:s6+$0x5C00];
	[tilespmem:s14+$0x5C10] =	vst v5;
	v2 =	vmul.f32 $1.131370830e+01, v2  }
0x17f: {  	v5 =	vld [tilespmem:s6+$0x5C10];
	[tilespmem:s14+$0x5C20] =	vst v4;
	v0 =	vmul.f32 $1.131370830e+01, v0  }
.Ltmp12:
0x180: {  	v4 =	vld [tilespmem:s6+$0x5C20];
	[tilespmem:s14+$0x5C30] =	vst v2;
	v1 =	vmul.f32 $1.131370830e+01, v1;
	(pc) =	sbr.rel @p0 .LBB2_26-.Ltmp12, $4  }
0x181: {  	v2 =	vld [tilespmem:s6+$0x5C30];
	[tilespmem:s14+$0x5C40] =	vst v0;
	v3 =	vmul.f32 $1.131370830e+01, v3  }
0x182: {  	v0 =	vld [tilespmem:s6+$0x5C40];
	[tilespmem:s14+$0x5C50] =	vst v1;
	v8 =	vmul.f32 $1.131370830e+01, v6  }
0x183: {  	v6 =	vmul.f32 $1.131370830e+01, v7;
	v1 =	vld [tilespmem:s6+$0x5C50];
	[tilespmem:s14+$0x5C60] =	vst v3  }
0x184: {  	s15 =	sadd.s32 $0x200, s15;
	v5 =	vmul.f32 $1.131370830e+01, v5;
	v3 =	vld [tilespmem:s6+$0x5C60];
	[tilespmem:s14+$0x5C70] =	vst v8;
	s14 =	smov.u32 s6  }
0x185: {  	[tilespmem:s14+$0x5C00] =	vst v6;
	v4 =	vmul.f32 $1.131370830e+01, v4;
	v6 =	vld [tilespmem:s14+$0x5C70]  }
0x186: {  	[tilespmem:s14+$0x5C10] =	vst v5;
	v2 =	vmul.f32 $1.131370830e+01, v2  }
0x187: {  	[tilespmem:s14+$0x5C20] =	vst v4;
	v0 =	vmul.f32 $1.131370830e+01, v0  }
0x188: {  	[tilespmem:s14+$0x5C30] =	vst v2;
	v1 =	vmul.f32 $1.131370830e+01, v1  }
0x189: {  	[tilespmem:s14+$0x5C40] =	vst v0;
	v0 =	vmul.f32 $1.131370830e+01, v3  }
0x18a: {  	[tilespmem:s14+$0x5C50] =	vst v1;
	v1 =	vmul.f32 $1.131370830e+01, v6  }
0x18b: {  	[tilespmem:s14+$0x5C60] =	vst v0  }
0x18c: {  	s6 =	simm.s32 $0x0;
	s18 =	rddreg [dreg:$0xb];
	[tilespmem:s14+$0x5C70] =	vst v1  }
0x18d: {  	[hbm4b:s18+s6] =	stream.linear.scatter [tilespmem:s23], [sflag:$0x7], $0x4000, $0x38;
	[tilespmem:$0x15C00] =	vst v63  }
0x18e: {  	_ =	swait.ge [sflag:s10], $0x4000  }
0x18f: {  	[sflag:s10] =	ssyncset.done $0x0  }
0x190: {  	s19 =	simm.s32 $0x1880;
	[sflag:s10] =	ssyncadd.s32 $0xFFFFC000  }
0x191: {  	[tilespmem:s1], [sflag:$0x5] =	stream.indirect.gather [hbm4b:s2+s21], $0x80, s19, s21, $0xb8;
	[tilespmem:$0x15C00] =	vst v63  }
0x192: {  	_ =	swait.ge [sflag:s0], $0x4000  }
0x193: {  	[sflag:s0] =	ssyncset.done $0x0  }
0x194: {  	s14 =	simm.s32 $0x0;
	[sflag:s0] =	ssyncadd.s32 $0xFFFFC000  }
0x195: {  	v3 =	vld [tilespmem:s14+$0x9C00]  }
0x196: {  	v5 =	vld [tilespmem:s14+$0x9C10]  }
0x197: {  	v4 =	vld [tilespmem:s14+$0x9C20]  }
0x198: {  	v2 =	vld [tilespmem:s14+$0x9C30]  }
0x199: {  	v0 =	vld [tilespmem:s14+$0x9C40]  }
0x19a: {  	v1 =	vld [tilespmem:s14+$0x9C50];
	v6 =	vmul.f32 $1.131370830e+01, v3  }
0x19b: {  	s15 =	simm.s32 $0x200;
	v5 =	vmul.f32 $1.131370830e+01, v5;
	v3 =	vld [tilespmem:s14+$0x9C60]  }
.LBB2_28:
0x19c: {  	s6 =	sshra.s32 s15, $0x2;
	p0 =	sne.s32 s15, $0xFE00;
	[tilespmem:s14+$0x9C00] =	vst v6;
	v4 =	vmul.f32 $1.131370830e+01, v4;
	v6 =	vld [tilespmem:s14+$0x9C70]  }
0x19d: {  	v7 =	vld [tilespmem:s6+$0x9C00];
	[tilespmem:s14+$0x9C10] =	vst v5;
	v2 =	vmul.f32 $1.131370830e+01, v2  }
0x19e: {  	v5 =	vld [tilespmem:s6+$0x9C10];
	[tilespmem:s14+$0x9C20] =	vst v4;
	v0 =	vmul.f32 $1.131370830e+01, v0  }
.Ltmp13:
0x19f: {  	v4 =	vld [tilespmem:s6+$0x9C20];
	[tilespmem:s14+$0x9C30] =	vst v2;
	v1 =	vmul.f32 $1.131370830e+01, v1;
	(pc) =	sbr.rel @p0 .LBB2_28-.Ltmp13, $4  }
0x1a0: {  	v2 =	vld [tilespmem:s6+$0x9C30];
	[tilespmem:s14+$0x9C40] =	vst v0;
	v3 =	vmul.f32 $1.131370830e+01, v3  }
0x1a1: {  	v0 =	vld [tilespmem:s6+$0x9C40];
	[tilespmem:s14+$0x9C50] =	vst v1;
	v8 =	vmul.f32 $1.131370830e+01, v6  }
0x1a2: {  	v6 =	vmul.f32 $1.131370830e+01, v7;
	v1 =	vld [tilespmem:s6+$0x9C50];
	[tilespmem:s14+$0x9C60] =	vst v3  }
0x1a3: {  	s15 =	sadd.s32 $0x200, s15;
	v5 =	vmul.f32 $1.131370830e+01, v5;
	v3 =	vld [tilespmem:s6+$0x9C60];
	[tilespmem:s14+$0x9C70] =	vst v8;
	s14 =	smov.u32 s6  }
0x1a4: {  	[tilespmem:s14+$0x9C00] =	vst v6;
	v4 =	vmul.f32 $1.131370830e+01, v4;
	v6 =	vld [tilespmem:s14+$0x9C70]  }
0x1a5: {  	[tilespmem:s14+$0x9C10] =	vst v5;
	v2 =	vmul.f32 $1.131370830e+01, v2  }
0x1a6: {  	[tilespmem:s14+$0x9C20] =	vst v4;
	v0 =	vmul.f32 $1.131370830e+01, v0  }
0x1a7: {  	[tilespmem:s14+$0x9C30] =	vst v2;
	v1 =	vmul.f32 $1.131370830e+01, v1  }
0x1a8: {  	[tilespmem:s14+$0x9C40] =	vst v0;
	v0 =	vmul.f32 $1.131370830e+01, v3  }
0x1a9: {  	[tilespmem:s14+$0x9C50] =	vst v1;
	v1 =	vmul.f32 $1.131370830e+01, v6  }
0x1aa: {  	[tilespmem:s14+$0x9C60] =	vst v0  }
0x1ab: {  	s6 =	simm.s32 $0x0;
	s19 =	rddreg [dreg:$0xc];
	[tilespmem:s14+$0x9C70] =	vst v1  }
0x1ac: {  	[hbm4b:s19+s6] =	stream.linear.scatter [tilespmem:s25], [sflag:$0x8], $0x4000, $0x38;
	[tilespmem:$0x15C00] =	vst v63  }
0x1ad: {  	_ =	swait.ge [sflag:s31], $0x4000  }
0x1ae: {  	[sflag:s31] =	ssyncset.done $0x0  }
0x1af: {  	s14 =	simm.s32 $0x0;
	[sflag:s31] =	ssyncadd.s32 $0xFFFFC000  }
0x1b0: {  	v3 =	vld [tilespmem:s14+$0xDC00]  }
0x1b1: {  	v5 =	vld [tilespmem:s14+$0xDC10]  }
0x1b2: {  	v4 =	vld [tilespmem:s14+$0xDC20]  }
0x1b3: {  	v2 =	vld [tilespmem:s14+$0xDC30]  }
0x1b4: {  	v0 =	vld [tilespmem:s14+$0xDC40]  }
0x1b5: {  	v1 =	vld [tilespmem:s14+$0xDC50];
	v6 =	vmul.f32 $1.131370830e+01, v3  }
0x1b6: {  	s15 =	simm.s32 $0x200;
	v5 =	vmul.f32 $1.131370830e+01, v5;
	v3 =	vld [tilespmem:s14+$0xDC60]  }
.LBB2_30:
0x1b7: {  	s6 =	sshra.s32 s15, $0x2;
	p0 =	sne.s32 s15, $0xFE00;
	[tilespmem:s14+$0xDC00] =	vst v6;
	v4 =	vmul.f32 $1.131370830e+01, v4;
	v6 =	vld [tilespmem:s14+$0xDC70]  }
0x1b8: {  	v7 =	vld [tilespmem:s6+$0xDC00];
	[tilespmem:s14+$0xDC10] =	vst v5;
	v2 =	vmul.f32 $1.131370830e+01, v2  }
0x1b9: {  	v5 =	vld [tilespmem:s6+$0xDC10];
	[tilespmem:s14+$0xDC20] =	vst v4;
	v0 =	vmul.f32 $1.131370830e+01, v0  }
.Ltmp14:
0x1ba: {  	v4 =	vld [tilespmem:s6+$0xDC20];
	[tilespmem:s14+$0xDC30] =	vst v2;
	v1 =	vmul.f32 $1.131370830e+01, v1;
	(pc) =	sbr.rel @p0 .LBB2_30-.Ltmp14, $4  }
0x1bb: {  	v2 =	vld [tilespmem:s6+$0xDC30];
	[tilespmem:s14+$0xDC40] =	vst v0;
	v3 =	vmul.f32 $1.131370830e+01, v3  }
0x1bc: {  	v0 =	vld [tilespmem:s6+$0xDC40];
	[tilespmem:s14+$0xDC50] =	vst v1;
	v8 =	vmul.f32 $1.131370830e+01, v6  }
0x1bd: {  	v6 =	vmul.f32 $1.131370830e+01, v7;
	v1 =	vld [tilespmem:s6+$0xDC50];
	[tilespmem:s14+$0xDC60] =	vst v3  }
0x1be: {  	s15 =	sadd.s32 $0x200, s15;
	v5 =	vmul.f32 $1.131370830e+01, v5;
	v3 =	vld [tilespmem:s6+$0xDC60];
	[tilespmem:s14+$0xDC70] =	vst v8;
	s14 =	smov.u32 s6  }
0x1bf: {  	[tilespmem:s14+$0xDC00] =	vst v6;
	v4 =	vmul.f32 $1.131370830e+01, v4;
	v6 =	vld [tilespmem:s14+$0xDC70]  }
0x1c0: {  	[tilespmem:s14+$0xDC10] =	vst v5;
	v2 =	vmul.f32 $1.131370830e+01, v2  }
0x1c1: {  	[tilespmem:s14+$0xDC20] =	vst v4;
	v0 =	vmul.f32 $1.131370830e+01, v0  }
0x1c2: {  	[tilespmem:s14+$0xDC30] =	vst v2;
	v1 =	vmul.f32 $1.131370830e+01, v1  }
0x1c3: {  	[tilespmem:s14+$0xDC40] =	vst v0;
	v0 =	vmul.f32 $1.131370830e+01, v3  }
0x1c4: {  	[tilespmem:s14+$0xDC50] =	vst v1;
	v1 =	vmul.f32 $1.131370830e+01, v6  }
0x1c5: {  	[tilespmem:s14+$0xDC60] =	vst v0  }
0x1c6: {  	s6 =	simm.s32 $0x0;
	s19 =	rddreg [dreg:$0xd];
	[tilespmem:s14+$0xDC70] =	vst v1  }
0x1c7: {  	[hbm4b:s19+s6] =	stream.linear.scatter [tilespmem:s29], [sflag:$0x9], $0x4000, $0x38;
	[tilespmem:$0x15C00] =	vst v63  }
0x1c8: {  	_ =	swait.ge [sflag:s7], $0x4000  }
0x1c9: {  	[sflag:s7] =	ssyncset.done $0x0  }
0x1ca: {  	s14 =	simm.s32 $0x0;
	[sflag:s7] =	ssyncadd.s32 $0xFFFFC000  }
0x1cb: {  	v3 =	vld [tilespmem:s14+$0x11C00]  }
0x1cc: {  	v5 =	vld [tilespmem:s14+$0x11C10]  }
0x1cd: {  	v4 =	vld [tilespmem:s14+$0x11C20]  }
0x1ce: {  	v2 =	vld [tilespmem:s14+$0x11C30]  }
0x1cf: {  	v0 =	vld [tilespmem:s14+$0x11C40]  }
0x1d0: {  	v1 =	vld [tilespmem:s14+$0x11C50];
	v6 =	vmul.f32 $1.131370830e+01, v3  }
0x1d1: {  	s15 =	simm.s32 $0x200;
	v5 =	vmul.f32 $1.131370830e+01, v5;
	v3 =	vld [tilespmem:s14+$0x11C60]  }
.LBB2_32:
0x1d2: {  	s6 =	sshra.s32 s15, $0x2;
	p0 =	sne.s32 s15, $0xFE00;
	[tilespmem:s14+$0x11C00] =	vst v6;
	v4 =	vmul.f32 $1.131370830e+01, v4;
	v6 =	vld [tilespmem:s14+$0x11C70]  }
0x1d3: {  	v7 =	vld [tilespmem:s6+$0x11C00];
	[tilespmem:s14+$0x11C10] =	vst v5;
	v2 =	vmul.f32 $1.131370830e+01, v2  }
0x1d4: {  	v5 =	vld [tilespmem:s6+$0x11C10];
	[tilespmem:s14+$0x11C20] =	vst v4;
	v0 =	vmul.f32 $1.131370830e+01, v0  }
.Ltmp15:
0x1d5: {  	v4 =	vld [tilespmem:s6+$0x11C20];
	[tilespmem:s14+$0x11C30] =	vst v2;
	v1 =	vmul.f32 $1.131370830e+01, v1;
	(pc) =	sbr.rel @p0 .LBB2_32-.Ltmp15, $4  }
0x1d6: {  	v2 =	vld [tilespmem:s6+$0x11C30];
	[tilespmem:s14+$0x11C40] =	vst v0;
	v3 =	vmul.f32 $1.131370830e+01, v3  }
0x1d7: {  	v0 =	vld [tilespmem:s6+$0x11C40];
	[tilespmem:s14+$0x11C50] =	vst v1;
	v8 =	vmul.f32 $1.131370830e+01, v6  }
0x1d8: {  	v6 =	vmul.f32 $1.131370830e+01, v7;
	v1 =	vld [tilespmem:s6+$0x11C50];
	[tilespmem:s14+$0x11C60] =	vst v3  }
0x1d9: {  	s15 =	sadd.s32 $0x200, s15;
	v5 =	vmul.f32 $1.131370830e+01, v5;
	v3 =	vld [tilespmem:s6+$0x11C60];
	[tilespmem:s14+$0x11C70] =	vst v8;
	s14 =	smov.u32 s6  }
0x1da: {  	[tilespmem:s14+$0x11C00] =	vst v6;
	v4 =	vmul.f32 $1.131370830e+01, v4;
	v61 =	vld [tilespmem:s14+$0x11C70]  }
0x1db: {  	[tilespmem:s14+$0x11C10] =	vst v5;
	v2 =	vmul.f32 $1.131370830e+01, v2  }
0x1dc: {  	[tilespmem:s14+$0x11C20] =	vst v4;
	v0 =	vmul.f32 $1.131370830e+01, v0  }
0x1dd: {  	[tilespmem:s14+$0x11C30] =	vst v2;
	v1 =	vmul.f32 $1.131370830e+01, v1  }
0x1de: {  	[tilespmem:s14+$0x11C40] =	vst v0;
	v62 =	vmul.f32 $1.131370830e+01, v3  }
0x1df: {  	[tilespmem:s14+$0x11C50] =	vst v1;
	v63 =	vmul.f32 $1.131370830e+01, v61  }
0x1e0: {  	[tilespmem:s14+$0x11C60] =	vst v62  }
0x1e1: {  	s6 =	rddreg [dreg:$0xe];
	[tilespmem:s14+$0x11C70] =	vst v63  }
0x1e2: {  	[hbm4b:s6+s4] =	stream.linear.scatter [tilespmem:s1], [sflag:$0xA], $0x4000, $0x38;
	[tilespmem:$0x15C00] =	vst v63  }
0x1e3: {  	_ =	swait.ge [sflag:s24], $0x4000  }
0x1e4: {  	[sflag:s24] =	ssyncset.done $0x0  }
0x1e5: {  	[sflag:s24] =	ssyncadd.s32 $0xFFFFC000  }
0x1e6: {  	_ =	swait.ge [sflag:s28], $0x4000  }
0x1e7: {  	[sflag:s28] =	ssyncset.done $0x0  }
0x1e8: {  	[sflag:s28] =	ssyncadd.s32 $0xFFFFC000  }
0x1e9: {  	_ =	swait.ge [sflag:s8], $0x4000  }
0x1ea: {  	[sflag:s8] =	ssyncset.done $0x0  }
0x1eb: {  	[sflag:s8] =	ssyncadd.s32 $0xFFFFC000  }
0x1ec: {  	_ =	swait.ge [sflag:s9], $0x4000  }
0x1ed: {  	[sflag:s9] =	ssyncset.done $0x0  }
0x1ee: {  	[sflag:s9] =	ssyncadd.s32 $0xFFFFC000  }
0x1ef: {  	_ =	swait.ge [sflag:s10], $0x4000  }
0x1f0: {  	s11 =	sadd.s32 $0x1, s11;
	s19 =	rddreg [dreg:$0xf]  }
0x1f1: {  	p0 =	sne.s32 s11, s19  }
.Ltmp16:
0x1f2: {  	_ = 	snop;
	(pc) =	sbr.rel @p0 .LBB2_1-.Ltmp16, $3  }
0x1f3: {  	_ =	sdelay $0x1  }
0x1f4: {  	[sflag:s10] =	ssyncset.done $0x0  }
0x1f5: {  	[sflag:s10] =	ssyncadd.s32 $0xFFFFC000  }
0x1f6: {  	_ =	sfence.sel $0x180000  }
0x1f7: {  	[bflag:$0x0] =	sbarrier.arrive $0xFFFF  }
0x1f8: {  	_ =	strace $0x90000047  }
0x1f9: {  	s0 =	stileid.u32;
	[bflag:$0x2] =	sbarrier.arrive $0xFFFF  }
0x1fa: {  	p0 =	sne.s32 s0, $0x0;
	s0 =	rddreg [dreg:$0x3]  }
0x1fb: {  	s0 =	sadd.s32 @!p0 $0x100000, s0  }
0x1fc: {  	[sflag:s0] =	ssyncadd.tile.s32 @!p0 $0x1;
	_ =	shalt  }
.Lfunc_end2:
_tile_overlayer_lowered:
.L_overlay_start_2:
0x1fd: {  	(tag) =	ssettag $0x2  }
0x1fe: {  	s0 =	rddreg [dreg:$0x0];
	s2 =	stileid.u32  }
0x1ff: {  	s1 =	rddreg [dreg:$0x1];
	p0 =	sne.s32 s2, $0x0  }
0x200: {  	s3 =	rddreg [dreg:$0x2];
	[bflag:$0x3] =	sbarrier.arrive $0xFFFF;
	s2 =	simm.s32 @!p0 $0x1C0B  }
0x201: {  	[timem:s3], [sflag:s2] =	dma.local @!p0 [hbm:s0], s1  }
0x202: {  	s0 =	simm.s32 @!p0 $0xB  }
0x203: {  	_ =	swait.ge @!p0 [sflag:s0], s1  }
0x204: {  	s1 =	ssub.s32 @!p0 $0x0, s1;
	[sflag:s0] =	ssyncset.done @!p0 $0x0  }
0x205: {  	[sflag:s0] =	ssyncadd.s32 @!p0 s1  }
0x206: {  	[bflag:$0x3] =	sbarrier.arrive $0xFFFF  }
0x207: {  	_ =	shalt  }

</sc_bundles>
